<compile_context>
chip_gen: v7x
topology: tpu7x:2x2x1
jax: 0.10.2.dev20260603
libtpu: 0.0.44.dev20260713+nightly
codegen_flags: <defaults>
</compile_context>

<pallas_src>
import functools

import jax
import jax.numpy as jnp
from jax import lax
from jax.experimental import pallas as pl
from jax.experimental.pallas import tpu as pltpu
from jax.experimental.pallas import tpu_sc as plsc

NUM_ENTITIES = 1000000
EMBED_DIM = 64
BATCH = 16384
LANES = 128
NT = (NUM_ENTITIES + LANES - 1) // LANES
NBUF = 6
OUT_PAD = 16
SROWS = 48


@functools.cache
def _build_gather():
    info = plsc.get_sparse_core_info()
    nc, ns = info.num_cores, info.num_subcores
    nw = nc * ns
    tpw = (NT + nw - 1) // nw
    cap = BATCH + tpw * 15 + 16

    mesh = plsc.VectorSubcoreMesh(core_axis_name="c", subcore_axis_name="s")

    @functools.partial(
        pl.kernel,
        mesh=mesh,
        out_type=jax.ShapeDtypeStruct((BATCH + OUT_PAD, LANES), jnp.float32),
        scratch_types=[
            pltpu.VMEM((BATCH,), jnp.int32),
            pltpu.VMEM((BATCH,), jnp.int32),
            pltpu.VMEM((cap,), jnp.int32),
            pltpu.VMEM((cap,), jnp.int32),
            pltpu.VMEM((NBUF, EMBED_DIM, LANES), jnp.float32),
            pltpu.VMEM((SROWS, LANES), jnp.float32),
            pltpu.VMEM((SROWS,), jnp.int32),
            pltpu.SMEM((tpw,), jnp.int32),
            pltpu.SMEM((tpw,), jnp.int32),
            pltpu.SMEM((tpw,), jnp.int32),
            pltpu.SMEM((NBUF,), jnp.int32),
            pltpu.SemaphoreType.DMA((NBUF,)),
            pltpu.SemaphoreType.DMA,
        ],
        compiler_params=pltpu.CompilerParams(needs_layout_passes=False),
    )
    def gather(
        idx_hbm,
        table_t_hbm,
        out_hbm,
        idx_all,
        mpos,
        gid,
        gpos,
        bufs,
        stag,
        stagpos,
        hist,
        goff,
        gcur,
        pend,
        fsem,
        osem,
    ):
        wid = lax.axis_index("s") * nc + lax.axis_index("c")
        lo = wid * tpw
        hi = jnp.minimum(lo + tpw, NT)
        pltpu.sync_copy(idx_hbm, idx_all)

        iota = lax.iota(jnp.int32, 16)
        lane0 = iota < 1

        def p1(g, cnt):
            v = idx_all[pl.ds(pl.multiple_of(g * 16, 8), 16)]
            t = v >> 7
            m = (t >= lo) & (t < hi)
            s = plsc.cumsum(jnp.where(m, 1, 0))
            dst = cnt + s - 1
            plsc.store_scatter(idx_all, [dst], v, mask=m)
            plsc.store_scatter(mpos, [dst], iota + g * 16, mask=m)
            return cnt + s[15]

        cnt = lax.fori_loop(0, BATCH // 16, p1, jnp.int32(0))
        nchunks = (cnt + 15) >> 4

        def p2_clear(c, carry):
            hist[c] = 0
            return carry

        lax.fori_loop(0, tpw, p2_clear, None)

        def p2(g, carry):
            v = idx_all[pl.ds(pl.multiple_of(g * 16, 8), 16)]
            for b in range(16):

                @pl.when(g * 16 + b < cnt)
                def _():
                    t = (v[b] >> 7) - lo
                    hist[t] = hist[t] + 1

            return carry

        lax.fori_loop(0, nchunks, p2, None)

        def fire(c, s):
            t = pl.multiple_of((lo + c) << 7, LANES)
            pltpu.make_async_copy(
                table_t_hbm.at[:, pl.ds(t, LANES)], bufs.at[s], fsem.at[s]
            ).start()

        def p3(c, run):
            goff[c] = run
            gcur[c] = run
            return run + ((hist[c] + 15) & ~15)

        lax.fori_loop(0, tpw, p3, jnp.int32(0))

        def p4(g, carry):
            v = idx_all[pl.ds(pl.multiple_of(g * 16, 8), 16)]
            p = mpos[pl.ds(pl.multiple_of(g * 16, 8), 16)]
            for b in range(16):

                @pl.when(g * 16 + b < cnt)
                def _():
                    t = (v[b] >> 7) - lo
                    slot = gcur[t]
                    gcur[t] = slot + 1
                    sv = jnp.full((16,), slot, jnp.int32)
                    plsc.store_scatter(
                        gid, [sv], jnp.full((16,), v[b], jnp.int32), mask=lane0
                    )
                    plsc.store_scatter(
                        gpos, [sv], jnp.full((16,), p[b], jnp.int32), mask=lane0
                    )

            return carry

        lax.fori_loop(0, nchunks, p4, None)

        def wait_one_flush():
            pltpu.make_async_copy(
                table_t_hbm.at[pl.ds(0, 16), pl.ds(0, LANES)],
                stag.at[pl.ds(0, 16), :],
                osem,
            ).wait()

        def flush(blk, started):
            @pl.when(started >= 1)
            def _():
                wait_one_flush()

            pltpu.make_async_copy(
                stag.at[pl.ds(blk, 16), :],
                out_hbm.at[stagpos.at[pl.ds(blk, 16)]],
                osem,
            ).start()
            return started + 1

        def extract(c, s, ocur, started):
            n = hist[c]
            o = goff[c]
            svec = jnp.full((16,), s, jnp.int32)

            def chunk(j, carry):
                ocur, started = carry
                og = pl.multiple_of(o + j * 16, 16)
                rv = gid[pl.ds(og, 16)]
                pv = gpos[pl.ds(og, 16)]
                valid = iota < (n - j * 16)
                lanes = rv & (LANES - 1)
                nv = plsc.cumsum(jnp.where(valid, 1, 0))
                rows = lax.rem(ocur + nv - 1, SROWS)
                for ff in range(EMBED_DIM):
                    fv = jnp.full((16,), ff, jnp.int32)
                    v = plsc.load_gather(bufs, [svec, fv, lanes], mask=valid)
                    plsc.store_scatter(stag, [rows, fv], v, mask=valid)
                plsc.store_scatter(stagpos, [rows], pv, mask=valid)
                ocur2 = ocur + nv[15]
                crossed = (ocur2 >> 4) != (ocur >> 4)
                started2 = lax.cond(
                    crossed,
                    lambda st: flush(
                        pl.multiple_of(lax.rem(ocur >> 4, SROWS // 16) * 16, 16),
                        st,
                    ),
                    lambda st: st,
                    started,
                )
                return ocur2, started2

            return lax.fori_loop(0, (n + 15) >> 4, chunk, (ocur, started))

        def main(c, carry):
            f, ocur, started = carry

            def do(carry):
                f, ocur, started = carry
                s = lax.rem(f, NBUF)

                def drain(carry):
                    ocur, started = carry
                    cprev = pend[s]
                    pltpu.make_async_copy(
                        table_t_hbm.at[:, pl.ds(0, LANES)], bufs.at[s], fsem.at[s]
                    ).wait()
                    return extract(cprev, s, ocur, started)

                ocur, started = lax.cond(
                    f >= NBUF, drain, lambda x: x, (ocur, started)
                )
                fire(c, s)
                pend[s] = c
                return f + 1, ocur, started

            return lax.cond(hist[c] > 0, do, lambda x: x, (f, ocur, started))

        f, ocur, started = lax.fori_loop(
            0, tpw, main, (jnp.int32(0), jnp.int32(0), jnp.int32(0))
        )

        def tail(k, carry):
            f0, ocur, started = carry

            def do(carry):
                f0, ocur, started = carry
                s = lax.rem(f0, NBUF)
                cprev = pend[s]
                pltpu.make_async_copy(
                    table_t_hbm.at[:, pl.ds(0, LANES)], bufs.at[s], fsem.at[s]
                ).wait()
                ocur, started = extract(cprev, s, ocur, started)
                return f0 + 1, ocur, started

            return lax.cond(f0 < f, do, lambda x: x, (f0, ocur, started))

        start0 = jnp.maximum(f - NBUF, 0)
        _, ocur, started = lax.fori_loop(0, NBUF, tail, (start0, ocur, started))

        def ragged(st):
            blk = pl.multiple_of(lax.rem(ocur >> 4, SROWS // 16) * 16, 16)
            nvalid = ocur & 15
            pv = stagpos[pl.ds(blk, 16)]
            pv2 = jnp.where(iota < nvalid, pv, BATCH + iota)
            plsc.store_scatter(stagpos, [blk + iota], pv2)
            return flush(blk, st)

        started = lax.cond((ocur & 15) > 0, ragged, lambda st: st, started)

        @pl.when(started >= 1)
        def _():
            wait_one_flush()

    return gather


def kernel(entities, entity_embeddings):
    out = _build_gather()(entities.astype(jnp.int32), entity_embeddings.T)
    return out[:BATCH, :EMBED_DIM]

# --- scband reference (transcript-rebuilt; emitter-appended) ---
"""Pipeline reference for scband-base-module-19464791786189 (READ-ONLY COPY).

The authoritative reference and input builder live on the scoring server;
editing this copy changes nothing except your own understanding.
"""

import jax, jax.numpy as jnp
import numpy as np

NUM_ENTITIES = 1000000
EMBED_DIM = 64
BATCH = 16384

def setup_inputs(seed: int = 0) -> dict:
    key = jax.random.key(seed)
    k1, k2 = jax.random.split(key)
    entities = jax.random.randint(k1, (BATCH,), 0, NUM_ENTITIES, dtype=jnp.int64 if jax.config.jax_enable_x64 else jnp.int32)
    entity_embeddings = jax.random.normal(k2, (NUM_ENTITIES, EMBED_DIM), dtype=jnp.float32)
    return {"entities": entities, "entity_embeddings": entity_embeddings}

def reference(entities, entity_embeddings):
    # Faithful translation of BaseModule._get_entity_embeddings:
    # self.entity_embeddings(entities).view(-1, self.embedding_dim)
    emb = jnp.take(entity_embeddings, entities, axis=0)
    return emb.reshape(-1, EMBED_DIM)

if __name__ == "__main__":
    import jax
    _d = setup_inputs()
    print(jax.jit(kernel)(*tuple(_d.values())))

</pallas_src>

<mosaic_0001>
#map = affine_map<(d0, d1) -> (0)>
#map1 = affine_map<(d0, d1) -> (0, 0)>
module attributes {stable_mosaic.version = 14 : i64} {
  func.func @gather(%arg0: i32, %arg1: i32, %arg2: memref<16384xi32, #tpu.memory_space<hbm>>, %arg3: memref<64x1000000xf32, #tpu.memory_space<hbm>>, %arg4: memref<16400x128xf32, #tpu.memory_space<hbm>>, %arg5: memref<16384xi32, #tpu.memory_space<vmem>>, %arg6: memref<16384xi32, #tpu.memory_space<vmem>>, %arg7: memref<20075xi32, #tpu.memory_space<vmem>>, %arg8: memref<20075xi32, #tpu.memory_space<vmem>>, %arg9: memref<6x64x128xf32, #tpu.memory_space<vmem>>, %arg10: memref<48x128xf32, #tpu.memory_space<vmem>>, %arg11: memref<48xi32, #tpu.memory_space<vmem>>, %arg12: memref<245xi32, #tpu.memory_space<smem>>, %arg13: memref<245xi32, #tpu.memory_space<smem>>, %arg14: memref<245xi32, #tpu.memory_space<smem>>, %arg15: memref<6xi32, #tpu.memory_space<smem>>, %arg16: memref<6x!tpu.dma_semaphore, #tpu.memory_space<semaphore_mem>>, %arg17: memref<!tpu.dma_semaphore, #tpu.memory_space<semaphore_mem>>) attributes {dimension_semantics = [#tpu.dimension_semantics<core_parallel>, #tpu.dimension_semantics<subcore_parallel>], iteration_bounds = array<i64: 2, 16>, scalar_prefetch = 0 : i64, scratch_operands = 13 : i64, tpu.core_type = #tpu.core_type<sc_vector_subcore>, window_params = [{transform_indices = #map}, {transform_indices = #map1}, {transform_indices = #map1}]} {
    %mul3A = arith.constant 2 : i32
    %mul3A_0 = arith.muli %arg1, %mul3A : i32
    %add3A = arith.addi %mul3A_0, %arg0 : i32
    %mul3A_1 = arith.constant 245 : i32
    %mul3A_2 = arith.muli %add3A, %mul3A_1 : i32
    %add3A_3 = arith.constant 245 : i32
    %add3A_4 = arith.addi %mul3A_2, %add3A_3 : i32
    %min3A = arith.constant 7813 : i32
    %min3A_5 = arith.minsi %add3A_4, %min3A : i32
    "tpu.region"() ({
      %run_scoped3A = tpu.sem_alloc : memref<!tpu.dma_semaphore, #tpu.memory_space<semaphore_mem>>
      tpu.enqueue_dma source(%arg2 : memref<16384xi32, #tpu.memory_space<hbm>>) target(%arg5 : memref<16384xi32, #tpu.memory_space<vmem>>) target_semaphore(%run_scoped3A : memref<!tpu.dma_semaphore, #tpu.memory_space<semaphore_mem>>)
      tpu.wait_dma2 semaphore(%run_scoped3A : memref<!tpu.dma_semaphore, #tpu.memory_space<semaphore_mem>>) src(%arg2 : memref<16384xi32, #tpu.memory_space<hbm>>) dst(%arg5 : memref<16384xi32, #tpu.memory_space<vmem>>)
      tpu.yield
    }) : () -> ()
    %iota3A = tpu.iota {dimensions = array<i32: 0>} : vector<16xi32>
    %lt3A = arith.constant 1 : i32
    %lt3A_6 = vector.broadcast %lt3A : i32 to vector<16xi32>
    %lt3A_7 = arith.cmpi slt, %iota3A, %lt3A_6 : vector<16xi32>
    %scan3A = arith.constant 0 : i32
    %scan3A_8 = arith.constant 0 : i32
    %scan3A_9 = arith.constant 1024 : i32
    %scan3A_10 = arith.addi %scan3A_8, %scan3A_9 : i32
    %scan3A_11 = arith.constant 1 : i32
    %scan3A_12 = scf.for %scan3A_71 = %scan3A_8 to %scan3A_10 step %scan3A_11 iter_args(%scan3A_72 = %scan3A) -> (i32)  : i32 {
      %mul3A_73 = arith.constant 16 : i32
      %mul3A_74 = arith.muli %scan3A_71, %mul3A_73 : i32
      %multiple_of3A = tpu.assume_multiple %mul3A_74, 8 : i32
      %get3A = arith.index_cast %multiple_of3A : i32 to index
      %get3A_75 = tpu.vector_load %arg5[%get3A] {strides = array<i32>} : memref<16384xi32, #tpu.memory_space<vmem>>, vector<16xi32>,
      %shift_right_arithmetic3A_76 = arith.constant 7 : i32
      %shift_right_arithmetic3A_77 = vector.broadcast %shift_right_arithmetic3A_76 : i32 to vector<16xi32>
      %shift_right_arithmetic3A_78 = arith.shrsi %get3A_75, %shift_right_arithmetic3A_77 : vector<16xi32>
      %ge3A_79 = vector.broadcast %mul3A_2 : i32 to vector<16xi32>
      %ge3A_80 = arith.cmpi sge, %shift_right_arithmetic3A_78, %ge3A_79 : vector<16xi32>
      %lt3A_81 = vector.broadcast %min3A_5 : i32 to vector<16xi32>
      %lt3A_82 = arith.cmpi slt, %shift_right_arithmetic3A_78, %lt3A_81 : vector<16xi32>
      %and3A_83 = arith.andi %ge3A_80, %lt3A_82 : vector<16xi1>
      %jit3A = arith.constant 1 : i32
      %jit3A_84 = arith.constant 0 : i32
      %broadcast_in_dim3A = vector.broadcast %jit3A : i32 to vector<16xi32>
      %broadcast_in_dim3A_85 = vector.broadcast %jit3A_84 : i32 to vector<16xi32>
      %select_n3A = arith.select %and3A_83, %broadcast_in_dim3A, %broadcast_in_dim3A_85 : vector<16xi1>, vector<16xi32>
      %broadcast_in_dim3A_86 = arith.constant true
      %broadcast_in_dim3A_87 = vector.broadcast %broadcast_in_dim3A_86 : i1 to vector<16xi1>
      %masked_cumsum3A = tpu.scan <sum>, %select_n3A masked %broadcast_in_dim3A_87 : vector<16xi32>, vector<16xi1> -> vector<16xi32>
      %add3A_88 = vector.broadcast %scan3A_72 : i32 to vector<16xi32>
      %add3A_89 = arith.addi %add3A_88, %masked_cumsum3A : vector<16xi32>
      %sub3A_90 = arith.constant 1 : i32
      %sub3A_91 = vector.broadcast %sub3A_90 : i32 to vector<16xi32>
      %sub3A_92 = arith.subi %add3A_89, %sub3A_91 : vector<16xi32>
      tpu.vector_store_idx %arg5[%sub3A_92], %get3A_75 masked %and3A_83 : memref<16384xi32, #tpu.memory_space<vmem>>[vector<16xi32>], vector<16xi32>, vector<16xi1>
      %mul3A_93 = arith.constant 16 : i32
      %mul3A_94 = arith.muli %scan3A_71, %mul3A_93 : i32
      %add3A_95 = vector.broadcast %mul3A_94 : i32 to vector<16xi32>
      %add3A_96 = arith.addi %iota3A, %add3A_95 : vector<16xi32>
      tpu.vector_store_idx %arg6[%sub3A_92], %add3A_96 masked %and3A_83 : memref<16384xi32, #tpu.memory_space<vmem>>[vector<16xi32>], vector<16xi32>, vector<16xi1>
      %slice3A = vector.extract_strided_slice %masked_cumsum3A {offsets = [15], sizes = [1], strides = [1]} : vector<16xi32> to vector<1xi32>
      %squeeze3A = vector.extract %slice3A[0] : i32 from vector<1xi32>
      %add3A_97 = arith.addi %scan3A_72, %squeeze3A : i32
      scf.yield %add3A_97 : i32
    }
    %scan3A_13 = arith.constant 1024 : i32
    %add3A_14 = arith.constant 15 : i32
    %add3A_15 = arith.addi %scan3A_12, %add3A_14 : i32
    %shift_right_arithmetic3A = arith.constant 4 : i32
    %shift_right_arithmetic3A_16 = arith.shrsi %add3A_15, %shift_right_arithmetic3A : i32
    %scan3A_17 = arith.constant 0 : i32
    %scan3A_18 = arith.constant 245 : i32
    %scan3A_19 = arith.addi %scan3A_17, %scan3A_18 : i32
    %scan3A_20 = arith.constant 1 : i32
    scf.for %scan3A_71 = %scan3A_17 to %scan3A_19 step %scan3A_20  : i32 {
      %swap3A = arith.constant 0 : i32
      %swap3A_72 = arith.index_cast %scan3A_71 : i32 to index
      %swap3A_73 = memref.load %arg12[%swap3A_72] : memref<245xi32, #tpu.memory_space<smem>>
      memref.store %swap3A, %arg12[%swap3A_72] : memref<245xi32, #tpu.memory_space<smem>>
    }
    %scan3A_21 = arith.constant 245 : i32
    %while3A = arith.constant 0 : i32
    %while3A_22 = arith.subi %shift_right_arithmetic3A_16, %while3A : i32
    %while3A_23 = arith.addi %while3A, %while3A_22 : i32
    %while3A_24 = arith.constant 1 : i32
    %while3A_25 = arith.divsi %while3A_22, %while3A_24 : i32
    %while3A_26 = arith.muli %while3A_25, %while3A_24 : i32
    %while3A_27 = arith.addi %while3A, %while3A_26 : i32
    %while3A_28 = arith.constant 1 : i32
    scf.for %while3A_71 = %while3A to %while3A_27 step %while3A_28  : i32 {
      %mul3A_72 = arith.constant 16 : i32
      %mul3A_73 = arith.muli %while3A_71, %mul3A_72 : i32
      %multiple_of3A = tpu.assume_multiple %mul3A_73, 8 : i32
      %get3A = arith.index_cast %multiple_of3A : i32 to index
      %get3A_74 = tpu.vector_load %arg5[%get3A] {strides = array<i32>} : memref<16384xi32, #tpu.memory_space<vmem>>, vector<16xi32>,
      %mul3A_75 = arith.constant 16 : i32
      %mul3A_76 = arith.muli %while3A_71, %mul3A_75 : i32
      %add3A_77 = arith.constant 0 : i32
      %add3A_78 = arith.addi %mul3A_76, %add3A_77 : i32
      %lt3A_79 = arith.cmpi slt, %add3A_78, %scan3A_12 : i32
      %convert_element_type3A_80 = arith.extui %lt3A_79 : i1 to i32
      %cond3A_81 = arith.constant 0 : i32
      %cond3A_82 = arith.cmpi ne, %convert_element_type3A_80, %cond3A_81 : i32
      scf.if %cond3A_82 {
        %slice3A = vector.extract_strided_slice %get3A_74 {offsets = [0], sizes = [1], strides = [1]} : vector<16xi32> to vector<1xi32>
        %squeeze3A = vector.extract %slice3A[0] : i32 from vector<1xi32>
        %shift_right_arithmetic3A_203 = arith.constant 7 : i32
        %shift_right_arithmetic3A_204 = arith.shrsi %squeeze3A, %shift_right_arithmetic3A_203 : i32
        %sub3A_205 = arith.subi %shift_right_arithmetic3A_204, %mul3A_2 : i32
        %get3A_206 = arith.index_cast %sub3A_205 : i32 to index
        %get3A_207 = memref.load %arg12[%get3A_206] : memref<245xi32, #tpu.memory_space<smem>>
        %add3A_208 = arith.constant 1 : i32
        %add3A_209 = arith.addi %get3A_207, %add3A_208 : i32
        %swap3A = arith.index_cast %sub3A_205 : i32 to index
        %swap3A_210 = memref.load %arg12[%swap3A] : memref<245xi32, #tpu.memory_space<smem>>
        memref.store %add3A_209, %arg12[%swap3A] : memref<245xi32, #tpu.memory_space<smem>>
      } else {
      }
      %mul3A_83 = arith.constant 16 : i32
      %mul3A_84 = arith.muli %while3A_71, %mul3A_83 : i32
      %add3A_85 = arith.constant 1 : i32
      %add3A_86 = arith.addi %mul3A_84, %add3A_85 : i32
      %lt3A_87 = arith.cmpi slt, %add3A_86, %scan3A_12 : i32
      %convert_element_type3A_88 = arith.extui %lt3A_87 : i1 to i32
      %cond3A_89 = arith.constant 0 : i32
      %cond3A_90 = arith.cmpi ne, %convert_element_type3A_88, %cond3A_89 : i32
      scf.if %cond3A_90 {
        %slice3A = vector.extract_strided_slice %get3A_74 {offsets = [1], sizes = [1], strides = [1]} : vector<16xi32> to vector<1xi32>
        %squeeze3A = vector.extract %slice3A[0] : i32 from vector<1xi32>
        %shift_right_arithmetic3A_203 = arith.constant 7 : i32
        %shift_right_arithmetic3A_204 = arith.shrsi %squeeze3A, %shift_right_arithmetic3A_203 : i32
        %sub3A_205 = arith.subi %shift_right_arithmetic3A_204, %mul3A_2 : i32
        %get3A_206 = arith.index_cast %sub3A_205 : i32 to index
        %get3A_207 = memref.load %arg12[%get3A_206] : memref<245xi32, #tpu.memory_space<smem>>
        %add3A_208 = arith.constant 1 : i32
        %add3A_209 = arith.addi %get3A_207, %add3A_208 : i32
        %swap3A = arith.index_cast %sub3A_205 : i32 to index
        %swap3A_210 = memref.load %arg12[%swap3A] : memref<245xi32, #tpu.memory_space<smem>>
        memref.store %add3A_209, %arg12[%swap3A] : memref<245xi32, #tpu.memory_space<smem>>
      } else {
      }
      %mul3A_91 = arith.constant 16 : i32
      %mul3A_92 = arith.muli %while3A_71, %mul3A_91 : i32
      %add3A_93 = arith.constant 2 : i32
      %add3A_94 = arith.addi %mul3A_92, %add3A_93 : i32
      %lt3A_95 = arith.cmpi slt, %add3A_94, %scan3A_12 : i32
      %convert_element_type3A_96 = arith.extui %lt3A_95 : i1 to i32
      %cond3A_97 = arith.constant 0 : i32
      %cond3A_98 = arith.cmpi ne, %convert_element_type3A_96, %cond3A_97 : i32
      scf.if %cond3A_98 {
        %slice3A = vector.extract_strided_slice %get3A_74 {offsets = [2], sizes = [1], strides = [1]} : vector<16xi32> to vector<1xi32>
        %squeeze3A = vector.extract %slice3A[0] : i32 from vector<1xi32>
        %shift_right_arithmetic3A_203 = arith.constant 7 : i32
        %shift_right_arithmetic3A_204 = arith.shrsi %squeeze3A, %shift_right_arithmetic3A_203 : i32
        %sub3A_205 = arith.subi %shift_right_arithmetic3A_204, %mul3A_2 : i32
        %get3A_206 = arith.index_cast %sub3A_205 : i32 to index
        %get3A_207 = memref.load %arg12[%get3A_206] : memref<245xi32, #tpu.memory_space<smem>>
        %add3A_208 = arith.constant 1 : i32
        %add3A_209 = arith.addi %get3A_207, %add3A_208 : i32
        %swap3A = arith.index_cast %sub3A_205 : i32 to index
        %swap3A_210 = memref.load %arg12[%swap3A] : memref<245xi32, #tpu.memory_space<smem>>
        memref.store %add3A_209, %arg12[%swap3A] : memref<245xi32, #tpu.memory_space<smem>>
      } else {
      }
      %mul3A_99 = arith.constant 16 : i32
      %mul3A_100 = arith.muli %while3A_71, %mul3A_99 : i32
      %add3A_101 = arith.constant 3 : i32
      %add3A_102 = arith.addi %mul3A_100, %add3A_101 : i32
      %lt3A_103 = arith.cmpi slt, %add3A_102, %scan3A_12 : i32
      %convert_element_type3A_104 = arith.extui %lt3A_103 : i1 to i32
      %cond3A_105 = arith.constant 0 : i32
      %cond3A_106 = arith.cmpi ne, %convert_element_type3A_104, %cond3A_105 : i32
      scf.if %cond3A_106 {
        %slice3A = vector.extract_strided_slice %get3A_74 {offsets = [3], sizes = [1], strides = [1]} : vector<16xi32> to vector<1xi32>
        %squeeze3A = vector.extract %slice3A[0] : i32 from vector<1xi32>
        %shift_right_arithmetic3A_203 = arith.constant 7 : i32
        %shift_right_arithmetic3A_204 = arith.shrsi %squeeze3A, %shift_right_arithmetic3A_203 : i32
        %sub3A_205 = arith.subi %shift_right_arithmetic3A_204, %mul3A_2 : i32
        %get3A_206 = arith.index_cast %sub3A_205 : i32 to index
        %get3A_207 = memref.load %arg12[%get3A_206] : memref<245xi32, #tpu.memory_space<smem>>
        %add3A_208 = arith.constant 1 : i32
        %add3A_209 = arith.addi %get3A_207, %add3A_208 : i32
        %swap3A = arith.index_cast %sub3A_205 : i32 to index
        %swap3A_210 = memref.load %arg12[%swap3A] : memref<245xi32, #tpu.memory_space<smem>>
        memref.store %add3A_209, %arg12[%swap3A] : memref<245xi32, #tpu.memory_space<smem>>
      } else {
      }
      %mul3A_107 = arith.constant 16 : i32
      %mul3A_108 = arith.muli %while3A_71, %mul3A_107 : i32
      %add3A_109 = arith.constant 4 : i32
      %add3A_110 = arith.addi %mul3A_108, %add3A_109 : i32
      %lt3A_111 = arith.cmpi slt, %add3A_110, %scan3A_12 : i32
      %convert_element_type3A_112 = arith.extui %lt3A_111 : i1 to i32
      %cond3A_113 = arith.constant 0 : i32
      %cond3A_114 = arith.cmpi ne, %convert_element_type3A_112, %cond3A_113 : i32
      scf.if %cond3A_114 {
        %slice3A = vector.extract_strided_slice %get3A_74 {offsets = [4], sizes = [1], strides = [1]} : vector<16xi32> to vector<1xi32>
        %squeeze3A = vector.extract %slice3A[0] : i32 from vector<1xi32>
        %shift_right_arithmetic3A_203 = arith.constant 7 : i32
        %shift_right_arithmetic3A_204 = arith.shrsi %squeeze3A, %shift_right_arithmetic3A_203 : i32
        %sub3A_205 = arith.subi %shift_right_arithmetic3A_204, %mul3A_2 : i32
        %get3A_206 = arith.index_cast %sub3A_205 : i32 to index
        %get3A_207 = memref.load %arg12[%get3A_206] : memref<245xi32, #tpu.memory_space<smem>>
        %add3A_208 = arith.constant 1 : i32
        %add3A_209 = arith.addi %get3A_207, %add3A_208 : i32
        %swap3A = arith.index_cast %sub3A_205 : i32 to index
        %swap3A_210 = memref.load %arg12[%swap3A] : memref<245xi32, #tpu.memory_space<smem>>
        memref.store %add3A_209, %arg12[%swap3A] : memref<245xi32, #tpu.memory_space<smem>>
      } else {
      }
      %mul3A_115 = arith.constant 16 : i32
      %mul3A_116 = arith.muli %while3A_71, %mul3A_115 : i32
      %add3A_117 = arith.constant 5 : i32
      %add3A_118 = arith.addi %mul3A_116, %add3A_117 : i32
      %lt3A_119 = arith.cmpi slt, %add3A_118, %scan3A_12 : i32
      %convert_element_type3A_120 = arith.extui %lt3A_119 : i1 to i32
      %cond3A_121 = arith.constant 0 : i32
      %cond3A_122 = arith.cmpi ne, %convert_element_type3A_120, %cond3A_121 : i32
      scf.if %cond3A_122 {
        %slice3A = vector.extract_strided_slice %get3A_74 {offsets = [5], sizes = [1], strides = [1]} : vector<16xi32> to vector<1xi32>
        %squeeze3A = vector.extract %slice3A[0] : i32 from vector<1xi32>
        %shift_right_arithmetic3A_203 = arith.constant 7 : i32
        %shift_right_arithmetic3A_204 = arith.shrsi %squeeze3A, %shift_right_arithmetic3A_203 : i32
        %sub3A_205 = arith.subi %shift_right_arithmetic3A_204, %mul3A_2 : i32
        %get3A_206 = arith.index_cast %sub3A_205 : i32 to index
        %get3A_207 = memref.load %arg12[%get3A_206] : memref<245xi32, #tpu.memory_space<smem>>
        %add3A_208 = arith.constant 1 : i32
        %add3A_209 = arith.addi %get3A_207, %add3A_208 : i32
        %swap3A = arith.index_cast %sub3A_205 : i32 to index
        %swap3A_210 = memref.load %arg12[%swap3A] : memref<245xi32, #tpu.memory_space<smem>>
        memref.store %add3A_209, %arg12[%swap3A] : memref<245xi32, #tpu.memory_space<smem>>
      } else {
      }
      %mul3A_123 = arith.constant 16 : i32
      %mul3A_124 = arith.muli %while3A_71, %mul3A_123 : i32
      %add3A_125 = arith.constant 6 : i32
      %add3A_126 = arith.addi %mul3A_124, %add3A_125 : i32
      %lt3A_127 = arith.cmpi slt, %add3A_126, %scan3A_12 : i32
      %convert_element_type3A_128 = arith.extui %lt3A_127 : i1 to i32
      %cond3A_129 = arith.constant 0 : i32
      %cond3A_130 = arith.cmpi ne, %convert_element_type3A_128, %cond3A_129 : i32
      scf.if %cond3A_130 {
        %slice3A = vector.extract_strided_slice %get3A_74 {offsets = [6], sizes = [1], strides = [1]} : vector<16xi32> to vector<1xi32>
        %squeeze3A = vector.extract %slice3A[0] : i32 from vector<1xi32>
        %shift_right_arithmetic3A_203 = arith.constant 7 : i32
        %shift_right_arithmetic3A_204 = arith.shrsi %squeeze3A, %shift_right_arithmetic3A_203 : i32
        %sub3A_205 = arith.subi %shift_right_arithmetic3A_204, %mul3A_2 : i32
        %get3A_206 = arith.index_cast %sub3A_205 : i32 to index
        %get3A_207 = memref.load %arg12[%get3A_206] : memref<245xi32, #tpu.memory_space<smem>>
        %add3A_208 = arith.constant 1 : i32
        %add3A_209 = arith.addi %get3A_207, %add3A_208 : i32
        %swap3A = arith.index_cast %sub3A_205 : i32 to index
        %swap3A_210 = memref.load %arg12[%swap3A] : memref<245xi32, #tpu.memory_space<smem>>
        memref.store %add3A_209, %arg12[%swap3A] : memref<245xi32, #tpu.memory_space<smem>>
      } else {
      }
      %mul3A_131 = arith.constant 16 : i32
      %mul3A_132 = arith.muli %while3A_71, %mul3A_131 : i32
      %add3A_133 = arith.constant 7 : i32
      %add3A_134 = arith.addi %mul3A_132, %add3A_133 : i32
      %lt3A_135 = arith.cmpi slt, %add3A_134, %scan3A_12 : i32
      %convert_element_type3A_136 = arith.extui %lt3A_135 : i1 to i32
      %cond3A_137 = arith.constant 0 : i32
      %cond3A_138 = arith.cmpi ne, %convert_element_type3A_136, %cond3A_137 : i32
      scf.if %cond3A_138 {
        %slice3A = vector.extract_strided_slice %get3A_74 {offsets = [7], sizes = [1], strides = [1]} : vector<16xi32> to vector<1xi32>
        %squeeze3A = vector.extract %slice3A[0] : i32 from vector<1xi32>
        %shift_right_arithmetic3A_203 = arith.constant 7 : i32
        %shift_right_arithmetic3A_204 = arith.shrsi %squeeze3A, %shift_right_arithmetic3A_203 : i32
        %sub3A_205 = arith.subi %shift_right_arithmetic3A_204, %mul3A_2 : i32
        %get3A_206 = arith.index_cast %sub3A_205 : i32 to index
        %get3A_207 = memref.load %arg12[%get3A_206] : memref<245xi32, #tpu.memory_space<smem>>
        %add3A_208 = arith.constant 1 : i32
        %add3A_209 = arith.addi %get3A_207, %add3A_208 : i32
        %swap3A = arith.index_cast %sub3A_205 : i32 to index
        %swap3A_210 = memref.load %arg12[%swap3A] : memref<245xi32, #tpu.memory_space<smem>>
        memref.store %add3A_209, %arg12[%swap3A] : memref<245xi32, #tpu.memory_space<smem>>
      } else {
      }
      %mul3A_139 = arith.constant 16 : i32
      %mul3A_140 = arith.muli %while3A_71, %mul3A_139 : i32
      %add3A_141 = arith.constant 8 : i32
      %add3A_142 = arith.addi %mul3A_140, %add3A_141 : i32
      %lt3A_143 = arith.cmpi slt, %add3A_142, %scan3A_12 : i32
      %convert_element_type3A_144 = arith.extui %lt3A_143 : i1 to i32
      %cond3A_145 = arith.constant 0 : i32
      %cond3A_146 = arith.cmpi ne, %convert_element_type3A_144, %cond3A_145 : i32
      scf.if %cond3A_146 {
        %slice3A = vector.extract_strided_slice %get3A_74 {offsets = [8], sizes = [1], strides = [1]} : vector<16xi32> to vector<1xi32>
        %squeeze3A = vector.extract %slice3A[0] : i32 from vector<1xi32>
        %shift_right_arithmetic3A_203 = arith.constant 7 : i32
        %shift_right_arithmetic3A_204 = arith.shrsi %squeeze3A, %shift_right_arithmetic3A_203 : i32
        %sub3A_205 = arith.subi %shift_right_arithmetic3A_204, %mul3A_2 : i32
        %get3A_206 = arith.index_cast %sub3A_205 : i32 to index
        %get3A_207 = memref.load %arg12[%get3A_206] : memref<245xi32, #tpu.memory_space<smem>>
        %add3A_208 = arith.constant 1 : i32
        %add3A_209 = arith.addi %get3A_207, %add3A_208 : i32
        %swap3A = arith.index_cast %sub3A_205 : i32 to index
        %swap3A_210 = memref.load %arg12[%swap3A] : memref<245xi32, #tpu.memory_space<smem>>
        memref.store %add3A_209, %arg12[%swap3A] : memref<245xi32, #tpu.memory_space<smem>>
      } else {
      }
      %mul3A_147 = arith.constant 16 : i32
      %mul3A_148 = arith.muli %while3A_71, %mul3A_147 : i32
      %add3A_149 = arith.constant 9 : i32
      %add3A_150 = arith.addi %mul3A_148, %add3A_149 : i32
      %lt3A_151 = arith.cmpi slt, %add3A_150, %scan3A_12 : i32
      %convert_element_type3A_152 = arith.extui %lt3A_151 : i1 to i32
      %cond3A_153 = arith.constant 0 : i32
      %cond3A_154 = arith.cmpi ne, %convert_element_type3A_152, %cond3A_153 : i32
      scf.if %cond3A_154 {
        %slice3A = vector.extract_strided_slice %get3A_74 {offsets = [9], sizes = [1], strides = [1]} : vector<16xi32> to vector<1xi32>
        %squeeze3A = vector.extract %slice3A[0] : i32 from vector<1xi32>
        %shift_right_arithmetic3A_203 = arith.constant 7 : i32
        %shift_right_arithmetic3A_204 = arith.shrsi %squeeze3A, %shift_right_arithmetic3A_203 : i32
        %sub3A_205 = arith.subi %shift_right_arithmetic3A_204, %mul3A_2 : i32
        %get3A_206 = arith.index_cast %sub3A_205 : i32 to index
        %get3A_207 = memref.load %arg12[%get3A_206] : memref<245xi32, #tpu.memory_space<smem>>
        %add3A_208 = arith.constant 1 : i32
        %add3A_209 = arith.addi %get3A_207, %add3A_208 : i32
        %swap3A = arith.index_cast %sub3A_205 : i32 to index
        %swap3A_210 = memref.load %arg12[%swap3A] : memref<245xi32, #tpu.memory_space<smem>>
        memref.store %add3A_209, %arg12[%swap3A] : memref<245xi32, #tpu.memory_space<smem>>
      } else {
      }
      %mul3A_155 = arith.constant 16 : i32
      %mul3A_156 = arith.muli %while3A_71, %mul3A_155 : i32
      %add3A_157 = arith.constant 10 : i32
      %add3A_158 = arith.addi %mul3A_156, %add3A_157 : i32
      %lt3A_159 = arith.cmpi slt, %add3A_158, %scan3A_12 : i32
      %convert_element_type3A_160 = arith.extui %lt3A_159 : i1 to i32
      %cond3A_161 = arith.constant 0 : i32
      %cond3A_162 = arith.cmpi ne, %convert_element_type3A_160, %cond3A_161 : i32
      scf.if %cond3A_162 {
        %slice3A = vector.extract_strided_slice %get3A_74 {offsets = [10], sizes = [1], strides = [1]} : vector<16xi32> to vector<1xi32>
        %squeeze3A = vector.extract %slice3A[0] : i32 from vector<1xi32>
        %shift_right_arithmetic3A_203 = arith.constant 7 : i32
        %shift_right_arithmetic3A_204 = arith.shrsi %squeeze3A, %shift_right_arithmetic3A_203 : i32
        %sub3A_205 = arith.subi %shift_right_arithmetic3A_204, %mul3A_2 : i32
        %get3A_206 = arith.index_cast %sub3A_205 : i32 to index
        %get3A_207 = memref.load %arg12[%get3A_206] : memref<245xi32, #tpu.memory_space<smem>>
        %add3A_208 = arith.constant 1 : i32
        %add3A_209 = arith.addi %get3A_207, %add3A_208 : i32
        %swap3A = arith.index_cast %sub3A_205 : i32 to index
        %swap3A_210 = memref.load %arg12[%swap3A] : memref<245xi32, #tpu.memory_space<smem>>
        memref.store %add3A_209, %arg12[%swap3A] : memref<245xi32, #tpu.memory_space<smem>>
      } else {
      }
      %mul3A_163 = arith.constant 16 : i32
      %mul3A_164 = arith.muli %while3A_71, %mul3A_163 : i32
      %add3A_165 = arith.constant 11 : i32
      %add3A_166 = arith.addi %mul3A_164, %add3A_165 : i32
      %lt3A_167 = arith.cmpi slt, %add3A_166, %scan3A_12 : i32
      %convert_element_type3A_168 = arith.extui %lt3A_167 : i1 to i32
      %cond3A_169 = arith.constant 0 : i32
      %cond3A_170 = arith.cmpi ne, %convert_element_type3A_168, %cond3A_169 : i32
      scf.if %cond3A_170 {
        %slice3A = vector.extract_strided_slice %get3A_74 {offsets = [11], sizes = [1], strides = [1]} : vector<16xi32> to vector<1xi32>
        %squeeze3A = vector.extract %slice3A[0] : i32 from vector<1xi32>
        %shift_right_arithmetic3A_203 = arith.constant 7 : i32
        %shift_right_arithmetic3A_204 = arith.shrsi %squeeze3A, %shift_right_arithmetic3A_203 : i32
        %sub3A_205 = arith.subi %shift_right_arithmetic3A_204, %mul3A_2 : i32
        %get3A_206 = arith.index_cast %sub3A_205 : i32 to index
        %get3A_207 = memref.load %arg12[%get3A_206] : memref<245xi32, #tpu.memory_space<smem>>
        %add3A_208 = arith.constant 1 : i32
        %add3A_209 = arith.addi %get3A_207, %add3A_208 : i32
        %swap3A = arith.index_cast %sub3A_205 : i32 to index
        %swap3A_210 = memref.load %arg12[%swap3A] : memref<245xi32, #tpu.memory_space<smem>>
        memref.store %add3A_209, %arg12[%swap3A] : memref<245xi32, #tpu.memory_space<smem>>
      } else {
      }
      %mul3A_171 = arith.constant 16 : i32
      %mul3A_172 = arith.muli %while3A_71, %mul3A_171 : i32
      %add3A_173 = arith.constant 12 : i32
      %add3A_174 = arith.addi %mul3A_172, %add3A_173 : i32
      %lt3A_175 = arith.cmpi slt, %add3A_174, %scan3A_12 : i32
      %convert_element_type3A_176 = arith.extui %lt3A_175 : i1 to i32
      %cond3A_177 = arith.constant 0 : i32
      %cond3A_178 = arith.cmpi ne, %convert_element_type3A_176, %cond3A_177 : i32
      scf.if %cond3A_178 {
        %slice3A = vector.extract_strided_slice %get3A_74 {offsets = [12], sizes = [1], strides = [1]} : vector<16xi32> to vector<1xi32>
        %squeeze3A = vector.extract %slice3A[0] : i32 from vector<1xi32>
        %shift_right_arithmetic3A_203 = arith.constant 7 : i32
        %shift_right_arithmetic3A_204 = arith.shrsi %squeeze3A, %shift_right_arithmetic3A_203 : i32
        %sub3A_205 = arith.subi %shift_right_arithmetic3A_204, %mul3A_2 : i32
        %get3A_206 = arith.index_cast %sub3A_205 : i32 to index
        %get3A_207 = memref.load %arg12[%get3A_206] : memref<245xi32, #tpu.memory_space<smem>>
        %add3A_208 = arith.constant 1 : i32
        %add3A_209 = arith.addi %get3A_207, %add3A_208 : i32
        %swap3A = arith.index_cast %sub3A_205 : i32 to index
        %swap3A_210 = memref.load %arg12[%swap3A] : memref<245xi32, #tpu.memory_space<smem>>
        memref.store %add3A_209, %arg12[%swap3A] : memref<245xi32, #tpu.memory_space<smem>>
      } else {
      }
      %mul3A_179 = arith.constant 16 : i32
      %mul3A_180 = arith.muli %while3A_71, %mul3A_179 : i32
      %add3A_181 = arith.constant 13 : i32
      %add3A_182 = arith.addi %mul3A_180, %add3A_181 : i32
      %lt3A_183 = arith.cmpi slt, %add3A_182, %scan3A_12 : i32
      %convert_element_type3A_184 = arith.extui %lt3A_183 : i1 to i32
      %cond3A_185 = arith.constant 0 : i32
      %cond3A_186 = arith.cmpi ne, %convert_element_type3A_184, %cond3A_185 : i32
      scf.if %cond3A_186 {
        %slice3A = vector.extract_strided_slice %get3A_74 {offsets = [13], sizes = [1], strides = [1]} : vector<16xi32> to vector<1xi32>
        %squeeze3A = vector.extract %slice3A[0] : i32 from vector<1xi32>
        %shift_right_arithmetic3A_203 = arith.constant 7 : i32
        %shift_right_arithmetic3A_204 = arith.shrsi %squeeze3A, %shift_right_arithmetic3A_203 : i32
        %sub3A_205 = arith.subi %shift_right_arithmetic3A_204, %mul3A_2 : i32
        %get3A_206 = arith.index_cast %sub3A_205 : i32 to index
        %get3A_207 = memref.load %arg12[%get3A_206] : memref<245xi32, #tpu.memory_space<smem>>
        %add3A_208 = arith.constant 1 : i32
        %add3A_209 = arith.addi %get3A_207, %add3A_208 : i32
        %swap3A = arith.index_cast %sub3A_205 : i32 to index
        %swap3A_210 = memref.load %arg12[%swap3A] : memref<245xi32, #tpu.memory_space<smem>>
        memref.store %add3A_209, %arg12[%swap3A] : memref<245xi32, #tpu.memory_space<smem>>
      } else {
      }
      %mul3A_187 = arith.constant 16 : i32
      %mul3A_188 = arith.muli %while3A_71, %mul3A_187 : i32
      %add3A_189 = arith.constant 14 : i32
      %add3A_190 = arith.addi %mul3A_188, %add3A_189 : i32
      %lt3A_191 = arith.cmpi slt, %add3A_190, %scan3A_12 : i32
      %convert_element_type3A_192 = arith.extui %lt3A_191 : i1 to i32
      %cond3A_193 = arith.constant 0 : i32
      %cond3A_194 = arith.cmpi ne, %convert_element_type3A_192, %cond3A_193 : i32
      scf.if %cond3A_194 {
        %slice3A = vector.extract_strided_slice %get3A_74 {offsets = [14], sizes = [1], strides = [1]} : vector<16xi32> to vector<1xi32>
        %squeeze3A = vector.extract %slice3A[0] : i32 from vector<1xi32>
        %shift_right_arithmetic3A_203 = arith.constant 7 : i32
        %shift_right_arithmetic3A_204 = arith.shrsi %squeeze3A, %shift_right_arithmetic3A_203 : i32
        %sub3A_205 = arith.subi %shift_right_arithmetic3A_204, %mul3A_2 : i32
        %get3A_206 = arith.index_cast %sub3A_205 : i32 to index
        %get3A_207 = memref.load %arg12[%get3A_206] : memref<245xi32, #tpu.memory_space<smem>>
        %add3A_208 = arith.constant 1 : i32
        %add3A_209 = arith.addi %get3A_207, %add3A_208 : i32
        %swap3A = arith.index_cast %sub3A_205 : i32 to index
        %swap3A_210 = memref.load %arg12[%swap3A] : memref<245xi32, #tpu.memory_space<smem>>
        memref.store %add3A_209, %arg12[%swap3A] : memref<245xi32, #tpu.memory_space<smem>>
      } else {
      }
      %mul3A_195 = arith.constant 16 : i32
      %mul3A_196 = arith.muli %while3A_71, %mul3A_195 : i32
      %add3A_197 = arith.constant 15 : i32
      %add3A_198 = arith.addi %mul3A_196, %add3A_197 : i32
      %lt3A_199 = arith.cmpi slt, %add3A_198, %scan3A_12 : i32
      %convert_element_type3A_200 = arith.extui %lt3A_199 : i1 to i32
      %cond3A_201 = arith.constant 0 : i32
      %cond3A_202 = arith.cmpi ne, %convert_element_type3A_200, %cond3A_201 : i32
      scf.if %cond3A_202 {
        %slice3A = vector.extract_strided_slice %get3A_74 {offsets = [15], sizes = [1], strides = [1]} : vector<16xi32> to vector<1xi32>
        %squeeze3A = vector.extract %slice3A[0] : i32 from vector<1xi32>
        %shift_right_arithmetic3A_203 = arith.constant 7 : i32
        %shift_right_arithmetic3A_204 = arith.shrsi %squeeze3A, %shift_right_arithmetic3A_203 : i32
        %sub3A_205 = arith.subi %shift_right_arithmetic3A_204, %mul3A_2 : i32
        %get3A_206 = arith.index_cast %sub3A_205 : i32 to index
        %get3A_207 = memref.load %arg12[%get3A_206] : memref<245xi32, #tpu.memory_space<smem>>
        %add3A_208 = arith.constant 1 : i32
        %add3A_209 = arith.addi %get3A_207, %add3A_208 : i32
        %swap3A = arith.index_cast %sub3A_205 : i32 to index
        %swap3A_210 = memref.load %arg12[%swap3A] : memref<245xi32, #tpu.memory_space<smem>>
        memref.store %add3A_209, %arg12[%swap3A] : memref<245xi32, #tpu.memory_space<smem>>
      } else {
      }
    }
    %while3A_29 = arith.constant 1 : i32
    scf.for %while3A_71 = %while3A_27 to %while3A_23 step %while3A_29  : i32 {
      %mul3A_72 = arith.constant 16 : i32
      %mul3A_73 = arith.muli %while3A_71, %mul3A_72 : i32
      %multiple_of3A = tpu.assume_multiple %mul3A_73, 8 : i32
      %get3A = arith.index_cast %multiple_of3A : i32 to index
      %get3A_74 = tpu.vector_load %arg5[%get3A] {strides = array<i32>} : memref<16384xi32, #tpu.memory_space<vmem>>, vector<16xi32>,
      %mul3A_75 = arith.constant 16 : i32
      %mul3A_76 = arith.muli %while3A_71, %mul3A_75 : i32
      %add3A_77 = arith.constant 0 : i32
      %add3A_78 = arith.addi %mul3A_76, %add3A_77 : i32
      %lt3A_79 = arith.cmpi slt, %add3A_78, %scan3A_12 : i32
      %convert_element_type3A_80 = arith.extui %lt3A_79 : i1 to i32
      %cond3A_81 = arith.constant 0 : i32
      %cond3A_82 = arith.cmpi ne, %convert_element_type3A_80, %cond3A_81 : i32
      scf.if %cond3A_82 {
        %slice3A = vector.extract_strided_slice %get3A_74 {offsets = [0], sizes = [1], strides = [1]} : vector<16xi32> to vector<1xi32>
        %squeeze3A = vector.extract %slice3A[0] : i32 from vector<1xi32>
        %shift_right_arithmetic3A_203 = arith.constant 7 : i32
        %shift_right_arithmetic3A_204 = arith.shrsi %squeeze3A, %shift_right_arithmetic3A_203 : i32
        %sub3A_205 = arith.subi %shift_right_arithmetic3A_204, %mul3A_2 : i32
        %get3A_206 = arith.index_cast %sub3A_205 : i32 to index
        %get3A_207 = memref.load %arg12[%get3A_206] : memref<245xi32, #tpu.memory_space<smem>>
        %add3A_208 = arith.constant 1 : i32
        %add3A_209 = arith.addi %get3A_207, %add3A_208 : i32
        %swap3A = arith.index_cast %sub3A_205 : i32 to index
        %swap3A_210 = memref.load %arg12[%swap3A] : memref<245xi32, #tpu.memory_space<smem>>
        memref.store %add3A_209, %arg12[%swap3A] : memref<245xi32, #tpu.memory_space<smem>>
      } else {
      }
      %mul3A_83 = arith.constant 16 : i32
      %mul3A_84 = arith.muli %while3A_71, %mul3A_83 : i32
      %add3A_85 = arith.constant 1 : i32
      %add3A_86 = arith.addi %mul3A_84, %add3A_85 : i32
      %lt3A_87 = arith.cmpi slt, %add3A_86, %scan3A_12 : i32
      %convert_element_type3A_88 = arith.extui %lt3A_87 : i1 to i32
      %cond3A_89 = arith.constant 0 : i32
      %cond3A_90 = arith.cmpi ne, %convert_element_type3A_88, %cond3A_89 : i32
      scf.if %cond3A_90 {
        %slice3A = vector.extract_strided_slice %get3A_74 {offsets = [1], sizes = [1], strides = [1]} : vector<16xi32> to vector<1xi32>
        %squeeze3A = vector.extract %slice3A[0] : i32 from vector<1xi32>
        %shift_right_arithmetic3A_203 = arith.constant 7 : i32
        %shift_right_arithmetic3A_204 = arith.shrsi %squeeze3A, %shift_right_arithmetic3A_203 : i32
        %sub3A_205 = arith.subi %shift_right_arithmetic3A_204, %mul3A_2 : i32
        %get3A_206 = arith.index_cast %sub3A_205 : i32 to index
        %get3A_207 = memref.load %arg12[%get3A_206] : memref<245xi32, #tpu.memory_space<smem>>
        %add3A_208 = arith.constant 1 : i32
        %add3A_209 = arith.addi %get3A_207, %add3A_208 : i32
        %swap3A = arith.index_cast %sub3A_205 : i32 to index
        %swap3A_210 = memref.load %arg12[%swap3A] : memref<245xi32, #tpu.memory_space<smem>>
        memref.store %add3A_209, %arg12[%swap3A] : memref<245xi32, #tpu.memory_space<smem>>
      } else {
      }
      %mul3A_91 = arith.constant 16 : i32
      %mul3A_92 = arith.muli %while3A_71, %mul3A_91 : i32
      %add3A_93 = arith.constant 2 : i32
      %add3A_94 = arith.addi %mul3A_92, %add3A_93 : i32
      %lt3A_95 = arith.cmpi slt, %add3A_94, %scan3A_12 : i32
      %convert_element_type3A_96 = arith.extui %lt3A_95 : i1 to i32
      %cond3A_97 = arith.constant 0 : i32
      %cond3A_98 = arith.cmpi ne, %convert_element_type3A_96, %cond3A_97 : i32
      scf.if %cond3A_98 {
        %slice3A = vector.extract_strided_slice %get3A_74 {offsets = [2], sizes = [1], strides = [1]} : vector<16xi32> to vector<1xi32>
        %squeeze3A = vector.extract %slice3A[0] : i32 from vector<1xi32>
        %shift_right_arithmetic3A_203 = arith.constant 7 : i32
        %shift_right_arithmetic3A_204 = arith.shrsi %squeeze3A, %shift_right_arithmetic3A_203 : i32
        %sub3A_205 = arith.subi %shift_right_arithmetic3A_204, %mul3A_2 : i32
        %get3A_206 = arith.index_cast %sub3A_205 : i32 to index
        %get3A_207 = memref.load %arg12[%get3A_206] : memref<245xi32, #tpu.memory_space<smem>>
        %add3A_208 = arith.constant 1 : i32
        %add3A_209 = arith.addi %get3A_207, %add3A_208 : i32
        %swap3A = arith.index_cast %sub3A_205 : i32 to index
        %swap3A_210 = memref.load %arg12[%swap3A] : memref<245xi32, #tpu.memory_space<smem>>
        memref.store %add3A_209, %arg12[%swap3A] : memref<245xi32, #tpu.memory_space<smem>>
      } else {
      }
      %mul3A_99 = arith.constant 16 : i32
      %mul3A_100 = arith.muli %while3A_71, %mul3A_99 : i32
      %add3A_101 = arith.constant 3 : i32
      %add3A_102 = arith.addi %mul3A_100, %add3A_101 : i32
      %lt3A_103 = arith.cmpi slt, %add3A_102, %scan3A_12 : i32
      %convert_element_type3A_104 = arith.extui %lt3A_103 : i1 to i32
      %cond3A_105 = arith.constant 0 : i32
      %cond3A_106 = arith.cmpi ne, %convert_element_type3A_104, %cond3A_105 : i32
      scf.if %cond3A_106 {
        %slice3A = vector.extract_strided_slice %get3A_74 {offsets = [3], sizes = [1], strides = [1]} : vector<16xi32> to vector<1xi32>
        %squeeze3A = vector.extract %slice3A[0] : i32 from vector<1xi32>
        %shift_right_arithmetic3A_203 = arith.constant 7 : i32
        %shift_right_arithmetic3A_204 = arith.shrsi %squeeze3A, %shift_right_arithmetic3A_203 : i32
        %sub3A_205 = arith.subi %shift_right_arithmetic3A_204, %mul3A_2 : i32
        %get3A_206 = arith.index_cast %sub3A_205 : i32 to index
        %get3A_207 = memref.load %arg12[%get3A_206] : memref<245xi32, #tpu.memory_space<smem>>
        %add3A_208 = arith.constant 1 : i32
        %add3A_209 = arith.addi %get3A_207, %add3A_208 : i32
        %swap3A = arith.index_cast %sub3A_205 : i32 to index
        %swap3A_210 = memref.load %arg12[%swap3A] : memref<245xi32, #tpu.memory_space<smem>>
        memref.store %add3A_209, %arg12[%swap3A] : memref<245xi32, #tpu.memory_space<smem>>
      } else {
      }
      %mul3A_107 = arith.constant 16 : i32
      %mul3A_108 = arith.muli %while3A_71, %mul3A_107 : i32
      %add3A_109 = arith.constant 4 : i32
      %add3A_110 = arith.addi %mul3A_108, %add3A_109 : i32
      %lt3A_111 = arith.cmpi slt, %add3A_110, %scan3A_12 : i32
      %convert_element_type3A_112 = arith.extui %lt3A_111 : i1 to i32
      %cond3A_113 = arith.constant 0 : i32
      %cond3A_114 = arith.cmpi ne, %convert_element_type3A_112, %cond3A_113 : i32
      scf.if %cond3A_114 {
        %slice3A = vector.extract_strided_slice %get3A_74 {offsets = [4], sizes = [1], strides = [1]} : vector<16xi32> to vector<1xi32>
        %squeeze3A = vector.extract %slice3A[0] : i32 from vector<1xi32>
        %shift_right_arithmetic3A_203 = arith.constant 7 : i32
        %shift_right_arithmetic3A_204 = arith.shrsi %squeeze3A, %shift_right_arithmetic3A_203 : i32
        %sub3A_205 = arith.subi %shift_right_arithmetic3A_204, %mul3A_2 : i32
        %get3A_206 = arith.index_cast %sub3A_205 : i32 to index
        %get3A_207 = memref.load %arg12[%get3A_206] : memref<245xi32, #tpu.memory_space<smem>>
        %add3A_208 = arith.constant 1 : i32
        %add3A_209 = arith.addi %get3A_207, %add3A_208 : i32
        %swap3A = arith.index_cast %sub3A_205 : i32 to index
        %swap3A_210 = memref.load %arg12[%swap3A] : memref<245xi32, #tpu.memory_space<smem>>
        memref.store %add3A_209, %arg12[%swap3A] : memref<245xi32, #tpu.memory_space<smem>>
      } else {
      }
      %mul3A_115 = arith.constant 16 : i32
      %mul3A_116 = arith.muli %while3A_71, %mul3A_115 : i32
      %add3A_117 = arith.constant 5 : i32
      %add3A_118 = arith.addi %mul3A_116, %add3A_117 : i32
      %lt3A_119 = arith.cmpi slt, %add3A_118, %scan3A_12 : i32
      %convert_element_type3A_120 = arith.extui %lt3A_119 : i1 to i32
      %cond3A_121 = arith.constant 0 : i32
      %cond3A_122 = arith.cmpi ne, %convert_element_type3A_120, %cond3A_121 : i32
      scf.if %cond3A_122 {
        %slice3A = vector.extract_strided_slice %get3A_74 {offsets = [5], sizes = [1], strides = [1]} : vector<16xi32> to vector<1xi32>
        %squeeze3A = vector.extract %slice3A[0] : i32 from vector<1xi32>
        %shift_right_arithmetic3A_203 = arith.constant 7 : i32
        %shift_right_arithmetic3A_204 = arith.shrsi %squeeze3A, %shift_right_arithmetic3A_203 : i32
        %sub3A_205 = arith.subi %shift_right_arithmetic3A_204, %mul3A_2 : i32
        %get3A_206 = arith.index_cast %sub3A_205 : i32 to index
        %get3A_207 = memref.load %arg12[%get3A_206] : memref<245xi32, #tpu.memory_space<smem>>
        %add3A_208 = arith.constant 1 : i32
        %add3A_209 = arith.addi %get3A_207, %add3A_208 : i32
        %swap3A = arith.index_cast %sub3A_205 : i32 to index
        %swap3A_210 = memref.load %arg12[%swap3A] : memref<245xi32, #tpu.memory_space<smem>>
        memref.store %add3A_209, %arg12[%swap3A] : memref<245xi32, #tpu.memory_space<smem>>
      } else {
      }
      %mul3A_123 = arith.constant 16 : i32
      %mul3A_124 = arith.muli %while3A_71, %mul3A_123 : i32
      %add3A_125 = arith.constant 6 : i32
      %add3A_126 = arith.addi %mul3A_124, %add3A_125 : i32
      %lt3A_127 = arith.cmpi slt, %add3A_126, %scan3A_12 : i32
      %convert_element_type3A_128 = arith.extui %lt3A_127 : i1 to i32
      %cond3A_129 = arith.constant 0 : i32
      %cond3A_130 = arith.cmpi ne, %convert_element_type3A_128, %cond3A_129 : i32
      scf.if %cond3A_130 {
        %slice3A = vector.extract_strided_slice %get3A_74 {offsets = [6], sizes = [1], strides = [1]} : vector<16xi32> to vector<1xi32>
        %squeeze3A = vector.extract %slice3A[0] : i32 from vector<1xi32>
        %shift_right_arithmetic3A_203 = arith.constant 7 : i32
        %shift_right_arithmetic3A_204 = arith.shrsi %squeeze3A, %shift_right_arithmetic3A_203 : i32
        %sub3A_205 = arith.subi %shift_right_arithmetic3A_204, %mul3A_2 : i32
        %get3A_206 = arith.index_cast %sub3A_205 : i32 to index
        %get3A_207 = memref.load %arg12[%get3A_206] : memref<245xi32, #tpu.memory_space<smem>>
        %add3A_208 = arith.constant 1 : i32
        %add3A_209 = arith.addi %get3A_207, %add3A_208 : i32
        %swap3A = arith.index_cast %sub3A_205 : i32 to index
        %swap3A_210 = memref.load %arg12[%swap3A] : memref<245xi32, #tpu.memory_space<smem>>
        memref.store %add3A_209, %arg12[%swap3A] : memref<245xi32, #tpu.memory_space<smem>>
      } else {
      }
      %mul3A_131 = arith.constant 16 : i32
      %mul3A_132 = arith.muli %while3A_71, %mul3A_131 : i32
      %add3A_133 = arith.constant 7 : i32
      %add3A_134 = arith.addi %mul3A_132, %add3A_133 : i32
      %lt3A_135 = arith.cmpi slt, %add3A_134, %scan3A_12 : i32
      %convert_element_type3A_136 = arith.extui %lt3A_135 : i1 to i32
      %cond3A_137 = arith.constant 0 : i32
      %cond3A_138 = arith.cmpi ne, %convert_element_type3A_136, %cond3A_137 : i32
      scf.if %cond3A_138 {
        %slice3A = vector.extract_strided_slice %get3A_74 {offsets = [7], sizes = [1], strides = [1]} : vector<16xi32> to vector<1xi32>
        %squeeze3A = vector.extract %slice3A[0] : i32 from vector<1xi32>
        %shift_right_arithmetic3A_203 = arith.constant 7 : i32
        %shift_right_arithmetic3A_204 = arith.shrsi %squeeze3A, %shift_right_arithmetic3A_203 : i32
        %sub3A_205 = arith.subi %shift_right_arithmetic3A_204, %mul3A_2 : i32
        %get3A_206 = arith.index_cast %sub3A_205 : i32 to index
        %get3A_207 = memref.load %arg12[%get3A_206] : memref<245xi32, #tpu.memory_space<smem>>
        %add3A_208 = arith.constant 1 : i32
        %add3A_209 = arith.addi %get3A_207, %add3A_208 : i32
        %swap3A = arith.index_cast %sub3A_205 : i32 to index
        %swap3A_210 = memref.load %arg12[%swap3A] : memref<245xi32, #tpu.memory_space<smem>>
        memref.store %add3A_209, %arg12[%swap3A] : memref<245xi32, #tpu.memory_space<smem>>
      } else {
      }
      %mul3A_139 = arith.constant 16 : i32
      %mul3A_140 = arith.muli %while3A_71, %mul3A_139 : i32
      %add3A_141 = arith.constant 8 : i32
      %add3A_142 = arith.addi %mul3A_140, %add3A_141 : i32
      %lt3A_143 = arith.cmpi slt, %add3A_142, %scan3A_12 : i32
      %convert_element_type3A_144 = arith.extui %lt3A_143 : i1 to i32
      %cond3A_145 = arith.constant 0 : i32
      %cond3A_146 = arith.cmpi ne, %convert_element_type3A_144, %cond3A_145 : i32
      scf.if %cond3A_146 {
        %slice3A = vector.extract_strided_slice %get3A_74 {offsets = [8], sizes = [1], strides = [1]} : vector<16xi32> to vector<1xi32>
        %squeeze3A = vector.extract %slice3A[0] : i32 from vector<1xi32>
        %shift_right_arithmetic3A_203 = arith.constant 7 : i32
        %shift_right_arithmetic3A_204 = arith.shrsi %squeeze3A, %shift_right_arithmetic3A_203 : i32
        %sub3A_205 = arith.subi %shift_right_arithmetic3A_204, %mul3A_2 : i32
        %get3A_206 = arith.index_cast %sub3A_205 : i32 to index
        %get3A_207 = memref.load %arg12[%get3A_206] : memref<245xi32, #tpu.memory_space<smem>>
        %add3A_208 = arith.constant 1 : i32
        %add3A_209 = arith.addi %get3A_207, %add3A_208 : i32
        %swap3A = arith.index_cast %sub3A_205 : i32 to index
        %swap3A_210 = memref.load %arg12[%swap3A] : memref<245xi32, #tpu.memory_space<smem>>
        memref.store %add3A_209, %arg12[%swap3A] : memref<245xi32, #tpu.memory_space<smem>>
      } else {
      }
      %mul3A_147 = arith.constant 16 : i32
      %mul3A_148 = arith.muli %while3A_71, %mul3A_147 : i32
      %add3A_149 = arith.constant 9 : i32
      %add3A_150 = arith.addi %mul3A_148, %add3A_149 : i32
      %lt3A_151 = arith.cmpi slt, %add3A_150, %scan3A_12 : i32
      %convert_element_type3A_152 = arith.extui %lt3A_151 : i1 to i32
      %cond3A_153 = arith.constant 0 : i32
      %cond3A_154 = arith.cmpi ne, %convert_element_type3A_152, %cond3A_153 : i32
      scf.if %cond3A_154 {
        %slice3A = vector.extract_strided_slice %get3A_74 {offsets = [9], sizes = [1], strides = [1]} : vector<16xi32> to vector<1xi32>
        %squeeze3A = vector.extract %slice3A[0] : i32 from vector<1xi32>
        %shift_right_arithmetic3A_203 = arith.constant 7 : i32
        %shift_right_arithmetic3A_204 = arith.shrsi %squeeze3A, %shift_right_arithmetic3A_203 : i32
        %sub3A_205 = arith.subi %shift_right_arithmetic3A_204, %mul3A_2 : i32
        %get3A_206 = arith.index_cast %sub3A_205 : i32 to index
        %get3A_207 = memref.load %arg12[%get3A_206] : memref<245xi32, #tpu.memory_space<smem>>
        %add3A_208 = arith.constant 1 : i32
        %add3A_209 = arith.addi %get3A_207, %add3A_208 : i32
        %swap3A = arith.index_cast %sub3A_205 : i32 to index
        %swap3A_210 = memref.load %arg12[%swap3A] : memref<245xi32, #tpu.memory_space<smem>>
        memref.store %add3A_209, %arg12[%swap3A] : memref<245xi32, #tpu.memory_space<smem>>
      } else {
      }
      %mul3A_155 = arith.constant 16 : i32
      %mul3A_156 = arith.muli %while3A_71, %mul3A_155 : i32
      %add3A_157 = arith.constant 10 : i32
      %add3A_158 = arith.addi %mul3A_156, %add3A_157 : i32
      %lt3A_159 = arith.cmpi slt, %add3A_158, %scan3A_12 : i32
      %convert_element_type3A_160 = arith.extui %lt3A_159 : i1 to i32
      %cond3A_161 = arith.constant 0 : i32
      %cond3A_162 = arith.cmpi ne, %convert_element_type3A_160, %cond3A_161 : i32
      scf.if %cond3A_162 {
        %slice3A = vector.extract_strided_slice %get3A_74 {offsets = [10], sizes = [1], strides = [1]} : vector<16xi32> to vector<1xi32>
        %squeeze3A = vector.extract %slice3A[0] : i32 from vector<1xi32>
        %shift_right_arithmetic3A_203 = arith.constant 7 : i32
        %shift_right_arithmetic3A_204 = arith.shrsi %squeeze3A, %shift_right_arithmetic3A_203 : i32
        %sub3A_205 = arith.subi %shift_right_arithmetic3A_204, %mul3A_2 : i32
        %get3A_206 = arith.index_cast %sub3A_205 : i32 to index
        %get3A_207 = memref.load %arg12[%get3A_206] : memref<245xi32, #tpu.memory_space<smem>>
        %add3A_208 = arith.constant 1 : i32
        %add3A_209 = arith.addi %get3A_207, %add3A_208 : i32
        %swap3A = arith.index_cast %sub3A_205 : i32 to index
        %swap3A_210 = memref.load %arg12[%swap3A] : memref<245xi32, #tpu.memory_space<smem>>
        memref.store %add3A_209, %arg12[%swap3A] : memref<245xi32, #tpu.memory_space<smem>>
      } else {
      }
      %mul3A_163 = arith.constant 16 : i32
      %mul3A_164 = arith.muli %while3A_71, %mul3A_163 : i32
      %add3A_165 = arith.constant 11 : i32
      %add3A_166 = arith.addi %mul3A_164, %add3A_165 : i32
      %lt3A_167 = arith.cmpi slt, %add3A_166, %scan3A_12 : i32
      %convert_element_type3A_168 = arith.extui %lt3A_167 : i1 to i32
      %cond3A_169 = arith.constant 0 : i32
      %cond3A_170 = arith.cmpi ne, %convert_element_type3A_168, %cond3A_169 : i32
      scf.if %cond3A_170 {
        %slice3A = vector.extract_strided_slice %get3A_74 {offsets = [11], sizes = [1], strides = [1]} : vector<16xi32> to vector<1xi32>
        %squeeze3A = vector.extract %slice3A[0] : i32 from vector<1xi32>
        %shift_right_arithmetic3A_203 = arith.constant 7 : i32
        %shift_right_arithmetic3A_204 = arith.shrsi %squeeze3A, %shift_right_arithmetic3A_203 : i32
        %sub3A_205 = arith.subi %shift_right_arithmetic3A_204, %mul3A_2 : i32
        %get3A_206 = arith.index_cast %sub3A_205 : i32 to index
        %get3A_207 = memref.load %arg12[%get3A_206] : memref<245xi32, #tpu.memory_space<smem>>
        %add3A_208 = arith.constant 1 : i32
        %add3A_209 = arith.addi %get3A_207, %add3A_208 : i32
        %swap3A = arith.index_cast %sub3A_205 : i32 to index
        %swap3A_210 = memref.load %arg12[%swap3A] : memref<245xi32, #tpu.memory_space<smem>>
        memref.store %add3A_209, %arg12[%swap3A] : memref<245xi32, #tpu.memory_space<smem>>
      } else {
      }
      %mul3A_171 = arith.constant 16 : i32
      %mul3A_172 = arith.muli %while3A_71, %mul3A_171 : i32
      %add3A_173 = arith.constant 12 : i32
      %add3A_174 = arith.addi %mul3A_172, %add3A_173 : i32
      %lt3A_175 = arith.cmpi slt, %add3A_174, %scan3A_12 : i32
      %convert_element_type3A_176 = arith.extui %lt3A_175 : i1 to i32
      %cond3A_177 = arith.constant 0 : i32
      %cond3A_178 = arith.cmpi ne, %convert_element_type3A_176, %cond3A_177 : i32
      scf.if %cond3A_178 {
        %slice3A = vector.extract_strided_slice %get3A_74 {offsets = [12], sizes = [1], strides = [1]} : vector<16xi32> to vector<1xi32>
        %squeeze3A = vector.extract %slice3A[0] : i32 from vector<1xi32>
        %shift_right_arithmetic3A_203 = arith.constant 7 : i32
        %shift_right_arithmetic3A_204 = arith.shrsi %squeeze3A, %shift_right_arithmetic3A_203 : i32
        %sub3A_205 = arith.subi %shift_right_arithmetic3A_204, %mul3A_2 : i32
        %get3A_206 = arith.index_cast %sub3A_205 : i32 to index
        %get3A_207 = memref.load %arg12[%get3A_206] : memref<245xi32, #tpu.memory_space<smem>>
        %add3A_208 = arith.constant 1 : i32
        %add3A_209 = arith.addi %get3A_207, %add3A_208 : i32
        %swap3A = arith.index_cast %sub3A_205 : i32 to index
        %swap3A_210 = memref.load %arg12[%swap3A] : memref<245xi32, #tpu.memory_space<smem>>
        memref.store %add3A_209, %arg12[%swap3A] : memref<245xi32, #tpu.memory_space<smem>>
      } else {
      }
      %mul3A_179 = arith.constant 16 : i32
      %mul3A_180 = arith.muli %while3A_71, %mul3A_179 : i32
      %add3A_181 = arith.constant 13 : i32
      %add3A_182 = arith.addi %mul3A_180, %add3A_181 : i32
      %lt3A_183 = arith.cmpi slt, %add3A_182, %scan3A_12 : i32
      %convert_element_type3A_184 = arith.extui %lt3A_183 : i1 to i32
      %cond3A_185 = arith.constant 0 : i32
      %cond3A_186 = arith.cmpi ne, %convert_element_type3A_184, %cond3A_185 : i32
      scf.if %cond3A_186 {
        %slice3A = vector.extract_strided_slice %get3A_74 {offsets = [13], sizes = [1], strides = [1]} : vector<16xi32> to vector<1xi32>
        %squeeze3A = vector.extract %slice3A[0] : i32 from vector<1xi32>
        %shift_right_arithmetic3A_203 = arith.constant 7 : i32
        %shift_right_arithmetic3A_204 = arith.shrsi %squeeze3A, %shift_right_arithmetic3A_203 : i32
        %sub3A_205 = arith.subi %shift_right_arithmetic3A_204, %mul3A_2 : i32
        %get3A_206 = arith.index_cast %sub3A_205 : i32 to index
        %get3A_207 = memref.load %arg12[%get3A_206] : memref<245xi32, #tpu.memory_space<smem>>
        %add3A_208 = arith.constant 1 : i32
        %add3A_209 = arith.addi %get3A_207, %add3A_208 : i32
        %swap3A = arith.index_cast %sub3A_205 : i32 to index
        %swap3A_210 = memref.load %arg12[%swap3A] : memref<245xi32, #tpu.memory_space<smem>>
        memref.store %add3A_209, %arg12[%swap3A] : memref<245xi32, #tpu.memory_space<smem>>
      } else {
      }
      %mul3A_187 = arith.constant 16 : i32
      %mul3A_188 = arith.muli %while3A_71, %mul3A_187 : i32
      %add3A_189 = arith.constant 14 : i32
      %add3A_190 = arith.addi %mul3A_188, %add3A_189 : i32
      %lt3A_191 = arith.cmpi slt, %add3A_190, %scan3A_12 : i32
      %convert_element_type3A_192 = arith.extui %lt3A_191 : i1 to i32
      %cond3A_193 = arith.constant 0 : i32
      %cond3A_194 = arith.cmpi ne, %convert_element_type3A_192, %cond3A_193 : i32
      scf.if %cond3A_194 {
        %slice3A = vector.extract_strided_slice %get3A_74 {offsets = [14], sizes = [1], strides = [1]} : vector<16xi32> to vector<1xi32>
        %squeeze3A = vector.extract %slice3A[0] : i32 from vector<1xi32>
        %shift_right_arithmetic3A_203 = arith.constant 7 : i32
        %shift_right_arithmetic3A_204 = arith.shrsi %squeeze3A, %shift_right_arithmetic3A_203 : i32
        %sub3A_205 = arith.subi %shift_right_arithmetic3A_204, %mul3A_2 : i32
        %get3A_206 = arith.index_cast %sub3A_205 : i32 to index
        %get3A_207 = memref.load %arg12[%get3A_206] : memref<245xi32, #tpu.memory_space<smem>>
        %add3A_208 = arith.constant 1 : i32
        %add3A_209 = arith.addi %get3A_207, %add3A_208 : i32
        %swap3A = arith.index_cast %sub3A_205 : i32 to index
        %swap3A_210 = memref.load %arg12[%swap3A] : memref<245xi32, #tpu.memory_space<smem>>
        memref.store %add3A_209, %arg12[%swap3A] : memref<245xi32, #tpu.memory_space<smem>>
      } else {
      }
      %mul3A_195 = arith.constant 16 : i32
      %mul3A_196 = arith.muli %while3A_71, %mul3A_195 : i32
      %add3A_197 = arith.constant 15 : i32
      %add3A_198 = arith.addi %mul3A_196, %add3A_197 : i32
      %lt3A_199 = arith.cmpi slt, %add3A_198, %scan3A_12 : i32
      %convert_element_type3A_200 = arith.extui %lt3A_199 : i1 to i32
      %cond3A_201 = arith.constant 0 : i32
      %cond3A_202 = arith.cmpi ne, %convert_element_type3A_200, %cond3A_201 : i32
      scf.if %cond3A_202 {
        %slice3A = vector.extract_strided_slice %get3A_74 {offsets = [15], sizes = [1], strides = [1]} : vector<16xi32> to vector<1xi32>
        %squeeze3A = vector.extract %slice3A[0] : i32 from vector<1xi32>
        %shift_right_arithmetic3A_203 = arith.constant 7 : i32
        %shift_right_arithmetic3A_204 = arith.shrsi %squeeze3A, %shift_right_arithmetic3A_203 : i32
        %sub3A_205 = arith.subi %shift_right_arithmetic3A_204, %mul3A_2 : i32
        %get3A_206 = arith.index_cast %sub3A_205 : i32 to index
        %get3A_207 = memref.load %arg12[%get3A_206] : memref<245xi32, #tpu.memory_space<smem>>
        %add3A_208 = arith.constant 1 : i32
        %add3A_209 = arith.addi %get3A_207, %add3A_208 : i32
        %swap3A = arith.index_cast %sub3A_205 : i32 to index
        %swap3A_210 = memref.load %arg12[%swap3A] : memref<245xi32, #tpu.memory_space<smem>>
        memref.store %add3A_209, %arg12[%swap3A] : memref<245xi32, #tpu.memory_space<smem>>
      } else {
      }
    }
    %scan3A_30 = arith.constant 0 : i32
    %scan3A_31 = arith.constant 0 : i32
    %scan3A_32 = arith.constant 245 : i32
    %scan3A_33 = arith.addi %scan3A_31, %scan3A_32 : i32
    %scan3A_34 = arith.constant 1 : i32
    %scan3A_35 = scf.for %scan3A_71 = %scan3A_31 to %scan3A_33 step %scan3A_34 iter_args(%scan3A_72 = %scan3A_30) -> (i32)  : i32 {
      %swap3A = arith.index_cast %scan3A_71 : i32 to index
      %swap3A_73 = memref.load %arg13[%swap3A] : memref<245xi32, #tpu.memory_space<smem>>
      memref.store %scan3A_72, %arg13[%swap3A] : memref<245xi32, #tpu.memory_space<smem>>
      %swap3A_74 = arith.index_cast %scan3A_71 : i32 to index
      %swap3A_75 = memref.load %arg14[%swap3A_74] : memref<245xi32, #tpu.memory_space<smem>>
      memref.store %scan3A_72, %arg14[%swap3A_74] : memref<245xi32, #tpu.memory_space<smem>>
      %get3A = arith.index_cast %scan3A_71 : i32 to index
      %get3A_76 = memref.load %arg12[%get3A] : memref<245xi32, #tpu.memory_space<smem>>
      %add3A_77 = arith.constant 15 : i32
      %add3A_78 = arith.addi %get3A_76, %add3A_77 : i32
      %and3A_79 = arith.constant -16 : i32
      %and3A_80 = arith.andi %add3A_78, %and3A_79 : i32
      %add3A_81 = arith.addi %scan3A_72, %and3A_80 : i32
      scf.yield %add3A_81 : i32
    }
    %scan3A_36 = arith.constant 245 : i32
    %while3A_37 = arith.constant 0 : i32
    %while3A_38 = arith.subi %shift_right_arithmetic3A_16, %while3A_37 : i32
    %while3A_39 = arith.addi %while3A_37, %while3A_38 : i32
    %while3A_40 = arith.constant 1 : i32
    %while3A_41 = arith.divsi %while3A_38, %while3A_40 : i32
    %while3A_42 = arith.muli %while3A_41, %while3A_40 : i32
    %while3A_43 = arith.addi %while3A_37, %while3A_42 : i32
    %while3A_44 = arith.constant 1 : i32
    scf.for %while3A_71 = %while3A_37 to %while3A_43 step %while3A_44  : i32 {
      %mul3A_72 = arith.constant 16 : i32
      %mul3A_73 = arith.muli %while3A_71, %mul3A_72 : i32
      %multiple_of3A = tpu.assume_multiple %mul3A_73, 8 : i32
      %get3A = arith.index_cast %multiple_of3A : i32 to index
      %get3A_74 = tpu.vector_load %arg5[%get3A] {strides = array<i32>} : memref<16384xi32, #tpu.memory_space<vmem>>, vector<16xi32>,
      %mul3A_75 = arith.constant 16 : i32
      %mul3A_76 = arith.muli %while3A_71, %mul3A_75 : i32
      %multiple_of3A_77 = tpu.assume_multiple %mul3A_76, 8 : i32
      %get3A_78 = arith.index_cast %multiple_of3A_77 : i32 to index
      %get3A_79 = tpu.vector_load %arg6[%get3A_78] {strides = array<i32>} : memref<16384xi32, #tpu.memory_space<vmem>>, vector<16xi32>,
      %mul3A_80 = arith.constant 16 : i32
      %mul3A_81 = arith.muli %while3A_71, %mul3A_80 : i32
      %add3A_82 = arith.constant 0 : i32
      %add3A_83 = arith.addi %mul3A_81, %add3A_82 : i32
      %lt3A_84 = arith.cmpi slt, %add3A_83, %scan3A_12 : i32
      %convert_element_type3A_85 = arith.extui %lt3A_84 : i1 to i32
      %cond3A_86 = arith.constant 0 : i32
      %cond3A_87 = arith.cmpi ne, %convert_element_type3A_85, %cond3A_86 : i32
      scf.if %cond3A_87 {
        %slice3A = vector.extract_strided_slice %get3A_74 {offsets = [0], sizes = [1], strides = [1]} : vector<16xi32> to vector<1xi32>
        %squeeze3A = vector.extract %slice3A[0] : i32 from vector<1xi32>
        %shift_right_arithmetic3A_208 = arith.constant 7 : i32
        %shift_right_arithmetic3A_209 = arith.shrsi %squeeze3A, %shift_right_arithmetic3A_208 : i32
        %sub3A_210 = arith.subi %shift_right_arithmetic3A_209, %mul3A_2 : i32
        %get3A_211 = arith.index_cast %sub3A_210 : i32 to index
        %get3A_212 = memref.load %arg14[%get3A_211] : memref<245xi32, #tpu.memory_space<smem>>
        %add3A_213 = arith.constant 1 : i32
        %add3A_214 = arith.addi %get3A_212, %add3A_213 : i32
        %swap3A = arith.index_cast %sub3A_210 : i32 to index
        %swap3A_215 = memref.load %arg14[%swap3A] : memref<245xi32, #tpu.memory_space<smem>>
        memref.store %add3A_214, %arg14[%swap3A] : memref<245xi32, #tpu.memory_space<smem>>
        %broadcast_in_dim3A = vector.broadcast %get3A_212 : i32 to vector<16xi32>
        %slice3A_216 = vector.extract_strided_slice %get3A_74 {offsets = [0], sizes = [1], strides = [1]} : vector<16xi32> to vector<1xi32>
        %squeeze3A_217 = vector.extract %slice3A_216[0] : i32 from vector<1xi32>
        %broadcast_in_dim3A_218 = vector.broadcast %squeeze3A_217 : i32 to vector<16xi32>
        tpu.vector_store_idx %arg7[%broadcast_in_dim3A], %broadcast_in_dim3A_218 masked %lt3A_7 : memref<20075xi32, #tpu.memory_space<vmem>>[vector<16xi32>], vector<16xi32>, vector<16xi1>
        %slice3A_219 = vector.extract_strided_slice %get3A_79 {offsets = [0], sizes = [1], strides = [1]} : vector<16xi32> to vector<1xi32>
        %squeeze3A_220 = vector.extract %slice3A_219[0] : i32 from vector<1xi32>
        %broadcast_in_dim3A_221 = vector.broadcast %squeeze3A_220 : i32 to vector<16xi32>
        tpu.vector_store_idx %arg8[%broadcast_in_dim3A], %broadcast_in_dim3A_221 masked %lt3A_7 : memref<20075xi32, #tpu.memory_space<vmem>>[vector<16xi32>], vector<16xi32>, vector<16xi1>
      } else {
      }
      %mul3A_88 = arith.constant 16 : i32
      %mul3A_89 = arith.muli %while3A_71, %mul3A_88 : i32
      %add3A_90 = arith.constant 1 : i32
      %add3A_91 = arith.addi %mul3A_89, %add3A_90 : i32
      %lt3A_92 = arith.cmpi slt, %add3A_91, %scan3A_12 : i32
      %convert_element_type3A_93 = arith.extui %lt3A_92 : i1 to i32
      %cond3A_94 = arith.constant 0 : i32
      %cond3A_95 = arith.cmpi ne, %convert_element_type3A_93, %cond3A_94 : i32
      scf.if %cond3A_95 {
        %slice3A = vector.extract_strided_slice %get3A_74 {offsets = [1], sizes = [1], strides = [1]} : vector<16xi32> to vector<1xi32>
        %squeeze3A = vector.extract %slice3A[0] : i32 from vector<1xi32>
        %shift_right_arithmetic3A_208 = arith.constant 7 : i32
        %shift_right_arithmetic3A_209 = arith.shrsi %squeeze3A, %shift_right_arithmetic3A_208 : i32
        %sub3A_210 = arith.subi %shift_right_arithmetic3A_209, %mul3A_2 : i32
        %get3A_211 = arith.index_cast %sub3A_210 : i32 to index
        %get3A_212 = memref.load %arg14[%get3A_211] : memref<245xi32, #tpu.memory_space<smem>>
        %add3A_213 = arith.constant 1 : i32
        %add3A_214 = arith.addi %get3A_212, %add3A_213 : i32
        %swap3A = arith.index_cast %sub3A_210 : i32 to index
        %swap3A_215 = memref.load %arg14[%swap3A] : memref<245xi32, #tpu.memory_space<smem>>
        memref.store %add3A_214, %arg14[%swap3A] : memref<245xi32, #tpu.memory_space<smem>>
        %broadcast_in_dim3A = vector.broadcast %get3A_212 : i32 to vector<16xi32>
        %slice3A_216 = vector.extract_strided_slice %get3A_74 {offsets = [1], sizes = [1], strides = [1]} : vector<16xi32> to vector<1xi32>
        %squeeze3A_217 = vector.extract %slice3A_216[0] : i32 from vector<1xi32>
        %broadcast_in_dim3A_218 = vector.broadcast %squeeze3A_217 : i32 to vector<16xi32>
        tpu.vector_store_idx %arg7[%broadcast_in_dim3A], %broadcast_in_dim3A_218 masked %lt3A_7 : memref<20075xi32, #tpu.memory_space<vmem>>[vector<16xi32>], vector<16xi32>, vector<16xi1>
        %slice3A_219 = vector.extract_strided_slice %get3A_79 {offsets = [1], sizes = [1], strides = [1]} : vector<16xi32> to vector<1xi32>
        %squeeze3A_220 = vector.extract %slice3A_219[0] : i32 from vector<1xi32>
        %broadcast_in_dim3A_221 = vector.broadcast %squeeze3A_220 : i32 to vector<16xi32>
        tpu.vector_store_idx %arg8[%broadcast_in_dim3A], %broadcast_in_dim3A_221 masked %lt3A_7 : memref<20075xi32, #tpu.memory_space<vmem>>[vector<16xi32>], vector<16xi32>, vector<16xi1>
      } else {
      }
      %mul3A_96 = arith.constant 16 : i32
      %mul3A_97 = arith.muli %while3A_71, %mul3A_96 : i32
      %add3A_98 = arith.constant 2 : i32
      %add3A_99 = arith.addi %mul3A_97, %add3A_98 : i32
      %lt3A_100 = arith.cmpi slt, %add3A_99, %scan3A_12 : i32
      %convert_element_type3A_101 = arith.extui %lt3A_100 : i1 to i32
      %cond3A_102 = arith.constant 0 : i32
      %cond3A_103 = arith.cmpi ne, %convert_element_type3A_101, %cond3A_102 : i32
      scf.if %cond3A_103 {
        %slice3A = vector.extract_strided_slice %get3A_74 {offsets = [2], sizes = [1], strides = [1]} : vector<16xi32> to vector<1xi32>
        %squeeze3A = vector.extract %slice3A[0] : i32 from vector<1xi32>
        %shift_right_arithmetic3A_208 = arith.constant 7 : i32
        %shift_right_arithmetic3A_209 = arith.shrsi %squeeze3A, %shift_right_arithmetic3A_208 : i32
        %sub3A_210 = arith.subi %shift_right_arithmetic3A_209, %mul3A_2 : i32
        %get3A_211 = arith.index_cast %sub3A_210 : i32 to index
        %get3A_212 = memref.load %arg14[%get3A_211] : memref<245xi32, #tpu.memory_space<smem>>
        %add3A_213 = arith.constant 1 : i32
        %add3A_214 = arith.addi %get3A_212, %add3A_213 : i32
        %swap3A = arith.index_cast %sub3A_210 : i32 to index
        %swap3A_215 = memref.load %arg14[%swap3A] : memref<245xi32, #tpu.memory_space<smem>>
        memref.store %add3A_214, %arg14[%swap3A] : memref<245xi32, #tpu.memory_space<smem>>
        %broadcast_in_dim3A = vector.broadcast %get3A_212 : i32 to vector<16xi32>
        %slice3A_216 = vector.extract_strided_slice %get3A_74 {offsets = [2], sizes = [1], strides = [1]} : vector<16xi32> to vector<1xi32>
        %squeeze3A_217 = vector.extract %slice3A_216[0] : i32 from vector<1xi32>
        %broadcast_in_dim3A_218 = vector.broadcast %squeeze3A_217 : i32 to vector<16xi32>
        tpu.vector_store_idx %arg7[%broadcast_in_dim3A], %broadcast_in_dim3A_218 masked %lt3A_7 : memref<20075xi32, #tpu.memory_space<vmem>>[vector<16xi32>], vector<16xi32>, vector<16xi1>
        %slice3A_219 = vector.extract_strided_slice %get3A_79 {offsets = [2], sizes = [1], strides = [1]} : vector<16xi32> to vector<1xi32>
        %squeeze3A_220 = vector.extract %slice3A_219[0] : i32 from vector<1xi32>
        %broadcast_in_dim3A_221 = vector.broadcast %squeeze3A_220 : i32 to vector<16xi32>
        tpu.vector_store_idx %arg8[%broadcast_in_dim3A], %broadcast_in_dim3A_221 masked %lt3A_7 : memref<20075xi32, #tpu.memory_space<vmem>>[vector<16xi32>], vector<16xi32>, vector<16xi1>
      } else {
      }
      %mul3A_104 = arith.constant 16 : i32
      %mul3A_105 = arith.muli %while3A_71, %mul3A_104 : i32
      %add3A_106 = arith.constant 3 : i32
      %add3A_107 = arith.addi %mul3A_105, %add3A_106 : i32
      %lt3A_108 = arith.cmpi slt, %add3A_107, %scan3A_12 : i32
      %convert_element_type3A_109 = arith.extui %lt3A_108 : i1 to i32
      %cond3A_110 = arith.constant 0 : i32
      %cond3A_111 = arith.cmpi ne, %convert_element_type3A_109, %cond3A_110 : i32
      scf.if %cond3A_111 {
        %slice3A = vector.extract_strided_slice %get3A_74 {offsets = [3], sizes = [1], strides = [1]} : vector<16xi32> to vector<1xi32>
        %squeeze3A = vector.extract %slice3A[0] : i32 from vector<1xi32>
        %shift_right_arithmetic3A_208 = arith.constant 7 : i32
        %shift_right_arithmetic3A_209 = arith.shrsi %squeeze3A, %shift_right_arithmetic3A_208 : i32
        %sub3A_210 = arith.subi %shift_right_arithmetic3A_209, %mul3A_2 : i32
        %get3A_211 = arith.index_cast %sub3A_210 : i32 to index
        %get3A_212 = memref.load %arg14[%get3A_211] : memref<245xi32, #tpu.memory_space<smem>>
        %add3A_213 = arith.constant 1 : i32
        %add3A_214 = arith.addi %get3A_212, %add3A_213 : i32
        %swap3A = arith.index_cast %sub3A_210 : i32 to index
        %swap3A_215 = memref.load %arg14[%swap3A] : memref<245xi32, #tpu.memory_space<smem>>
        memref.store %add3A_214, %arg14[%swap3A] : memref<245xi32, #tpu.memory_space<smem>>
        %broadcast_in_dim3A = vector.broadcast %get3A_212 : i32 to vector<16xi32>
        %slice3A_216 = vector.extract_strided_slice %get3A_74 {offsets = [3], sizes = [1], strides = [1]} : vector<16xi32> to vector<1xi32>
        %squeeze3A_217 = vector.extract %slice3A_216[0] : i32 from vector<1xi32>
        %broadcast_in_dim3A_218 = vector.broadcast %squeeze3A_217 : i32 to vector<16xi32>
        tpu.vector_store_idx %arg7[%broadcast_in_dim3A], %broadcast_in_dim3A_218 masked %lt3A_7 : memref<20075xi32, #tpu.memory_space<vmem>>[vector<16xi32>], vector<16xi32>, vector<16xi1>
        %slice3A_219 = vector.extract_strided_slice %get3A_79 {offsets = [3], sizes = [1], strides = [1]} : vector<16xi32> to vector<1xi32>
        %squeeze3A_220 = vector.extract %slice3A_219[0] : i32 from vector<1xi32>
        %broadcast_in_dim3A_221 = vector.broadcast %squeeze3A_220 : i32 to vector<16xi32>
        tpu.vector_store_idx %arg8[%broadcast_in_dim3A], %broadcast_in_dim3A_221 masked %lt3A_7 : memref<20075xi32, #tpu.memory_space<vmem>>[vector<16xi32>], vector<16xi32>, vector<16xi1>
      } else {
      }
      %mul3A_112 = arith.constant 16 : i32
      %mul3A_113 = arith.muli %while3A_71, %mul3A_112 : i32
      %add3A_114 = arith.constant 4 : i32
      %add3A_115 = arith.addi %mul3A_113, %add3A_114 : i32
      %lt3A_116 = arith.cmpi slt, %add3A_115, %scan3A_12 : i32
      %convert_element_type3A_117 = arith.extui %lt3A_116 : i1 to i32
      %cond3A_118 = arith.constant 0 : i32
      %cond3A_119 = arith.cmpi ne, %convert_element_type3A_117, %cond3A_118 : i32
      scf.if %cond3A_119 {
        %slice3A = vector.extract_strided_slice %get3A_74 {offsets = [4], sizes = [1], strides = [1]} : vector<16xi32> to vector<1xi32>
        %squeeze3A = vector.extract %slice3A[0] : i32 from vector<1xi32>
        %shift_right_arithmetic3A_208 = arith.constant 7 : i32
        %shift_right_arithmetic3A_209 = arith.shrsi %squeeze3A, %shift_right_arithmetic3A_208 : i32
        %sub3A_210 = arith.subi %shift_right_arithmetic3A_209, %mul3A_2 : i32
        %get3A_211 = arith.index_cast %sub3A_210 : i32 to index
        %get3A_212 = memref.load %arg14[%get3A_211] : memref<245xi32, #tpu.memory_space<smem>>
        %add3A_213 = arith.constant 1 : i32
        %add3A_214 = arith.addi %get3A_212, %add3A_213 : i32
        %swap3A = arith.index_cast %sub3A_210 : i32 to index
        %swap3A_215 = memref.load %arg14[%swap3A] : memref<245xi32, #tpu.memory_space<smem>>
        memref.store %add3A_214, %arg14[%swap3A] : memref<245xi32, #tpu.memory_space<smem>>
        %broadcast_in_dim3A = vector.broadcast %get3A_212 : i32 to vector<16xi32>
        %slice3A_216 = vector.extract_strided_slice %get3A_74 {offsets = [4], sizes = [1], strides = [1]} : vector<16xi32> to vector<1xi32>
        %squeeze3A_217 = vector.extract %slice3A_216[0] : i32 from vector<1xi32>
        %broadcast_in_dim3A_218 = vector.broadcast %squeeze3A_217 : i32 to vector<16xi32>
        tpu.vector_store_idx %arg7[%broadcast_in_dim3A], %broadcast_in_dim3A_218 masked %lt3A_7 : memref<20075xi32, #tpu.memory_space<vmem>>[vector<16xi32>], vector<16xi32>, vector<16xi1>
        %slice3A_219 = vector.extract_strided_slice %get3A_79 {offsets = [4], sizes = [1], strides = [1]} : vector<16xi32> to vector<1xi32>
        %squeeze3A_220 = vector.extract %slice3A_219[0] : i32 from vector<1xi32>
        %broadcast_in_dim3A_221 = vector.broadcast %squeeze3A_220 : i32 to vector<16xi32>
        tpu.vector_store_idx %arg8[%broadcast_in_dim3A], %broadcast_in_dim3A_221 masked %lt3A_7 : memref<20075xi32, #tpu.memory_space<vmem>>[vector<16xi32>], vector<16xi32>, vector<16xi1>
      } else {
      }
      %mul3A_120 = arith.constant 16 : i32
      %mul3A_121 = arith.muli %while3A_71, %mul3A_120 : i32
      %add3A_122 = arith.constant 5 : i32
      %add3A_123 = arith.addi %mul3A_121, %add3A_122 : i32
      %lt3A_124 = arith.cmpi slt, %add3A_123, %scan3A_12 : i32
      %convert_element_type3A_125 = arith.extui %lt3A_124 : i1 to i32
      %cond3A_126 = arith.constant 0 : i32
      %cond3A_127 = arith.cmpi ne, %convert_element_type3A_125, %cond3A_126 : i32
      scf.if %cond3A_127 {
        %slice3A = vector.extract_strided_slice %get3A_74 {offsets = [5], sizes = [1], strides = [1]} : vector<16xi32> to vector<1xi32>
        %squeeze3A = vector.extract %slice3A[0] : i32 from vector<1xi32>
        %shift_right_arithmetic3A_208 = arith.constant 7 : i32
        %shift_right_arithmetic3A_209 = arith.shrsi %squeeze3A, %shift_right_arithmetic3A_208 : i32
        %sub3A_210 = arith.subi %shift_right_arithmetic3A_209, %mul3A_2 : i32
        %get3A_211 = arith.index_cast %sub3A_210 : i32 to index
        %get3A_212 = memref.load %arg14[%get3A_211] : memref<245xi32, #tpu.memory_space<smem>>
        %add3A_213 = arith.constant 1 : i32
        %add3A_214 = arith.addi %get3A_212, %add3A_213 : i32
        %swap3A = arith.index_cast %sub3A_210 : i32 to index
        %swap3A_215 = memref.load %arg14[%swap3A] : memref<245xi32, #tpu.memory_space<smem>>
        memref.store %add3A_214, %arg14[%swap3A] : memref<245xi32, #tpu.memory_space<smem>>
        %broadcast_in_dim3A = vector.broadcast %get3A_212 : i32 to vector<16xi32>
        %slice3A_216 = vector.extract_strided_slice %get3A_74 {offsets = [5], sizes = [1], strides = [1]} : vector<16xi32> to vector<1xi32>
        %squeeze3A_217 = vector.extract %slice3A_216[0] : i32 from vector<1xi32>
        %broadcast_in_dim3A_218 = vector.broadcast %squeeze3A_217 : i32 to vector<16xi32>
        tpu.vector_store_idx %arg7[%broadcast_in_dim3A], %broadcast_in_dim3A_218 masked %lt3A_7 : memref<20075xi32, #tpu.memory_space<vmem>>[vector<16xi32>], vector<16xi32>, vector<16xi1>
        %slice3A_219 = vector.extract_strided_slice %get3A_79 {offsets = [5], sizes = [1], strides = [1]} : vector<16xi32> to vector<1xi32>
        %squeeze3A_220 = vector.extract %slice3A_219[0] : i32 from vector<1xi32>
        %broadcast_in_dim3A_221 = vector.broadcast %squeeze3A_220 : i32 to vector<16xi32>
        tpu.vector_store_idx %arg8[%broadcast_in_dim3A], %broadcast_in_dim3A_221 masked %lt3A_7 : memref<20075xi32, #tpu.memory_space<vmem>>[vector<16xi32>], vector<16xi32>, vector<16xi1>
      } else {
      }
      %mul3A_128 = arith.constant 16 : i32
      %mul3A_129 = arith.muli %while3A_71, %mul3A_128 : i32
      %add3A_130 = arith.constant 6 : i32
      %add3A_131 = arith.addi %mul3A_129, %add3A_130 : i32
      %lt3A_132 = arith.cmpi slt, %add3A_131, %scan3A_12 : i32
      %convert_element_type3A_133 = arith.extui %lt3A_132 : i1 to i32
      %cond3A_134 = arith.constant 0 : i32
      %cond3A_135 = arith.cmpi ne, %convert_element_type3A_133, %cond3A_134 : i32
      scf.if %cond3A_135 {
        %slice3A = vector.extract_strided_slice %get3A_74 {offsets = [6], sizes = [1], strides = [1]} : vector<16xi32> to vector<1xi32>
        %squeeze3A = vector.extract %slice3A[0] : i32 from vector<1xi32>
        %shift_right_arithmetic3A_208 = arith.constant 7 : i32
        %shift_right_arithmetic3A_209 = arith.shrsi %squeeze3A, %shift_right_arithmetic3A_208 : i32
        %sub3A_210 = arith.subi %shift_right_arithmetic3A_209, %mul3A_2 : i32
        %get3A_211 = arith.index_cast %sub3A_210 : i32 to index
        %get3A_212 = memref.load %arg14[%get3A_211] : memref<245xi32, #tpu.memory_space<smem>>
        %add3A_213 = arith.constant 1 : i32
        %add3A_214 = arith.addi %get3A_212, %add3A_213 : i32
        %swap3A = arith.index_cast %sub3A_210 : i32 to index
        %swap3A_215 = memref.load %arg14[%swap3A] : memref<245xi32, #tpu.memory_space<smem>>
        memref.store %add3A_214, %arg14[%swap3A] : memref<245xi32, #tpu.memory_space<smem>>
        %broadcast_in_dim3A = vector.broadcast %get3A_212 : i32 to vector<16xi32>
        %slice3A_216 = vector.extract_strided_slice %get3A_74 {offsets = [6], sizes = [1], strides = [1]} : vector<16xi32> to vector<1xi32>
        %squeeze3A_217 = vector.extract %slice3A_216[0] : i32 from vector<1xi32>
        %broadcast_in_dim3A_218 = vector.broadcast %squeeze3A_217 : i32 to vector<16xi32>
        tpu.vector_store_idx %arg7[%broadcast_in_dim3A], %broadcast_in_dim3A_218 masked %lt3A_7 : memref<20075xi32, #tpu.memory_space<vmem>>[vector<16xi32>], vector<16xi32>, vector<16xi1>
        %slice3A_219 = vector.extract_strided_slice %get3A_79 {offsets = [6], sizes = [1], strides = [1]} : vector<16xi32> to vector<1xi32>
        %squeeze3A_220 = vector.extract %slice3A_219[0] : i32 from vector<1xi32>
        %broadcast_in_dim3A_221 = vector.broadcast %squeeze3A_220 : i32 to vector<16xi32>
        tpu.vector_store_idx %arg8[%broadcast_in_dim3A], %broadcast_in_dim3A_221 masked %lt3A_7 : memref<20075xi32, #tpu.memory_space<vmem>>[vector<16xi32>], vector<16xi32>, vector<16xi1>
      } else {
      }
      %mul3A_136 = arith.constant 16 : i32
      %mul3A_137 = arith.muli %while3A_71, %mul3A_136 : i32
      %add3A_138 = arith.constant 7 : i32
      %add3A_139 = arith.addi %mul3A_137, %add3A_138 : i32
      %lt3A_140 = arith.cmpi slt, %add3A_139, %scan3A_12 : i32
      %convert_element_type3A_141 = arith.extui %lt3A_140 : i1 to i32
      %cond3A_142 = arith.constant 0 : i32
      %cond3A_143 = arith.cmpi ne, %convert_element_type3A_141, %cond3A_142 : i32
      scf.if %cond3A_143 {
        %slice3A = vector.extract_strided_slice %get3A_74 {offsets = [7], sizes = [1], strides = [1]} : vector<16xi32> to vector<1xi32>
        %squeeze3A = vector.extract %slice3A[0] : i32 from vector<1xi32>
        %shift_right_arithmetic3A_208 = arith.constant 7 : i32
        %shift_right_arithmetic3A_209 = arith.shrsi %squeeze3A, %shift_right_arithmetic3A_208 : i32
        %sub3A_210 = arith.subi %shift_right_arithmetic3A_209, %mul3A_2 : i32
        %get3A_211 = arith.index_cast %sub3A_210 : i32 to index
        %get3A_212 = memref.load %arg14[%get3A_211] : memref<245xi32, #tpu.memory_space<smem>>
        %add3A_213 = arith.constant 1 : i32
        %add3A_214 = arith.addi %get3A_212, %add3A_213 : i32
        %swap3A = arith.index_cast %sub3A_210 : i32 to index
        %swap3A_215 = memref.load %arg14[%swap3A] : memref<245xi32, #tpu.memory_space<smem>>
        memref.store %add3A_214, %arg14[%swap3A] : memref<245xi32, #tpu.memory_space<smem>>
        %broadcast_in_dim3A = vector.broadcast %get3A_212 : i32 to vector<16xi32>
        %slice3A_216 = vector.extract_strided_slice %get3A_74 {offsets = [7], sizes = [1], strides = [1]} : vector<16xi32> to vector<1xi32>
        %squeeze3A_217 = vector.extract %slice3A_216[0] : i32 from vector<1xi32>
        %broadcast_in_dim3A_218 = vector.broadcast %squeeze3A_217 : i32 to vector<16xi32>
        tpu.vector_store_idx %arg7[%broadcast_in_dim3A], %broadcast_in_dim3A_218 masked %lt3A_7 : memref<20075xi32, #tpu.memory_space<vmem>>[vector<16xi32>], vector<16xi32>, vector<16xi1>
        %slice3A_219 = vector.extract_strided_slice %get3A_79 {offsets = [7], sizes = [1], strides = [1]} : vector<16xi32> to vector<1xi32>
        %squeeze3A_220 = vector.extract %slice3A_219[0] : i32 from vector<1xi32>
        %broadcast_in_dim3A_221 = vector.broadcast %squeeze3A_220 : i32 to vector<16xi32>
        tpu.vector_store_idx %arg8[%broadcast_in_dim3A], %broadcast_in_dim3A_221 masked %lt3A_7 : memref<20075xi32, #tpu.memory_space<vmem>>[vector<16xi32>], vector<16xi32>, vector<16xi1>
      } else {
      }
      %mul3A_144 = arith.constant 16 : i32
      %mul3A_145 = arith.muli %while3A_71, %mul3A_144 : i32
      %add3A_146 = arith.constant 8 : i32
      %add3A_147 = arith.addi %mul3A_145, %add3A_146 : i32
      %lt3A_148 = arith.cmpi slt, %add3A_147, %scan3A_12 : i32
      %convert_element_type3A_149 = arith.extui %lt3A_148 : i1 to i32
      %cond3A_150 = arith.constant 0 : i32
      %cond3A_151 = arith.cmpi ne, %convert_element_type3A_149, %cond3A_150 : i32
      scf.if %cond3A_151 {
        %slice3A = vector.extract_strided_slice %get3A_74 {offsets = [8], sizes = [1], strides = [1]} : vector<16xi32> to vector<1xi32>
        %squeeze3A = vector.extract %slice3A[0] : i32 from vector<1xi32>
        %shift_right_arithmetic3A_208 = arith.constant 7 : i32
        %shift_right_arithmetic3A_209 = arith.shrsi %squeeze3A, %shift_right_arithmetic3A_208 : i32
        %sub3A_210 = arith.subi %shift_right_arithmetic3A_209, %mul3A_2 : i32
        %get3A_211 = arith.index_cast %sub3A_210 : i32 to index
        %get3A_212 = memref.load %arg14[%get3A_211] : memref<245xi32, #tpu.memory_space<smem>>
        %add3A_213 = arith.constant 1 : i32
        %add3A_214 = arith.addi %get3A_212, %add3A_213 : i32
        %swap3A = arith.index_cast %sub3A_210 : i32 to index
        %swap3A_215 = memref.load %arg14[%swap3A] : memref<245xi32, #tpu.memory_space<smem>>
        memref.store %add3A_214, %arg14[%swap3A] : memref<245xi32, #tpu.memory_space<smem>>
        %broadcast_in_dim3A = vector.broadcast %get3A_212 : i32 to vector<16xi32>
        %slice3A_216 = vector.extract_strided_slice %get3A_74 {offsets = [8], sizes = [1], strides = [1]} : vector<16xi32> to vector<1xi32>
        %squeeze3A_217 = vector.extract %slice3A_216[0] : i32 from vector<1xi32>
        %broadcast_in_dim3A_218 = vector.broadcast %squeeze3A_217 : i32 to vector<16xi32>
        tpu.vector_store_idx %arg7[%broadcast_in_dim3A], %broadcast_in_dim3A_218 masked %lt3A_7 : memref<20075xi32, #tpu.memory_space<vmem>>[vector<16xi32>], vector<16xi32>, vector<16xi1>
        %slice3A_219 = vector.extract_strided_slice %get3A_79 {offsets = [8], sizes = [1], strides = [1]} : vector<16xi32> to vector<1xi32>
        %squeeze3A_220 = vector.extract %slice3A_219[0] : i32 from vector<1xi32>
        %broadcast_in_dim3A_221 = vector.broadcast %squeeze3A_220 : i32 to vector<16xi32>
        tpu.vector_store_idx %arg8[%broadcast_in_dim3A], %broadcast_in_dim3A_221 masked %lt3A_7 : memref<20075xi32, #tpu.memory_space<vmem>>[vector<16xi32>], vector<16xi32>, vector<16xi1>
      } else {
      }
      %mul3A_152 = arith.constant 16 : i32
      %mul3A_153 = arith.muli %while3A_71, %mul3A_152 : i32
      %add3A_154 = arith.constant 9 : i32
      %add3A_155 = arith.addi %mul3A_153, %add3A_154 : i32
      %lt3A_156 = arith.cmpi slt, %add3A_155, %scan3A_12 : i32
      %convert_element_type3A_157 = arith.extui %lt3A_156 : i1 to i32
      %cond3A_158 = arith.constant 0 : i32
      %cond3A_159 = arith.cmpi ne, %convert_element_type3A_157, %cond3A_158 : i32
      scf.if %cond3A_159 {
        %slice3A = vector.extract_strided_slice %get3A_74 {offsets = [9], sizes = [1], strides = [1]} : vector<16xi32> to vector<1xi32>
        %squeeze3A = vector.extract %slice3A[0] : i32 from vector<1xi32>
        %shift_right_arithmetic3A_208 = arith.constant 7 : i32
        %shift_right_arithmetic3A_209 = arith.shrsi %squeeze3A, %shift_right_arithmetic3A_208 : i32
        %sub3A_210 = arith.subi %shift_right_arithmetic3A_209, %mul3A_2 : i32
        %get3A_211 = arith.index_cast %sub3A_210 : i32 to index
        %get3A_212 = memref.load %arg14[%get3A_211] : memref<245xi32, #tpu.memory_space<smem>>
        %add3A_213 = arith.constant 1 : i32
        %add3A_214 = arith.addi %get3A_212, %add3A_213 : i32
        %swap3A = arith.index_cast %sub3A_210 : i32 to index
        %swap3A_215 = memref.load %arg14[%swap3A] : memref<245xi32, #tpu.memory_space<smem>>
        memref.store %add3A_214, %arg14[%swap3A] : memref<245xi32, #tpu.memory_space<smem>>
        %broadcast_in_dim3A = vector.broadcast %get3A_212 : i32 to vector<16xi32>
        %slice3A_216 = vector.extract_strided_slice %get3A_74 {offsets = [9], sizes = [1], strides = [1]} : vector<16xi32> to vector<1xi32>
        %squeeze3A_217 = vector.extract %slice3A_216[0] : i32 from vector<1xi32>
        %broadcast_in_dim3A_218 = vector.broadcast %squeeze3A_217 : i32 to vector<16xi32>
        tpu.vector_store_idx %arg7[%broadcast_in_dim3A], %broadcast_in_dim3A_218 masked %lt3A_7 : memref<20075xi32, #tpu.memory_space<vmem>>[vector<16xi32>], vector<16xi32>, vector<16xi1>
        %slice3A_219 = vector.extract_strided_slice %get3A_79 {offsets = [9], sizes = [1], strides = [1]} : vector<16xi32> to vector<1xi32>
        %squeeze3A_220 = vector.extract %slice3A_219[0] : i32 from vector<1xi32>
        %broadcast_in_dim3A_221 = vector.broadcast %squeeze3A_220 : i32 to vector<16xi32>
        tpu.vector_store_idx %arg8[%broadcast_in_dim3A], %broadcast_in_dim3A_221 masked %lt3A_7 : memref<20075xi32, #tpu.memory_space<vmem>>[vector<16xi32>], vector<16xi32>, vector<16xi1>
      } else {
      }
      %mul3A_160 = arith.constant 16 : i32
      %mul3A_161 = arith.muli %while3A_71, %mul3A_160 : i32
      %add3A_162 = arith.constant 10 : i32
      %add3A_163 = arith.addi %mul3A_161, %add3A_162 : i32
      %lt3A_164 = arith.cmpi slt, %add3A_163, %scan3A_12 : i32
      %convert_element_type3A_165 = arith.extui %lt3A_164 : i1 to i32
      %cond3A_166 = arith.constant 0 : i32
      %cond3A_167 = arith.cmpi ne, %convert_element_type3A_165, %cond3A_166 : i32
      scf.if %cond3A_167 {
        %slice3A = vector.extract_strided_slice %get3A_74 {offsets = [10], sizes = [1], strides = [1]} : vector<16xi32> to vector<1xi32>
        %squeeze3A = vector.extract %slice3A[0] : i32 from vector<1xi32>
        %shift_right_arithmetic3A_208 = arith.constant 7 : i32
        %shift_right_arithmetic3A_209 = arith.shrsi %squeeze3A, %shift_right_arithmetic3A_208 : i32
        %sub3A_210 = arith.subi %shift_right_arithmetic3A_209, %mul3A_2 : i32
        %get3A_211 = arith.index_cast %sub3A_210 : i32 to index
        %get3A_212 = memref.load %arg14[%get3A_211] : memref<245xi32, #tpu.memory_space<smem>>
        %add3A_213 = arith.constant 1 : i32
        %add3A_214 = arith.addi %get3A_212, %add3A_213 : i32
        %swap3A = arith.index_cast %sub3A_210 : i32 to index
        %swap3A_215 = memref.load %arg14[%swap3A] : memref<245xi32, #tpu.memory_space<smem>>
        memref.store %add3A_214, %arg14[%swap3A] : memref<245xi32, #tpu.memory_space<smem>>
        %broadcast_in_dim3A = vector.broadcast %get3A_212 : i32 to vector<16xi32>
        %slice3A_216 = vector.extract_strided_slice %get3A_74 {offsets = [10], sizes = [1], strides = [1]} : vector<16xi32> to vector<1xi32>
        %squeeze3A_217 = vector.extract %slice3A_216[0] : i32 from vector<1xi32>
        %broadcast_in_dim3A_218 = vector.broadcast %squeeze3A_217 : i32 to vector<16xi32>
        tpu.vector_store_idx %arg7[%broadcast_in_dim3A], %broadcast_in_dim3A_218 masked %lt3A_7 : memref<20075xi32, #tpu.memory_space<vmem>>[vector<16xi32>], vector<16xi32>, vector<16xi1>
        %slice3A_219 = vector.extract_strided_slice %get3A_79 {offsets = [10], sizes = [1], strides = [1]} : vector<16xi32> to vector<1xi32>
        %squeeze3A_220 = vector.extract %slice3A_219[0] : i32 from vector<1xi32>
        %broadcast_in_dim3A_221 = vector.broadcast %squeeze3A_220 : i32 to vector<16xi32>
        tpu.vector_store_idx %arg8[%broadcast_in_dim3A], %broadcast_in_dim3A_221 masked %lt3A_7 : memref<20075xi32, #tpu.memory_space<vmem>>[vector<16xi32>], vector<16xi32>, vector<16xi1>
      } else {
      }
      %mul3A_168 = arith.constant 16 : i32
      %mul3A_169 = arith.muli %while3A_71, %mul3A_168 : i32
      %add3A_170 = arith.constant 11 : i32
      %add3A_171 = arith.addi %mul3A_169, %add3A_170 : i32
      %lt3A_172 = arith.cmpi slt, %add3A_171, %scan3A_12 : i32
      %convert_element_type3A_173 = arith.extui %lt3A_172 : i1 to i32
      %cond3A_174 = arith.constant 0 : i32
      %cond3A_175 = arith.cmpi ne, %convert_element_type3A_173, %cond3A_174 : i32
      scf.if %cond3A_175 {
        %slice3A = vector.extract_strided_slice %get3A_74 {offsets = [11], sizes = [1], strides = [1]} : vector<16xi32> to vector<1xi32>
        %squeeze3A = vector.extract %slice3A[0] : i32 from vector<1xi32>
        %shift_right_arithmetic3A_208 = arith.constant 7 : i32
        %shift_right_arithmetic3A_209 = arith.shrsi %squeeze3A, %shift_right_arithmetic3A_208 : i32
        %sub3A_210 = arith.subi %shift_right_arithmetic3A_209, %mul3A_2 : i32
        %get3A_211 = arith.index_cast %sub3A_210 : i32 to index
        %get3A_212 = memref.load %arg14[%get3A_211] : memref<245xi32, #tpu.memory_space<smem>>
        %add3A_213 = arith.constant 1 : i32
        %add3A_214 = arith.addi %get3A_212, %add3A_213 : i32
        %swap3A = arith.index_cast %sub3A_210 : i32 to index
        %swap3A_215 = memref.load %arg14[%swap3A] : memref<245xi32, #tpu.memory_space<smem>>
        memref.store %add3A_214, %arg14[%swap3A] : memref<245xi32, #tpu.memory_space<smem>>
        %broadcast_in_dim3A = vector.broadcast %get3A_212 : i32 to vector<16xi32>
        %slice3A_216 = vector.extract_strided_slice %get3A_74 {offsets = [11], sizes = [1], strides = [1]} : vector<16xi32> to vector<1xi32>
        %squeeze3A_217 = vector.extract %slice3A_216[0] : i32 from vector<1xi32>
        %broadcast_in_dim3A_218 = vector.broadcast %squeeze3A_217 : i32 to vector<16xi32>
        tpu.vector_store_idx %arg7[%broadcast_in_dim3A], %broadcast_in_dim3A_218 masked %lt3A_7 : memref<20075xi32, #tpu.memory_space<vmem>>[vector<16xi32>], vector<16xi32>, vector<16xi1>
        %slice3A_219 = vector.extract_strided_slice %get3A_79 {offsets = [11], sizes = [1], strides = [1]} : vector<16xi32> to vector<1xi32>
        %squeeze3A_220 = vector.extract %slice3A_219[0] : i32 from vector<1xi32>
        %broadcast_in_dim3A_221 = vector.broadcast %squeeze3A_220 : i32 to vector<16xi32>
        tpu.vector_store_idx %arg8[%broadcast_in_dim3A], %broadcast_in_dim3A_221 masked %lt3A_7 : memref<20075xi32, #tpu.memory_space<vmem>>[vector<16xi32>], vector<16xi32>, vector<16xi1>
      } else {
      }
      %mul3A_176 = arith.constant 16 : i32
      %mul3A_177 = arith.muli %while3A_71, %mul3A_176 : i32
      %add3A_178 = arith.constant 12 : i32
      %add3A_179 = arith.addi %mul3A_177, %add3A_178 : i32
      %lt3A_180 = arith.cmpi slt, %add3A_179, %scan3A_12 : i32
      %convert_element_type3A_181 = arith.extui %lt3A_180 : i1 to i32
      %cond3A_182 = arith.constant 0 : i32
      %cond3A_183 = arith.cmpi ne, %convert_element_type3A_181, %cond3A_182 : i32
      scf.if %cond3A_183 {
        %slice3A = vector.extract_strided_slice %get3A_74 {offsets = [12], sizes = [1], strides = [1]} : vector<16xi32> to vector<1xi32>
        %squeeze3A = vector.extract %slice3A[0] : i32 from vector<1xi32>
        %shift_right_arithmetic3A_208 = arith.constant 7 : i32
        %shift_right_arithmetic3A_209 = arith.shrsi %squeeze3A, %shift_right_arithmetic3A_208 : i32
        %sub3A_210 = arith.subi %shift_right_arithmetic3A_209, %mul3A_2 : i32
        %get3A_211 = arith.index_cast %sub3A_210 : i32 to index
        %get3A_212 = memref.load %arg14[%get3A_211] : memref<245xi32, #tpu.memory_space<smem>>
        %add3A_213 = arith.constant 1 : i32
        %add3A_214 = arith.addi %get3A_212, %add3A_213 : i32
        %swap3A = arith.index_cast %sub3A_210 : i32 to index
        %swap3A_215 = memref.load %arg14[%swap3A] : memref<245xi32, #tpu.memory_space<smem>>
        memref.store %add3A_214, %arg14[%swap3A] : memref<245xi32, #tpu.memory_space<smem>>
        %broadcast_in_dim3A = vector.broadcast %get3A_212 : i32 to vector<16xi32>
        %slice3A_216 = vector.extract_strided_slice %get3A_74 {offsets = [12], sizes = [1], strides = [1]} : vector<16xi32> to vector<1xi32>
        %squeeze3A_217 = vector.extract %slice3A_216[0] : i32 from vector<1xi32>
        %broadcast_in_dim3A_218 = vector.broadcast %squeeze3A_217 : i32 to vector<16xi32>
        tpu.vector_store_idx %arg7[%broadcast_in_dim3A], %broadcast_in_dim3A_218 masked %lt3A_7 : memref<20075xi32, #tpu.memory_space<vmem>>[vector<16xi32>], vector<16xi32>, vector<16xi1>
        %slice3A_219 = vector.extract_strided_slice %get3A_79 {offsets = [12], sizes = [1], strides = [1]} : vector<16xi32> to vector<1xi32>
        %squeeze3A_220 = vector.extract %slice3A_219[0] : i32 from vector<1xi32>
        %broadcast_in_dim3A_221 = vector.broadcast %squeeze3A_220 : i32 to vector<16xi32>
        tpu.vector_store_idx %arg8[%broadcast_in_dim3A], %broadcast_in_dim3A_221 masked %lt3A_7 : memref<20075xi32, #tpu.memory_space<vmem>>[vector<16xi32>], vector<16xi32>, vector<16xi1>
      } else {
      }
      %mul3A_184 = arith.constant 16 : i32
      %mul3A_185 = arith.muli %while3A_71, %mul3A_184 : i32
      %add3A_186 = arith.constant 13 : i32
      %add3A_187 = arith.addi %mul3A_185, %add3A_186 : i32
      %lt3A_188 = arith.cmpi slt, %add3A_187, %scan3A_12 : i32
      %convert_element_type3A_189 = arith.extui %lt3A_188 : i1 to i32
      %cond3A_190 = arith.constant 0 : i32
      %cond3A_191 = arith.cmpi ne, %convert_element_type3A_189, %cond3A_190 : i32
      scf.if %cond3A_191 {
        %slice3A = vector.extract_strided_slice %get3A_74 {offsets = [13], sizes = [1], strides = [1]} : vector<16xi32> to vector<1xi32>
        %squeeze3A = vector.extract %slice3A[0] : i32 from vector<1xi32>
        %shift_right_arithmetic3A_208 = arith.constant 7 : i32
        %shift_right_arithmetic3A_209 = arith.shrsi %squeeze3A, %shift_right_arithmetic3A_208 : i32
        %sub3A_210 = arith.subi %shift_right_arithmetic3A_209, %mul3A_2 : i32
        %get3A_211 = arith.index_cast %sub3A_210 : i32 to index
        %get3A_212 = memref.load %arg14[%get3A_211] : memref<245xi32, #tpu.memory_space<smem>>
        %add3A_213 = arith.constant 1 : i32
        %add3A_214 = arith.addi %get3A_212, %add3A_213 : i32
        %swap3A = arith.index_cast %sub3A_210 : i32 to index
        %swap3A_215 = memref.load %arg14[%swap3A] : memref<245xi32, #tpu.memory_space<smem>>
        memref.store %add3A_214, %arg14[%swap3A] : memref<245xi32, #tpu.memory_space<smem>>
        %broadcast_in_dim3A = vector.broadcast %get3A_212 : i32 to vector<16xi32>
        %slice3A_216 = vector.extract_strided_slice %get3A_74 {offsets = [13], sizes = [1], strides = [1]} : vector<16xi32> to vector<1xi32>
        %squeeze3A_217 = vector.extract %slice3A_216[0] : i32 from vector<1xi32>
        %broadcast_in_dim3A_218 = vector.broadcast %squeeze3A_217 : i32 to vector<16xi32>
        tpu.vector_store_idx %arg7[%broadcast_in_dim3A], %broadcast_in_dim3A_218 masked %lt3A_7 : memref<20075xi32, #tpu.memory_space<vmem>>[vector<16xi32>], vector<16xi32>, vector<16xi1>
        %slice3A_219 = vector.extract_strided_slice %get3A_79 {offsets = [13], sizes = [1], strides = [1]} : vector<16xi32> to vector<1xi32>
        %squeeze3A_220 = vector.extract %slice3A_219[0] : i32 from vector<1xi32>
        %broadcast_in_dim3A_221 = vector.broadcast %squeeze3A_220 : i32 to vector<16xi32>
        tpu.vector_store_idx %arg8[%broadcast_in_dim3A], %broadcast_in_dim3A_221 masked %lt3A_7 : memref<20075xi32, #tpu.memory_space<vmem>>[vector<16xi32>], vector<16xi32>, vector<16xi1>
      } else {
      }
      %mul3A_192 = arith.constant 16 : i32
      %mul3A_193 = arith.muli %while3A_71, %mul3A_192 : i32
      %add3A_194 = arith.constant 14 : i32
      %add3A_195 = arith.addi %mul3A_193, %add3A_194 : i32
      %lt3A_196 = arith.cmpi slt, %add3A_195, %scan3A_12 : i32
      %convert_element_type3A_197 = arith.extui %lt3A_196 : i1 to i32
      %cond3A_198 = arith.constant 0 : i32
      %cond3A_199 = arith.cmpi ne, %convert_element_type3A_197, %cond3A_198 : i32
      scf.if %cond3A_199 {
        %slice3A = vector.extract_strided_slice %get3A_74 {offsets = [14], sizes = [1], strides = [1]} : vector<16xi32> to vector<1xi32>
        %squeeze3A = vector.extract %slice3A[0] : i32 from vector<1xi32>
        %shift_right_arithmetic3A_208 = arith.constant 7 : i32
        %shift_right_arithmetic3A_209 = arith.shrsi %squeeze3A, %shift_right_arithmetic3A_208 : i32
        %sub3A_210 = arith.subi %shift_right_arithmetic3A_209, %mul3A_2 : i32
        %get3A_211 = arith.index_cast %sub3A_210 : i32 to index
        %get3A_212 = memref.load %arg14[%get3A_211] : memref<245xi32, #tpu.memory_space<smem>>
        %add3A_213 = arith.constant 1 : i32
        %add3A_214 = arith.addi %get3A_212, %add3A_213 : i32
        %swap3A = arith.index_cast %sub3A_210 : i32 to index
        %swap3A_215 = memref.load %arg14[%swap3A] : memref<245xi32, #tpu.memory_space<smem>>
        memref.store %add3A_214, %arg14[%swap3A] : memref<245xi32, #tpu.memory_space<smem>>
        %broadcast_in_dim3A = vector.broadcast %get3A_212 : i32 to vector<16xi32>
        %slice3A_216 = vector.extract_strided_slice %get3A_74 {offsets = [14], sizes = [1], strides = [1]} : vector<16xi32> to vector<1xi32>
        %squeeze3A_217 = vector.extract %slice3A_216[0] : i32 from vector<1xi32>
        %broadcast_in_dim3A_218 = vector.broadcast %squeeze3A_217 : i32 to vector<16xi32>
        tpu.vector_store_idx %arg7[%broadcast_in_dim3A], %broadcast_in_dim3A_218 masked %lt3A_7 : memref<20075xi32, #tpu.memory_space<vmem>>[vector<16xi32>], vector<16xi32>, vector<16xi1>
        %slice3A_219 = vector.extract_strided_slice %get3A_79 {offsets = [14], sizes = [1], strides = [1]} : vector<16xi32> to vector<1xi32>
        %squeeze3A_220 = vector.extract %slice3A_219[0] : i32 from vector<1xi32>
        %broadcast_in_dim3A_221 = vector.broadcast %squeeze3A_220 : i32 to vector<16xi32>
        tpu.vector_store_idx %arg8[%broadcast_in_dim3A], %broadcast_in_dim3A_221 masked %lt3A_7 : memref<20075xi32, #tpu.memory_space<vmem>>[vector<16xi32>], vector<16xi32>, vector<16xi1>
      } else {
      }
      %mul3A_200 = arith.constant 16 : i32
      %mul3A_201 = arith.muli %while3A_71, %mul3A_200 : i32
      %add3A_202 = arith.constant 15 : i32
      %add3A_203 = arith.addi %mul3A_201, %add3A_202 : i32
      %lt3A_204 = arith.cmpi slt, %add3A_203, %scan3A_12 : i32
      %convert_element_type3A_205 = arith.extui %lt3A_204 : i1 to i32
      %cond3A_206 = arith.constant 0 : i32
      %cond3A_207 = arith.cmpi ne, %convert_element_type3A_205, %cond3A_206 : i32
      scf.if %cond3A_207 {
        %slice3A = vector.extract_strided_slice %get3A_74 {offsets = [15], sizes = [1], strides = [1]} : vector<16xi32> to vector<1xi32>
        %squeeze3A = vector.extract %slice3A[0] : i32 from vector<1xi32>
        %shift_right_arithmetic3A_208 = arith.constant 7 : i32
        %shift_right_arithmetic3A_209 = arith.shrsi %squeeze3A, %shift_right_arithmetic3A_208 : i32
        %sub3A_210 = arith.subi %shift_right_arithmetic3A_209, %mul3A_2 : i32
        %get3A_211 = arith.index_cast %sub3A_210 : i32 to index
        %get3A_212 = memref.load %arg14[%get3A_211] : memref<245xi32, #tpu.memory_space<smem>>
        %add3A_213 = arith.constant 1 : i32
        %add3A_214 = arith.addi %get3A_212, %add3A_213 : i32
        %swap3A = arith.index_cast %sub3A_210 : i32 to index
        %swap3A_215 = memref.load %arg14[%swap3A] : memref<245xi32, #tpu.memory_space<smem>>
        memref.store %add3A_214, %arg14[%swap3A] : memref<245xi32, #tpu.memory_space<smem>>
        %broadcast_in_dim3A = vector.broadcast %get3A_212 : i32 to vector<16xi32>
        %slice3A_216 = vector.extract_strided_slice %get3A_74 {offsets = [15], sizes = [1], strides = [1]} : vector<16xi32> to vector<1xi32>
        %squeeze3A_217 = vector.extract %slice3A_216[0] : i32 from vector<1xi32>
        %broadcast_in_dim3A_218 = vector.broadcast %squeeze3A_217 : i32 to vector<16xi32>
        tpu.vector_store_idx %arg7[%broadcast_in_dim3A], %broadcast_in_dim3A_218 masked %lt3A_7 : memref<20075xi32, #tpu.memory_space<vmem>>[vector<16xi32>], vector<16xi32>, vector<16xi1>
        %slice3A_219 = vector.extract_strided_slice %get3A_79 {offsets = [15], sizes = [1], strides = [1]} : vector<16xi32> to vector<1xi32>
        %squeeze3A_220 = vector.extract %slice3A_219[0] : i32 from vector<1xi32>
        %broadcast_in_dim3A_221 = vector.broadcast %squeeze3A_220 : i32 to vector<16xi32>
        tpu.vector_store_idx %arg8[%broadcast_in_dim3A], %broadcast_in_dim3A_221 masked %lt3A_7 : memref<20075xi32, #tpu.memory_space<vmem>>[vector<16xi32>], vector<16xi32>, vector<16xi1>
      } else {
      }
    }
    %while3A_45 = arith.constant 1 : i32
    scf.for %while3A_71 = %while3A_43 to %while3A_39 step %while3A_45  : i32 {
      %mul3A_72 = arith.constant 16 : i32
      %mul3A_73 = arith.muli %while3A_71, %mul3A_72 : i32
      %multiple_of3A = tpu.assume_multiple %mul3A_73, 8 : i32
      %get3A = arith.index_cast %multiple_of3A : i32 to index
      %get3A_74 = tpu.vector_load %arg5[%get3A] {strides = array<i32>} : memref<16384xi32, #tpu.memory_space<vmem>>, vector<16xi32>,
      %mul3A_75 = arith.constant 16 : i32
      %mul3A_76 = arith.muli %while3A_71, %mul3A_75 : i32
      %multiple_of3A_77 = tpu.assume_multiple %mul3A_76, 8 : i32
      %get3A_78 = arith.index_cast %multiple_of3A_77 : i32 to index
      %get3A_79 = tpu.vector_load %arg6[%get3A_78] {strides = array<i32>} : memref<16384xi32, #tpu.memory_space<vmem>>, vector<16xi32>,
      %mul3A_80 = arith.constant 16 : i32
      %mul3A_81 = arith.muli %while3A_71, %mul3A_80 : i32
      %add3A_82 = arith.constant 0 : i32
      %add3A_83 = arith.addi %mul3A_81, %add3A_82 : i32
      %lt3A_84 = arith.cmpi slt, %add3A_83, %scan3A_12 : i32
      %convert_element_type3A_85 = arith.extui %lt3A_84 : i1 to i32
      %cond3A_86 = arith.constant 0 : i32
      %cond3A_87 = arith.cmpi ne, %convert_element_type3A_85, %cond3A_86 : i32
      scf.if %cond3A_87 {
        %slice3A = vector.extract_strided_slice %get3A_74 {offsets = [0], sizes = [1], strides = [1]} : vector<16xi32> to vector<1xi32>
        %squeeze3A = vector.extract %slice3A[0] : i32 from vector<1xi32>
        %shift_right_arithmetic3A_208 = arith.constant 7 : i32
        %shift_right_arithmetic3A_209 = arith.shrsi %squeeze3A, %shift_right_arithmetic3A_208 : i32
        %sub3A_210 = arith.subi %shift_right_arithmetic3A_209, %mul3A_2 : i32
        %get3A_211 = arith.index_cast %sub3A_210 : i32 to index
        %get3A_212 = memref.load %arg14[%get3A_211] : memref<245xi32, #tpu.memory_space<smem>>
        %add3A_213 = arith.constant 1 : i32
        %add3A_214 = arith.addi %get3A_212, %add3A_213 : i32
        %swap3A = arith.index_cast %sub3A_210 : i32 to index
        %swap3A_215 = memref.load %arg14[%swap3A] : memref<245xi32, #tpu.memory_space<smem>>
        memref.store %add3A_214, %arg14[%swap3A] : memref<245xi32, #tpu.memory_space<smem>>
        %broadcast_in_dim3A = vector.broadcast %get3A_212 : i32 to vector<16xi32>
        %slice3A_216 = vector.extract_strided_slice %get3A_74 {offsets = [0], sizes = [1], strides = [1]} : vector<16xi32> to vector<1xi32>
        %squeeze3A_217 = vector.extract %slice3A_216[0] : i32 from vector<1xi32>
        %broadcast_in_dim3A_218 = vector.broadcast %squeeze3A_217 : i32 to vector<16xi32>
        tpu.vector_store_idx %arg7[%broadcast_in_dim3A], %broadcast_in_dim3A_218 masked %lt3A_7 : memref<20075xi32, #tpu.memory_space<vmem>>[vector<16xi32>], vector<16xi32>, vector<16xi1>
        %slice3A_219 = vector.extract_strided_slice %get3A_79 {offsets = [0], sizes = [1], strides = [1]} : vector<16xi32> to vector<1xi32>
        %squeeze3A_220 = vector.extract %slice3A_219[0] : i32 from vector<1xi32>
        %broadcast_in_dim3A_221 = vector.broadcast %squeeze3A_220 : i32 to vector<16xi32>
        tpu.vector_store_idx %arg8[%broadcast_in_dim3A], %broadcast_in_dim3A_221 masked %lt3A_7 : memref<20075xi32, #tpu.memory_space<vmem>>[vector<16xi32>], vector<16xi32>, vector<16xi1>
      } else {
      }
      %mul3A_88 = arith.constant 16 : i32
      %mul3A_89 = arith.muli %while3A_71, %mul3A_88 : i32
      %add3A_90 = arith.constant 1 : i32
      %add3A_91 = arith.addi %mul3A_89, %add3A_90 : i32
      %lt3A_92 = arith.cmpi slt, %add3A_91, %scan3A_12 : i32
      %convert_element_type3A_93 = arith.extui %lt3A_92 : i1 to i32
      %cond3A_94 = arith.constant 0 : i32
      %cond3A_95 = arith.cmpi ne, %convert_element_type3A_93, %cond3A_94 : i32
      scf.if %cond3A_95 {
        %slice3A = vector.extract_strided_slice %get3A_74 {offsets = [1], sizes = [1], strides = [1]} : vector<16xi32> to vector<1xi32>
        %squeeze3A = vector.extract %slice3A[0] : i32 from vector<1xi32>
        %shift_right_arithmetic3A_208 = arith.constant 7 : i32
        %shift_right_arithmetic3A_209 = arith.shrsi %squeeze3A, %shift_right_arithmetic3A_208 : i32
        %sub3A_210 = arith.subi %shift_right_arithmetic3A_209, %mul3A_2 : i32
        %get3A_211 = arith.index_cast %sub3A_210 : i32 to index
        %get3A_212 = memref.load %arg14[%get3A_211] : memref<245xi32, #tpu.memory_space<smem>>
        %add3A_213 = arith.constant 1 : i32
        %add3A_214 = arith.addi %get3A_212, %add3A_213 : i32
        %swap3A = arith.index_cast %sub3A_210 : i32 to index
        %swap3A_215 = memref.load %arg14[%swap3A] : memref<245xi32, #tpu.memory_space<smem>>
        memref.store %add3A_214, %arg14[%swap3A] : memref<245xi32, #tpu.memory_space<smem>>
        %broadcast_in_dim3A = vector.broadcast %get3A_212 : i32 to vector<16xi32>
        %slice3A_216 = vector.extract_strided_slice %get3A_74 {offsets = [1], sizes = [1], strides = [1]} : vector<16xi32> to vector<1xi32>
        %squeeze3A_217 = vector.extract %slice3A_216[0] : i32 from vector<1xi32>
        %broadcast_in_dim3A_218 = vector.broadcast %squeeze3A_217 : i32 to vector<16xi32>
        tpu.vector_store_idx %arg7[%broadcast_in_dim3A], %broadcast_in_dim3A_218 masked %lt3A_7 : memref<20075xi32, #tpu.memory_space<vmem>>[vector<16xi32>], vector<16xi32>, vector<16xi1>
        %slice3A_219 = vector.extract_strided_slice %get3A_79 {offsets = [1], sizes = [1], strides = [1]} : vector<16xi32> to vector<1xi32>
        %squeeze3A_220 = vector.extract %slice3A_219[0] : i32 from vector<1xi32>
        %broadcast_in_dim3A_221 = vector.broadcast %squeeze3A_220 : i32 to vector<16xi32>
        tpu.vector_store_idx %arg8[%broadcast_in_dim3A], %broadcast_in_dim3A_221 masked %lt3A_7 : memref<20075xi32, #tpu.memory_space<vmem>>[vector<16xi32>], vector<16xi32>, vector<16xi1>
      } else {
      }
      %mul3A_96 = arith.constant 16 : i32
      %mul3A_97 = arith.muli %while3A_71, %mul3A_96 : i32
      %add3A_98 = arith.constant 2 : i32
      %add3A_99 = arith.addi %mul3A_97, %add3A_98 : i32
      %lt3A_100 = arith.cmpi slt, %add3A_99, %scan3A_12 : i32
      %convert_element_type3A_101 = arith.extui %lt3A_100 : i1 to i32
      %cond3A_102 = arith.constant 0 : i32
      %cond3A_103 = arith.cmpi ne, %convert_element_type3A_101, %cond3A_102 : i32
      scf.if %cond3A_103 {
        %slice3A = vector.extract_strided_slice %get3A_74 {offsets = [2], sizes = [1], strides = [1]} : vector<16xi32> to vector<1xi32>
        %squeeze3A = vector.extract %slice3A[0] : i32 from vector<1xi32>
        %shift_right_arithmetic3A_208 = arith.constant 7 : i32
        %shift_right_arithmetic3A_209 = arith.shrsi %squeeze3A, %shift_right_arithmetic3A_208 : i32
        %sub3A_210 = arith.subi %shift_right_arithmetic3A_209, %mul3A_2 : i32
        %get3A_211 = arith.index_cast %sub3A_210 : i32 to index
        %get3A_212 = memref.load %arg14[%get3A_211] : memref<245xi32, #tpu.memory_space<smem>>
        %add3A_213 = arith.constant 1 : i32
        %add3A_214 = arith.addi %get3A_212, %add3A_213 : i32
        %swap3A = arith.index_cast %sub3A_210 : i32 to index
        %swap3A_215 = memref.load %arg14[%swap3A] : memref<245xi32, #tpu.memory_space<smem>>
        memref.store %add3A_214, %arg14[%swap3A] : memref<245xi32, #tpu.memory_space<smem>>
        %broadcast_in_dim3A = vector.broadcast %get3A_212 : i32 to vector<16xi32>
        %slice3A_216 = vector.extract_strided_slice %get3A_74 {offsets = [2], sizes = [1], strides = [1]} : vector<16xi32> to vector<1xi32>
        %squeeze3A_217 = vector.extract %slice3A_216[0] : i32 from vector<1xi32>
        %broadcast_in_dim3A_218 = vector.broadcast %squeeze3A_217 : i32 to vector<16xi32>
        tpu.vector_store_idx %arg7[%broadcast_in_dim3A], %broadcast_in_dim3A_218 masked %lt3A_7 : memref<20075xi32, #tpu.memory_space<vmem>>[vector<16xi32>], vector<16xi32>, vector<16xi1>
        %slice3A_219 = vector.extract_strided_slice %get3A_79 {offsets = [2], sizes = [1], strides = [1]} : vector<16xi32> to vector<1xi32>
        %squeeze3A_220 = vector.extract %slice3A_219[0] : i32 from vector<1xi32>
        %broadcast_in_dim3A_221 = vector.broadcast %squeeze3A_220 : i32 to vector<16xi32>
        tpu.vector_store_idx %arg8[%broadcast_in_dim3A], %broadcast_in_dim3A_221 masked %lt3A_7 : memref<20075xi32, #tpu.memory_space<vmem>>[vector<16xi32>], vector<16xi32>, vector<16xi1>
      } else {
      }
      %mul3A_104 = arith.constant 16 : i32
      %mul3A_105 = arith.muli %while3A_71, %mul3A_104 : i32
      %add3A_106 = arith.constant 3 : i32
      %add3A_107 = arith.addi %mul3A_105, %add3A_106 : i32
      %lt3A_108 = arith.cmpi slt, %add3A_107, %scan3A_12 : i32
      %convert_element_type3A_109 = arith.extui %lt3A_108 : i1 to i32
      %cond3A_110 = arith.constant 0 : i32
      %cond3A_111 = arith.cmpi ne, %convert_element_type3A_109, %cond3A_110 : i32
      scf.if %cond3A_111 {
        %slice3A = vector.extract_strided_slice %get3A_74 {offsets = [3], sizes = [1], strides = [1]} : vector<16xi32> to vector<1xi32>
        %squeeze3A = vector.extract %slice3A[0] : i32 from vector<1xi32>
        %shift_right_arithmetic3A_208 = arith.constant 7 : i32
        %shift_right_arithmetic3A_209 = arith.shrsi %squeeze3A, %shift_right_arithmetic3A_208 : i32
        %sub3A_210 = arith.subi %shift_right_arithmetic3A_209, %mul3A_2 : i32
        %get3A_211 = arith.index_cast %sub3A_210 : i32 to index
        %get3A_212 = memref.load %arg14[%get3A_211] : memref<245xi32, #tpu.memory_space<smem>>
        %add3A_213 = arith.constant 1 : i32
        %add3A_214 = arith.addi %get3A_212, %add3A_213 : i32
        %swap3A = arith.index_cast %sub3A_210 : i32 to index
        %swap3A_215 = memref.load %arg14[%swap3A] : memref<245xi32, #tpu.memory_space<smem>>
        memref.store %add3A_214, %arg14[%swap3A] : memref<245xi32, #tpu.memory_space<smem>>
        %broadcast_in_dim3A = vector.broadcast %get3A_212 : i32 to vector<16xi32>
        %slice3A_216 = vector.extract_strided_slice %get3A_74 {offsets = [3], sizes = [1], strides = [1]} : vector<16xi32> to vector<1xi32>
        %squeeze3A_217 = vector.extract %slice3A_216[0] : i32 from vector<1xi32>
        %broadcast_in_dim3A_218 = vector.broadcast %squeeze3A_217 : i32 to vector<16xi32>
        tpu.vector_store_idx %arg7[%broadcast_in_dim3A], %broadcast_in_dim3A_218 masked %lt3A_7 : memref<20075xi32, #tpu.memory_space<vmem>>[vector<16xi32>], vector<16xi32>, vector<16xi1>
        %slice3A_219 = vector.extract_strided_slice %get3A_79 {offsets = [3], sizes = [1], strides = [1]} : vector<16xi32> to vector<1xi32>
        %squeeze3A_220 = vector.extract %slice3A_219[0] : i32 from vector<1xi32>
        %broadcast_in_dim3A_221 = vector.broadcast %squeeze3A_220 : i32 to vector<16xi32>
        tpu.vector_store_idx %arg8[%broadcast_in_dim3A], %broadcast_in_dim3A_221 masked %lt3A_7 : memref<20075xi32, #tpu.memory_space<vmem>>[vector<16xi32>], vector<16xi32>, vector<16xi1>
      } else {
      }
      %mul3A_112 = arith.constant 16 : i32
      %mul3A_113 = arith.muli %while3A_71, %mul3A_112 : i32
      %add3A_114 = arith.constant 4 : i32
      %add3A_115 = arith.addi %mul3A_113, %add3A_114 : i32
      %lt3A_116 = arith.cmpi slt, %add3A_115, %scan3A_12 : i32
      %convert_element_type3A_117 = arith.extui %lt3A_116 : i1 to i32
      %cond3A_118 = arith.constant 0 : i32
      %cond3A_119 = arith.cmpi ne, %convert_element_type3A_117, %cond3A_118 : i32
      scf.if %cond3A_119 {
        %slice3A = vector.extract_strided_slice %get3A_74 {offsets = [4], sizes = [1], strides = [1]} : vector<16xi32> to vector<1xi32>
        %squeeze3A = vector.extract %slice3A[0] : i32 from vector<1xi32>
        %shift_right_arithmetic3A_208 = arith.constant 7 : i32
        %shift_right_arithmetic3A_209 = arith.shrsi %squeeze3A, %shift_right_arithmetic3A_208 : i32
        %sub3A_210 = arith.subi %shift_right_arithmetic3A_209, %mul3A_2 : i32
        %get3A_211 = arith.index_cast %sub3A_210 : i32 to index
        %get3A_212 = memref.load %arg14[%get3A_211] : memref<245xi32, #tpu.memory_space<smem>>
        %add3A_213 = arith.constant 1 : i32
        %add3A_214 = arith.addi %get3A_212, %add3A_213 : i32
        %swap3A = arith.index_cast %sub3A_210 : i32 to index
        %swap3A_215 = memref.load %arg14[%swap3A] : memref<245xi32, #tpu.memory_space<smem>>
        memref.store %add3A_214, %arg14[%swap3A] : memref<245xi32, #tpu.memory_space<smem>>
        %broadcast_in_dim3A = vector.broadcast %get3A_212 : i32 to vector<16xi32>
        %slice3A_216 = vector.extract_strided_slice %get3A_74 {offsets = [4], sizes = [1], strides = [1]} : vector<16xi32> to vector<1xi32>
        %squeeze3A_217 = vector.extract %slice3A_216[0] : i32 from vector<1xi32>
        %broadcast_in_dim3A_218 = vector.broadcast %squeeze3A_217 : i32 to vector<16xi32>
        tpu.vector_store_idx %arg7[%broadcast_in_dim3A], %broadcast_in_dim3A_218 masked %lt3A_7 : memref<20075xi32, #tpu.memory_space<vmem>>[vector<16xi32>], vector<16xi32>, vector<16xi1>
        %slice3A_219 = vector.extract_strided_slice %get3A_79 {offsets = [4], sizes = [1], strides = [1]} : vector<16xi32> to vector<1xi32>
        %squeeze3A_220 = vector.extract %slice3A_219[0] : i32 from vector<1xi32>
        %broadcast_in_dim3A_221 = vector.broadcast %squeeze3A_220 : i32 to vector<16xi32>
        tpu.vector_store_idx %arg8[%broadcast_in_dim3A], %broadcast_in_dim3A_221 masked %lt3A_7 : memref<20075xi32, #tpu.memory_space<vmem>>[vector<16xi32>], vector<16xi32>, vector<16xi1>
      } else {
      }
      %mul3A_120 = arith.constant 16 : i32
      %mul3A_121 = arith.muli %while3A_71, %mul3A_120 : i32
      %add3A_122 = arith.constant 5 : i32
      %add3A_123 = arith.addi %mul3A_121, %add3A_122 : i32
      %lt3A_124 = arith.cmpi slt, %add3A_123, %scan3A_12 : i32
      %convert_element_type3A_125 = arith.extui %lt3A_124 : i1 to i32
      %cond3A_126 = arith.constant 0 : i32
      %cond3A_127 = arith.cmpi ne, %convert_element_type3A_125, %cond3A_126 : i32
      scf.if %cond3A_127 {
        %slice3A = vector.extract_strided_slice %get3A_74 {offsets = [5], sizes = [1], strides = [1]} : vector<16xi32> to vector<1xi32>
        %squeeze3A = vector.extract %slice3A[0] : i32 from vector<1xi32>
        %shift_right_arithmetic3A_208 = arith.constant 7 : i32
        %shift_right_arithmetic3A_209 = arith.shrsi %squeeze3A, %shift_right_arithmetic3A_208 : i32
        %sub3A_210 = arith.subi %shift_right_arithmetic3A_209, %mul3A_2 : i32
        %get3A_211 = arith.index_cast %sub3A_210 : i32 to index
        %get3A_212 = memref.load %arg14[%get3A_211] : memref<245xi32, #tpu.memory_space<smem>>
        %add3A_213 = arith.constant 1 : i32
        %add3A_214 = arith.addi %get3A_212, %add3A_213 : i32
        %swap3A = arith.index_cast %sub3A_210 : i32 to index
        %swap3A_215 = memref.load %arg14[%swap3A] : memref<245xi32, #tpu.memory_space<smem>>
        memref.store %add3A_214, %arg14[%swap3A] : memref<245xi32, #tpu.memory_space<smem>>
        %broadcast_in_dim3A = vector.broadcast %get3A_212 : i32 to vector<16xi32>
        %slice3A_216 = vector.extract_strided_slice %get3A_74 {offsets = [5], sizes = [1], strides = [1]} : vector<16xi32> to vector<1xi32>
        %squeeze3A_217 = vector.extract %slice3A_216[0] : i32 from vector<1xi32>
        %broadcast_in_dim3A_218 = vector.broadcast %squeeze3A_217 : i32 to vector<16xi32>
        tpu.vector_store_idx %arg7[%broadcast_in_dim3A], %broadcast_in_dim3A_218 masked %lt3A_7 : memref<20075xi32, #tpu.memory_space<vmem>>[vector<16xi32>], vector<16xi32>, vector<16xi1>
        %slice3A_219 = vector.extract_strided_slice %get3A_79 {offsets = [5], sizes = [1], strides = [1]} : vector<16xi32> to vector<1xi32>
        %squeeze3A_220 = vector.extract %slice3A_219[0] : i32 from vector<1xi32>
        %broadcast_in_dim3A_221 = vector.broadcast %squeeze3A_220 : i32 to vector<16xi32>
        tpu.vector_store_idx %arg8[%broadcast_in_dim3A], %broadcast_in_dim3A_221 masked %lt3A_7 : memref<20075xi32, #tpu.memory_space<vmem>>[vector<16xi32>], vector<16xi32>, vector<16xi1>
      } else {
      }
      %mul3A_128 = arith.constant 16 : i32
      %mul3A_129 = arith.muli %while3A_71, %mul3A_128 : i32
      %add3A_130 = arith.constant 6 : i32
      %add3A_131 = arith.addi %mul3A_129, %add3A_130 : i32
      %lt3A_132 = arith.cmpi slt, %add3A_131, %scan3A_12 : i32
      %convert_element_type3A_133 = arith.extui %lt3A_132 : i1 to i32
      %cond3A_134 = arith.constant 0 : i32
      %cond3A_135 = arith.cmpi ne, %convert_element_type3A_133, %cond3A_134 : i32
      scf.if %cond3A_135 {
        %slice3A = vector.extract_strided_slice %get3A_74 {offsets = [6], sizes = [1], strides = [1]} : vector<16xi32> to vector<1xi32>
        %squeeze3A = vector.extract %slice3A[0] : i32 from vector<1xi32>
        %shift_right_arithmetic3A_208 = arith.constant 7 : i32
        %shift_right_arithmetic3A_209 = arith.shrsi %squeeze3A, %shift_right_arithmetic3A_208 : i32
        %sub3A_210 = arith.subi %shift_right_arithmetic3A_209, %mul3A_2 : i32
        %get3A_211 = arith.index_cast %sub3A_210 : i32 to index
        %get3A_212 = memref.load %arg14[%get3A_211] : memref<245xi32, #tpu.memory_space<smem>>
        %add3A_213 = arith.constant 1 : i32
        %add3A_214 = arith.addi %get3A_212, %add3A_213 : i32
        %swap3A = arith.index_cast %sub3A_210 : i32 to index
        %swap3A_215 = memref.load %arg14[%swap3A] : memref<245xi32, #tpu.memory_space<smem>>
        memref.store %add3A_214, %arg14[%swap3A] : memref<245xi32, #tpu.memory_space<smem>>
        %broadcast_in_dim3A = vector.broadcast %get3A_212 : i32 to vector<16xi32>
        %slice3A_216 = vector.extract_strided_slice %get3A_74 {offsets = [6], sizes = [1], strides = [1]} : vector<16xi32> to vector<1xi32>
        %squeeze3A_217 = vector.extract %slice3A_216[0] : i32 from vector<1xi32>
        %broadcast_in_dim3A_218 = vector.broadcast %squeeze3A_217 : i32 to vector<16xi32>
        tpu.vector_store_idx %arg7[%broadcast_in_dim3A], %broadcast_in_dim3A_218 masked %lt3A_7 : memref<20075xi32, #tpu.memory_space<vmem>>[vector<16xi32>], vector<16xi32>, vector<16xi1>
        %slice3A_219 = vector.extract_strided_slice %get3A_79 {offsets = [6], sizes = [1], strides = [1]} : vector<16xi32> to vector<1xi32>
        %squeeze3A_220 = vector.extract %slice3A_219[0] : i32 from vector<1xi32>
        %broadcast_in_dim3A_221 = vector.broadcast %squeeze3A_220 : i32 to vector<16xi32>
        tpu.vector_store_idx %arg8[%broadcast_in_dim3A], %broadcast_in_dim3A_221 masked %lt3A_7 : memref<20075xi32, #tpu.memory_space<vmem>>[vector<16xi32>], vector<16xi32>, vector<16xi1>
      } else {
      }
      %mul3A_136 = arith.constant 16 : i32
      %mul3A_137 = arith.muli %while3A_71, %mul3A_136 : i32
      %add3A_138 = arith.constant 7 : i32
      %add3A_139 = arith.addi %mul3A_137, %add3A_138 : i32
      %lt3A_140 = arith.cmpi slt, %add3A_139, %scan3A_12 : i32
      %convert_element_type3A_141 = arith.extui %lt3A_140 : i1 to i32
      %cond3A_142 = arith.constant 0 : i32
      %cond3A_143 = arith.cmpi ne, %convert_element_type3A_141, %cond3A_142 : i32
      scf.if %cond3A_143 {
        %slice3A = vector.extract_strided_slice %get3A_74 {offsets = [7], sizes = [1], strides = [1]} : vector<16xi32> to vector<1xi32>
        %squeeze3A = vector.extract %slice3A[0] : i32 from vector<1xi32>
        %shift_right_arithmetic3A_208 = arith.constant 7 : i32
        %shift_right_arithmetic3A_209 = arith.shrsi %squeeze3A, %shift_right_arithmetic3A_208 : i32
        %sub3A_210 = arith.subi %shift_right_arithmetic3A_209, %mul3A_2 : i32
        %get3A_211 = arith.index_cast %sub3A_210 : i32 to index
        %get3A_212 = memref.load %arg14[%get3A_211] : memref<245xi32, #tpu.memory_space<smem>>
        %add3A_213 = arith.constant 1 : i32
        %add3A_214 = arith.addi %get3A_212, %add3A_213 : i32
        %swap3A = arith.index_cast %sub3A_210 : i32 to index
        %swap3A_215 = memref.load %arg14[%swap3A] : memref<245xi32, #tpu.memory_space<smem>>
        memref.store %add3A_214, %arg14[%swap3A] : memref<245xi32, #tpu.memory_space<smem>>
        %broadcast_in_dim3A = vector.broadcast %get3A_212 : i32 to vector<16xi32>
        %slice3A_216 = vector.extract_strided_slice %get3A_74 {offsets = [7], sizes = [1], strides = [1]} : vector<16xi32> to vector<1xi32>
        %squeeze3A_217 = vector.extract %slice3A_216[0] : i32 from vector<1xi32>
        %broadcast_in_dim3A_218 = vector.broadcast %squeeze3A_217 : i32 to vector<16xi32>
        tpu.vector_store_idx %arg7[%broadcast_in_dim3A], %broadcast_in_dim3A_218 masked %lt3A_7 : memref<20075xi32, #tpu.memory_space<vmem>>[vector<16xi32>], vector<16xi32>, vector<16xi1>
        %slice3A_219 = vector.extract_strided_slice %get3A_79 {offsets = [7], sizes = [1], strides = [1]} : vector<16xi32> to vector<1xi32>
        %squeeze3A_220 = vector.extract %slice3A_219[0] : i32 from vector<1xi32>
        %broadcast_in_dim3A_221 = vector.broadcast %squeeze3A_220 : i32 to vector<16xi32>
        tpu.vector_store_idx %arg8[%broadcast_in_dim3A], %broadcast_in_dim3A_221 masked %lt3A_7 : memref<20075xi32, #tpu.memory_space<vmem>>[vector<16xi32>], vector<16xi32>, vector<16xi1>
      } else {
      }
      %mul3A_144 = arith.constant 16 : i32
      %mul3A_145 = arith.muli %while3A_71, %mul3A_144 : i32
      %add3A_146 = arith.constant 8 : i32
      %add3A_147 = arith.addi %mul3A_145, %add3A_146 : i32
      %lt3A_148 = arith.cmpi slt, %add3A_147, %scan3A_12 : i32
      %convert_element_type3A_149 = arith.extui %lt3A_148 : i1 to i32
      %cond3A_150 = arith.constant 0 : i32
      %cond3A_151 = arith.cmpi ne, %convert_element_type3A_149, %cond3A_150 : i32
      scf.if %cond3A_151 {
        %slice3A = vector.extract_strided_slice %get3A_74 {offsets = [8], sizes = [1], strides = [1]} : vector<16xi32> to vector<1xi32>
        %squeeze3A = vector.extract %slice3A[0] : i32 from vector<1xi32>
        %shift_right_arithmetic3A_208 = arith.constant 7 : i32
        %shift_right_arithmetic3A_209 = arith.shrsi %squeeze3A, %shift_right_arithmetic3A_208 : i32
        %sub3A_210 = arith.subi %shift_right_arithmetic3A_209, %mul3A_2 : i32
        %get3A_211 = arith.index_cast %sub3A_210 : i32 to index
        %get3A_212 = memref.load %arg14[%get3A_211] : memref<245xi32, #tpu.memory_space<smem>>
        %add3A_213 = arith.constant 1 : i32
        %add3A_214 = arith.addi %get3A_212, %add3A_213 : i32
        %swap3A = arith.index_cast %sub3A_210 : i32 to index
        %swap3A_215 = memref.load %arg14[%swap3A] : memref<245xi32, #tpu.memory_space<smem>>
        memref.store %add3A_214, %arg14[%swap3A] : memref<245xi32, #tpu.memory_space<smem>>
        %broadcast_in_dim3A = vector.broadcast %get3A_212 : i32 to vector<16xi32>
        %slice3A_216 = vector.extract_strided_slice %get3A_74 {offsets = [8], sizes = [1], strides = [1]} : vector<16xi32> to vector<1xi32>
        %squeeze3A_217 = vector.extract %slice3A_216[0] : i32 from vector<1xi32>
        %broadcast_in_dim3A_218 = vector.broadcast %squeeze3A_217 : i32 to vector<16xi32>
        tpu.vector_store_idx %arg7[%broadcast_in_dim3A], %broadcast_in_dim3A_218 masked %lt3A_7 : memref<20075xi32, #tpu.memory_space<vmem>>[vector<16xi32>], vector<16xi32>, vector<16xi1>
        %slice3A_219 = vector.extract_strided_slice %get3A_79 {offsets = [8], sizes = [1], strides = [1]} : vector<16xi32> to vector<1xi32>
        %squeeze3A_220 = vector.extract %slice3A_219[0] : i32 from vector<1xi32>
        %broadcast_in_dim3A_221 = vector.broadcast %squeeze3A_220 : i32 to vector<16xi32>
        tpu.vector_store_idx %arg8[%broadcast_in_dim3A], %broadcast_in_dim3A_221 masked %lt3A_7 : memref<20075xi32, #tpu.memory_space<vmem>>[vector<16xi32>], vector<16xi32>, vector<16xi1>
      } else {
      }
      %mul3A_152 = arith.constant 16 : i32
      %mul3A_153 = arith.muli %while3A_71, %mul3A_152 : i32
      %add3A_154 = arith.constant 9 : i32
      %add3A_155 = arith.addi %mul3A_153, %add3A_154 : i32
      %lt3A_156 = arith.cmpi slt, %add3A_155, %scan3A_12 : i32
      %convert_element_type3A_157 = arith.extui %lt3A_156 : i1 to i32
      %cond3A_158 = arith.constant 0 : i32
      %cond3A_159 = arith.cmpi ne, %convert_element_type3A_157, %cond3A_158 : i32
      scf.if %cond3A_159 {
        %slice3A = vector.extract_strided_slice %get3A_74 {offsets = [9], sizes = [1], strides = [1]} : vector<16xi32> to vector<1xi32>
        %squeeze3A = vector.extract %slice3A[0] : i32 from vector<1xi32>
        %shift_right_arithmetic3A_208 = arith.constant 7 : i32
        %shift_right_arithmetic3A_209 = arith.shrsi %squeeze3A, %shift_right_arithmetic3A_208 : i32
        %sub3A_210 = arith.subi %shift_right_arithmetic3A_209, %mul3A_2 : i32
        %get3A_211 = arith.index_cast %sub3A_210 : i32 to index
        %get3A_212 = memref.load %arg14[%get3A_211] : memref<245xi32, #tpu.memory_space<smem>>
        %add3A_213 = arith.constant 1 : i32
        %add3A_214 = arith.addi %get3A_212, %add3A_213 : i32
        %swap3A = arith.index_cast %sub3A_210 : i32 to index
        %swap3A_215 = memref.load %arg14[%swap3A] : memref<245xi32, #tpu.memory_space<smem>>
        memref.store %add3A_214, %arg14[%swap3A] : memref<245xi32, #tpu.memory_space<smem>>
        %broadcast_in_dim3A = vector.broadcast %get3A_212 : i32 to vector<16xi32>
        %slice3A_216 = vector.extract_strided_slice %get3A_74 {offsets = [9], sizes = [1], strides = [1]} : vector<16xi32> to vector<1xi32>
        %squeeze3A_217 = vector.extract %slice3A_216[0] : i32 from vector<1xi32>
        %broadcast_in_dim3A_218 = vector.broadcast %squeeze3A_217 : i32 to vector<16xi32>
        tpu.vector_store_idx %arg7[%broadcast_in_dim3A], %broadcast_in_dim3A_218 masked %lt3A_7 : memref<20075xi32, #tpu.memory_space<vmem>>[vector<16xi32>], vector<16xi32>, vector<16xi1>
        %slice3A_219 = vector.extract_strided_slice %get3A_79 {offsets = [9], sizes = [1], strides = [1]} : vector<16xi32> to vector<1xi32>
        %squeeze3A_220 = vector.extract %slice3A_219[0] : i32 from vector<1xi32>
        %broadcast_in_dim3A_221 = vector.broadcast %squeeze3A_220 : i32 to vector<16xi32>
        tpu.vector_store_idx %arg8[%broadcast_in_dim3A], %broadcast_in_dim3A_221 masked %lt3A_7 : memref<20075xi32, #tpu.memory_space<vmem>>[vector<16xi32>], vector<16xi32>, vector<16xi1>
      } else {
      }
      %mul3A_160 = arith.constant 16 : i32
      %mul3A_161 = arith.muli %while3A_71, %mul3A_160 : i32
      %add3A_162 = arith.constant 10 : i32
      %add3A_163 = arith.addi %mul3A_161, %add3A_162 : i32
      %lt3A_164 = arith.cmpi slt, %add3A_163, %scan3A_12 : i32
      %convert_element_type3A_165 = arith.extui %lt3A_164 : i1 to i32
      %cond3A_166 = arith.constant 0 : i32
      %cond3A_167 = arith.cmpi ne, %convert_element_type3A_165, %cond3A_166 : i32
      scf.if %cond3A_167 {
        %slice3A = vector.extract_strided_slice %get3A_74 {offsets = [10], sizes = [1], strides = [1]} : vector<16xi32> to vector<1xi32>
        %squeeze3A = vector.extract %slice3A[0] : i32 from vector<1xi32>
        %shift_right_arithmetic3A_208 = arith.constant 7 : i32
        %shift_right_arithmetic3A_209 = arith.shrsi %squeeze3A, %shift_right_arithmetic3A_208 : i32
        %sub3A_210 = arith.subi %shift_right_arithmetic3A_209, %mul3A_2 : i32
        %get3A_211 = arith.index_cast %sub3A_210 : i32 to index
        %get3A_212 = memref.load %arg14[%get3A_211] : memref<245xi32, #tpu.memory_space<smem>>
        %add3A_213 = arith.constant 1 : i32
        %add3A_214 = arith.addi %get3A_212, %add3A_213 : i32
        %swap3A = arith.index_cast %sub3A_210 : i32 to index
        %swap3A_215 = memref.load %arg14[%swap3A] : memref<245xi32, #tpu.memory_space<smem>>
        memref.store %add3A_214, %arg14[%swap3A] : memref<245xi32, #tpu.memory_space<smem>>
        %broadcast_in_dim3A = vector.broadcast %get3A_212 : i32 to vector<16xi32>
        %slice3A_216 = vector.extract_strided_slice %get3A_74 {offsets = [10], sizes = [1], strides = [1]} : vector<16xi32> to vector<1xi32>
        %squeeze3A_217 = vector.extract %slice3A_216[0] : i32 from vector<1xi32>
        %broadcast_in_dim3A_218 = vector.broadcast %squeeze3A_217 : i32 to vector<16xi32>
        tpu.vector_store_idx %arg7[%broadcast_in_dim3A], %broadcast_in_dim3A_218 masked %lt3A_7 : memref<20075xi32, #tpu.memory_space<vmem>>[vector<16xi32>], vector<16xi32>, vector<16xi1>
        %slice3A_219 = vector.extract_strided_slice %get3A_79 {offsets = [10], sizes = [1], strides = [1]} : vector<16xi32> to vector<1xi32>
        %squeeze3A_220 = vector.extract %slice3A_219[0] : i32 from vector<1xi32>
        %broadcast_in_dim3A_221 = vector.broadcast %squeeze3A_220 : i32 to vector<16xi32>
        tpu.vector_store_idx %arg8[%broadcast_in_dim3A], %broadcast_in_dim3A_221 masked %lt3A_7 : memref<20075xi32, #tpu.memory_space<vmem>>[vector<16xi32>], vector<16xi32>, vector<16xi1>
      } else {
      }
      %mul3A_168 = arith.constant 16 : i32
      %mul3A_169 = arith.muli %while3A_71, %mul3A_168 : i32
      %add3A_170 = arith.constant 11 : i32
      %add3A_171 = arith.addi %mul3A_169, %add3A_170 : i32
      %lt3A_172 = arith.cmpi slt, %add3A_171, %scan3A_12 : i32
      %convert_element_type3A_173 = arith.extui %lt3A_172 : i1 to i32
      %cond3A_174 = arith.constant 0 : i32
      %cond3A_175 = arith.cmpi ne, %convert_element_type3A_173, %cond3A_174 : i32
      scf.if %cond3A_175 {
        %slice3A = vector.extract_strided_slice %get3A_74 {offsets = [11], sizes = [1], strides = [1]} : vector<16xi32> to vector<1xi32>
        %squeeze3A = vector.extract %slice3A[0] : i32 from vector<1xi32>
        %shift_right_arithmetic3A_208 = arith.constant 7 : i32
        %shift_right_arithmetic3A_209 = arith.shrsi %squeeze3A, %shift_right_arithmetic3A_208 : i32
        %sub3A_210 = arith.subi %shift_right_arithmetic3A_209, %mul3A_2 : i32
        %get3A_211 = arith.index_cast %sub3A_210 : i32 to index
        %get3A_212 = memref.load %arg14[%get3A_211] : memref<245xi32, #tpu.memory_space<smem>>
        %add3A_213 = arith.constant 1 : i32
        %add3A_214 = arith.addi %get3A_212, %add3A_213 : i32
        %swap3A = arith.index_cast %sub3A_210 : i32 to index
        %swap3A_215 = memref.load %arg14[%swap3A] : memref<245xi32, #tpu.memory_space<smem>>
        memref.store %add3A_214, %arg14[%swap3A] : memref<245xi32, #tpu.memory_space<smem>>
        %broadcast_in_dim3A = vector.broadcast %get3A_212 : i32 to vector<16xi32>
        %slice3A_216 = vector.extract_strided_slice %get3A_74 {offsets = [11], sizes = [1], strides = [1]} : vector<16xi32> to vector<1xi32>
        %squeeze3A_217 = vector.extract %slice3A_216[0] : i32 from vector<1xi32>
        %broadcast_in_dim3A_218 = vector.broadcast %squeeze3A_217 : i32 to vector<16xi32>
        tpu.vector_store_idx %arg7[%broadcast_in_dim3A], %broadcast_in_dim3A_218 masked %lt3A_7 : memref<20075xi32, #tpu.memory_space<vmem>>[vector<16xi32>], vector<16xi32>, vector<16xi1>
        %slice3A_219 = vector.extract_strided_slice %get3A_79 {offsets = [11], sizes = [1], strides = [1]} : vector<16xi32> to vector<1xi32>
        %squeeze3A_220 = vector.extract %slice3A_219[0] : i32 from vector<1xi32>
        %broadcast_in_dim3A_221 = vector.broadcast %squeeze3A_220 : i32 to vector<16xi32>
        tpu.vector_store_idx %arg8[%broadcast_in_dim3A], %broadcast_in_dim3A_221 masked %lt3A_7 : memref<20075xi32, #tpu.memory_space<vmem>>[vector<16xi32>], vector<16xi32>, vector<16xi1>
      } else {
      }
      %mul3A_176 = arith.constant 16 : i32
      %mul3A_177 = arith.muli %while3A_71, %mul3A_176 : i32
      %add3A_178 = arith.constant 12 : i32
      %add3A_179 = arith.addi %mul3A_177, %add3A_178 : i32
      %lt3A_180 = arith.cmpi slt, %add3A_179, %scan3A_12 : i32
      %convert_element_type3A_181 = arith.extui %lt3A_180 : i1 to i32
      %cond3A_182 = arith.constant 0 : i32
      %cond3A_183 = arith.cmpi ne, %convert_element_type3A_181, %cond3A_182 : i32
      scf.if %cond3A_183 {
        %slice3A = vector.extract_strided_slice %get3A_74 {offsets = [12], sizes = [1], strides = [1]} : vector<16xi32> to vector<1xi32>
        %squeeze3A = vector.extract %slice3A[0] : i32 from vector<1xi32>
        %shift_right_arithmetic3A_208 = arith.constant 7 : i32
        %shift_right_arithmetic3A_209 = arith.shrsi %squeeze3A, %shift_right_arithmetic3A_208 : i32
        %sub3A_210 = arith.subi %shift_right_arithmetic3A_209, %mul3A_2 : i32
        %get3A_211 = arith.index_cast %sub3A_210 : i32 to index
        %get3A_212 = memref.load %arg14[%get3A_211] : memref<245xi32, #tpu.memory_space<smem>>
        %add3A_213 = arith.constant 1 : i32
        %add3A_214 = arith.addi %get3A_212, %add3A_213 : i32
        %swap3A = arith.index_cast %sub3A_210 : i32 to index
        %swap3A_215 = memref.load %arg14[%swap3A] : memref<245xi32, #tpu.memory_space<smem>>
        memref.store %add3A_214, %arg14[%swap3A] : memref<245xi32, #tpu.memory_space<smem>>
        %broadcast_in_dim3A = vector.broadcast %get3A_212 : i32 to vector<16xi32>
        %slice3A_216 = vector.extract_strided_slice %get3A_74 {offsets = [12], sizes = [1], strides = [1]} : vector<16xi32> to vector<1xi32>
        %squeeze3A_217 = vector.extract %slice3A_216[0] : i32 from vector<1xi32>
        %broadcast_in_dim3A_218 = vector.broadcast %squeeze3A_217 : i32 to vector<16xi32>
        tpu.vector_store_idx %arg7[%broadcast_in_dim3A], %broadcast_in_dim3A_218 masked %lt3A_7 : memref<20075xi32, #tpu.memory_space<vmem>>[vector<16xi32>], vector<16xi32>, vector<16xi1>
        %slice3A_219 = vector.extract_strided_slice %get3A_79 {offsets = [12], sizes = [1], strides = [1]} : vector<16xi32> to vector<1xi32>
        %squeeze3A_220 = vector.extract %slice3A_219[0] : i32 from vector<1xi32>
        %broadcast_in_dim3A_221 = vector.broadcast %squeeze3A_220 : i32 to vector<16xi32>
        tpu.vector_store_idx %arg8[%broadcast_in_dim3A], %broadcast_in_dim3A_221 masked %lt3A_7 : memref<20075xi32, #tpu.memory_space<vmem>>[vector<16xi32>], vector<16xi32>, vector<16xi1>
      } else {
      }
      %mul3A_184 = arith.constant 16 : i32
      %mul3A_185 = arith.muli %while3A_71, %mul3A_184 : i32
      %add3A_186 = arith.constant 13 : i32
      %add3A_187 = arith.addi %mul3A_185, %add3A_186 : i32
      %lt3A_188 = arith.cmpi slt, %add3A_187, %scan3A_12 : i32
      %convert_element_type3A_189 = arith.extui %lt3A_188 : i1 to i32
      %cond3A_190 = arith.constant 0 : i32
      %cond3A_191 = arith.cmpi ne, %convert_element_type3A_189, %cond3A_190 : i32
      scf.if %cond3A_191 {
        %slice3A = vector.extract_strided_slice %get3A_74 {offsets = [13], sizes = [1], strides = [1]} : vector<16xi32> to vector<1xi32>
        %squeeze3A = vector.extract %slice3A[0] : i32 from vector<1xi32>
        %shift_right_arithmetic3A_208 = arith.constant 7 : i32
        %shift_right_arithmetic3A_209 = arith.shrsi %squeeze3A, %shift_right_arithmetic3A_208 : i32
        %sub3A_210 = arith.subi %shift_right_arithmetic3A_209, %mul3A_2 : i32
        %get3A_211 = arith.index_cast %sub3A_210 : i32 to index
        %get3A_212 = memref.load %arg14[%get3A_211] : memref<245xi32, #tpu.memory_space<smem>>
        %add3A_213 = arith.constant 1 : i32
        %add3A_214 = arith.addi %get3A_212, %add3A_213 : i32
        %swap3A = arith.index_cast %sub3A_210 : i32 to index
        %swap3A_215 = memref.load %arg14[%swap3A] : memref<245xi32, #tpu.memory_space<smem>>
        memref.store %add3A_214, %arg14[%swap3A] : memref<245xi32, #tpu.memory_space<smem>>
        %broadcast_in_dim3A = vector.broadcast %get3A_212 : i32 to vector<16xi32>
        %slice3A_216 = vector.extract_strided_slice %get3A_74 {offsets = [13], sizes = [1], strides = [1]} : vector<16xi32> to vector<1xi32>
        %squeeze3A_217 = vector.extract %slice3A_216[0] : i32 from vector<1xi32>
        %broadcast_in_dim3A_218 = vector.broadcast %squeeze3A_217 : i32 to vector<16xi32>
        tpu.vector_store_idx %arg7[%broadcast_in_dim3A], %broadcast_in_dim3A_218 masked %lt3A_7 : memref<20075xi32, #tpu.memory_space<vmem>>[vector<16xi32>], vector<16xi32>, vector<16xi1>
        %slice3A_219 = vector.extract_strided_slice %get3A_79 {offsets = [13], sizes = [1], strides = [1]} : vector<16xi32> to vector<1xi32>
        %squeeze3A_220 = vector.extract %slice3A_219[0] : i32 from vector<1xi32>
        %broadcast_in_dim3A_221 = vector.broadcast %squeeze3A_220 : i32 to vector<16xi32>
        tpu.vector_store_idx %arg8[%broadcast_in_dim3A], %broadcast_in_dim3A_221 masked %lt3A_7 : memref<20075xi32, #tpu.memory_space<vmem>>[vector<16xi32>], vector<16xi32>, vector<16xi1>
      } else {
      }
      %mul3A_192 = arith.constant 16 : i32
      %mul3A_193 = arith.muli %while3A_71, %mul3A_192 : i32
      %add3A_194 = arith.constant 14 : i32
      %add3A_195 = arith.addi %mul3A_193, %add3A_194 : i32
      %lt3A_196 = arith.cmpi slt, %add3A_195, %scan3A_12 : i32
      %convert_element_type3A_197 = arith.extui %lt3A_196 : i1 to i32
      %cond3A_198 = arith.constant 0 : i32
      %cond3A_199 = arith.cmpi ne, %convert_element_type3A_197, %cond3A_198 : i32
      scf.if %cond3A_199 {
        %slice3A = vector.extract_strided_slice %get3A_74 {offsets = [14], sizes = [1], strides = [1]} : vector<16xi32> to vector<1xi32>
        %squeeze3A = vector.extract %slice3A[0] : i32 from vector<1xi32>
        %shift_right_arithmetic3A_208 = arith.constant 7 : i32
        %shift_right_arithmetic3A_209 = arith.shrsi %squeeze3A, %shift_right_arithmetic3A_208 : i32
        %sub3A_210 = arith.subi %shift_right_arithmetic3A_209, %mul3A_2 : i32
        %get3A_211 = arith.index_cast %sub3A_210 : i32 to index
        %get3A_212 = memref.load %arg14[%get3A_211] : memref<245xi32, #tpu.memory_space<smem>>
        %add3A_213 = arith.constant 1 : i32
        %add3A_214 = arith.addi %get3A_212, %add3A_213 : i32
        %swap3A = arith.index_cast %sub3A_210 : i32 to index
        %swap3A_215 = memref.load %arg14[%swap3A] : memref<245xi32, #tpu.memory_space<smem>>
        memref.store %add3A_214, %arg14[%swap3A] : memref<245xi32, #tpu.memory_space<smem>>
        %broadcast_in_dim3A = vector.broadcast %get3A_212 : i32 to vector<16xi32>
        %slice3A_216 = vector.extract_strided_slice %get3A_74 {offsets = [14], sizes = [1], strides = [1]} : vector<16xi32> to vector<1xi32>
        %squeeze3A_217 = vector.extract %slice3A_216[0] : i32 from vector<1xi32>
        %broadcast_in_dim3A_218 = vector.broadcast %squeeze3A_217 : i32 to vector<16xi32>
        tpu.vector_store_idx %arg7[%broadcast_in_dim3A], %broadcast_in_dim3A_218 masked %lt3A_7 : memref<20075xi32, #tpu.memory_space<vmem>>[vector<16xi32>], vector<16xi32>, vector<16xi1>
        %slice3A_219 = vector.extract_strided_slice %get3A_79 {offsets = [14], sizes = [1], strides = [1]} : vector<16xi32> to vector<1xi32>
        %squeeze3A_220 = vector.extract %slice3A_219[0] : i32 from vector<1xi32>
        %broadcast_in_dim3A_221 = vector.broadcast %squeeze3A_220 : i32 to vector<16xi32>
        tpu.vector_store_idx %arg8[%broadcast_in_dim3A], %broadcast_in_dim3A_221 masked %lt3A_7 : memref<20075xi32, #tpu.memory_space<vmem>>[vector<16xi32>], vector<16xi32>, vector<16xi1>
      } else {
      }
      %mul3A_200 = arith.constant 16 : i32
      %mul3A_201 = arith.muli %while3A_71, %mul3A_200 : i32
      %add3A_202 = arith.constant 15 : i32
      %add3A_203 = arith.addi %mul3A_201, %add3A_202 : i32
      %lt3A_204 = arith.cmpi slt, %add3A_203, %scan3A_12 : i32
      %convert_element_type3A_205 = arith.extui %lt3A_204 : i1 to i32
      %cond3A_206 = arith.constant 0 : i32
      %cond3A_207 = arith.cmpi ne, %convert_element_type3A_205, %cond3A_206 : i32
      scf.if %cond3A_207 {
        %slice3A = vector.extract_strided_slice %get3A_74 {offsets = [15], sizes = [1], strides = [1]} : vector<16xi32> to vector<1xi32>
        %squeeze3A = vector.extract %slice3A[0] : i32 from vector<1xi32>
        %shift_right_arithmetic3A_208 = arith.constant 7 : i32
        %shift_right_arithmetic3A_209 = arith.shrsi %squeeze3A, %shift_right_arithmetic3A_208 : i32
        %sub3A_210 = arith.subi %shift_right_arithmetic3A_209, %mul3A_2 : i32
        %get3A_211 = arith.index_cast %sub3A_210 : i32 to index
        %get3A_212 = memref.load %arg14[%get3A_211] : memref<245xi32, #tpu.memory_space<smem>>
        %add3A_213 = arith.constant 1 : i32
        %add3A_214 = arith.addi %get3A_212, %add3A_213 : i32
        %swap3A = arith.index_cast %sub3A_210 : i32 to index
        %swap3A_215 = memref.load %arg14[%swap3A] : memref<245xi32, #tpu.memory_space<smem>>
        memref.store %add3A_214, %arg14[%swap3A] : memref<245xi32, #tpu.memory_space<smem>>
        %broadcast_in_dim3A = vector.broadcast %get3A_212 : i32 to vector<16xi32>
        %slice3A_216 = vector.extract_strided_slice %get3A_74 {offsets = [15], sizes = [1], strides = [1]} : vector<16xi32> to vector<1xi32>
        %squeeze3A_217 = vector.extract %slice3A_216[0] : i32 from vector<1xi32>
        %broadcast_in_dim3A_218 = vector.broadcast %squeeze3A_217 : i32 to vector<16xi32>
        tpu.vector_store_idx %arg7[%broadcast_in_dim3A], %broadcast_in_dim3A_218 masked %lt3A_7 : memref<20075xi32, #tpu.memory_space<vmem>>[vector<16xi32>], vector<16xi32>, vector<16xi1>
        %slice3A_219 = vector.extract_strided_slice %get3A_79 {offsets = [15], sizes = [1], strides = [1]} : vector<16xi32> to vector<1xi32>
        %squeeze3A_220 = vector.extract %slice3A_219[0] : i32 from vector<1xi32>
        %broadcast_in_dim3A_221 = vector.broadcast %squeeze3A_220 : i32 to vector<16xi32>
        tpu.vector_store_idx %arg8[%broadcast_in_dim3A], %broadcast_in_dim3A_221 masked %lt3A_7 : memref<20075xi32, #tpu.memory_space<vmem>>[vector<16xi32>], vector<16xi32>, vector<16xi1>
      } else {
      }
    }
    %scan3A_46 = arith.constant 0 : i32
    %scan3A_47 = arith.constant 0 : i32
    %scan3A_48 = arith.constant 0 : i32
    %scan3A_49 = arith.constant 0 : i32
    %scan3A_50 = arith.constant 245 : i32
    %scan3A_51 = arith.addi %scan3A_49, %scan3A_50 : i32
    %scan3A_52 = arith.constant 1 : i32
    %scan3A_53:3 = scf.for %scan3A_71 = %scan3A_49 to %scan3A_51 step %scan3A_52 iter_args(%scan3A_72 = %scan3A_46, %scan3A_73 = %scan3A_47, %scan3A_74 = %scan3A_48) -> (i32, i32, i32)  : i32 {
      %get3A = arith.index_cast %scan3A_71 : i32 to index
      %get3A_75 = memref.load %arg12[%get3A] : memref<245xi32, #tpu.memory_space<smem>>
      %gt3A_76 = arith.constant 0 : i32
      %gt3A_77 = arith.cmpi sgt, %get3A_75, %gt3A_76 : i32
      %convert_element_type3A_78 = arith.extui %gt3A_77 : i1 to i32
      %cond3A_79 = arith.constant 0 : i32
      %cond3A_80 = arith.cmpi ne, %convert_element_type3A_78, %cond3A_79 : i32
      %cond3A_81:3 = scf.if %cond3A_80 -> (i32, i32, i32) {
        %rem3A = arith.constant 6 : i32
        %rem3A_82 = arith.remsi %scan3A_72, %rem3A : i32
        %ge3A_83 = arith.constant 6 : i32
        %ge3A_84 = arith.cmpi sge, %scan3A_72, %ge3A_83 : i32
        %convert_element_type3A_85 = arith.extui %ge3A_84 : i1 to i32
        %cond3A_86 = arith.constant 0 : i32
        %cond3A_87 = arith.cmpi ne, %convert_element_type3A_85, %cond3A_86 : i32
        %cond3A_88:2 = scf.if %cond3A_87 -> (i32, i32) {
          %get3A_107 = arith.index_cast %rem3A_82 : i32 to index
          %get3A_108 = memref.load %arg15[%get3A_107] : memref<6xi32, #tpu.memory_space<smem>>
          %dma_wait3A = arith.constant 0 : i32
          %dma_wait3A_109 = arith.constant 0 : i32
          %dma_wait3A_110 = tpu.memref_slice %arg9[%rem3A_82, %dma_wait3A, %dma_wait3A_109] : memref<6x64x128xf32, #tpu.memory_space<vmem>> -> memref<1x64x128xf32, #tpu.memory_space<vmem>>
          %dma_wait3A_111 = tpu.memref_squeeze %dma_wait3A_110 : memref<1x64x128xf32, #tpu.memory_space<vmem>> -> memref<64x128xf32, #tpu.memory_space<vmem>>
          %dma_wait3A_112 = arith.constant 0 : i32
          %dma_wait3A_113 = arith.constant 0 : i32
          %dma_wait3A_114 = tpu.memref_slice %arg3[%dma_wait3A_112, %dma_wait3A_113] : memref<64x1000000xf32, #tpu.memory_space<hbm>> -> memref<64x128xf32, #tpu.memory_space<hbm>>
          %dma_wait3A_115 = tpu.memref_slice %arg16[%rem3A_82] : memref<6x!tpu.dma_semaphore, #tpu.memory_space<semaphore_mem>> -> memref<1x!tpu.dma_semaphore, #tpu.memory_space<semaphore_mem>>
          %dma_wait3A_116 = tpu.memref_squeeze %dma_wait3A_115 : memref<1x!tpu.dma_semaphore, #tpu.memory_space<semaphore_mem>> -> memref<!tpu.dma_semaphore, #tpu.memory_space<semaphore_mem>>
          %dma_wait3A_117 = arith.constant 0 : i32
          %dma_wait3A_118 = arith.constant 0 : i32
          %dma_wait3A_119 = tpu.memref_slice %arg9[%rem3A_82, %dma_wait3A_117, %dma_wait3A_118] : memref<6x64x128xf32, #tpu.memory_space<vmem>> -> memref<1x64x128xf32, #tpu.memory_space<vmem>>
          %dma_wait3A_120 = tpu.memref_squeeze %dma_wait3A_119 : memref<1x64x128xf32, #tpu.memory_space<vmem>> -> memref<64x128xf32, #tpu.memory_space<vmem>>
          %dma_wait3A_121 = arith.constant 0 : i32
          %dma_wait3A_122 = arith.constant 0 : i32
          %dma_wait3A_123 = tpu.memref_slice %arg3[%dma_wait3A_121, %dma_wait3A_122] : memref<64x1000000xf32, #tpu.memory_space<hbm>> -> memref<64x128xf32, #tpu.memory_space<hbm>>
          tpu.wait_dma2 semaphore(%dma_wait3A_116 : memref<!tpu.dma_semaphore, #tpu.memory_space<semaphore_mem>>) src(%dma_wait3A_123 : memref<64x128xf32, #tpu.memory_space<hbm>>) dst(%dma_wait3A_120 : memref<64x128xf32, #tpu.memory_space<vmem>>)
          %get3A_124 = arith.index_cast %get3A_108 : i32 to index
          %get3A_125 = memref.load %arg12[%get3A_124] : memref<245xi32, #tpu.memory_space<smem>>
          %get3A_126 = arith.index_cast %get3A_108 : i32 to index
          %get3A_127 = memref.load %arg13[%get3A_126] : memref<245xi32, #tpu.memory_space<smem>>
          %broadcast_in_dim3A = vector.broadcast %rem3A_82 : i32 to vector<16xi32>
          %add3A_128 = arith.constant 15 : i32
          %add3A_129 = arith.addi %get3A_125, %add3A_128 : i32
          %shift_right_arithmetic3A_130 = arith.constant 4 : i32
          %shift_right_arithmetic3A_131 = arith.shrsi %add3A_129, %shift_right_arithmetic3A_130 : i32
          %while3A_132 = arith.constant 0 : i32
          %while3A_133 = arith.subi %shift_right_arithmetic3A_131, %while3A_132 : i32
          %while3A_134 = arith.addi %while3A_132, %while3A_133 : i32
          %while3A_135 = arith.constant 1 : i32
          %while3A_136 = arith.divsi %while3A_133, %while3A_135 : i32
          %while3A_137 = arith.muli %while3A_136, %while3A_135 : i32
          %while3A_138 = arith.addi %while3A_132, %while3A_137 : i32
          %while3A_139 = arith.constant 1 : i32
          %while3A_140:2 = scf.for %while3A_143 = %while3A_132 to %while3A_138 step %while3A_139 iter_args(%while3A_144 = %scan3A_73, %while3A_145 = %scan3A_74) -> (i32, i32)  : i32 {
            %mul3A_146 = arith.constant 16 : i32
            %mul3A_147 = arith.muli %while3A_143, %mul3A_146 : i32
            %add3A_148 = arith.addi %get3A_127, %mul3A_147 : i32
            %multiple_of3A_149 = tpu.assume_multiple %add3A_148, 16 : i32
            %get3A_150 = arith.index_cast %multiple_of3A_149 : i32 to index
            %get3A_151 = tpu.vector_load %arg7[%get3A_150] {strides = array<i32>} : memref<20075xi32, #tpu.memory_space<vmem>>, vector<16xi32>,
            %get3A_152 = arith.index_cast %multiple_of3A_149 : i32 to index
            %get3A_153 = tpu.vector_load %arg8[%get3A_152] {strides = array<i32>} : memref<20075xi32, #tpu.memory_space<vmem>>, vector<16xi32>,
            %mul3A_154 = arith.constant 16 : i32
            %mul3A_155 = arith.muli %while3A_143, %mul3A_154 : i32
            %sub3A_156 = arith.subi %get3A_125, %mul3A_155 : i32
            %lt3A_157 = vector.broadcast %sub3A_156 : i32 to vector<16xi32>
            %lt3A_158 = arith.cmpi slt, %iota3A, %lt3A_157 : vector<16xi32>
            %and3A_159 = arith.constant 127 : i32
            %and3A_160 = vector.broadcast %and3A_159 : i32 to vector<16xi32>
            %and3A_161 = arith.andi %get3A_151, %and3A_160 : vector<16xi32>
            %jit3A = arith.constant 1 : i32
            %jit3A_162 = arith.constant 0 : i32
            %broadcast_in_dim3A_163 = vector.broadcast %jit3A : i32 to vector<16xi32>
            %broadcast_in_dim3A_164 = vector.broadcast %jit3A_162 : i32 to vector<16xi32>
            %select_n3A = arith.select %lt3A_158, %broadcast_in_dim3A_163, %broadcast_in_dim3A_164 : vector<16xi1>, vector<16xi32>
            %broadcast_in_dim3A_165 = arith.constant true
            %broadcast_in_dim3A_166 = vector.broadcast %broadcast_in_dim3A_165 : i1 to vector<16xi1>
            %masked_cumsum3A = tpu.scan <sum>, %select_n3A masked %broadcast_in_dim3A_166 : vector<16xi32>, vector<16xi1> -> vector<16xi32>
            %add3A_167 = vector.broadcast %while3A_144 : i32 to vector<16xi32>
            %add3A_168 = arith.addi %add3A_167, %masked_cumsum3A : vector<16xi32>
            %sub3A_169 = arith.constant 1 : i32
            %sub3A_170 = vector.broadcast %sub3A_169 : i32 to vector<16xi32>
            %sub3A_171 = arith.subi %add3A_168, %sub3A_170 : vector<16xi32>
            %rem3A_172 = arith.constant 48 : i32
            %rem3A_173 = vector.broadcast %rem3A_172 : i32 to vector<16xi32>
            %rem3A_174 = arith.remsi %sub3A_171, %rem3A_173 : vector<16xi32>
            %broadcast_in_dim3A_175 = arith.constant 0 : i32
            %broadcast_in_dim3A_176 = vector.broadcast %broadcast_in_dim3A_175 : i32 to vector<16xi32>
            %gather3A = tpu.vector_load_idx %arg9[%broadcast_in_dim3A, %broadcast_in_dim3A_176, %and3A_161] masked %lt3A_158 : memref<6x64x128xf32, #tpu.memory_space<vmem>>[vector<16xi32>, vector<16xi32>, vector<16xi32>], vector<16xf32>, vector<16xi1>
            tpu.vector_store_idx %arg10[%rem3A_174, %broadcast_in_dim3A_176], %gather3A masked %lt3A_158 : memref<48x128xf32, #tpu.memory_space<vmem>>[vector<16xi32>, vector<16xi32>], vector<16xf32>, vector<16xi1>
            %broadcast_in_dim3A_177 = arith.constant 1 : i32
            %broadcast_in_dim3A_178 = vector.broadcast %broadcast_in_dim3A_177 : i32 to vector<16xi32>
            %gather3A_179 = tpu.vector_load_idx %arg9[%broadcast_in_dim3A, %broadcast_in_dim3A_178, %and3A_161] masked %lt3A_158 : memref<6x64x128xf32, #tpu.memory_space<vmem>>[vector<16xi32>, vector<16xi32>, vector<16xi32>], vector<16xf32>, vector<16xi1>
            tpu.vector_store_idx %arg10[%rem3A_174, %broadcast_in_dim3A_178], %gather3A_179 masked %lt3A_158 : memref<48x128xf32, #tpu.memory_space<vmem>>[vector<16xi32>, vector<16xi32>], vector<16xf32>, vector<16xi1>
            %broadcast_in_dim3A_180 = arith.constant 2 : i32
            %broadcast_in_dim3A_181 = vector.broadcast %broadcast_in_dim3A_180 : i32 to vector<16xi32>
            %gather3A_182 = tpu.vector_load_idx %arg9[%broadcast_in_dim3A, %broadcast_in_dim3A_181, %and3A_161] masked %lt3A_158 : memref<6x64x128xf32, #tpu.memory_space<vmem>>[vector<16xi32>, vector<16xi32>, vector<16xi32>], vector<16xf32>, vector<16xi1>
            tpu.vector_store_idx %arg10[%rem3A_174, %broadcast_in_dim3A_181], %gather3A_182 masked %lt3A_158 : memref<48x128xf32, #tpu.memory_space<vmem>>[vector<16xi32>, vector<16xi32>], vector<16xf32>, vector<16xi1>
            %broadcast_in_dim3A_183 = arith.constant 3 : i32
            %broadcast_in_dim3A_184 = vector.broadcast %broadcast_in_dim3A_183 : i32 to vector<16xi32>
            %gather3A_185 = tpu.vector_load_idx %arg9[%broadcast_in_dim3A, %broadcast_in_dim3A_184, %and3A_161] masked %lt3A_158 : memref<6x64x128xf32, #tpu.memory_space<vmem>>[vector<16xi32>, vector<16xi32>, vector<16xi32>], vector<16xf32>, vector<16xi1>
            tpu.vector_store_idx %arg10[%rem3A_174, %broadcast_in_dim3A_184], %gather3A_185 masked %lt3A_158 : memref<48x128xf32, #tpu.memory_space<vmem>>[vector<16xi32>, vector<16xi32>], vector<16xf32>, vector<16xi1>
            %broadcast_in_dim3A_186 = arith.constant 4 : i32
            %broadcast_in_dim3A_187 = vector.broadcast %broadcast_in_dim3A_186 : i32 to vector<16xi32>
            %gather3A_188 = tpu.vector_load_idx %arg9[%broadcast_in_dim3A, %broadcast_in_dim3A_187, %and3A_161] masked %lt3A_158 : memref<6x64x128xf32, #tpu.memory_space<vmem>>[vector<16xi32>, vector<16xi32>, vector<16xi32>], vector<16xf32>, vector<16xi1>
            tpu.vector_store_idx %arg10[%rem3A_174, %broadcast_in_dim3A_187], %gather3A_188 masked %lt3A_158 : memref<48x128xf32, #tpu.memory_space<vmem>>[vector<16xi32>, vector<16xi32>], vector<16xf32>, vector<16xi1>
            %broadcast_in_dim3A_189 = arith.constant 5 : i32
            %broadcast_in_dim3A_190 = vector.broadcast %broadcast_in_dim3A_189 : i32 to vector<16xi32>
            %gather3A_191 = tpu.vector_load_idx %arg9[%broadcast_in_dim3A, %broadcast_in_dim3A_190, %and3A_161] masked %lt3A_158 : memref<6x64x128xf32, #tpu.memory_space<vmem>>[vector<16xi32>, vector<16xi32>, vector<16xi32>], vector<16xf32>, vector<16xi1>
            tpu.vector_store_idx %arg10[%rem3A_174, %broadcast_in_dim3A_190], %gather3A_191 masked %lt3A_158 : memref<48x128xf32, #tpu.memory_space<vmem>>[vector<16xi32>, vector<16xi32>], vector<16xf32>, vector<16xi1>
            %broadcast_in_dim3A_192 = arith.constant 6 : i32
            %broadcast_in_dim3A_193 = vector.broadcast %broadcast_in_dim3A_192 : i32 to vector<16xi32>
            %gather3A_194 = tpu.vector_load_idx %arg9[%broadcast_in_dim3A, %broadcast_in_dim3A_193, %and3A_161] masked %lt3A_158 : memref<6x64x128xf32, #tpu.memory_space<vmem>>[vector<16xi32>, vector<16xi32>, vector<16xi32>], vector<16xf32>, vector<16xi1>
            tpu.vector_store_idx %arg10[%rem3A_174, %broadcast_in_dim3A_193], %gather3A_194 masked %lt3A_158 : memref<48x128xf32, #tpu.memory_space<vmem>>[vector<16xi32>, vector<16xi32>], vector<16xf32>, vector<16xi1>
            %broadcast_in_dim3A_195 = arith.constant 7 : i32
            %broadcast_in_dim3A_196 = vector.broadcast %broadcast_in_dim3A_195 : i32 to vector<16xi32>
            %gather3A_197 = tpu.vector_load_idx %arg9[%broadcast_in_dim3A, %broadcast_in_dim3A_196, %and3A_161] masked %lt3A_158 : memref<6x64x128xf32, #tpu.memory_space<vmem>>[vector<16xi32>, vector<16xi32>, vector<16xi32>], vector<16xf32>, vector<16xi1>
            tpu.vector_store_idx %arg10[%rem3A_174, %broadcast_in_dim3A_196], %gather3A_197 masked %lt3A_158 : memref<48x128xf32, #tpu.memory_space<vmem>>[vector<16xi32>, vector<16xi32>], vector<16xf32>, vector<16xi1>
            %broadcast_in_dim3A_198 = arith.constant 8 : i32
            %broadcast_in_dim3A_199 = vector.broadcast %broadcast_in_dim3A_198 : i32 to vector<16xi32>
            %gather3A_200 = tpu.vector_load_idx %arg9[%broadcast_in_dim3A, %broadcast_in_dim3A_199, %and3A_161] masked %lt3A_158 : memref<6x64x128xf32, #tpu.memory_space<vmem>>[vector<16xi32>, vector<16xi32>, vector<16xi32>], vector<16xf32>, vector<16xi1>
            tpu.vector_store_idx %arg10[%rem3A_174, %broadcast_in_dim3A_199], %gather3A_200 masked %lt3A_158 : memref<48x128xf32, #tpu.memory_space<vmem>>[vector<16xi32>, vector<16xi32>], vector<16xf32>, vector<16xi1>
            %broadcast_in_dim3A_201 = arith.constant 9 : i32
            %broadcast_in_dim3A_202 = vector.broadcast %broadcast_in_dim3A_201 : i32 to vector<16xi32>
            %gather3A_203 = tpu.vector_load_idx %arg9[%broadcast_in_dim3A, %broadcast_in_dim3A_202, %and3A_161] masked %lt3A_158 : memref<6x64x128xf32, #tpu.memory_space<vmem>>[vector<16xi32>, vector<16xi32>, vector<16xi32>], vector<16xf32>, vector<16xi1>
            tpu.vector_store_idx %arg10[%rem3A_174, %broadcast_in_dim3A_202], %gather3A_203 masked %lt3A_158 : memref<48x128xf32, #tpu.memory_space<vmem>>[vector<16xi32>, vector<16xi32>], vector<16xf32>, vector<16xi1>
            %broadcast_in_dim3A_204 = arith.constant 10 : i32
            %broadcast_in_dim3A_205 = vector.broadcast %broadcast_in_dim3A_204 : i32 to vector<16xi32>
            %gather3A_206 = tpu.vector_load_idx %arg9[%broadcast_in_dim3A, %broadcast_in_dim3A_205, %and3A_161] masked %lt3A_158 : memref<6x64x128xf32, #tpu.memory_space<vmem>>[vector<16xi32>, vector<16xi32>, vector<16xi32>], vector<16xf32>, vector<16xi1>
            tpu.vector_store_idx %arg10[%rem3A_174, %broadcast_in_dim3A_205], %gather3A_206 masked %lt3A_158 : memref<48x128xf32, #tpu.memory_space<vmem>>[vector<16xi32>, vector<16xi32>], vector<16xf32>, vector<16xi1>
            %broadcast_in_dim3A_207 = arith.constant 11 : i32
            %broadcast_in_dim3A_208 = vector.broadcast %broadcast_in_dim3A_207 : i32 to vector<16xi32>
            %gather3A_209 = tpu.vector_load_idx %arg9[%broadcast_in_dim3A, %broadcast_in_dim3A_208, %and3A_161] masked %lt3A_158 : memref<6x64x128xf32, #tpu.memory_space<vmem>>[vector<16xi32>, vector<16xi32>, vector<16xi32>], vector<16xf32>, vector<16xi1>
            tpu.vector_store_idx %arg10[%rem3A_174, %broadcast_in_dim3A_208], %gather3A_209 masked %lt3A_158 : memref<48x128xf32, #tpu.memory_space<vmem>>[vector<16xi32>, vector<16xi32>], vector<16xf32>, vector<16xi1>
            %broadcast_in_dim3A_210 = arith.constant 12 : i32
            %broadcast_in_dim3A_211 = vector.broadcast %broadcast_in_dim3A_210 : i32 to vector<16xi32>
            %gather3A_212 = tpu.vector_load_idx %arg9[%broadcast_in_dim3A, %broadcast_in_dim3A_211, %and3A_161] masked %lt3A_158 : memref<6x64x128xf32, #tpu.memory_space<vmem>>[vector<16xi32>, vector<16xi32>, vector<16xi32>], vector<16xf32>, vector<16xi1>
            tpu.vector_store_idx %arg10[%rem3A_174, %broadcast_in_dim3A_211], %gather3A_212 masked %lt3A_158 : memref<48x128xf32, #tpu.memory_space<vmem>>[vector<16xi32>, vector<16xi32>], vector<16xf32>, vector<16xi1>
            %broadcast_in_dim3A_213 = arith.constant 13 : i32
            %broadcast_in_dim3A_214 = vector.broadcast %broadcast_in_dim3A_213 : i32 to vector<16xi32>
            %gather3A_215 = tpu.vector_load_idx %arg9[%broadcast_in_dim3A, %broadcast_in_dim3A_214, %and3A_161] masked %lt3A_158 : memref<6x64x128xf32, #tpu.memory_space<vmem>>[vector<16xi32>, vector<16xi32>, vector<16xi32>], vector<16xf32>, vector<16xi1>
            tpu.vector_store_idx %arg10[%rem3A_174, %broadcast_in_dim3A_214], %gather3A_215 masked %lt3A_158 : memref<48x128xf32, #tpu.memory_space<vmem>>[vector<16xi32>, vector<16xi32>], vector<16xf32>, vector<16xi1>
            %broadcast_in_dim3A_216 = arith.constant 14 : i32
            %broadcast_in_dim3A_217 = vector.broadcast %broadcast_in_dim3A_216 : i32 to vector<16xi32>
            %gather3A_218 = tpu.vector_load_idx %arg9[%broadcast_in_dim3A, %broadcast_in_dim3A_217, %and3A_161] masked %lt3A_158 : memref<6x64x128xf32, #tpu.memory_space<vmem>>[vector<16xi32>, vector<16xi32>, vector<16xi32>], vector<16xf32>, vector<16xi1>
            tpu.vector_store_idx %arg10[%rem3A_174, %broadcast_in_dim3A_217], %gather3A_218 masked %lt3A_158 : memref<48x128xf32, #tpu.memory_space<vmem>>[vector<16xi32>, vector<16xi32>], vector<16xf32>, vector<16xi1>
            %broadcast_in_dim3A_219 = arith.constant 15 : i32
            %broadcast_in_dim3A_220 = vector.broadcast %broadcast_in_dim3A_219 : i32 to vector<16xi32>
            %gather3A_221 = tpu.vector_load_idx %arg9[%broadcast_in_dim3A, %broadcast_in_dim3A_220, %and3A_161] masked %lt3A_158 : memref<6x64x128xf32, #tpu.memory_space<vmem>>[vector<16xi32>, vector<16xi32>, vector<16xi32>], vector<16xf32>, vector<16xi1>
            tpu.vector_store_idx %arg10[%rem3A_174, %broadcast_in_dim3A_220], %gather3A_221 masked %lt3A_158 : memref<48x128xf32, #tpu.memory_space<vmem>>[vector<16xi32>, vector<16xi32>], vector<16xf32>, vector<16xi1>
            %broadcast_in_dim3A_222 = arith.constant 16 : i32
            %broadcast_in_dim3A_223 = vector.broadcast %broadcast_in_dim3A_222 : i32 to vector<16xi32>
            %gather3A_224 = tpu.vector_load_idx %arg9[%broadcast_in_dim3A, %broadcast_in_dim3A_223, %and3A_161] masked %lt3A_158 : memref<6x64x128xf32, #tpu.memory_space<vmem>>[vector<16xi32>, vector<16xi32>, vector<16xi32>], vector<16xf32>, vector<16xi1>
            tpu.vector_store_idx %arg10[%rem3A_174, %broadcast_in_dim3A_223], %gather3A_224 masked %lt3A_158 : memref<48x128xf32, #tpu.memory_space<vmem>>[vector<16xi32>, vector<16xi32>], vector<16xf32>, vector<16xi1>
            %broadcast_in_dim3A_225 = arith.constant 17 : i32
            %broadcast_in_dim3A_226 = vector.broadcast %broadcast_in_dim3A_225 : i32 to vector<16xi32>
            %gather3A_227 = tpu.vector_load_idx %arg9[%broadcast_in_dim3A, %broadcast_in_dim3A_226, %and3A_161] masked %lt3A_158 : memref<6x64x128xf32, #tpu.memory_space<vmem>>[vector<16xi32>, vector<16xi32>, vector<16xi32>], vector<16xf32>, vector<16xi1>
            tpu.vector_store_idx %arg10[%rem3A_174, %broadcast_in_dim3A_226], %gather3A_227 masked %lt3A_158 : memref<48x128xf32, #tpu.memory_space<vmem>>[vector<16xi32>, vector<16xi32>], vector<16xf32>, vector<16xi1>
            %broadcast_in_dim3A_228 = arith.constant 18 : i32
            %broadcast_in_dim3A_229 = vector.broadcast %broadcast_in_dim3A_228 : i32 to vector<16xi32>
            %gather3A_230 = tpu.vector_load_idx %arg9[%broadcast_in_dim3A, %broadcast_in_dim3A_229, %and3A_161] masked %lt3A_158 : memref<6x64x128xf32, #tpu.memory_space<vmem>>[vector<16xi32>, vector<16xi32>, vector<16xi32>], vector<16xf32>, vector<16xi1>
            tpu.vector_store_idx %arg10[%rem3A_174, %broadcast_in_dim3A_229], %gather3A_230 masked %lt3A_158 : memref<48x128xf32, #tpu.memory_space<vmem>>[vector<16xi32>, vector<16xi32>], vector<16xf32>, vector<16xi1>
            %broadcast_in_dim3A_231 = arith.constant 19 : i32
            %broadcast_in_dim3A_232 = vector.broadcast %broadcast_in_dim3A_231 : i32 to vector<16xi32>
            %gather3A_233 = tpu.vector_load_idx %arg9[%broadcast_in_dim3A, %broadcast_in_dim3A_232, %and3A_161] masked %lt3A_158 : memref<6x64x128xf32, #tpu.memory_space<vmem>>[vector<16xi32>, vector<16xi32>, vector<16xi32>], vector<16xf32>, vector<16xi1>
            tpu.vector_store_idx %arg10[%rem3A_174, %broadcast_in_dim3A_232], %gather3A_233 masked %lt3A_158 : memref<48x128xf32, #tpu.memory_space<vmem>>[vector<16xi32>, vector<16xi32>], vector<16xf32>, vector<16xi1>
            %broadcast_in_dim3A_234 = arith.constant 20 : i32
            %broadcast_in_dim3A_235 = vector.broadcast %broadcast_in_dim3A_234 : i32 to vector<16xi32>
            %gather3A_236 = tpu.vector_load_idx %arg9[%broadcast_in_dim3A, %broadcast_in_dim3A_235, %and3A_161] masked %lt3A_158 : memref<6x64x128xf32, #tpu.memory_space<vmem>>[vector<16xi32>, vector<16xi32>, vector<16xi32>], vector<16xf32>, vector<16xi1>
            tpu.vector_store_idx %arg10[%rem3A_174, %broadcast_in_dim3A_235], %gather3A_236 masked %lt3A_158 : memref<48x128xf32, #tpu.memory_space<vmem>>[vector<16xi32>, vector<16xi32>], vector<16xf32>, vector<16xi1>
            %broadcast_in_dim3A_237 = arith.constant 21 : i32
            %broadcast_in_dim3A_238 = vector.broadcast %broadcast_in_dim3A_237 : i32 to vector<16xi32>
            %gather3A_239 = tpu.vector_load_idx %arg9[%broadcast_in_dim3A, %broadcast_in_dim3A_238, %and3A_161] masked %lt3A_158 : memref<6x64x128xf32, #tpu.memory_space<vmem>>[vector<16xi32>, vector<16xi32>, vector<16xi32>], vector<16xf32>, vector<16xi1>
            tpu.vector_store_idx %arg10[%rem3A_174, %broadcast_in_dim3A_238], %gather3A_239 masked %lt3A_158 : memref<48x128xf32, #tpu.memory_space<vmem>>[vector<16xi32>, vector<16xi32>], vector<16xf32>, vector<16xi1>
            %broadcast_in_dim3A_240 = arith.constant 22 : i32
            %broadcast_in_dim3A_241 = vector.broadcast %broadcast_in_dim3A_240 : i32 to vector<16xi32>
            %gather3A_242 = tpu.vector_load_idx %arg9[%broadcast_in_dim3A, %broadcast_in_dim3A_241, %and3A_161] masked %lt3A_158 : memref<6x64x128xf32, #tpu.memory_space<vmem>>[vector<16xi32>, vector<16xi32>, vector<16xi32>], vector<16xf32>, vector<16xi1>
            tpu.vector_store_idx %arg10[%rem3A_174, %broadcast_in_dim3A_241], %gather3A_242 masked %lt3A_158 : memref<48x128xf32, #tpu.memory_space<vmem>>[vector<16xi32>, vector<16xi32>], vector<16xf32>, vector<16xi1>
            %broadcast_in_dim3A_243 = arith.constant 23 : i32
            %broadcast_in_dim3A_244 = vector.broadcast %broadcast_in_dim3A_243 : i32 to vector<16xi32>
            %gather3A_245 = tpu.vector_load_idx %arg9[%broadcast_in_dim3A, %broadcast_in_dim3A_244, %and3A_161] masked %lt3A_158 : memref<6x64x128xf32, #tpu.memory_space<vmem>>[vector<16xi32>, vector<16xi32>, vector<16xi32>], vector<16xf32>, vector<16xi1>
            tpu.vector_store_idx %arg10[%rem3A_174, %broadcast_in_dim3A_244], %gather3A_245 masked %lt3A_158 : memref<48x128xf32, #tpu.memory_space<vmem>>[vector<16xi32>, vector<16xi32>], vector<16xf32>, vector<16xi1>
            %broadcast_in_dim3A_246 = arith.constant 24 : i32
            %broadcast_in_dim3A_247 = vector.broadcast %broadcast_in_dim3A_246 : i32 to vector<16xi32>
            %gather3A_248 = tpu.vector_load_idx %arg9[%broadcast_in_dim3A, %broadcast_in_dim3A_247, %and3A_161] masked %lt3A_158 : memref<6x64x128xf32, #tpu.memory_space<vmem>>[vector<16xi32>, vector<16xi32>, vector<16xi32>], vector<16xf32>, vector<16xi1>
            tpu.vector_store_idx %arg10[%rem3A_174, %broadcast_in_dim3A_247], %gather3A_248 masked %lt3A_158 : memref<48x128xf32, #tpu.memory_space<vmem>>[vector<16xi32>, vector<16xi32>], vector<16xf32>, vector<16xi1>
            %broadcast_in_dim3A_249 = arith.constant 25 : i32
            %broadcast_in_dim3A_250 = vector.broadcast %broadcast_in_dim3A_249 : i32 to vector<16xi32>
            %gather3A_251 = tpu.vector_load_idx %arg9[%broadcast_in_dim3A, %broadcast_in_dim3A_250, %and3A_161] masked %lt3A_158 : memref<6x64x128xf32, #tpu.memory_space<vmem>>[vector<16xi32>, vector<16xi32>, vector<16xi32>], vector<16xf32>, vector<16xi1>
            tpu.vector_store_idx %arg10[%rem3A_174, %broadcast_in_dim3A_250], %gather3A_251 masked %lt3A_158 : memref<48x128xf32, #tpu.memory_space<vmem>>[vector<16xi32>, vector<16xi32>], vector<16xf32>, vector<16xi1>
            %broadcast_in_dim3A_252 = arith.constant 26 : i32
            %broadcast_in_dim3A_253 = vector.broadcast %broadcast_in_dim3A_252 : i32 to vector<16xi32>
            %gather3A_254 = tpu.vector_load_idx %arg9[%broadcast_in_dim3A, %broadcast_in_dim3A_253, %and3A_161] masked %lt3A_158 : memref<6x64x128xf32, #tpu.memory_space<vmem>>[vector<16xi32>, vector<16xi32>, vector<16xi32>], vector<16xf32>, vector<16xi1>
            tpu.vector_store_idx %arg10[%rem3A_174, %broadcast_in_dim3A_253], %gather3A_254 masked %lt3A_158 : memref<48x128xf32, #tpu.memory_space<vmem>>[vector<16xi32>, vector<16xi32>], vector<16xf32>, vector<16xi1>
            %broadcast_in_dim3A_255 = arith.constant 27 : i32
            %broadcast_in_dim3A_256 = vector.broadcast %broadcast_in_dim3A_255 : i32 to vector<16xi32>
            %gather3A_257 = tpu.vector_load_idx %arg9[%broadcast_in_dim3A, %broadcast_in_dim3A_256, %and3A_161] masked %lt3A_158 : memref<6x64x128xf32, #tpu.memory_space<vmem>>[vector<16xi32>, vector<16xi32>, vector<16xi32>], vector<16xf32>, vector<16xi1>
            tpu.vector_store_idx %arg10[%rem3A_174, %broadcast_in_dim3A_256], %gather3A_257 masked %lt3A_158 : memref<48x128xf32, #tpu.memory_space<vmem>>[vector<16xi32>, vector<16xi32>], vector<16xf32>, vector<16xi1>
            %broadcast_in_dim3A_258 = arith.constant 28 : i32
            %broadcast_in_dim3A_259 = vector.broadcast %broadcast_in_dim3A_258 : i32 to vector<16xi32>
            %gather3A_260 = tpu.vector_load_idx %arg9[%broadcast_in_dim3A, %broadcast_in_dim3A_259, %and3A_161] masked %lt3A_158 : memref<6x64x128xf32, #tpu.memory_space<vmem>>[vector<16xi32>, vector<16xi32>, vector<16xi32>], vector<16xf32>, vector<16xi1>
            tpu.vector_store_idx %arg10[%rem3A_174, %broadcast_in_dim3A_259], %gather3A_260 masked %lt3A_158 : memref<48x128xf32, #tpu.memory_space<vmem>>[vector<16xi32>, vector<16xi32>], vector<16xf32>, vector<16xi1>
            %broadcast_in_dim3A_261 = arith.constant 29 : i32
            %broadcast_in_dim3A_262 = vector.broadcast %broadcast_in_dim3A_261 : i32 to vector<16xi32>
            %gather3A_263 = tpu.vector_load_idx %arg9[%broadcast_in_dim3A, %broadcast_in_dim3A_262, %and3A_161] masked %lt3A_158 : memref<6x64x128xf32, #tpu.memory_space<vmem>>[vector<16xi32>, vector<16xi32>, vector<16xi32>], vector<16xf32>, vector<16xi1>
            tpu.vector_store_idx %arg10[%rem3A_174, %broadcast_in_dim3A_262], %gather3A_263 masked %lt3A_158 : memref<48x128xf32, #tpu.memory_space<vmem>>[vector<16xi32>, vector<16xi32>], vector<16xf32>, vector<16xi1>
            %broadcast_in_dim3A_264 = arith.constant 30 : i32
            %broadcast_in_dim3A_265 = vector.broadcast %broadcast_in_dim3A_264 : i32 to vector<16xi32>
            %gather3A_266 = tpu.vector_load_idx %arg9[%broadcast_in_dim3A, %broadcast_in_dim3A_265, %and3A_161] masked %lt3A_158 : memref<6x64x128xf32, #tpu.memory_space<vmem>>[vector<16xi32>, vector<16xi32>, vector<16xi32>], vector<16xf32>, vector<16xi1>
            tpu.vector_store_idx %arg10[%rem3A_174, %broadcast_in_dim3A_265], %gather3A_266 masked %lt3A_158 : memref<48x128xf32, #tpu.memory_space<vmem>>[vector<16xi32>, vector<16xi32>], vector<16xf32>, vector<16xi1>
            %broadcast_in_dim3A_267 = arith.constant 31 : i32
            %broadcast_in_dim3A_268 = vector.broadcast %broadcast_in_dim3A_267 : i32 to vector<16xi32>
            %gather3A_269 = tpu.vector_load_idx %arg9[%broadcast_in_dim3A, %broadcast_in_dim3A_268, %and3A_161] masked %lt3A_158 : memref<6x64x128xf32, #tpu.memory_space<vmem>>[vector<16xi32>, vector<16xi32>, vector<16xi32>], vector<16xf32>, vector<16xi1>
            tpu.vector_store_idx %arg10[%rem3A_174, %broadcast_in_dim3A_268], %gather3A_269 masked %lt3A_158 : memref<48x128xf32, #tpu.memory_space<vmem>>[vector<16xi32>, vector<16xi32>], vector<16xf32>, vector<16xi1>
            %broadcast_in_dim3A_270 = arith.constant 32 : i32
            %broadcast_in_dim3A_271 = vector.broadcast %broadcast_in_dim3A_270 : i32 to vector<16xi32>
            %gather3A_272 = tpu.vector_load_idx %arg9[%broadcast_in_dim3A, %broadcast_in_dim3A_271, %and3A_161] masked %lt3A_158 : memref<6x64x128xf32, #tpu.memory_space<vmem>>[vector<16xi32>, vector<16xi32>, vector<16xi32>], vector<16xf32>, vector<16xi1>
            tpu.vector_store_idx %arg10[%rem3A_174, %broadcast_in_dim3A_271], %gather3A_272 masked %lt3A_158 : memref<48x128xf32, #tpu.memory_space<vmem>>[vector<16xi32>, vector<16xi32>], vector<16xf32>, vector<16xi1>
            %broadcast_in_dim3A_273 = arith.constant 33 : i32
            %broadcast_in_dim3A_274 = vector.broadcast %broadcast_in_dim3A_273 : i32 to vector<16xi32>
            %gather3A_275 = tpu.vector_load_idx %arg9[%broadcast_in_dim3A, %broadcast_in_dim3A_274, %and3A_161] masked %lt3A_158 : memref<6x64x128xf32, #tpu.memory_space<vmem>>[vector<16xi32>, vector<16xi32>, vector<16xi32>], vector<16xf32>, vector<16xi1>
            tpu.vector_store_idx %arg10[%rem3A_174, %broadcast_in_dim3A_274], %gather3A_275 masked %lt3A_158 : memref<48x128xf32, #tpu.memory_space<vmem>>[vector<16xi32>, vector<16xi32>], vector<16xf32>, vector<16xi1>
            %broadcast_in_dim3A_276 = arith.constant 34 : i32
            %broadcast_in_dim3A_277 = vector.broadcast %broadcast_in_dim3A_276 : i32 to vector<16xi32>
            %gather3A_278 = tpu.vector_load_idx %arg9[%broadcast_in_dim3A, %broadcast_in_dim3A_277, %and3A_161] masked %lt3A_158 : memref<6x64x128xf32, #tpu.memory_space<vmem>>[vector<16xi32>, vector<16xi32>, vector<16xi32>], vector<16xf32>, vector<16xi1>
            tpu.vector_store_idx %arg10[%rem3A_174, %broadcast_in_dim3A_277], %gather3A_278 masked %lt3A_158 : memref<48x128xf32, #tpu.memory_space<vmem>>[vector<16xi32>, vector<16xi32>], vector<16xf32>, vector<16xi1>
            %broadcast_in_dim3A_279 = arith.constant 35 : i32
            %broadcast_in_dim3A_280 = vector.broadcast %broadcast_in_dim3A_279 : i32 to vector<16xi32>
            %gather3A_281 = tpu.vector_load_idx %arg9[%broadcast_in_dim3A, %broadcast_in_dim3A_280, %and3A_161] masked %lt3A_158 : memref<6x64x128xf32, #tpu.memory_space<vmem>>[vector<16xi32>, vector<16xi32>, vector<16xi32>], vector<16xf32>, vector<16xi1>
            tpu.vector_store_idx %arg10[%rem3A_174, %broadcast_in_dim3A_280], %gather3A_281 masked %lt3A_158 : memref<48x128xf32, #tpu.memory_space<vmem>>[vector<16xi32>, vector<16xi32>], vector<16xf32>, vector<16xi1>
            %broadcast_in_dim3A_282 = arith.constant 36 : i32
            %broadcast_in_dim3A_283 = vector.broadcast %broadcast_in_dim3A_282 : i32 to vector<16xi32>
            %gather3A_284 = tpu.vector_load_idx %arg9[%broadcast_in_dim3A, %broadcast_in_dim3A_283, %and3A_161] masked %lt3A_158 : memref<6x64x128xf32, #tpu.memory_space<vmem>>[vector<16xi32>, vector<16xi32>, vector<16xi32>], vector<16xf32>, vector<16xi1>
            tpu.vector_store_idx %arg10[%rem3A_174, %broadcast_in_dim3A_283], %gather3A_284 masked %lt3A_158 : memref<48x128xf32, #tpu.memory_space<vmem>>[vector<16xi32>, vector<16xi32>], vector<16xf32>, vector<16xi1>
            %broadcast_in_dim3A_285 = arith.constant 37 : i32
            %broadcast_in_dim3A_286 = vector.broadcast %broadcast_in_dim3A_285 : i32 to vector<16xi32>
            %gather3A_287 = tpu.vector_load_idx %arg9[%broadcast_in_dim3A, %broadcast_in_dim3A_286, %and3A_161] masked %lt3A_158 : memref<6x64x128xf32, #tpu.memory_space<vmem>>[vector<16xi32>, vector<16xi32>, vector<16xi32>], vector<16xf32>, vector<16xi1>
            tpu.vector_store_idx %arg10[%rem3A_174, %broadcast_in_dim3A_286], %gather3A_287 masked %lt3A_158 : memref<48x128xf32, #tpu.memory_space<vmem>>[vector<16xi32>, vector<16xi32>], vector<16xf32>, vector<16xi1>
            %broadcast_in_dim3A_288 = arith.constant 38 : i32
            %broadcast_in_dim3A_289 = vector.broadcast %broadcast_in_dim3A_288 : i32 to vector<16xi32>
            %gather3A_290 = tpu.vector_load_idx %arg9[%broadcast_in_dim3A, %broadcast_in_dim3A_289, %and3A_161] masked %lt3A_158 : memref<6x64x128xf32, #tpu.memory_space<vmem>>[vector<16xi32>, vector<16xi32>, vector<16xi32>], vector<16xf32>, vector<16xi1>
            tpu.vector_store_idx %arg10[%rem3A_174, %broadcast_in_dim3A_289], %gather3A_290 masked %lt3A_158 : memref<48x128xf32, #tpu.memory_space<vmem>>[vector<16xi32>, vector<16xi32>], vector<16xf32>, vector<16xi1>
            %broadcast_in_dim3A_291 = arith.constant 39 : i32
            %broadcast_in_dim3A_292 = vector.broadcast %broadcast_in_dim3A_291 : i32 to vector<16xi32>
            %gather3A_293 = tpu.vector_load_idx %arg9[%broadcast_in_dim3A, %broadcast_in_dim3A_292, %and3A_161] masked %lt3A_158 : memref<6x64x128xf32, #tpu.memory_space<vmem>>[vector<16xi32>, vector<16xi32>, vector<16xi32>], vector<16xf32>, vector<16xi1>
            tpu.vector_store_idx %arg10[%rem3A_174, %broadcast_in_dim3A_292], %gather3A_293 masked %lt3A_158 : memref<48x128xf32, #tpu.memory_space<vmem>>[vector<16xi32>, vector<16xi32>], vector<16xf32>, vector<16xi1>
            %broadcast_in_dim3A_294 = arith.constant 40 : i32
            %broadcast_in_dim3A_295 = vector.broadcast %broadcast_in_dim3A_294 : i32 to vector<16xi32>
            %gather3A_296 = tpu.vector_load_idx %arg9[%broadcast_in_dim3A, %broadcast_in_dim3A_295, %and3A_161] masked %lt3A_158 : memref<6x64x128xf32, #tpu.memory_space<vmem>>[vector<16xi32>, vector<16xi32>, vector<16xi32>], vector<16xf32>, vector<16xi1>
            tpu.vector_store_idx %arg10[%rem3A_174, %broadcast_in_dim3A_295], %gather3A_296 masked %lt3A_158 : memref<48x128xf32, #tpu.memory_space<vmem>>[vector<16xi32>, vector<16xi32>], vector<16xf32>, vector<16xi1>
            %broadcast_in_dim3A_297 = arith.constant 41 : i32
            %broadcast_in_dim3A_298 = vector.broadcast %broadcast_in_dim3A_297 : i32 to vector<16xi32>
            %gather3A_299 = tpu.vector_load_idx %arg9[%broadcast_in_dim3A, %broadcast_in_dim3A_298, %and3A_161] masked %lt3A_158 : memref<6x64x128xf32, #tpu.memory_space<vmem>>[vector<16xi32>, vector<16xi32>, vector<16xi32>], vector<16xf32>, vector<16xi1>
            tpu.vector_store_idx %arg10[%rem3A_174, %broadcast_in_dim3A_298], %gather3A_299 masked %lt3A_158 : memref<48x128xf32, #tpu.memory_space<vmem>>[vector<16xi32>, vector<16xi32>], vector<16xf32>, vector<16xi1>
            %broadcast_in_dim3A_300 = arith.constant 42 : i32
            %broadcast_in_dim3A_301 = vector.broadcast %broadcast_in_dim3A_300 : i32 to vector<16xi32>
            %gather3A_302 = tpu.vector_load_idx %arg9[%broadcast_in_dim3A, %broadcast_in_dim3A_301, %and3A_161] masked %lt3A_158 : memref<6x64x128xf32, #tpu.memory_space<vmem>>[vector<16xi32>, vector<16xi32>, vector<16xi32>], vector<16xf32>, vector<16xi1>
            tpu.vector_store_idx %arg10[%rem3A_174, %broadcast_in_dim3A_301], %gather3A_302 masked %lt3A_158 : memref<48x128xf32, #tpu.memory_space<vmem>>[vector<16xi32>, vector<16xi32>], vector<16xf32>, vector<16xi1>
            %broadcast_in_dim3A_303 = arith.constant 43 : i32
            %broadcast_in_dim3A_304 = vector.broadcast %broadcast_in_dim3A_303 : i32 to vector<16xi32>
            %gather3A_305 = tpu.vector_load_idx %arg9[%broadcast_in_dim3A, %broadcast_in_dim3A_304, %and3A_161] masked %lt3A_158 : memref<6x64x128xf32, #tpu.memory_space<vmem>>[vector<16xi32>, vector<16xi32>, vector<16xi32>], vector<16xf32>, vector<16xi1>
            tpu.vector_store_idx %arg10[%rem3A_174, %broadcast_in_dim3A_304], %gather3A_305 masked %lt3A_158 : memref<48x128xf32, #tpu.memory_space<vmem>>[vector<16xi32>, vector<16xi32>], vector<16xf32>, vector<16xi1>
            %broadcast_in_dim3A_306 = arith.constant 44 : i32
            %broadcast_in_dim3A_307 = vector.broadcast %broadcast_in_dim3A_306 : i32 to vector<16xi32>
            %gather3A_308 = tpu.vector_load_idx %arg9[%broadcast_in_dim3A, %broadcast_in_dim3A_307, %and3A_161] masked %lt3A_158 : memref<6x64x128xf32, #tpu.memory_space<vmem>>[vector<16xi32>, vector<16xi32>, vector<16xi32>], vector<16xf32>, vector<16xi1>
            tpu.vector_store_idx %arg10[%rem3A_174, %broadcast_in_dim3A_307], %gather3A_308 masked %lt3A_158 : memref<48x128xf32, #tpu.memory_space<vmem>>[vector<16xi32>, vector<16xi32>], vector<16xf32>, vector<16xi1>
            %broadcast_in_dim3A_309 = arith.constant 45 : i32
            %broadcast_in_dim3A_310 = vector.broadcast %broadcast_in_dim3A_309 : i32 to vector<16xi32>
            %gather3A_311 = tpu.vector_load_idx %arg9[%broadcast_in_dim3A, %broadcast_in_dim3A_310, %and3A_161] masked %lt3A_158 : memref<6x64x128xf32, #tpu.memory_space<vmem>>[vector<16xi32>, vector<16xi32>, vector<16xi32>], vector<16xf32>, vector<16xi1>
            tpu.vector_store_idx %arg10[%rem3A_174, %broadcast_in_dim3A_310], %gather3A_311 masked %lt3A_158 : memref<48x128xf32, #tpu.memory_space<vmem>>[vector<16xi32>, vector<16xi32>], vector<16xf32>, vector<16xi1>
            %broadcast_in_dim3A_312 = arith.constant 46 : i32
            %broadcast_in_dim3A_313 = vector.broadcast %broadcast_in_dim3A_312 : i32 to vector<16xi32>
            %gather3A_314 = tpu.vector_load_idx %arg9[%broadcast_in_dim3A, %broadcast_in_dim3A_313, %and3A_161] masked %lt3A_158 : memref<6x64x128xf32, #tpu.memory_space<vmem>>[vector<16xi32>, vector<16xi32>, vector<16xi32>], vector<16xf32>, vector<16xi1>
            tpu.vector_store_idx %arg10[%rem3A_174, %broadcast_in_dim3A_313], %gather3A_314 masked %lt3A_158 : memref<48x128xf32, #tpu.memory_space<vmem>>[vector<16xi32>, vector<16xi32>], vector<16xf32>, vector<16xi1>
            %broadcast_in_dim3A_315 = arith.constant 47 : i32
            %broadcast_in_dim3A_316 = vector.broadcast %broadcast_in_dim3A_315 : i32 to vector<16xi32>
            %gather3A_317 = tpu.vector_load_idx %arg9[%broadcast_in_dim3A, %broadcast_in_dim3A_316, %and3A_161] masked %lt3A_158 : memref<6x64x128xf32, #tpu.memory_space<vmem>>[vector<16xi32>, vector<16xi32>, vector<16xi32>], vector<16xf32>, vector<16xi1>
            tpu.vector_store_idx %arg10[%rem3A_174, %broadcast_in_dim3A_316], %gather3A_317 masked %lt3A_158 : memref<48x128xf32, #tpu.memory_space<vmem>>[vector<16xi32>, vector<16xi32>], vector<16xf32>, vector<16xi1>
            %broadcast_in_dim3A_318 = arith.constant 48 : i32
            %broadcast_in_dim3A_319 = vector.broadcast %broadcast_in_dim3A_318 : i32 to vector<16xi32>
            %gather3A_320 = tpu.vector_load_idx %arg9[%broadcast_in_dim3A, %broadcast_in_dim3A_319, %and3A_161] masked %lt3A_158 : memref<6x64x128xf32, #tpu.memory_space<vmem>>[vector<16xi32>, vector<16xi32>, vector<16xi32>], vector<16xf32>, vector<16xi1>
            tpu.vector_store_idx %arg10[%rem3A_174, %broadcast_in_dim3A_319], %gather3A_320 masked %lt3A_158 : memref<48x128xf32, #tpu.memory_space<vmem>>[vector<16xi32>, vector<16xi32>], vector<16xf32>, vector<16xi1>
            %broadcast_in_dim3A_321 = arith.constant 49 : i32
            %broadcast_in_dim3A_322 = vector.broadcast %broadcast_in_dim3A_321 : i32 to vector<16xi32>
            %gather3A_323 = tpu.vector_load_idx %arg9[%broadcast_in_dim3A, %broadcast_in_dim3A_322, %and3A_161] masked %lt3A_158 : memref<6x64x128xf32, #tpu.memory_space<vmem>>[vector<16xi32>, vector<16xi32>, vector<16xi32>], vector<16xf32>, vector<16xi1>
            tpu.vector_store_idx %arg10[%rem3A_174, %broadcast_in_dim3A_322], %gather3A_323 masked %lt3A_158 : memref<48x128xf32, #tpu.memory_space<vmem>>[vector<16xi32>, vector<16xi32>], vector<16xf32>, vector<16xi1>
            %broadcast_in_dim3A_324 = arith.constant 50 : i32
            %broadcast_in_dim3A_325 = vector.broadcast %broadcast_in_dim3A_324 : i32 to vector<16xi32>
            %gather3A_326 = tpu.vector_load_idx %arg9[%broadcast_in_dim3A, %broadcast_in_dim3A_325, %and3A_161] masked %lt3A_158 : memref<6x64x128xf32, #tpu.memory_space<vmem>>[vector<16xi32>, vector<16xi32>, vector<16xi32>], vector<16xf32>, vector<16xi1>
            tpu.vector_store_idx %arg10[%rem3A_174, %broadcast_in_dim3A_325], %gather3A_326 masked %lt3A_158 : memref<48x128xf32, #tpu.memory_space<vmem>>[vector<16xi32>, vector<16xi32>], vector<16xf32>, vector<16xi1>
            %broadcast_in_dim3A_327 = arith.constant 51 : i32
            %broadcast_in_dim3A_328 = vector.broadcast %broadcast_in_dim3A_327 : i32 to vector<16xi32>
            %gather3A_329 = tpu.vector_load_idx %arg9[%broadcast_in_dim3A, %broadcast_in_dim3A_328, %and3A_161] masked %lt3A_158 : memref<6x64x128xf32, #tpu.memory_space<vmem>>[vector<16xi32>, vector<16xi32>, vector<16xi32>], vector<16xf32>, vector<16xi1>
            tpu.vector_store_idx %arg10[%rem3A_174, %broadcast_in_dim3A_328], %gather3A_329 masked %lt3A_158 : memref<48x128xf32, #tpu.memory_space<vmem>>[vector<16xi32>, vector<16xi32>], vector<16xf32>, vector<16xi1>
            %broadcast_in_dim3A_330 = arith.constant 52 : i32
            %broadcast_in_dim3A_331 = vector.broadcast %broadcast_in_dim3A_330 : i32 to vector<16xi32>
            %gather3A_332 = tpu.vector_load_idx %arg9[%broadcast_in_dim3A, %broadcast_in_dim3A_331, %and3A_161] masked %lt3A_158 : memref<6x64x128xf32, #tpu.memory_space<vmem>>[vector<16xi32>, vector<16xi32>, vector<16xi32>], vector<16xf32>, vector<16xi1>
            tpu.vector_store_idx %arg10[%rem3A_174, %broadcast_in_dim3A_331], %gather3A_332 masked %lt3A_158 : memref<48x128xf32, #tpu.memory_space<vmem>>[vector<16xi32>, vector<16xi32>], vector<16xf32>, vector<16xi1>
            %broadcast_in_dim3A_333 = arith.constant 53 : i32
            %broadcast_in_dim3A_334 = vector.broadcast %broadcast_in_dim3A_333 : i32 to vector<16xi32>
            %gather3A_335 = tpu.vector_load_idx %arg9[%broadcast_in_dim3A, %broadcast_in_dim3A_334, %and3A_161] masked %lt3A_158 : memref<6x64x128xf32, #tpu.memory_space<vmem>>[vector<16xi32>, vector<16xi32>, vector<16xi32>], vector<16xf32>, vector<16xi1>
            tpu.vector_store_idx %arg10[%rem3A_174, %broadcast_in_dim3A_334], %gather3A_335 masked %lt3A_158 : memref<48x128xf32, #tpu.memory_space<vmem>>[vector<16xi32>, vector<16xi32>], vector<16xf32>, vector<16xi1>
            %broadcast_in_dim3A_336 = arith.constant 54 : i32
            %broadcast_in_dim3A_337 = vector.broadcast %broadcast_in_dim3A_336 : i32 to vector<16xi32>
            %gather3A_338 = tpu.vector_load_idx %arg9[%broadcast_in_dim3A, %broadcast_in_dim3A_337, %and3A_161] masked %lt3A_158 : memref<6x64x128xf32, #tpu.memory_space<vmem>>[vector<16xi32>, vector<16xi32>, vector<16xi32>], vector<16xf32>, vector<16xi1>
            tpu.vector_store_idx %arg10[%rem3A_174, %broadcast_in_dim3A_337], %gather3A_338 masked %lt3A_158 : memref<48x128xf32, #tpu.memory_space<vmem>>[vector<16xi32>, vector<16xi32>], vector<16xf32>, vector<16xi1>
            %broadcast_in_dim3A_339 = arith.constant 55 : i32
            %broadcast_in_dim3A_340 = vector.broadcast %broadcast_in_dim3A_339 : i32 to vector<16xi32>
            %gather3A_341 = tpu.vector_load_idx %arg9[%broadcast_in_dim3A, %broadcast_in_dim3A_340, %and3A_161] masked %lt3A_158 : memref<6x64x128xf32, #tpu.memory_space<vmem>>[vector<16xi32>, vector<16xi32>, vector<16xi32>], vector<16xf32>, vector<16xi1>
            tpu.vector_store_idx %arg10[%rem3A_174, %broadcast_in_dim3A_340], %gather3A_341 masked %lt3A_158 : memref<48x128xf32, #tpu.memory_space<vmem>>[vector<16xi32>, vector<16xi32>], vector<16xf32>, vector<16xi1>
            %broadcast_in_dim3A_342 = arith.constant 56 : i32
            %broadcast_in_dim3A_343 = vector.broadcast %broadcast_in_dim3A_342 : i32 to vector<16xi32>
            %gather3A_344 = tpu.vector_load_idx %arg9[%broadcast_in_dim3A, %broadcast_in_dim3A_343, %and3A_161] masked %lt3A_158 : memref<6x64x128xf32, #tpu.memory_space<vmem>>[vector<16xi32>, vector<16xi32>, vector<16xi32>], vector<16xf32>, vector<16xi1>
            tpu.vector_store_idx %arg10[%rem3A_174, %broadcast_in_dim3A_343], %gather3A_344 masked %lt3A_158 : memref<48x128xf32, #tpu.memory_space<vmem>>[vector<16xi32>, vector<16xi32>], vector<16xf32>, vector<16xi1>
            %broadcast_in_dim3A_345 = arith.constant 57 : i32
            %broadcast_in_dim3A_346 = vector.broadcast %broadcast_in_dim3A_345 : i32 to vector<16xi32>
            %gather3A_347 = tpu.vector_load_idx %arg9[%broadcast_in_dim3A, %broadcast_in_dim3A_346, %and3A_161] masked %lt3A_158 : memref<6x64x128xf32, #tpu.memory_space<vmem>>[vector<16xi32>, vector<16xi32>, vector<16xi32>], vector<16xf32>, vector<16xi1>
            tpu.vector_store_idx %arg10[%rem3A_174, %broadcast_in_dim3A_346], %gather3A_347 masked %lt3A_158 : memref<48x128xf32, #tpu.memory_space<vmem>>[vector<16xi32>, vector<16xi32>], vector<16xf32>, vector<16xi1>
            %broadcast_in_dim3A_348 = arith.constant 58 : i32
            %broadcast_in_dim3A_349 = vector.broadcast %broadcast_in_dim3A_348 : i32 to vector<16xi32>
            %gather3A_350 = tpu.vector_load_idx %arg9[%broadcast_in_dim3A, %broadcast_in_dim3A_349, %and3A_161] masked %lt3A_158 : memref<6x64x128xf32, #tpu.memory_space<vmem>>[vector<16xi32>, vector<16xi32>, vector<16xi32>], vector<16xf32>, vector<16xi1>
            tpu.vector_store_idx %arg10[%rem3A_174, %broadcast_in_dim3A_349], %gather3A_350 masked %lt3A_158 : memref<48x128xf32, #tpu.memory_space<vmem>>[vector<16xi32>, vector<16xi32>], vector<16xf32>, vector<16xi1>
            %broadcast_in_dim3A_351 = arith.constant 59 : i32
            %broadcast_in_dim3A_352 = vector.broadcast %broadcast_in_dim3A_351 : i32 to vector<16xi32>
            %gather3A_353 = tpu.vector_load_idx %arg9[%broadcast_in_dim3A, %broadcast_in_dim3A_352, %and3A_161] masked %lt3A_158 : memref<6x64x128xf32, #tpu.memory_space<vmem>>[vector<16xi32>, vector<16xi32>, vector<16xi32>], vector<16xf32>, vector<16xi1>
            tpu.vector_store_idx %arg10[%rem3A_174, %broadcast_in_dim3A_352], %gather3A_353 masked %lt3A_158 : memref<48x128xf32, #tpu.memory_space<vmem>>[vector<16xi32>, vector<16xi32>], vector<16xf32>, vector<16xi1>
            %broadcast_in_dim3A_354 = arith.constant 60 : i32
            %broadcast_in_dim3A_355 = vector.broadcast %broadcast_in_dim3A_354 : i32 to vector<16xi32>
            %gather3A_356 = tpu.vector_load_idx %arg9[%broadcast_in_dim3A, %broadcast_in_dim3A_355, %and3A_161] masked %lt3A_158 : memref<6x64x128xf32, #tpu.memory_space<vmem>>[vector<16xi32>, vector<16xi32>, vector<16xi32>], vector<16xf32>, vector<16xi1>
            tpu.vector_store_idx %arg10[%rem3A_174, %broadcast_in_dim3A_355], %gather3A_356 masked %lt3A_158 : memref<48x128xf32, #tpu.memory_space<vmem>>[vector<16xi32>, vector<16xi32>], vector<16xf32>, vector<16xi1>
            %broadcast_in_dim3A_357 = arith.constant 61 : i32
            %broadcast_in_dim3A_358 = vector.broadcast %broadcast_in_dim3A_357 : i32 to vector<16xi32>
            %gather3A_359 = tpu.vector_load_idx %arg9[%broadcast_in_dim3A, %broadcast_in_dim3A_358, %and3A_161] masked %lt3A_158 : memref<6x64x128xf32, #tpu.memory_space<vmem>>[vector<16xi32>, vector<16xi32>, vector<16xi32>], vector<16xf32>, vector<16xi1>
            tpu.vector_store_idx %arg10[%rem3A_174, %broadcast_in_dim3A_358], %gather3A_359 masked %lt3A_158 : memref<48x128xf32, #tpu.memory_space<vmem>>[vector<16xi32>, vector<16xi32>], vector<16xf32>, vector<16xi1>
            %broadcast_in_dim3A_360 = arith.constant 62 : i32
            %broadcast_in_dim3A_361 = vector.broadcast %broadcast_in_dim3A_360 : i32 to vector<16xi32>
            %gather3A_362 = tpu.vector_load_idx %arg9[%broadcast_in_dim3A, %broadcast_in_dim3A_361, %and3A_161] masked %lt3A_158 : memref<6x64x128xf32, #tpu.memory_space<vmem>>[vector<16xi32>, vector<16xi32>, vector<16xi32>], vector<16xf32>, vector<16xi1>
            tpu.vector_store_idx %arg10[%rem3A_174, %broadcast_in_dim3A_361], %gather3A_362 masked %lt3A_158 : memref<48x128xf32, #tpu.memory_space<vmem>>[vector<16xi32>, vector<16xi32>], vector<16xf32>, vector<16xi1>
            %broadcast_in_dim3A_363 = arith.constant 63 : i32
            %broadcast_in_dim3A_364 = vector.broadcast %broadcast_in_dim3A_363 : i32 to vector<16xi32>
            %gather3A_365 = tpu.vector_load_idx %arg9[%broadcast_in_dim3A, %broadcast_in_dim3A_364, %and3A_161] masked %lt3A_158 : memref<6x64x128xf32, #tpu.memory_space<vmem>>[vector<16xi32>, vector<16xi32>, vector<16xi32>], vector<16xf32>, vector<16xi1>
            tpu.vector_store_idx %arg10[%rem3A_174, %broadcast_in_dim3A_364], %gather3A_365 masked %lt3A_158 : memref<48x128xf32, #tpu.memory_space<vmem>>[vector<16xi32>, vector<16xi32>], vector<16xf32>, vector<16xi1>
            tpu.vector_store_idx %arg11[%rem3A_174], %get3A_153 masked %lt3A_158 : memref<48xi32, #tpu.memory_space<vmem>>[vector<16xi32>], vector<16xi32>, vector<16xi1>
            %slice3A = vector.extract_strided_slice %masked_cumsum3A {offsets = [15], sizes = [1], strides = [1]} : vector<16xi32> to vector<1xi32>
            %squeeze3A = vector.extract %slice3A[0] : i32 from vector<1xi32>
            %add3A_366 = arith.addi %while3A_144, %squeeze3A : i32
            %shift_right_arithmetic3A_367 = arith.constant 4 : i32
            %shift_right_arithmetic3A_368 = arith.shrsi %add3A_366, %shift_right_arithmetic3A_367 : i32
            %shift_right_arithmetic3A_369 = arith.constant 4 : i32
            %shift_right_arithmetic3A_370 = arith.shrsi %while3A_144, %shift_right_arithmetic3A_369 : i32
            %ne3A = arith.cmpi ne, %shift_right_arithmetic3A_368, %shift_right_arithmetic3A_370 : i32
            %convert_element_type3A_371 = arith.extui %ne3A : i1 to i32
            %cond3A_372 = arith.constant 0 : i32
            %cond3A_373 = arith.cmpi ne, %convert_element_type3A_371, %cond3A_372 : i32
            %cond3A_374 = scf.if %cond3A_373 -> (i32) {
              %shift_right_arithmetic3A_375 = arith.constant 4 : i32
              %shift_right_arithmetic3A_376 = arith.shrsi %while3A_144, %shift_right_arithmetic3A_375 : i32
              %rem3A_377 = arith.constant 3 : i32
              %rem3A_378 = arith.remsi %shift_right_arithmetic3A_376, %rem3A_377 : i32
              %mul3A_379 = arith.constant 16 : i32
              %mul3A_380 = arith.muli %rem3A_378, %mul3A_379 : i32
              %multiple_of3A_381 = tpu.assume_multiple %mul3A_380, 16 : i32
              %ge3A_382 = arith.constant 1 : i32
              %ge3A_383 = arith.cmpi sge, %while3A_145, %ge3A_382 : i32
              %convert_element_type3A_384 = arith.extui %ge3A_383 : i1 to i32
              %cond3A_385 = arith.constant 0 : i32
              %cond3A_386 = arith.cmpi ne, %convert_element_type3A_384, %cond3A_385 : i32
              scf.if %cond3A_386 {
                %dma_wait3A_395 = arith.constant 0 : i32
                %dma_wait3A_396 = arith.constant 0 : i32
                %dma_wait3A_397 = tpu.memref_slice %arg10[%dma_wait3A_395, %dma_wait3A_396] : memref<48x128xf32, #tpu.memory_space<vmem>> -> memref<16x128xf32, #tpu.memory_space<vmem>>
                %dma_wait3A_398 = arith.constant 0 : i32
                %dma_wait3A_399 = arith.constant 0 : i32
                %dma_wait3A_400 = tpu.memref_slice %arg3[%dma_wait3A_398, %dma_wait3A_399] : memref<64x1000000xf32, #tpu.memory_space<hbm>> -> memref<16x128xf32, #tpu.memory_space<hbm>>
                %dma_wait3A_401 = arith.constant 0 : i32
                %dma_wait3A_402 = arith.constant 0 : i32
                %dma_wait3A_403 = tpu.memref_slice %arg10[%dma_wait3A_401, %dma_wait3A_402] : memref<48x128xf32, #tpu.memory_space<vmem>> -> memref<16x128xf32, #tpu.memory_space<vmem>>
                %dma_wait3A_404 = arith.constant 0 : i32
                %dma_wait3A_405 = arith.constant 0 : i32
                %dma_wait3A_406 = tpu.memref_slice %arg3[%dma_wait3A_404, %dma_wait3A_405] : memref<64x1000000xf32, #tpu.memory_space<hbm>> -> memref<16x128xf32, #tpu.memory_space<hbm>>
                tpu.wait_dma2 semaphore(%arg17 : memref<!tpu.dma_semaphore, #tpu.memory_space<semaphore_mem>>) src(%dma_wait3A_406 : memref<16x128xf32, #tpu.memory_space<hbm>>) dst(%dma_wait3A_403 : memref<16x128xf32, #tpu.memory_space<vmem>>)
              } else {
              }
              %dma_start3A_387 = arith.constant 0 : i32
              %dma_start3A_388 = tpu.memref_slice %arg10[%multiple_of3A_381, %dma_start3A_387] : memref<48x128xf32, #tpu.memory_space<vmem>> -> memref<16x128xf32, #tpu.memory_space<vmem>>
              %dma_start3A_389 = tpu.memref_slice %arg11[%multiple_of3A_381] : memref<48xi32, #tpu.memory_space<vmem>> -> memref<16xi32, #tpu.memory_space<vmem>>
              %dma_start3A_390 = arith.constant 0 : i32
              %dma_start3A_391 = arith.constant 0 : i32
              %dma_start3A_392 = tpu.memref_slice %arg4[%dma_start3A_390, %dma_start3A_391] : memref<16400x128xf32, #tpu.memory_space<hbm>> -> memref<16400x128xf32, #tpu.memory_space<hbm>>
              tpu.enqueue_indirect_dma source(%dma_start3A_388 : memref<16x128xf32, #tpu.memory_space<vmem>>) target(%dma_start3A_392 : memref<16400x128xf32, #tpu.memory_space<hbm>>) offsets(%dma_start3A_389 : memref<16xi32, #tpu.memory_space<vmem>>) semaphore(%arg17 : memref<!tpu.dma_semaphore, #tpu.memory_space<semaphore_mem>>)
              %add3A_393 = arith.constant 1 : i32
              %add3A_394 = arith.addi %while3A_145, %add3A_393 : i32
              scf.yield %add3A_394 : i32
            } else {
              scf.yield %while3A_145 : i32
            }
            scf.yield %add3A_366, %cond3A_374 : i32, i32
          }
          %while3A_141 = arith.constant 1 : i32
          %while3A_142:2 = scf.for %while3A_143 = %while3A_138 to %while3A_134 step %while3A_141 iter_args(%while3A_144 = %while3A_140#0, %while3A_145 = %while3A_140#1) -> (i32, i32)  : i32 {
            %mul3A_146 = arith.constant 16 : i32
            %mul3A_147 = arith.muli %while3A_143, %mul3A_146 : i32
            %add3A_148 = arith.addi %get3A_127, %mul3A_147 : i32
            %multiple_of3A_149 = tpu.assume_multiple %add3A_148, 16 : i32
            %get3A_150 = arith.index_cast %multiple_of3A_149 : i32 to index
            %get3A_151 = tpu.vector_load %arg7[%get3A_150] {strides = array<i32>} : memref<20075xi32, #tpu.memory_space<vmem>>, vector<16xi32>,
            %get3A_152 = arith.index_cast %multiple_of3A_149 : i32 to index
            %get3A_153 = tpu.vector_load %arg8[%get3A_152] {strides = array<i32>} : memref<20075xi32, #tpu.memory_space<vmem>>, vector<16xi32>,
            %mul3A_154 = arith.constant 16 : i32
            %mul3A_155 = arith.muli %while3A_143, %mul3A_154 : i32
            %sub3A_156 = arith.subi %get3A_125, %mul3A_155 : i32
            %lt3A_157 = vector.broadcast %sub3A_156 : i32 to vector<16xi32>
            %lt3A_158 = arith.cmpi slt, %iota3A, %lt3A_157 : vector<16xi32>
            %and3A_159 = arith.constant 127 : i32
            %and3A_160 = vector.broadcast %and3A_159 : i32 to vector<16xi32>
            %and3A_161 = arith.andi %get3A_151, %and3A_160 : vector<16xi32>
            %jit3A = arith.constant 1 : i32
            %jit3A_162 = arith.constant 0 : i32
            %broadcast_in_dim3A_163 = vector.broadcast %jit3A : i32 to vector<16xi32>
            %broadcast_in_dim3A_164 = vector.broadcast %jit3A_162 : i32 to vector<16xi32>
            %select_n3A = arith.select %lt3A_158, %broadcast_in_dim3A_163, %broadcast_in_dim3A_164 : vector<16xi1>, vector<16xi32>
            %broadcast_in_dim3A_165 = arith.constant true
            %broadcast_in_dim3A_166 = vector.broadcast %broadcast_in_dim3A_165 : i1 to vector<16xi1>
            %masked_cumsum3A = tpu.scan <sum>, %select_n3A masked %broadcast_in_dim3A_166 : vector<16xi32>, vector<16xi1> -> vector<16xi32>
            %add3A_167 = vector.broadcast %while3A_144 : i32 to vector<16xi32>
            %add3A_168 = arith.addi %add3A_167, %masked_cumsum3A : vector<16xi32>
            %sub3A_169 = arith.constant 1 : i32
            %sub3A_170 = vector.broadcast %sub3A_169 : i32 to vector<16xi32>
            %sub3A_171 = arith.subi %add3A_168, %sub3A_170 : vector<16xi32>
            %rem3A_172 = arith.constant 48 : i32
            %rem3A_173 = vector.broadcast %rem3A_172 : i32 to vector<16xi32>
            %rem3A_174 = arith.remsi %sub3A_171, %rem3A_173 : vector<16xi32>
            %broadcast_in_dim3A_175 = arith.constant 0 : i32
            %broadcast_in_dim3A_176 = vector.broadcast %broadcast_in_dim3A_175 : i32 to vector<16xi32>
            %gather3A = tpu.vector_load_idx %arg9[%broadcast_in_dim3A, %broadcast_in_dim3A_176, %and3A_161] masked %lt3A_158 : memref<6x64x128xf32, #tpu.memory_space<vmem>>[vector<16xi32>, vector<16xi32>, vector<16xi32>], vector<16xf32>, vector<16xi1>
            tpu.vector_store_idx %arg10[%rem3A_174, %broadcast_in_dim3A_176], %gather3A masked %lt3A_158 : memref<48x128xf32, #tpu.memory_space<vmem>>[vector<16xi32>, vector<16xi32>], vector<16xf32>, vector<16xi1>
            %broadcast_in_dim3A_177 = arith.constant 1 : i32
            %broadcast_in_dim3A_178 = vector.broadcast %broadcast_in_dim3A_177 : i32 to vector<16xi32>
            %gather3A_179 = tpu.vector_load_idx %arg9[%broadcast_in_dim3A, %broadcast_in_dim3A_178, %and3A_161] masked %lt3A_158 : memref<6x64x128xf32, #tpu.memory_space<vmem>>[vector<16xi32>, vector<16xi32>, vector<16xi32>], vector<16xf32>, vector<16xi1>
            tpu.vector_store_idx %arg10[%rem3A_174, %broadcast_in_dim3A_178], %gather3A_179 masked %lt3A_158 : memref<48x128xf32, #tpu.memory_space<vmem>>[vector<16xi32>, vector<16xi32>], vector<16xf32>, vector<16xi1>
            %broadcast_in_dim3A_180 = arith.constant 2 : i32
            %broadcast_in_dim3A_181 = vector.broadcast %broadcast_in_dim3A_180 : i32 to vector<16xi32>
            %gather3A_182 = tpu.vector_load_idx %arg9[%broadcast_in_dim3A, %broadcast_in_dim3A_181, %and3A_161] masked %lt3A_158 : memref<6x64x128xf32, #tpu.memory_space<vmem>>[vector<16xi32>, vector<16xi32>, vector<16xi32>], vector<16xf32>, vector<16xi1>
            tpu.vector_store_idx %arg10[%rem3A_174, %broadcast_in_dim3A_181], %gather3A_182 masked %lt3A_158 : memref<48x128xf32, #tpu.memory_space<vmem>>[vector<16xi32>, vector<16xi32>], vector<16xf32>, vector<16xi1>
            %broadcast_in_dim3A_183 = arith.constant 3 : i32
            %broadcast_in_dim3A_184 = vector.broadcast %broadcast_in_dim3A_183 : i32 to vector<16xi32>
            %gather3A_185 = tpu.vector_load_idx %arg9[%broadcast_in_dim3A, %broadcast_in_dim3A_184, %and3A_161] masked %lt3A_158 : memref<6x64x128xf32, #tpu.memory_space<vmem>>[vector<16xi32>, vector<16xi32>, vector<16xi32>], vector<16xf32>, vector<16xi1>
            tpu.vector_store_idx %arg10[%rem3A_174, %broadcast_in_dim3A_184], %gather3A_185 masked %lt3A_158 : memref<48x128xf32, #tpu.memory_space<vmem>>[vector<16xi32>, vector<16xi32>], vector<16xf32>, vector<16xi1>
            %broadcast_in_dim3A_186 = arith.constant 4 : i32
            %broadcast_in_dim3A_187 = vector.broadcast %broadcast_in_dim3A_186 : i32 to vector<16xi32>
            %gather3A_188 = tpu.vector_load_idx %arg9[%broadcast_in_dim3A, %broadcast_in_dim3A_187, %and3A_161] masked %lt3A_158 : memref<6x64x128xf32, #tpu.memory_space<vmem>>[vector<16xi32>, vector<16xi32>, vector<16xi32>], vector<16xf32>, vector<16xi1>
            tpu.vector_store_idx %arg10[%rem3A_174, %broadcast_in_dim3A_187], %gather3A_188 masked %lt3A_158 : memref<48x128xf32, #tpu.memory_space<vmem>>[vector<16xi32>, vector<16xi32>], vector<16xf32>, vector<16xi1>
            %broadcast_in_dim3A_189 = arith.constant 5 : i32
            %broadcast_in_dim3A_190 = vector.broadcast %broadcast_in_dim3A_189 : i32 to vector<16xi32>
            %gather3A_191 = tpu.vector_load_idx %arg9[%broadcast_in_dim3A, %broadcast_in_dim3A_190, %and3A_161] masked %lt3A_158 : memref<6x64x128xf32, #tpu.memory_space<vmem>>[vector<16xi32>, vector<16xi32>, vector<16xi32>], vector<16xf32>, vector<16xi1>
            tpu.vector_store_idx %arg10[%rem3A_174, %broadcast_in_dim3A_190], %gather3A_191 masked %lt3A_158 : memref<48x128xf32, #tpu.memory_space<vmem>>[vector<16xi32>, vector<16xi32>], vector<16xf32>, vector<16xi1>
            %broadcast_in_dim3A_192 = arith.constant 6 : i32
            %broadcast_in_dim3A_193 = vector.broadcast %broadcast_in_dim3A_192 : i32 to vector<16xi32>
            %gather3A_194 = tpu.vector_load_idx %arg9[%broadcast_in_dim3A, %broadcast_in_dim3A_193, %and3A_161] masked %lt3A_158 : memref<6x64x128xf32, #tpu.memory_space<vmem>>[vector<16xi32>, vector<16xi32>, vector<16xi32>], vector<16xf32>, vector<16xi1>
            tpu.vector_store_idx %arg10[%rem3A_174, %broadcast_in_dim3A_193], %gather3A_194 masked %lt3A_158 : memref<48x128xf32, #tpu.memory_space<vmem>>[vector<16xi32>, vector<16xi32>], vector<16xf32>, vector<16xi1>
            %broadcast_in_dim3A_195 = arith.constant 7 : i32
            %broadcast_in_dim3A_196 = vector.broadcast %broadcast_in_dim3A_195 : i32 to vector<16xi32>
            %gather3A_197 = tpu.vector_load_idx %arg9[%broadcast_in_dim3A, %broadcast_in_dim3A_196, %and3A_161] masked %lt3A_158 : memref<6x64x128xf32, #tpu.memory_space<vmem>>[vector<16xi32>, vector<16xi32>, vector<16xi32>], vector<16xf32>, vector<16xi1>
            tpu.vector_store_idx %arg10[%rem3A_174, %broadcast_in_dim3A_196], %gather3A_197 masked %lt3A_158 : memref<48x128xf32, #tpu.memory_space<vmem>>[vector<16xi32>, vector<16xi32>], vector<16xf32>, vector<16xi1>
            %broadcast_in_dim3A_198 = arith.constant 8 : i32
            %broadcast_in_dim3A_199 = vector.broadcast %broadcast_in_dim3A_198 : i32 to vector<16xi32>
            %gather3A_200 = tpu.vector_load_idx %arg9[%broadcast_in_dim3A, %broadcast_in_dim3A_199, %and3A_161] masked %lt3A_158 : memref<6x64x128xf32, #tpu.memory_space<vmem>>[vector<16xi32>, vector<16xi32>, vector<16xi32>], vector<16xf32>, vector<16xi1>
            tpu.vector_store_idx %arg10[%rem3A_174, %broadcast_in_dim3A_199], %gather3A_200 masked %lt3A_158 : memref<48x128xf32, #tpu.memory_space<vmem>>[vector<16xi32>, vector<16xi32>], vector<16xf32>, vector<16xi1>
            %broadcast_in_dim3A_201 = arith.constant 9 : i32
            %broadcast_in_dim3A_202 = vector.broadcast %broadcast_in_dim3A_201 : i32 to vector<16xi32>
            %gather3A_203 = tpu.vector_load_idx %arg9[%broadcast_in_dim3A, %broadcast_in_dim3A_202, %and3A_161] masked %lt3A_158 : memref<6x64x128xf32, #tpu.memory_space<vmem>>[vector<16xi32>, vector<16xi32>, vector<16xi32>], vector<16xf32>, vector<16xi1>
            tpu.vector_store_idx %arg10[%rem3A_174, %broadcast_in_dim3A_202], %gather3A_203 masked %lt3A_158 : memref<48x128xf32, #tpu.memory_space<vmem>>[vector<16xi32>, vector<16xi32>], vector<16xf32>, vector<16xi1>
            %broadcast_in_dim3A_204 = arith.constant 10 : i32
            %broadcast_in_dim3A_205 = vector.broadcast %broadcast_in_dim3A_204 : i32 to vector<16xi32>
            %gather3A_206 = tpu.vector_load_idx %arg9[%broadcast_in_dim3A, %broadcast_in_dim3A_205, %and3A_161] masked %lt3A_158 : memref<6x64x128xf32, #tpu.memory_space<vmem>>[vector<16xi32>, vector<16xi32>, vector<16xi32>], vector<16xf32>, vector<16xi1>
            tpu.vector_store_idx %arg10[%rem3A_174, %broadcast_in_dim3A_205], %gather3A_206 masked %lt3A_158 : memref<48x128xf32, #tpu.memory_space<vmem>>[vector<16xi32>, vector<16xi32>], vector<16xf32>, vector<16xi1>
            %broadcast_in_dim3A_207 = arith.constant 11 : i32
            %broadcast_in_dim3A_208 = vector.broadcast %broadcast_in_dim3A_207 : i32 to vector<16xi32>
            %gather3A_209 = tpu.vector_load_idx %arg9[%broadcast_in_dim3A, %broadcast_in_dim3A_208, %and3A_161] masked %lt3A_158 : memref<6x64x128xf32, #tpu.memory_space<vmem>>[vector<16xi32>, vector<16xi32>, vector<16xi32>], vector<16xf32>, vector<16xi1>
            tpu.vector_store_idx %arg10[%rem3A_174, %broadcast_in_dim3A_208], %gather3A_209 masked %lt3A_158 : memref<48x128xf32, #tpu.memory_space<vmem>>[vector<16xi32>, vector<16xi32>], vector<16xf32>, vector<16xi1>
            %broadcast_in_dim3A_210 = arith.constant 12 : i32
            %broadcast_in_dim3A_211 = vector.broadcast %broadcast_in_dim3A_210 : i32 to vector<16xi32>
            %gather3A_212 = tpu.vector_load_idx %arg9[%broadcast_in_dim3A, %broadcast_in_dim3A_211, %and3A_161] masked %lt3A_158 : memref<6x64x128xf32, #tpu.memory_space<vmem>>[vector<16xi32>, vector<16xi32>, vector<16xi32>], vector<16xf32>, vector<16xi1>
            tpu.vector_store_idx %arg10[%rem3A_174, %broadcast_in_dim3A_211], %gather3A_212 masked %lt3A_158 : memref<48x128xf32, #tpu.memory_space<vmem>>[vector<16xi32>, vector<16xi32>], vector<16xf32>, vector<16xi1>
            %broadcast_in_dim3A_213 = arith.constant 13 : i32
            %broadcast_in_dim3A_214 = vector.broadcast %broadcast_in_dim3A_213 : i32 to vector<16xi32>
            %gather3A_215 = tpu.vector_load_idx %arg9[%broadcast_in_dim3A, %broadcast_in_dim3A_214, %and3A_161] masked %lt3A_158 : memref<6x64x128xf32, #tpu.memory_space<vmem>>[vector<16xi32>, vector<16xi32>, vector<16xi32>], vector<16xf32>, vector<16xi1>
            tpu.vector_store_idx %arg10[%rem3A_174, %broadcast_in_dim3A_214], %gather3A_215 masked %lt3A_158 : memref<48x128xf32, #tpu.memory_space<vmem>>[vector<16xi32>, vector<16xi32>], vector<16xf32>, vector<16xi1>
            %broadcast_in_dim3A_216 = arith.constant 14 : i32
            %broadcast_in_dim3A_217 = vector.broadcast %broadcast_in_dim3A_216 : i32 to vector<16xi32>
            %gather3A_218 = tpu.vector_load_idx %arg9[%broadcast_in_dim3A, %broadcast_in_dim3A_217, %and3A_161] masked %lt3A_158 : memref<6x64x128xf32, #tpu.memory_space<vmem>>[vector<16xi32>, vector<16xi32>, vector<16xi32>], vector<16xf32>, vector<16xi1>
            tpu.vector_store_idx %arg10[%rem3A_174, %broadcast_in_dim3A_217], %gather3A_218 masked %lt3A_158 : memref<48x128xf32, #tpu.memory_space<vmem>>[vector<16xi32>, vector<16xi32>], vector<16xf32>, vector<16xi1>
            %broadcast_in_dim3A_219 = arith.constant 15 : i32
            %broadcast_in_dim3A_220 = vector.broadcast %broadcast_in_dim3A_219 : i32 to vector<16xi32>
            %gather3A_221 = tpu.vector_load_idx %arg9[%broadcast_in_dim3A, %broadcast_in_dim3A_220, %and3A_161] masked %lt3A_158 : memref<6x64x128xf32, #tpu.memory_space<vmem>>[vector<16xi32>, vector<16xi32>, vector<16xi32>], vector<16xf32>, vector<16xi1>
            tpu.vector_store_idx %arg10[%rem3A_174, %broadcast_in_dim3A_220], %gather3A_221 masked %lt3A_158 : memref<48x128xf32, #tpu.memory_space<vmem>>[vector<16xi32>, vector<16xi32>], vector<16xf32>, vector<16xi1>
            %broadcast_in_dim3A_222 = arith.constant 16 : i32
            %broadcast_in_dim3A_223 = vector.broadcast %broadcast_in_dim3A_222 : i32 to vector<16xi32>
            %gather3A_224 = tpu.vector_load_idx %arg9[%broadcast_in_dim3A, %broadcast_in_dim3A_223, %and3A_161] masked %lt3A_158 : memref<6x64x128xf32, #tpu.memory_space<vmem>>[vector<16xi32>, vector<16xi32>, vector<16xi32>], vector<16xf32>, vector<16xi1>
            tpu.vector_store_idx %arg10[%rem3A_174, %broadcast_in_dim3A_223], %gather3A_224 masked %lt3A_158 : memref<48x128xf32, #tpu.memory_space<vmem>>[vector<16xi32>, vector<16xi32>], vector<16xf32>, vector<16xi1>
            %broadcast_in_dim3A_225 = arith.constant 17 : i32
            %broadcast_in_dim3A_226 = vector.broadcast %broadcast_in_dim3A_225 : i32 to vector<16xi32>
            %gather3A_227 = tpu.vector_load_idx %arg9[%broadcast_in_dim3A, %broadcast_in_dim3A_226, %and3A_161] masked %lt3A_158 : memref<6x64x128xf32, #tpu.memory_space<vmem>>[vector<16xi32>, vector<16xi32>, vector<16xi32>], vector<16xf32>, vector<16xi1>
            tpu.vector_store_idx %arg10[%rem3A_174, %broadcast_in_dim3A_226], %gather3A_227 masked %lt3A_158 : memref<48x128xf32, #tpu.memory_space<vmem>>[vector<16xi32>, vector<16xi32>], vector<16xf32>, vector<16xi1>
            %broadcast_in_dim3A_228 = arith.constant 18 : i32
            %broadcast_in_dim3A_229 = vector.broadcast %broadcast_in_dim3A_228 : i32 to vector<16xi32>
            %gather3A_230 = tpu.vector_load_idx %arg9[%broadcast_in_dim3A, %broadcast_in_dim3A_229, %and3A_161] masked %lt3A_158 : memref<6x64x128xf32, #tpu.memory_space<vmem>>[vector<16xi32>, vector<16xi32>, vector<16xi32>], vector<16xf32>, vector<16xi1>
            tpu.vector_store_idx %arg10[%rem3A_174, %broadcast_in_dim3A_229], %gather3A_230 masked %lt3A_158 : memref<48x128xf32, #tpu.memory_space<vmem>>[vector<16xi32>, vector<16xi32>], vector<16xf32>, vector<16xi1>
            %broadcast_in_dim3A_231 = arith.constant 19 : i32
            %broadcast_in_dim3A_232 = vector.broadcast %broadcast_in_dim3A_231 : i32 to vector<16xi32>
            %gather3A_233 = tpu.vector_load_idx %arg9[%broadcast_in_dim3A, %broadcast_in_dim3A_232, %and3A_161] masked %lt3A_158 : memref<6x64x128xf32, #tpu.memory_space<vmem>>[vector<16xi32>, vector<16xi32>, vector<16xi32>], vector<16xf32>, vector<16xi1>
            tpu.vector_store_idx %arg10[%rem3A_174, %broadcast_in_dim3A_232], %gather3A_233 masked %lt3A_158 : memref<48x128xf32, #tpu.memory_space<vmem>>[vector<16xi32>, vector<16xi32>], vector<16xf32>, vector<16xi1>
            %broadcast_in_dim3A_234 = arith.constant 20 : i32
            %broadcast_in_dim3A_235 = vector.broadcast %broadcast_in_dim3A_234 : i32 to vector<16xi32>
            %gather3A_236 = tpu.vector_load_idx %arg9[%broadcast_in_dim3A, %broadcast_in_dim3A_235, %and3A_161] masked %lt3A_158 : memref<6x64x128xf32, #tpu.memory_space<vmem>>[vector<16xi32>, vector<16xi32>, vector<16xi32>], vector<16xf32>, vector<16xi1>
            tpu.vector_store_idx %arg10[%rem3A_174, %broadcast_in_dim3A_235], %gather3A_236 masked %lt3A_158 : memref<48x128xf32, #tpu.memory_space<vmem>>[vector<16xi32>, vector<16xi32>], vector<16xf32>, vector<16xi1>
            %broadcast_in_dim3A_237 = arith.constant 21 : i32
            %broadcast_in_dim3A_238 = vector.broadcast %broadcast_in_dim3A_237 : i32 to vector<16xi32>
            %gather3A_239 = tpu.vector_load_idx %arg9[%broadcast_in_dim3A, %broadcast_in_dim3A_238, %and3A_161] masked %lt3A_158 : memref<6x64x128xf32, #tpu.memory_space<vmem>>[vector<16xi32>, vector<16xi32>, vector<16xi32>], vector<16xf32>, vector<16xi1>
            tpu.vector_store_idx %arg10[%rem3A_174, %broadcast_in_dim3A_238], %gather3A_239 masked %lt3A_158 : memref<48x128xf32, #tpu.memory_space<vmem>>[vector<16xi32>, vector<16xi32>], vector<16xf32>, vector<16xi1>
            %broadcast_in_dim3A_240 = arith.constant 22 : i32
            %broadcast_in_dim3A_241 = vector.broadcast %broadcast_in_dim3A_240 : i32 to vector<16xi32>
            %gather3A_242 = tpu.vector_load_idx %arg9[%broadcast_in_dim3A, %broadcast_in_dim3A_241, %and3A_161] masked %lt3A_158 : memref<6x64x128xf32, #tpu.memory_space<vmem>>[vector<16xi32>, vector<16xi32>, vector<16xi32>], vector<16xf32>, vector<16xi1>
            tpu.vector_store_idx %arg10[%rem3A_174, %broadcast_in_dim3A_241], %gather3A_242 masked %lt3A_158 : memref<48x128xf32, #tpu.memory_space<vmem>>[vector<16xi32>, vector<16xi32>], vector<16xf32>, vector<16xi1>
            %broadcast_in_dim3A_243 = arith.constant 23 : i32
            %broadcast_in_dim3A_244 = vector.broadcast %broadcast_in_dim3A_243 : i32 to vector<16xi32>
            %gather3A_245 = tpu.vector_load_idx %arg9[%broadcast_in_dim3A, %broadcast_in_dim3A_244, %and3A_161] masked %lt3A_158 : memref<6x64x128xf32, #tpu.memory_space<vmem>>[vector<16xi32>, vector<16xi32>, vector<16xi32>], vector<16xf32>, vector<16xi1>
            tpu.vector_store_idx %arg10[%rem3A_174, %broadcast_in_dim3A_244], %gather3A_245 masked %lt3A_158 : memref<48x128xf32, #tpu.memory_space<vmem>>[vector<16xi32>, vector<16xi32>], vector<16xf32>, vector<16xi1>
            %broadcast_in_dim3A_246 = arith.constant 24 : i32
            %broadcast_in_dim3A_247 = vector.broadcast %broadcast_in_dim3A_246 : i32 to vector<16xi32>
            %gather3A_248 = tpu.vector_load_idx %arg9[%broadcast_in_dim3A, %broadcast_in_dim3A_247, %and3A_161] masked %lt3A_158 : memref<6x64x128xf32, #tpu.memory_space<vmem>>[vector<16xi32>, vector<16xi32>, vector<16xi32>], vector<16xf32>, vector<16xi1>
            tpu.vector_store_idx %arg10[%rem3A_174, %broadcast_in_dim3A_247], %gather3A_248 masked %lt3A_158 : memref<48x128xf32, #tpu.memory_space<vmem>>[vector<16xi32>, vector<16xi32>], vector<16xf32>, vector<16xi1>
            %broadcast_in_dim3A_249 = arith.constant 25 : i32
            %broadcast_in_dim3A_250 = vector.broadcast %broadcast_in_dim3A_249 : i32 to vector<16xi32>
            %gather3A_251 = tpu.vector_load_idx %arg9[%broadcast_in_dim3A, %broadcast_in_dim3A_250, %and3A_161] masked %lt3A_158 : memref<6x64x128xf32, #tpu.memory_space<vmem>>[vector<16xi32>, vector<16xi32>, vector<16xi32>], vector<16xf32>, vector<16xi1>
            tpu.vector_store_idx %arg10[%rem3A_174, %broadcast_in_dim3A_250], %gather3A_251 masked %lt3A_158 : memref<48x128xf32, #tpu.memory_space<vmem>>[vector<16xi32>, vector<16xi32>], vector<16xf32>, vector<16xi1>
            %broadcast_in_dim3A_252 = arith.constant 26 : i32
            %broadcast_in_dim3A_253 = vector.broadcast %broadcast_in_dim3A_252 : i32 to vector<16xi32>
            %gather3A_254 = tpu.vector_load_idx %arg9[%broadcast_in_dim3A, %broadcast_in_dim3A_253, %and3A_161] masked %lt3A_158 : memref<6x64x128xf32, #tpu.memory_space<vmem>>[vector<16xi32>, vector<16xi32>, vector<16xi32>], vector<16xf32>, vector<16xi1>
            tpu.vector_store_idx %arg10[%rem3A_174, %broadcast_in_dim3A_253], %gather3A_254 masked %lt3A_158 : memref<48x128xf32, #tpu.memory_space<vmem>>[vector<16xi32>, vector<16xi32>], vector<16xf32>, vector<16xi1>
            %broadcast_in_dim3A_255 = arith.constant 27 : i32
            %broadcast_in_dim3A_256 = vector.broadcast %broadcast_in_dim3A_255 : i32 to vector<16xi32>
            %gather3A_257 = tpu.vector_load_idx %arg9[%broadcast_in_dim3A, %broadcast_in_dim3A_256, %and3A_161] masked %lt3A_158 : memref<6x64x128xf32, #tpu.memory_space<vmem>>[vector<16xi32>, vector<16xi32>, vector<16xi32>], vector<16xf32>, vector<16xi1>
            tpu.vector_store_idx %arg10[%rem3A_174, %broadcast_in_dim3A_256], %gather3A_257 masked %lt3A_158 : memref<48x128xf32, #tpu.memory_space<vmem>>[vector<16xi32>, vector<16xi32>], vector<16xf32>, vector<16xi1>
            %broadcast_in_dim3A_258 = arith.constant 28 : i32
            %broadcast_in_dim3A_259 = vector.broadcast %broadcast_in_dim3A_258 : i32 to vector<16xi32>
            %gather3A_260 = tpu.vector_load_idx %arg9[%broadcast_in_dim3A, %broadcast_in_dim3A_259, %and3A_161] masked %lt3A_158 : memref<6x64x128xf32, #tpu.memory_space<vmem>>[vector<16xi32>, vector<16xi32>, vector<16xi32>], vector<16xf32>, vector<16xi1>
            tpu.vector_store_idx %arg10[%rem3A_174, %broadcast_in_dim3A_259], %gather3A_260 masked %lt3A_158 : memref<48x128xf32, #tpu.memory_space<vmem>>[vector<16xi32>, vector<16xi32>], vector<16xf32>, vector<16xi1>
            %broadcast_in_dim3A_261 = arith.constant 29 : i32
            %broadcast_in_dim3A_262 = vector.broadcast %broadcast_in_dim3A_261 : i32 to vector<16xi32>
            %gather3A_263 = tpu.vector_load_idx %arg9[%broadcast_in_dim3A, %broadcast_in_dim3A_262, %and3A_161] masked %lt3A_158 : memref<6x64x128xf32, #tpu.memory_space<vmem>>[vector<16xi32>, vector<16xi32>, vector<16xi32>], vector<16xf32>, vector<16xi1>
            tpu.vector_store_idx %arg10[%rem3A_174, %broadcast_in_dim3A_262], %gather3A_263 masked %lt3A_158 : memref<48x128xf32, #tpu.memory_space<vmem>>[vector<16xi32>, vector<16xi32>], vector<16xf32>, vector<16xi1>
            %broadcast_in_dim3A_264 = arith.constant 30 : i32
            %broadcast_in_dim3A_265 = vector.broadcast %broadcast_in_dim3A_264 : i32 to vector<16xi32>
            %gather3A_266 = tpu.vector_load_idx %arg9[%broadcast_in_dim3A, %broadcast_in_dim3A_265, %and3A_161] masked %lt3A_158 : memref<6x64x128xf32, #tpu.memory_space<vmem>>[vector<16xi32>, vector<16xi32>, vector<16xi32>], vector<16xf32>, vector<16xi1>
            tpu.vector_store_idx %arg10[%rem3A_174, %broadcast_in_dim3A_265], %gather3A_266 masked %lt3A_158 : memref<48x128xf32, #tpu.memory_space<vmem>>[vector<16xi32>, vector<16xi32>], vector<16xf32>, vector<16xi1>
            %broadcast_in_dim3A_267 = arith.constant 31 : i32
            %broadcast_in_dim3A_268 = vector.broadcast %broadcast_in_dim3A_267 : i32 to vector<16xi32>
            %gather3A_269 = tpu.vector_load_idx %arg9[%broadcast_in_dim3A, %broadcast_in_dim3A_268, %and3A_161] masked %lt3A_158 : memref<6x64x128xf32, #tpu.memory_space<vmem>>[vector<16xi32>, vector<16xi32>, vector<16xi32>], vector<16xf32>, vector<16xi1>
            tpu.vector_store_idx %arg10[%rem3A_174, %broadcast_in_dim3A_268], %gather3A_269 masked %lt3A_158 : memref<48x128xf32, #tpu.memory_space<vmem>>[vector<16xi32>, vector<16xi32>], vector<16xf32>, vector<16xi1>
            %broadcast_in_dim3A_270 = arith.constant 32 : i32
            %broadcast_in_dim3A_271 = vector.broadcast %broadcast_in_dim3A_270 : i32 to vector<16xi32>
            %gather3A_272 = tpu.vector_load_idx %arg9[%broadcast_in_dim3A, %broadcast_in_dim3A_271, %and3A_161] masked %lt3A_158 : memref<6x64x128xf32, #tpu.memory_space<vmem>>[vector<16xi32>, vector<16xi32>, vector<16xi32>], vector<16xf32>, vector<16xi1>
            tpu.vector_store_idx %arg10[%rem3A_174, %broadcast_in_dim3A_271], %gather3A_272 masked %lt3A_158 : memref<48x128xf32, #tpu.memory_space<vmem>>[vector<16xi32>, vector<16xi32>], vector<16xf32>, vector<16xi1>
            %broadcast_in_dim3A_273 = arith.constant 33 : i32
            %broadcast_in_dim3A_274 = vector.broadcast %broadcast_in_dim3A_273 : i32 to vector<16xi32>
            %gather3A_275 = tpu.vector_load_idx %arg9[%broadcast_in_dim3A, %broadcast_in_dim3A_274, %and3A_161] masked %lt3A_158 : memref<6x64x128xf32, #tpu.memory_space<vmem>>[vector<16xi32>, vector<16xi32>, vector<16xi32>], vector<16xf32>, vector<16xi1>
            tpu.vector_store_idx %arg10[%rem3A_174, %broadcast_in_dim3A_274], %gather3A_275 masked %lt3A_158 : memref<48x128xf32, #tpu.memory_space<vmem>>[vector<16xi32>, vector<16xi32>], vector<16xf32>, vector<16xi1>
            %broadcast_in_dim3A_276 = arith.constant 34 : i32
            %broadcast_in_dim3A_277 = vector.broadcast %broadcast_in_dim3A_276 : i32 to vector<16xi32>
            %gather3A_278 = tpu.vector_load_idx %arg9[%broadcast_in_dim3A, %broadcast_in_dim3A_277, %and3A_161] masked %lt3A_158 : memref<6x64x128xf32, #tpu.memory_space<vmem>>[vector<16xi32>, vector<16xi32>, vector<16xi32>], vector<16xf32>, vector<16xi1>
            tpu.vector_store_idx %arg10[%rem3A_174, %broadcast_in_dim3A_277], %gather3A_278 masked %lt3A_158 : memref<48x128xf32, #tpu.memory_space<vmem>>[vector<16xi32>, vector<16xi32>], vector<16xf32>, vector<16xi1>
            %broadcast_in_dim3A_279 = arith.constant 35 : i32
            %broadcast_in_dim3A_280 = vector.broadcast %broadcast_in_dim3A_279 : i32 to vector<16xi32>
            %gather3A_281 = tpu.vector_load_idx %arg9[%broadcast_in_dim3A, %broadcast_in_dim3A_280, %and3A_161] masked %lt3A_158 : memref<6x64x128xf32, #tpu.memory_space<vmem>>[vector<16xi32>, vector<16xi32>, vector<16xi32>], vector<16xf32>, vector<16xi1>
            tpu.vector_store_idx %arg10[%rem3A_174, %broadcast_in_dim3A_280], %gather3A_281 masked %lt3A_158 : memref<48x128xf32, #tpu.memory_space<vmem>>[vector<16xi32>, vector<16xi32>], vector<16xf32>, vector<16xi1>
            %broadcast_in_dim3A_282 = arith.constant 36 : i32
            %broadcast_in_dim3A_283 = vector.broadcast %broadcast_in_dim3A_282 : i32 to vector<16xi32>
            %gather3A_284 = tpu.vector_load_idx %arg9[%broadcast_in_dim3A, %broadcast_in_dim3A_283, %and3A_161] masked %lt3A_158 : memref<6x64x128xf32, #tpu.memory_space<vmem>>[vector<16xi32>, vector<16xi32>, vector<16xi32>], vector<16xf32>, vector<16xi1>
            tpu.vector_store_idx %arg10[%rem3A_174, %broadcast_in_dim3A_283], %gather3A_284 masked %lt3A_158 : memref<48x128xf32, #tpu.memory_space<vmem>>[vector<16xi32>, vector<16xi32>], vector<16xf32>, vector<16xi1>
            %broadcast_in_dim3A_285 = arith.constant 37 : i32
            %broadcast_in_dim3A_286 = vector.broadcast %broadcast_in_dim3A_285 : i32 to vector<16xi32>
            %gather3A_287 = tpu.vector_load_idx %arg9[%broadcast_in_dim3A, %broadcast_in_dim3A_286, %and3A_161] masked %lt3A_158 : memref<6x64x128xf32, #tpu.memory_space<vmem>>[vector<16xi32>, vector<16xi32>, vector<16xi32>], vector<16xf32>, vector<16xi1>
            tpu.vector_store_idx %arg10[%rem3A_174, %broadcast_in_dim3A_286], %gather3A_287 masked %lt3A_158 : memref<48x128xf32, #tpu.memory_space<vmem>>[vector<16xi32>, vector<16xi32>], vector<16xf32>, vector<16xi1>
            %broadcast_in_dim3A_288 = arith.constant 38 : i32
            %broadcast_in_dim3A_289 = vector.broadcast %broadcast_in_dim3A_288 : i32 to vector<16xi32>
            %gather3A_290 = tpu.vector_load_idx %arg9[%broadcast_in_dim3A, %broadcast_in_dim3A_289, %and3A_161] masked %lt3A_158 : memref<6x64x128xf32, #tpu.memory_space<vmem>>[vector<16xi32>, vector<16xi32>, vector<16xi32>], vector<16xf32>, vector<16xi1>
            tpu.vector_store_idx %arg10[%rem3A_174, %broadcast_in_dim3A_289], %gather3A_290 masked %lt3A_158 : memref<48x128xf32, #tpu.memory_space<vmem>>[vector<16xi32>, vector<16xi32>], vector<16xf32>, vector<16xi1>
            %broadcast_in_dim3A_291 = arith.constant 39 : i32
            %broadcast_in_dim3A_292 = vector.broadcast %broadcast_in_dim3A_291 : i32 to vector<16xi32>
            %gather3A_293 = tpu.vector_load_idx %arg9[%broadcast_in_dim3A, %broadcast_in_dim3A_292, %and3A_161] masked %lt3A_158 : memref<6x64x128xf32, #tpu.memory_space<vmem>>[vector<16xi32>, vector<16xi32>, vector<16xi32>], vector<16xf32>, vector<16xi1>
            tpu.vector_store_idx %arg10[%rem3A_174, %broadcast_in_dim3A_292], %gather3A_293 masked %lt3A_158 : memref<48x128xf32, #tpu.memory_space<vmem>>[vector<16xi32>, vector<16xi32>], vector<16xf32>, vector<16xi1>
            %broadcast_in_dim3A_294 = arith.constant 40 : i32
            %broadcast_in_dim3A_295 = vector.broadcast %broadcast_in_dim3A_294 : i32 to vector<16xi32>
            %gather3A_296 = tpu.vector_load_idx %arg9[%broadcast_in_dim3A, %broadcast_in_dim3A_295, %and3A_161] masked %lt3A_158 : memref<6x64x128xf32, #tpu.memory_space<vmem>>[vector<16xi32>, vector<16xi32>, vector<16xi32>], vector<16xf32>, vector<16xi1>
            tpu.vector_store_idx %arg10[%rem3A_174, %broadcast_in_dim3A_295], %gather3A_296 masked %lt3A_158 : memref<48x128xf32, #tpu.memory_space<vmem>>[vector<16xi32>, vector<16xi32>], vector<16xf32>, vector<16xi1>
            %broadcast_in_dim3A_297 = arith.constant 41 : i32
            %broadcast_in_dim3A_298 = vector.broadcast %broadcast_in_dim3A_297 : i32 to vector<16xi32>
            %gather3A_299 = tpu.vector_load_idx %arg9[%broadcast_in_dim3A, %broadcast_in_dim3A_298, %and3A_161] masked %lt3A_158 : memref<6x64x128xf32, #tpu.memory_space<vmem>>[vector<16xi32>, vector<16xi32>, vector<16xi32>], vector<16xf32>, vector<16xi1>
            tpu.vector_store_idx %arg10[%rem3A_174, %broadcast_in_dim3A_298], %gather3A_299 masked %lt3A_158 : memref<48x128xf32, #tpu.memory_space<vmem>>[vector<16xi32>, vector<16xi32>], vector<16xf32>, vector<16xi1>
            %broadcast_in_dim3A_300 = arith.constant 42 : i32
            %broadcast_in_dim3A_301 = vector.broadcast %broadcast_in_dim3A_300 : i32 to vector<16xi32>
            %gather3A_302 = tpu.vector_load_idx %arg9[%broadcast_in_dim3A, %broadcast_in_dim3A_301, %and3A_161] masked %lt3A_158 : memref<6x64x128xf32, #tpu.memory_space<vmem>>[vector<16xi32>, vector<16xi32>, vector<16xi32>], vector<16xf32>, vector<16xi1>
            tpu.vector_store_idx %arg10[%rem3A_174, %broadcast_in_dim3A_301], %gather3A_302 masked %lt3A_158 : memref<48x128xf32, #tpu.memory_space<vmem>>[vector<16xi32>, vector<16xi32>], vector<16xf32>, vector<16xi1>
            %broadcast_in_dim3A_303 = arith.constant 43 : i32
            %broadcast_in_dim3A_304 = vector.broadcast %broadcast_in_dim3A_303 : i32 to vector<16xi32>
            %gather3A_305 = tpu.vector_load_idx %arg9[%broadcast_in_dim3A, %broadcast_in_dim3A_304, %and3A_161] masked %lt3A_158 : memref<6x64x128xf32, #tpu.memory_space<vmem>>[vector<16xi32>, vector<16xi32>, vector<16xi32>], vector<16xf32>, vector<16xi1>
            tpu.vector_store_idx %arg10[%rem3A_174, %broadcast_in_dim3A_304], %gather3A_305 masked %lt3A_158 : memref<48x128xf32, #tpu.memory_space<vmem>>[vector<16xi32>, vector<16xi32>], vector<16xf32>, vector<16xi1>
            %broadcast_in_dim3A_306 = arith.constant 44 : i32
            %broadcast_in_dim3A_307 = vector.broadcast %broadcast_in_dim3A_306 : i32 to vector<16xi32>
            %gather3A_308 = tpu.vector_load_idx %arg9[%broadcast_in_dim3A, %broadcast_in_dim3A_307, %and3A_161] masked %lt3A_158 : memref<6x64x128xf32, #tpu.memory_space<vmem>>[vector<16xi32>, vector<16xi32>, vector<16xi32>], vector<16xf32>, vector<16xi1>
            tpu.vector_store_idx %arg10[%rem3A_174, %broadcast_in_dim3A_307], %gather3A_308 masked %lt3A_158 : memref<48x128xf32, #tpu.memory_space<vmem>>[vector<16xi32>, vector<16xi32>], vector<16xf32>, vector<16xi1>
            %broadcast_in_dim3A_309 = arith.constant 45 : i32
            %broadcast_in_dim3A_310 = vector.broadcast %broadcast_in_dim3A_309 : i32 to vector<16xi32>
            %gather3A_311 = tpu.vector_load_idx %arg9[%broadcast_in_dim3A, %broadcast_in_dim3A_310, %and3A_161] masked %lt3A_158 : memref<6x64x128xf32, #tpu.memory_space<vmem>>[vector<16xi32>, vector<16xi32>, vector<16xi32>], vector<16xf32>, vector<16xi1>
            tpu.vector_store_idx %arg10[%rem3A_174, %broadcast_in_dim3A_310], %gather3A_311 masked %lt3A_158 : memref<48x128xf32, #tpu.memory_space<vmem>>[vector<16xi32>, vector<16xi32>], vector<16xf32>, vector<16xi1>
            %broadcast_in_dim3A_312 = arith.constant 46 : i32
            %broadcast_in_dim3A_313 = vector.broadcast %broadcast_in_dim3A_312 : i32 to vector<16xi32>
            %gather3A_314 = tpu.vector_load_idx %arg9[%broadcast_in_dim3A, %broadcast_in_dim3A_313, %and3A_161] masked %lt3A_158 : memref<6x64x128xf32, #tpu.memory_space<vmem>>[vector<16xi32>, vector<16xi32>, vector<16xi32>], vector<16xf32>, vector<16xi1>
            tpu.vector_store_idx %arg10[%rem3A_174, %broadcast_in_dim3A_313], %gather3A_314 masked %lt3A_158 : memref<48x128xf32, #tpu.memory_space<vmem>>[vector<16xi32>, vector<16xi32>], vector<16xf32>, vector<16xi1>
            %broadcast_in_dim3A_315 = arith.constant 47 : i32
            %broadcast_in_dim3A_316 = vector.broadcast %broadcast_in_dim3A_315 : i32 to vector<16xi32>
            %gather3A_317 = tpu.vector_load_idx %arg9[%broadcast_in_dim3A, %broadcast_in_dim3A_316, %and3A_161] masked %lt3A_158 : memref<6x64x128xf32, #tpu.memory_space<vmem>>[vector<16xi32>, vector<16xi32>, vector<16xi32>], vector<16xf32>, vector<16xi1>
            tpu.vector_store_idx %arg10[%rem3A_174, %broadcast_in_dim3A_316], %gather3A_317 masked %lt3A_158 : memref<48x128xf32, #tpu.memory_space<vmem>>[vector<16xi32>, vector<16xi32>], vector<16xf32>, vector<16xi1>
            %broadcast_in_dim3A_318 = arith.constant 48 : i32
            %broadcast_in_dim3A_319 = vector.broadcast %broadcast_in_dim3A_318 : i32 to vector<16xi32>
            %gather3A_320 = tpu.vector_load_idx %arg9[%broadcast_in_dim3A, %broadcast_in_dim3A_319, %and3A_161] masked %lt3A_158 : memref<6x64x128xf32, #tpu.memory_space<vmem>>[vector<16xi32>, vector<16xi32>, vector<16xi32>], vector<16xf32>, vector<16xi1>
            tpu.vector_store_idx %arg10[%rem3A_174, %broadcast_in_dim3A_319], %gather3A_320 masked %lt3A_158 : memref<48x128xf32, #tpu.memory_space<vmem>>[vector<16xi32>, vector<16xi32>], vector<16xf32>, vector<16xi1>
            %broadcast_in_dim3A_321 = arith.constant 49 : i32
            %broadcast_in_dim3A_322 = vector.broadcast %broadcast_in_dim3A_321 : i32 to vector<16xi32>
            %gather3A_323 = tpu.vector_load_idx %arg9[%broadcast_in_dim3A, %broadcast_in_dim3A_322, %and3A_161] masked %lt3A_158 : memref<6x64x128xf32, #tpu.memory_space<vmem>>[vector<16xi32>, vector<16xi32>, vector<16xi32>], vector<16xf32>, vector<16xi1>
            tpu.vector_store_idx %arg10[%rem3A_174, %broadcast_in_dim3A_322], %gather3A_323 masked %lt3A_158 : memref<48x128xf32, #tpu.memory_space<vmem>>[vector<16xi32>, vector<16xi32>], vector<16xf32>, vector<16xi1>
            %broadcast_in_dim3A_324 = arith.constant 50 : i32
            %broadcast_in_dim3A_325 = vector.broadcast %broadcast_in_dim3A_324 : i32 to vector<16xi32>
            %gather3A_326 = tpu.vector_load_idx %arg9[%broadcast_in_dim3A, %broadcast_in_dim3A_325, %and3A_161] masked %lt3A_158 : memref<6x64x128xf32, #tpu.memory_space<vmem>>[vector<16xi32>, vector<16xi32>, vector<16xi32>], vector<16xf32>, vector<16xi1>
            tpu.vector_store_idx %arg10[%rem3A_174, %broadcast_in_dim3A_325], %gather3A_326 masked %lt3A_158 : memref<48x128xf32, #tpu.memory_space<vmem>>[vector<16xi32>, vector<16xi32>], vector<16xf32>, vector<16xi1>
            %broadcast_in_dim3A_327 = arith.constant 51 : i32
            %broadcast_in_dim3A_328 = vector.broadcast %broadcast_in_dim3A_327 : i32 to vector<16xi32>
            %gather3A_329 = tpu.vector_load_idx %arg9[%broadcast_in_dim3A, %broadcast_in_dim3A_328, %and3A_161] masked %lt3A_158 : memref<6x64x128xf32, #tpu.memory_space<vmem>>[vector<16xi32>, vector<16xi32>, vector<16xi32>], vector<16xf32>, vector<16xi1>
            tpu.vector_store_idx %arg10[%rem3A_174, %broadcast_in_dim3A_328], %gather3A_329 masked %lt3A_158 : memref<48x128xf32, #tpu.memory_space<vmem>>[vector<16xi32>, vector<16xi32>], vector<16xf32>, vector<16xi1>
            %broadcast_in_dim3A_330 = arith.constant 52 : i32
            %broadcast_in_dim3A_331 = vector.broadcast %broadcast_in_dim3A_330 : i32 to vector<16xi32>
            %gather3A_332 = tpu.vector_load_idx %arg9[%broadcast_in_dim3A, %broadcast_in_dim3A_331, %and3A_161] masked %lt3A_158 : memref<6x64x128xf32, #tpu.memory_space<vmem>>[vector<16xi32>, vector<16xi32>, vector<16xi32>], vector<16xf32>, vector<16xi1>
            tpu.vector_store_idx %arg10[%rem3A_174, %broadcast_in_dim3A_331], %gather3A_332 masked %lt3A_158 : memref<48x128xf32, #tpu.memory_space<vmem>>[vector<16xi32>, vector<16xi32>], vector<16xf32>, vector<16xi1>
            %broadcast_in_dim3A_333 = arith.constant 53 : i32
            %broadcast_in_dim3A_334 = vector.broadcast %broadcast_in_dim3A_333 : i32 to vector<16xi32>
            %gather3A_335 = tpu.vector_load_idx %arg9[%broadcast_in_dim3A, %broadcast_in_dim3A_334, %and3A_161] masked %lt3A_158 : memref<6x64x128xf32, #tpu.memory_space<vmem>>[vector<16xi32>, vector<16xi32>, vector<16xi32>], vector<16xf32>, vector<16xi1>
            tpu.vector_store_idx %arg10[%rem3A_174, %broadcast_in_dim3A_334], %gather3A_335 masked %lt3A_158 : memref<48x128xf32, #tpu.memory_space<vmem>>[vector<16xi32>, vector<16xi32>], vector<16xf32>, vector<16xi1>
            %broadcast_in_dim3A_336 = arith.constant 54 : i32
            %broadcast_in_dim3A_337 = vector.broadcast %broadcast_in_dim3A_336 : i32 to vector<16xi32>
            %gather3A_338 = tpu.vector_load_idx %arg9[%broadcast_in_dim3A, %broadcast_in_dim3A_337, %and3A_161] masked %lt3A_158 : memref<6x64x128xf32, #tpu.memory_space<vmem>>[vector<16xi32>, vector<16xi32>, vector<16xi32>], vector<16xf32>, vector<16xi1>
            tpu.vector_store_idx %arg10[%rem3A_174, %broadcast_in_dim3A_337], %gather3A_338 masked %lt3A_158 : memref<48x128xf32, #tpu.memory_space<vmem>>[vector<16xi32>, vector<16xi32>], vector<16xf32>, vector<16xi1>
            %broadcast_in_dim3A_339 = arith.constant 55 : i32
            %broadcast_in_dim3A_340 = vector.broadcast %broadcast_in_dim3A_339 : i32 to vector<16xi32>
            %gather3A_341 = tpu.vector_load_idx %arg9[%broadcast_in_dim3A, %broadcast_in_dim3A_340, %and3A_161] masked %lt3A_158 : memref<6x64x128xf32, #tpu.memory_space<vmem>>[vector<16xi32>, vector<16xi32>, vector<16xi32>], vector<16xf32>, vector<16xi1>
            tpu.vector_store_idx %arg10[%rem3A_174, %broadcast_in_dim3A_340], %gather3A_341 masked %lt3A_158 : memref<48x128xf32, #tpu.memory_space<vmem>>[vector<16xi32>, vector<16xi32>], vector<16xf32>, vector<16xi1>
            %broadcast_in_dim3A_342 = arith.constant 56 : i32
            %broadcast_in_dim3A_343 = vector.broadcast %broadcast_in_dim3A_342 : i32 to vector<16xi32>
            %gather3A_344 = tpu.vector_load_idx %arg9[%broadcast_in_dim3A, %broadcast_in_dim3A_343, %and3A_161] masked %lt3A_158 : memref<6x64x128xf32, #tpu.memory_space<vmem>>[vector<16xi32>, vector<16xi32>, vector<16xi32>], vector<16xf32>, vector<16xi1>
            tpu.vector_store_idx %arg10[%rem3A_174, %broadcast_in_dim3A_343], %gather3A_344 masked %lt3A_158 : memref<48x128xf32, #tpu.memory_space<vmem>>[vector<16xi32>, vector<16xi32>], vector<16xf32>, vector<16xi1>
            %broadcast_in_dim3A_345 = arith.constant 57 : i32
            %broadcast_in_dim3A_346 = vector.broadcast %broadcast_in_dim3A_345 : i32 to vector<16xi32>
            %gather3A_347 = tpu.vector_load_idx %arg9[%broadcast_in_dim3A, %broadcast_in_dim3A_346, %and3A_161] masked %lt3A_158 : memref<6x64x128xf32, #tpu.memory_space<vmem>>[vector<16xi32>, vector<16xi32>, vector<16xi32>], vector<16xf32>, vector<16xi1>
            tpu.vector_store_idx %arg10[%rem3A_174, %broadcast_in_dim3A_346], %gather3A_347 masked %lt3A_158 : memref<48x128xf32, #tpu.memory_space<vmem>>[vector<16xi32>, vector<16xi32>], vector<16xf32>, vector<16xi1>
            %broadcast_in_dim3A_348 = arith.constant 58 : i32
            %broadcast_in_dim3A_349 = vector.broadcast %broadcast_in_dim3A_348 : i32 to vector<16xi32>
            %gather3A_350 = tpu.vector_load_idx %arg9[%broadcast_in_dim3A, %broadcast_in_dim3A_349, %and3A_161] masked %lt3A_158 : memref<6x64x128xf32, #tpu.memory_space<vmem>>[vector<16xi32>, vector<16xi32>, vector<16xi32>], vector<16xf32>, vector<16xi1>
            tpu.vector_store_idx %arg10[%rem3A_174, %broadcast_in_dim3A_349], %gather3A_350 masked %lt3A_158 : memref<48x128xf32, #tpu.memory_space<vmem>>[vector<16xi32>, vector<16xi32>], vector<16xf32>, vector<16xi1>
            %broadcast_in_dim3A_351 = arith.constant 59 : i32
            %broadcast_in_dim3A_352 = vector.broadcast %broadcast_in_dim3A_351 : i32 to vector<16xi32>
            %gather3A_353 = tpu.vector_load_idx %arg9[%broadcast_in_dim3A, %broadcast_in_dim3A_352, %and3A_161] masked %lt3A_158 : memref<6x64x128xf32, #tpu.memory_space<vmem>>[vector<16xi32>, vector<16xi32>, vector<16xi32>], vector<16xf32>, vector<16xi1>
            tpu.vector_store_idx %arg10[%rem3A_174, %broadcast_in_dim3A_352], %gather3A_353 masked %lt3A_158 : memref<48x128xf32, #tpu.memory_space<vmem>>[vector<16xi32>, vector<16xi32>], vector<16xf32>, vector<16xi1>
            %broadcast_in_dim3A_354 = arith.constant 60 : i32
            %broadcast_in_dim3A_355 = vector.broadcast %broadcast_in_dim3A_354 : i32 to vector<16xi32>
            %gather3A_356 = tpu.vector_load_idx %arg9[%broadcast_in_dim3A, %broadcast_in_dim3A_355, %and3A_161] masked %lt3A_158 : memref<6x64x128xf32, #tpu.memory_space<vmem>>[vector<16xi32>, vector<16xi32>, vector<16xi32>], vector<16xf32>, vector<16xi1>
            tpu.vector_store_idx %arg10[%rem3A_174, %broadcast_in_dim3A_355], %gather3A_356 masked %lt3A_158 : memref<48x128xf32, #tpu.memory_space<vmem>>[vector<16xi32>, vector<16xi32>], vector<16xf32>, vector<16xi1>
            %broadcast_in_dim3A_357 = arith.constant 61 : i32
            %broadcast_in_dim3A_358 = vector.broadcast %broadcast_in_dim3A_357 : i32 to vector<16xi32>
            %gather3A_359 = tpu.vector_load_idx %arg9[%broadcast_in_dim3A, %broadcast_in_dim3A_358, %and3A_161] masked %lt3A_158 : memref<6x64x128xf32, #tpu.memory_space<vmem>>[vector<16xi32>, vector<16xi32>, vector<16xi32>], vector<16xf32>, vector<16xi1>
            tpu.vector_store_idx %arg10[%rem3A_174, %broadcast_in_dim3A_358], %gather3A_359 masked %lt3A_158 : memref<48x128xf32, #tpu.memory_space<vmem>>[vector<16xi32>, vector<16xi32>], vector<16xf32>, vector<16xi1>
            %broadcast_in_dim3A_360 = arith.constant 62 : i32
            %broadcast_in_dim3A_361 = vector.broadcast %broadcast_in_dim3A_360 : i32 to vector<16xi32>
            %gather3A_362 = tpu.vector_load_idx %arg9[%broadcast_in_dim3A, %broadcast_in_dim3A_361, %and3A_161] masked %lt3A_158 : memref<6x64x128xf32, #tpu.memory_space<vmem>>[vector<16xi32>, vector<16xi32>, vector<16xi32>], vector<16xf32>, vector<16xi1>
            tpu.vector_store_idx %arg10[%rem3A_174, %broadcast_in_dim3A_361], %gather3A_362 masked %lt3A_158 : memref<48x128xf32, #tpu.memory_space<vmem>>[vector<16xi32>, vector<16xi32>], vector<16xf32>, vector<16xi1>
            %broadcast_in_dim3A_363 = arith.constant 63 : i32
            %broadcast_in_dim3A_364 = vector.broadcast %broadcast_in_dim3A_363 : i32 to vector<16xi32>
            %gather3A_365 = tpu.vector_load_idx %arg9[%broadcast_in_dim3A, %broadcast_in_dim3A_364, %and3A_161] masked %lt3A_158 : memref<6x64x128xf32, #tpu.memory_space<vmem>>[vector<16xi32>, vector<16xi32>, vector<16xi32>], vector<16xf32>, vector<16xi1>
            tpu.vector_store_idx %arg10[%rem3A_174, %broadcast_in_dim3A_364], %gather3A_365 masked %lt3A_158 : memref<48x128xf32, #tpu.memory_space<vmem>>[vector<16xi32>, vector<16xi32>], vector<16xf32>, vector<16xi1>
            tpu.vector_store_idx %arg11[%rem3A_174], %get3A_153 masked %lt3A_158 : memref<48xi32, #tpu.memory_space<vmem>>[vector<16xi32>], vector<16xi32>, vector<16xi1>
            %slice3A = vector.extract_strided_slice %masked_cumsum3A {offsets = [15], sizes = [1], strides = [1]} : vector<16xi32> to vector<1xi32>
            %squeeze3A = vector.extract %slice3A[0] : i32 from vector<1xi32>
            %add3A_366 = arith.addi %while3A_144, %squeeze3A : i32
            %shift_right_arithmetic3A_367 = arith.constant 4 : i32
            %shift_right_arithmetic3A_368 = arith.shrsi %add3A_366, %shift_right_arithmetic3A_367 : i32
            %shift_right_arithmetic3A_369 = arith.constant 4 : i32
            %shift_right_arithmetic3A_370 = arith.shrsi %while3A_144, %shift_right_arithmetic3A_369 : i32
            %ne3A = arith.cmpi ne, %shift_right_arithmetic3A_368, %shift_right_arithmetic3A_370 : i32
            %convert_element_type3A_371 = arith.extui %ne3A : i1 to i32
            %cond3A_372 = arith.constant 0 : i32
            %cond3A_373 = arith.cmpi ne, %convert_element_type3A_371, %cond3A_372 : i32
            %cond3A_374 = scf.if %cond3A_373 -> (i32) {
              %shift_right_arithmetic3A_375 = arith.constant 4 : i32
              %shift_right_arithmetic3A_376 = arith.shrsi %while3A_144, %shift_right_arithmetic3A_375 : i32
              %rem3A_377 = arith.constant 3 : i32
              %rem3A_378 = arith.remsi %shift_right_arithmetic3A_376, %rem3A_377 : i32
              %mul3A_379 = arith.constant 16 : i32
              %mul3A_380 = arith.muli %rem3A_378, %mul3A_379 : i32
              %multiple_of3A_381 = tpu.assume_multiple %mul3A_380, 16 : i32
              %ge3A_382 = arith.constant 1 : i32
              %ge3A_383 = arith.cmpi sge, %while3A_145, %ge3A_382 : i32
              %convert_element_type3A_384 = arith.extui %ge3A_383 : i1 to i32
              %cond3A_385 = arith.constant 0 : i32
              %cond3A_386 = arith.cmpi ne, %convert_element_type3A_384, %cond3A_385 : i32
              scf.if %cond3A_386 {
                %dma_wait3A_395 = arith.constant 0 : i32
                %dma_wait3A_396 = arith.constant 0 : i32
                %dma_wait3A_397 = tpu.memref_slice %arg10[%dma_wait3A_395, %dma_wait3A_396] : memref<48x128xf32, #tpu.memory_space<vmem>> -> memref<16x128xf32, #tpu.memory_space<vmem>>
                %dma_wait3A_398 = arith.constant 0 : i32
                %dma_wait3A_399 = arith.constant 0 : i32
                %dma_wait3A_400 = tpu.memref_slice %arg3[%dma_wait3A_398, %dma_wait3A_399] : memref<64x1000000xf32, #tpu.memory_space<hbm>> -> memref<16x128xf32, #tpu.memory_space<hbm>>
                %dma_wait3A_401 = arith.constant 0 : i32
                %dma_wait3A_402 = arith.constant 0 : i32
                %dma_wait3A_403 = tpu.memref_slice %arg10[%dma_wait3A_401, %dma_wait3A_402] : memref<48x128xf32, #tpu.memory_space<vmem>> -> memref<16x128xf32, #tpu.memory_space<vmem>>
                %dma_wait3A_404 = arith.constant 0 : i32
                %dma_wait3A_405 = arith.constant 0 : i32
                %dma_wait3A_406 = tpu.memref_slice %arg3[%dma_wait3A_404, %dma_wait3A_405] : memref<64x1000000xf32, #tpu.memory_space<hbm>> -> memref<16x128xf32, #tpu.memory_space<hbm>>
                tpu.wait_dma2 semaphore(%arg17 : memref<!tpu.dma_semaphore, #tpu.memory_space<semaphore_mem>>) src(%dma_wait3A_406 : memref<16x128xf32, #tpu.memory_space<hbm>>) dst(%dma_wait3A_403 : memref<16x128xf32, #tpu.memory_space<vmem>>)
              } else {
              }
              %dma_start3A_387 = arith.constant 0 : i32
              %dma_start3A_388 = tpu.memref_slice %arg10[%multiple_of3A_381, %dma_start3A_387] : memref<48x128xf32, #tpu.memory_space<vmem>> -> memref<16x128xf32, #tpu.memory_space<vmem>>
              %dma_start3A_389 = tpu.memref_slice %arg11[%multiple_of3A_381] : memref<48xi32, #tpu.memory_space<vmem>> -> memref<16xi32, #tpu.memory_space<vmem>>
              %dma_start3A_390 = arith.constant 0 : i32
              %dma_start3A_391 = arith.constant 0 : i32
              %dma_start3A_392 = tpu.memref_slice %arg4[%dma_start3A_390, %dma_start3A_391] : memref<16400x128xf32, #tpu.memory_space<hbm>> -> memref<16400x128xf32, #tpu.memory_space<hbm>>
              tpu.enqueue_indirect_dma source(%dma_start3A_388 : memref<16x128xf32, #tpu.memory_space<vmem>>) target(%dma_start3A_392 : memref<16400x128xf32, #tpu.memory_space<hbm>>) offsets(%dma_start3A_389 : memref<16xi32, #tpu.memory_space<vmem>>) semaphore(%arg17 : memref<!tpu.dma_semaphore, #tpu.memory_space<semaphore_mem>>)
              %add3A_393 = arith.constant 1 : i32
              %add3A_394 = arith.addi %while3A_145, %add3A_393 : i32
              scf.yield %add3A_394 : i32
            } else {
              scf.yield %while3A_145 : i32
            }
            scf.yield %add3A_366, %cond3A_374 : i32, i32
          }
          scf.yield %while3A_142#0, %while3A_142#1 : i32, i32
        } else {
          scf.yield %scan3A_73, %scan3A_74 : i32, i32
        }
        %add3A_89 = arith.addi %mul3A_2, %scan3A_71 : i32
        %shift_left3A = arith.constant 7 : i32
        %shift_left3A_90 = arith.shli %add3A_89, %shift_left3A : i32
        %multiple_of3A = tpu.assume_multiple %shift_left3A_90, 128 : i32
        %dma_start3A = arith.constant 0 : i32
        %dma_start3A_91 = arith.constant 0 : i32
        %dma_start3A_92 = tpu.memref_slice %arg9[%rem3A_82, %dma_start3A, %dma_start3A_91] : memref<6x64x128xf32, #tpu.memory_space<vmem>> -> memref<1x64x128xf32, #tpu.memory_space<vmem>>
        %dma_start3A_93 = tpu.memref_squeeze %dma_start3A_92 : memref<1x64x128xf32, #tpu.memory_space<vmem>> -> memref<64x128xf32, #tpu.memory_space<vmem>>
        %dma_start3A_94 = arith.constant 0 : i32
        %dma_start3A_95 = tpu.memref_slice %arg3[%dma_start3A_94, %multiple_of3A] : memref<64x1000000xf32, #tpu.memory_space<hbm>> -> memref<64x128xf32, #tpu.memory_space<hbm>>
        %dma_start3A_96 = tpu.memref_slice %arg16[%rem3A_82] : memref<6x!tpu.dma_semaphore, #tpu.memory_space<semaphore_mem>> -> memref<1x!tpu.dma_semaphore, #tpu.memory_space<semaphore_mem>>
        %dma_start3A_97 = tpu.memref_squeeze %dma_start3A_96 : memref<1x!tpu.dma_semaphore, #tpu.memory_space<semaphore_mem>> -> memref<!tpu.dma_semaphore, #tpu.memory_space<semaphore_mem>>
        %dma_start3A_98 = arith.constant 0 : i32
        %dma_start3A_99 = arith.constant 0 : i32
        %dma_start3A_100 = tpu.memref_slice %arg9[%rem3A_82, %dma_start3A_98, %dma_start3A_99] : memref<6x64x128xf32, #tpu.memory_space<vmem>> -> memref<1x64x128xf32, #tpu.memory_space<vmem>>
        %dma_start3A_101 = tpu.memref_squeeze %dma_start3A_100 : memref<1x64x128xf32, #tpu.memory_space<vmem>> -> memref<64x128xf32, #tpu.memory_space<vmem>>
        %dma_start3A_102 = arith.constant 0 : i32
        %dma_start3A_103 = tpu.memref_slice %arg3[%dma_start3A_102, %multiple_of3A] : memref<64x1000000xf32, #tpu.memory_space<hbm>> -> memref<64x128xf32, #tpu.memory_space<hbm>>
        tpu.enqueue_dma source(%dma_start3A_103 : memref<64x128xf32, #tpu.memory_space<hbm>>) target(%dma_start3A_101 : memref<64x128xf32, #tpu.memory_space<vmem>>) target_semaphore(%dma_start3A_97 : memref<!tpu.dma_semaphore, #tpu.memory_space<semaphore_mem>>)
        %swap3A = arith.index_cast %rem3A_82 : i32 to index
        %swap3A_104 = memref.load %arg15[%swap3A] : memref<6xi32, #tpu.memory_space<smem>>
        memref.store %scan3A_71, %arg15[%swap3A] : memref<6xi32, #tpu.memory_space<smem>>
        %add3A_105 = arith.constant 1 : i32
        %add3A_106 = arith.addi %scan3A_72, %add3A_105 : i32
        scf.yield %add3A_106, %cond3A_88#0, %cond3A_88#1 : i32, i32, i32
      } else {
        scf.yield %scan3A_72, %scan3A_73, %scan3A_74 : i32, i32, i32
      }
      scf.yield %cond3A_81#0, %cond3A_81#1, %cond3A_81#2 : i32, i32, i32
    }
    %scan3A_54 = arith.constant 245 : i32
    %sub3A = arith.constant 6 : i32
    %sub3A_55 = arith.subi %scan3A_53#0, %sub3A : i32
    %max3A = arith.constant 0 : i32
    %max3A_56 = arith.maxsi %sub3A_55, %max3A : i32
    %scan3A_57 = arith.constant 0 : i32
    %scan3A_58 = arith.constant 6 : i32
    %scan3A_59 = arith.addi %scan3A_57, %scan3A_58 : i32
    %scan3A_60 = arith.constant 1 : i32
    %scan3A_61:3 = scf.for %scan3A_71 = %scan3A_57 to %scan3A_59 step %scan3A_60 iter_args(%scan3A_72 = %max3A_56, %scan3A_73 = %scan3A_53#1, %scan3A_74 = %scan3A_53#2) -> (i32, i32, i32)  : i32 {
      %lt3A_75 = arith.cmpi slt, %scan3A_72, %scan3A_53#0 : i32
      %convert_element_type3A_76 = arith.extui %lt3A_75 : i1 to i32
      %cond3A_77 = arith.constant 0 : i32
      %cond3A_78 = arith.cmpi ne, %convert_element_type3A_76, %cond3A_77 : i32
      %cond3A_79:3 = scf.if %cond3A_78 -> (i32, i32, i32) {
        %rem3A = arith.constant 6 : i32
        %rem3A_80 = arith.remsi %scan3A_72, %rem3A : i32
        %get3A = arith.index_cast %rem3A_80 : i32 to index
        %get3A_81 = memref.load %arg15[%get3A] : memref<6xi32, #tpu.memory_space<smem>>
        %dma_wait3A = arith.constant 0 : i32
        %dma_wait3A_82 = arith.constant 0 : i32
        %dma_wait3A_83 = tpu.memref_slice %arg9[%rem3A_80, %dma_wait3A, %dma_wait3A_82] : memref<6x64x128xf32, #tpu.memory_space<vmem>> -> memref<1x64x128xf32, #tpu.memory_space<vmem>>
        %dma_wait3A_84 = tpu.memref_squeeze %dma_wait3A_83 : memref<1x64x128xf32, #tpu.memory_space<vmem>> -> memref<64x128xf32, #tpu.memory_space<vmem>>
        %dma_wait3A_85 = arith.constant 0 : i32
        %dma_wait3A_86 = arith.constant 0 : i32
        %dma_wait3A_87 = tpu.memref_slice %arg3[%dma_wait3A_85, %dma_wait3A_86] : memref<64x1000000xf32, #tpu.memory_space<hbm>> -> memref<64x128xf32, #tpu.memory_space<hbm>>
        %dma_wait3A_88 = tpu.memref_slice %arg16[%rem3A_80] : memref<6x!tpu.dma_semaphore, #tpu.memory_space<semaphore_mem>> -> memref<1x!tpu.dma_semaphore, #tpu.memory_space<semaphore_mem>>
        %dma_wait3A_89 = tpu.memref_squeeze %dma_wait3A_88 : memref<1x!tpu.dma_semaphore, #tpu.memory_space<semaphore_mem>> -> memref<!tpu.dma_semaphore, #tpu.memory_space<semaphore_mem>>
        %dma_wait3A_90 = arith.constant 0 : i32
        %dma_wait3A_91 = arith.constant 0 : i32
        %dma_wait3A_92 = tpu.memref_slice %arg9[%rem3A_80, %dma_wait3A_90, %dma_wait3A_91] : memref<6x64x128xf32, #tpu.memory_space<vmem>> -> memref<1x64x128xf32, #tpu.memory_space<vmem>>
        %dma_wait3A_93 = tpu.memref_squeeze %dma_wait3A_92 : memref<1x64x128xf32, #tpu.memory_space<vmem>> -> memref<64x128xf32, #tpu.memory_space<vmem>>
        %dma_wait3A_94 = arith.constant 0 : i32
        %dma_wait3A_95 = arith.constant 0 : i32
        %dma_wait3A_96 = tpu.memref_slice %arg3[%dma_wait3A_94, %dma_wait3A_95] : memref<64x1000000xf32, #tpu.memory_space<hbm>> -> memref<64x128xf32, #tpu.memory_space<hbm>>
        tpu.wait_dma2 semaphore(%dma_wait3A_89 : memref<!tpu.dma_semaphore, #tpu.memory_space<semaphore_mem>>) src(%dma_wait3A_96 : memref<64x128xf32, #tpu.memory_space<hbm>>) dst(%dma_wait3A_93 : memref<64x128xf32, #tpu.memory_space<vmem>>)
        %get3A_97 = arith.index_cast %get3A_81 : i32 to index
        %get3A_98 = memref.load %arg12[%get3A_97] : memref<245xi32, #tpu.memory_space<smem>>
        %get3A_99 = arith.index_cast %get3A_81 : i32 to index
        %get3A_100 = memref.load %arg13[%get3A_99] : memref<245xi32, #tpu.memory_space<smem>>
        %broadcast_in_dim3A = vector.broadcast %rem3A_80 : i32 to vector<16xi32>
        %add3A_101 = arith.constant 15 : i32
        %add3A_102 = arith.addi %get3A_98, %add3A_101 : i32
        %shift_right_arithmetic3A_103 = arith.constant 4 : i32
        %shift_right_arithmetic3A_104 = arith.shrsi %add3A_102, %shift_right_arithmetic3A_103 : i32
        %while3A_105 = arith.constant 0 : i32
        %while3A_106 = arith.subi %shift_right_arithmetic3A_104, %while3A_105 : i32
        %while3A_107 = arith.addi %while3A_105, %while3A_106 : i32
        %while3A_108 = arith.constant 1 : i32
        %while3A_109 = arith.divsi %while3A_106, %while3A_108 : i32
        %while3A_110 = arith.muli %while3A_109, %while3A_108 : i32
        %while3A_111 = arith.addi %while3A_105, %while3A_110 : i32
        %while3A_112 = arith.constant 1 : i32
        %while3A_113:2 = scf.for %while3A_118 = %while3A_105 to %while3A_111 step %while3A_112 iter_args(%while3A_119 = %scan3A_73, %while3A_120 = %scan3A_74) -> (i32, i32)  : i32 {
          %mul3A_121 = arith.constant 16 : i32
          %mul3A_122 = arith.muli %while3A_118, %mul3A_121 : i32
          %add3A_123 = arith.addi %get3A_100, %mul3A_122 : i32
          %multiple_of3A = tpu.assume_multiple %add3A_123, 16 : i32
          %get3A_124 = arith.index_cast %multiple_of3A : i32 to index
          %get3A_125 = tpu.vector_load %arg7[%get3A_124] {strides = array<i32>} : memref<20075xi32, #tpu.memory_space<vmem>>, vector<16xi32>,
          %get3A_126 = arith.index_cast %multiple_of3A : i32 to index
          %get3A_127 = tpu.vector_load %arg8[%get3A_126] {strides = array<i32>} : memref<20075xi32, #tpu.memory_space<vmem>>, vector<16xi32>,
          %mul3A_128 = arith.constant 16 : i32
          %mul3A_129 = arith.muli %while3A_118, %mul3A_128 : i32
          %sub3A_130 = arith.subi %get3A_98, %mul3A_129 : i32
          %lt3A_131 = vector.broadcast %sub3A_130 : i32 to vector<16xi32>
          %lt3A_132 = arith.cmpi slt, %iota3A, %lt3A_131 : vector<16xi32>
          %and3A_133 = arith.constant 127 : i32
          %and3A_134 = vector.broadcast %and3A_133 : i32 to vector<16xi32>
          %and3A_135 = arith.andi %get3A_125, %and3A_134 : vector<16xi32>
          %jit3A = arith.constant 1 : i32
          %jit3A_136 = arith.constant 0 : i32
          %broadcast_in_dim3A_137 = vector.broadcast %jit3A : i32 to vector<16xi32>
          %broadcast_in_dim3A_138 = vector.broadcast %jit3A_136 : i32 to vector<16xi32>
          %select_n3A = arith.select %lt3A_132, %broadcast_in_dim3A_137, %broadcast_in_dim3A_138 : vector<16xi1>, vector<16xi32>
          %broadcast_in_dim3A_139 = arith.constant true
          %broadcast_in_dim3A_140 = vector.broadcast %broadcast_in_dim3A_139 : i1 to vector<16xi1>
          %masked_cumsum3A = tpu.scan <sum>, %select_n3A masked %broadcast_in_dim3A_140 : vector<16xi32>, vector<16xi1> -> vector<16xi32>
          %add3A_141 = vector.broadcast %while3A_119 : i32 to vector<16xi32>
          %add3A_142 = arith.addi %add3A_141, %masked_cumsum3A : vector<16xi32>
          %sub3A_143 = arith.constant 1 : i32
          %sub3A_144 = vector.broadcast %sub3A_143 : i32 to vector<16xi32>
          %sub3A_145 = arith.subi %add3A_142, %sub3A_144 : vector<16xi32>
          %rem3A_146 = arith.constant 48 : i32
          %rem3A_147 = vector.broadcast %rem3A_146 : i32 to vector<16xi32>
          %rem3A_148 = arith.remsi %sub3A_145, %rem3A_147 : vector<16xi32>
          %broadcast_in_dim3A_149 = arith.constant 0 : i32
          %broadcast_in_dim3A_150 = vector.broadcast %broadcast_in_dim3A_149 : i32 to vector<16xi32>
          %gather3A = tpu.vector_load_idx %arg9[%broadcast_in_dim3A, %broadcast_in_dim3A_150, %and3A_135] masked %lt3A_132 : memref<6x64x128xf32, #tpu.memory_space<vmem>>[vector<16xi32>, vector<16xi32>, vector<16xi32>], vector<16xf32>, vector<16xi1>
          tpu.vector_store_idx %arg10[%rem3A_148, %broadcast_in_dim3A_150], %gather3A masked %lt3A_132 : memref<48x128xf32, #tpu.memory_space<vmem>>[vector<16xi32>, vector<16xi32>], vector<16xf32>, vector<16xi1>
          %broadcast_in_dim3A_151 = arith.constant 1 : i32
          %broadcast_in_dim3A_152 = vector.broadcast %broadcast_in_dim3A_151 : i32 to vector<16xi32>
          %gather3A_153 = tpu.vector_load_idx %arg9[%broadcast_in_dim3A, %broadcast_in_dim3A_152, %and3A_135] masked %lt3A_132 : memref<6x64x128xf32, #tpu.memory_space<vmem>>[vector<16xi32>, vector<16xi32>, vector<16xi32>], vector<16xf32>, vector<16xi1>
          tpu.vector_store_idx %arg10[%rem3A_148, %broadcast_in_dim3A_152], %gather3A_153 masked %lt3A_132 : memref<48x128xf32, #tpu.memory_space<vmem>>[vector<16xi32>, vector<16xi32>], vector<16xf32>, vector<16xi1>
          %broadcast_in_dim3A_154 = arith.constant 2 : i32
          %broadcast_in_dim3A_155 = vector.broadcast %broadcast_in_dim3A_154 : i32 to vector<16xi32>
          %gather3A_156 = tpu.vector_load_idx %arg9[%broadcast_in_dim3A, %broadcast_in_dim3A_155, %and3A_135] masked %lt3A_132 : memref<6x64x128xf32, #tpu.memory_space<vmem>>[vector<16xi32>, vector<16xi32>, vector<16xi32>], vector<16xf32>, vector<16xi1>
          tpu.vector_store_idx %arg10[%rem3A_148, %broadcast_in_dim3A_155], %gather3A_156 masked %lt3A_132 : memref<48x128xf32, #tpu.memory_space<vmem>>[vector<16xi32>, vector<16xi32>], vector<16xf32>, vector<16xi1>
          %broadcast_in_dim3A_157 = arith.constant 3 : i32
          %broadcast_in_dim3A_158 = vector.broadcast %broadcast_in_dim3A_157 : i32 to vector<16xi32>
          %gather3A_159 = tpu.vector_load_idx %arg9[%broadcast_in_dim3A, %broadcast_in_dim3A_158, %and3A_135] masked %lt3A_132 : memref<6x64x128xf32, #tpu.memory_space<vmem>>[vector<16xi32>, vector<16xi32>, vector<16xi32>], vector<16xf32>, vector<16xi1>
          tpu.vector_store_idx %arg10[%rem3A_148, %broadcast_in_dim3A_158], %gather3A_159 masked %lt3A_132 : memref<48x128xf32, #tpu.memory_space<vmem>>[vector<16xi32>, vector<16xi32>], vector<16xf32>, vector<16xi1>
          %broadcast_in_dim3A_160 = arith.constant 4 : i32
          %broadcast_in_dim3A_161 = vector.broadcast %broadcast_in_dim3A_160 : i32 to vector<16xi32>
          %gather3A_162 = tpu.vector_load_idx %arg9[%broadcast_in_dim3A, %broadcast_in_dim3A_161, %and3A_135] masked %lt3A_132 : memref<6x64x128xf32, #tpu.memory_space<vmem>>[vector<16xi32>, vector<16xi32>, vector<16xi32>], vector<16xf32>, vector<16xi1>
          tpu.vector_store_idx %arg10[%rem3A_148, %broadcast_in_dim3A_161], %gather3A_162 masked %lt3A_132 : memref<48x128xf32, #tpu.memory_space<vmem>>[vector<16xi32>, vector<16xi32>], vector<16xf32>, vector<16xi1>
          %broadcast_in_dim3A_163 = arith.constant 5 : i32
          %broadcast_in_dim3A_164 = vector.broadcast %broadcast_in_dim3A_163 : i32 to vector<16xi32>
          %gather3A_165 = tpu.vector_load_idx %arg9[%broadcast_in_dim3A, %broadcast_in_dim3A_164, %and3A_135] masked %lt3A_132 : memref<6x64x128xf32, #tpu.memory_space<vmem>>[vector<16xi32>, vector<16xi32>, vector<16xi32>], vector<16xf32>, vector<16xi1>
          tpu.vector_store_idx %arg10[%rem3A_148, %broadcast_in_dim3A_164], %gather3A_165 masked %lt3A_132 : memref<48x128xf32, #tpu.memory_space<vmem>>[vector<16xi32>, vector<16xi32>], vector<16xf32>, vector<16xi1>
          %broadcast_in_dim3A_166 = arith.constant 6 : i32
          %broadcast_in_dim3A_167 = vector.broadcast %broadcast_in_dim3A_166 : i32 to vector<16xi32>
          %gather3A_168 = tpu.vector_load_idx %arg9[%broadcast_in_dim3A, %broadcast_in_dim3A_167, %and3A_135] masked %lt3A_132 : memref<6x64x128xf32, #tpu.memory_space<vmem>>[vector<16xi32>, vector<16xi32>, vector<16xi32>], vector<16xf32>, vector<16xi1>
          tpu.vector_store_idx %arg10[%rem3A_148, %broadcast_in_dim3A_167], %gather3A_168 masked %lt3A_132 : memref<48x128xf32, #tpu.memory_space<vmem>>[vector<16xi32>, vector<16xi32>], vector<16xf32>, vector<16xi1>
          %broadcast_in_dim3A_169 = arith.constant 7 : i32
          %broadcast_in_dim3A_170 = vector.broadcast %broadcast_in_dim3A_169 : i32 to vector<16xi32>
          %gather3A_171 = tpu.vector_load_idx %arg9[%broadcast_in_dim3A, %broadcast_in_dim3A_170, %and3A_135] masked %lt3A_132 : memref<6x64x128xf32, #tpu.memory_space<vmem>>[vector<16xi32>, vector<16xi32>, vector<16xi32>], vector<16xf32>, vector<16xi1>
          tpu.vector_store_idx %arg10[%rem3A_148, %broadcast_in_dim3A_170], %gather3A_171 masked %lt3A_132 : memref<48x128xf32, #tpu.memory_space<vmem>>[vector<16xi32>, vector<16xi32>], vector<16xf32>, vector<16xi1>
          %broadcast_in_dim3A_172 = arith.constant 8 : i32
          %broadcast_in_dim3A_173 = vector.broadcast %broadcast_in_dim3A_172 : i32 to vector<16xi32>
          %gather3A_174 = tpu.vector_load_idx %arg9[%broadcast_in_dim3A, %broadcast_in_dim3A_173, %and3A_135] masked %lt3A_132 : memref<6x64x128xf32, #tpu.memory_space<vmem>>[vector<16xi32>, vector<16xi32>, vector<16xi32>], vector<16xf32>, vector<16xi1>
          tpu.vector_store_idx %arg10[%rem3A_148, %broadcast_in_dim3A_173], %gather3A_174 masked %lt3A_132 : memref<48x128xf32, #tpu.memory_space<vmem>>[vector<16xi32>, vector<16xi32>], vector<16xf32>, vector<16xi1>
          %broadcast_in_dim3A_175 = arith.constant 9 : i32
          %broadcast_in_dim3A_176 = vector.broadcast %broadcast_in_dim3A_175 : i32 to vector<16xi32>
          %gather3A_177 = tpu.vector_load_idx %arg9[%broadcast_in_dim3A, %broadcast_in_dim3A_176, %and3A_135] masked %lt3A_132 : memref<6x64x128xf32, #tpu.memory_space<vmem>>[vector<16xi32>, vector<16xi32>, vector<16xi32>], vector<16xf32>, vector<16xi1>
          tpu.vector_store_idx %arg10[%rem3A_148, %broadcast_in_dim3A_176], %gather3A_177 masked %lt3A_132 : memref<48x128xf32, #tpu.memory_space<vmem>>[vector<16xi32>, vector<16xi32>], vector<16xf32>, vector<16xi1>
          %broadcast_in_dim3A_178 = arith.constant 10 : i32
          %broadcast_in_dim3A_179 = vector.broadcast %broadcast_in_dim3A_178 : i32 to vector<16xi32>
          %gather3A_180 = tpu.vector_load_idx %arg9[%broadcast_in_dim3A, %broadcast_in_dim3A_179, %and3A_135] masked %lt3A_132 : memref<6x64x128xf32, #tpu.memory_space<vmem>>[vector<16xi32>, vector<16xi32>, vector<16xi32>], vector<16xf32>, vector<16xi1>
          tpu.vector_store_idx %arg10[%rem3A_148, %broadcast_in_dim3A_179], %gather3A_180 masked %lt3A_132 : memref<48x128xf32, #tpu.memory_space<vmem>>[vector<16xi32>, vector<16xi32>], vector<16xf32>, vector<16xi1>
          %broadcast_in_dim3A_181 = arith.constant 11 : i32
          %broadcast_in_dim3A_182 = vector.broadcast %broadcast_in_dim3A_181 : i32 to vector<16xi32>
          %gather3A_183 = tpu.vector_load_idx %arg9[%broadcast_in_dim3A, %broadcast_in_dim3A_182, %and3A_135] masked %lt3A_132 : memref<6x64x128xf32, #tpu.memory_space<vmem>>[vector<16xi32>, vector<16xi32>, vector<16xi32>], vector<16xf32>, vector<16xi1>
          tpu.vector_store_idx %arg10[%rem3A_148, %broadcast_in_dim3A_182], %gather3A_183 masked %lt3A_132 : memref<48x128xf32, #tpu.memory_space<vmem>>[vector<16xi32>, vector<16xi32>], vector<16xf32>, vector<16xi1>
          %broadcast_in_dim3A_184 = arith.constant 12 : i32
          %broadcast_in_dim3A_185 = vector.broadcast %broadcast_in_dim3A_184 : i32 to vector<16xi32>
          %gather3A_186 = tpu.vector_load_idx %arg9[%broadcast_in_dim3A, %broadcast_in_dim3A_185, %and3A_135] masked %lt3A_132 : memref<6x64x128xf32, #tpu.memory_space<vmem>>[vector<16xi32>, vector<16xi32>, vector<16xi32>], vector<16xf32>, vector<16xi1>
          tpu.vector_store_idx %arg10[%rem3A_148, %broadcast_in_dim3A_185], %gather3A_186 masked %lt3A_132 : memref<48x128xf32, #tpu.memory_space<vmem>>[vector<16xi32>, vector<16xi32>], vector<16xf32>, vector<16xi1>
          %broadcast_in_dim3A_187 = arith.constant 13 : i32
          %broadcast_in_dim3A_188 = vector.broadcast %broadcast_in_dim3A_187 : i32 to vector<16xi32>
          %gather3A_189 = tpu.vector_load_idx %arg9[%broadcast_in_dim3A, %broadcast_in_dim3A_188, %and3A_135] masked %lt3A_132 : memref<6x64x128xf32, #tpu.memory_space<vmem>>[vector<16xi32>, vector<16xi32>, vector<16xi32>], vector<16xf32>, vector<16xi1>
          tpu.vector_store_idx %arg10[%rem3A_148, %broadcast_in_dim3A_188], %gather3A_189 masked %lt3A_132 : memref<48x128xf32, #tpu.memory_space<vmem>>[vector<16xi32>, vector<16xi32>], vector<16xf32>, vector<16xi1>
          %broadcast_in_dim3A_190 = arith.constant 14 : i32
          %broadcast_in_dim3A_191 = vector.broadcast %broadcast_in_dim3A_190 : i32 to vector<16xi32>
          %gather3A_192 = tpu.vector_load_idx %arg9[%broadcast_in_dim3A, %broadcast_in_dim3A_191, %and3A_135] masked %lt3A_132 : memref<6x64x128xf32, #tpu.memory_space<vmem>>[vector<16xi32>, vector<16xi32>, vector<16xi32>], vector<16xf32>, vector<16xi1>
          tpu.vector_store_idx %arg10[%rem3A_148, %broadcast_in_dim3A_191], %gather3A_192 masked %lt3A_132 : memref<48x128xf32, #tpu.memory_space<vmem>>[vector<16xi32>, vector<16xi32>], vector<16xf32>, vector<16xi1>
          %broadcast_in_dim3A_193 = arith.constant 15 : i32
          %broadcast_in_dim3A_194 = vector.broadcast %broadcast_in_dim3A_193 : i32 to vector<16xi32>
          %gather3A_195 = tpu.vector_load_idx %arg9[%broadcast_in_dim3A, %broadcast_in_dim3A_194, %and3A_135] masked %lt3A_132 : memref<6x64x128xf32, #tpu.memory_space<vmem>>[vector<16xi32>, vector<16xi32>, vector<16xi32>], vector<16xf32>, vector<16xi1>
          tpu.vector_store_idx %arg10[%rem3A_148, %broadcast_in_dim3A_194], %gather3A_195 masked %lt3A_132 : memref<48x128xf32, #tpu.memory_space<vmem>>[vector<16xi32>, vector<16xi32>], vector<16xf32>, vector<16xi1>
          %broadcast_in_dim3A_196 = arith.constant 16 : i32
          %broadcast_in_dim3A_197 = vector.broadcast %broadcast_in_dim3A_196 : i32 to vector<16xi32>
          %gather3A_198 = tpu.vector_load_idx %arg9[%broadcast_in_dim3A, %broadcast_in_dim3A_197, %and3A_135] masked %lt3A_132 : memref<6x64x128xf32, #tpu.memory_space<vmem>>[vector<16xi32>, vector<16xi32>, vector<16xi32>], vector<16xf32>, vector<16xi1>
          tpu.vector_store_idx %arg10[%rem3A_148, %broadcast_in_dim3A_197], %gather3A_198 masked %lt3A_132 : memref<48x128xf32, #tpu.memory_space<vmem>>[vector<16xi32>, vector<16xi32>], vector<16xf32>, vector<16xi1>
          %broadcast_in_dim3A_199 = arith.constant 17 : i32
          %broadcast_in_dim3A_200 = vector.broadcast %broadcast_in_dim3A_199 : i32 to vector<16xi32>
          %gather3A_201 = tpu.vector_load_idx %arg9[%broadcast_in_dim3A, %broadcast_in_dim3A_200, %and3A_135] masked %lt3A_132 : memref<6x64x128xf32, #tpu.memory_space<vmem>>[vector<16xi32>, vector<16xi32>, vector<16xi32>], vector<16xf32>, vector<16xi1>
          tpu.vector_store_idx %arg10[%rem3A_148, %broadcast_in_dim3A_200], %gather3A_201 masked %lt3A_132 : memref<48x128xf32, #tpu.memory_space<vmem>>[vector<16xi32>, vector<16xi32>], vector<16xf32>, vector<16xi1>
          %broadcast_in_dim3A_202 = arith.constant 18 : i32
          %broadcast_in_dim3A_203 = vector.broadcast %broadcast_in_dim3A_202 : i32 to vector<16xi32>
          %gather3A_204 = tpu.vector_load_idx %arg9[%broadcast_in_dim3A, %broadcast_in_dim3A_203, %and3A_135] masked %lt3A_132 : memref<6x64x128xf32, #tpu.memory_space<vmem>>[vector<16xi32>, vector<16xi32>, vector<16xi32>], vector<16xf32>, vector<16xi1>
          tpu.vector_store_idx %arg10[%rem3A_148, %broadcast_in_dim3A_203], %gather3A_204 masked %lt3A_132 : memref<48x128xf32, #tpu.memory_space<vmem>>[vector<16xi32>, vector<16xi32>], vector<16xf32>, vector<16xi1>
          %broadcast_in_dim3A_205 = arith.constant 19 : i32
          %broadcast_in_dim3A_206 = vector.broadcast %broadcast_in_dim3A_205 : i32 to vector<16xi32>
          %gather3A_207 = tpu.vector_load_idx %arg9[%broadcast_in_dim3A, %broadcast_in_dim3A_206, %and3A_135] masked %lt3A_132 : memref<6x64x128xf32, #tpu.memory_space<vmem>>[vector<16xi32>, vector<16xi32>, vector<16xi32>], vector<16xf32>, vector<16xi1>
          tpu.vector_store_idx %arg10[%rem3A_148, %broadcast_in_dim3A_206], %gather3A_207 masked %lt3A_132 : memref<48x128xf32, #tpu.memory_space<vmem>>[vector<16xi32>, vector<16xi32>], vector<16xf32>, vector<16xi1>
          %broadcast_in_dim3A_208 = arith.constant 20 : i32
          %broadcast_in_dim3A_209 = vector.broadcast %broadcast_in_dim3A_208 : i32 to vector<16xi32>
          %gather3A_210 = tpu.vector_load_idx %arg9[%broadcast_in_dim3A, %broadcast_in_dim3A_209, %and3A_135] masked %lt3A_132 : memref<6x64x128xf32, #tpu.memory_space<vmem>>[vector<16xi32>, vector<16xi32>, vector<16xi32>], vector<16xf32>, vector<16xi1>
          tpu.vector_store_idx %arg10[%rem3A_148, %broadcast_in_dim3A_209], %gather3A_210 masked %lt3A_132 : memref<48x128xf32, #tpu.memory_space<vmem>>[vector<16xi32>, vector<16xi32>], vector<16xf32>, vector<16xi1>
          %broadcast_in_dim3A_211 = arith.constant 21 : i32
          %broadcast_in_dim3A_212 = vector.broadcast %broadcast_in_dim3A_211 : i32 to vector<16xi32>
          %gather3A_213 = tpu.vector_load_idx %arg9[%broadcast_in_dim3A, %broadcast_in_dim3A_212, %and3A_135] masked %lt3A_132 : memref<6x64x128xf32, #tpu.memory_space<vmem>>[vector<16xi32>, vector<16xi32>, vector<16xi32>], vector<16xf32>, vector<16xi1>
          tpu.vector_store_idx %arg10[%rem3A_148, %broadcast_in_dim3A_212], %gather3A_213 masked %lt3A_132 : memref<48x128xf32, #tpu.memory_space<vmem>>[vector<16xi32>, vector<16xi32>], vector<16xf32>, vector<16xi1>
          %broadcast_in_dim3A_214 = arith.constant 22 : i32
          %broadcast_in_dim3A_215 = vector.broadcast %broadcast_in_dim3A_214 : i32 to vector<16xi32>
          %gather3A_216 = tpu.vector_load_idx %arg9[%broadcast_in_dim3A, %broadcast_in_dim3A_215, %and3A_135] masked %lt3A_132 : memref<6x64x128xf32, #tpu.memory_space<vmem>>[vector<16xi32>, vector<16xi32>, vector<16xi32>], vector<16xf32>, vector<16xi1>
          tpu.vector_store_idx %arg10[%rem3A_148, %broadcast_in_dim3A_215], %gather3A_216 masked %lt3A_132 : memref<48x128xf32, #tpu.memory_space<vmem>>[vector<16xi32>, vector<16xi32>], vector<16xf32>, vector<16xi1>
          %broadcast_in_dim3A_217 = arith.constant 23 : i32
          %broadcast_in_dim3A_218 = vector.broadcast %broadcast_in_dim3A_217 : i32 to vector<16xi32>
          %gather3A_219 = tpu.vector_load_idx %arg9[%broadcast_in_dim3A, %broadcast_in_dim3A_218, %and3A_135] masked %lt3A_132 : memref<6x64x128xf32, #tpu.memory_space<vmem>>[vector<16xi32>, vector<16xi32>, vector<16xi32>], vector<16xf32>, vector<16xi1>
          tpu.vector_store_idx %arg10[%rem3A_148, %broadcast_in_dim3A_218], %gather3A_219 masked %lt3A_132 : memref<48x128xf32, #tpu.memory_space<vmem>>[vector<16xi32>, vector<16xi32>], vector<16xf32>, vector<16xi1>
          %broadcast_in_dim3A_220 = arith.constant 24 : i32
          %broadcast_in_dim3A_221 = vector.broadcast %broadcast_in_dim3A_220 : i32 to vector<16xi32>
          %gather3A_222 = tpu.vector_load_idx %arg9[%broadcast_in_dim3A, %broadcast_in_dim3A_221, %and3A_135] masked %lt3A_132 : memref<6x64x128xf32, #tpu.memory_space<vmem>>[vector<16xi32>, vector<16xi32>, vector<16xi32>], vector<16xf32>, vector<16xi1>
          tpu.vector_store_idx %arg10[%rem3A_148, %broadcast_in_dim3A_221], %gather3A_222 masked %lt3A_132 : memref<48x128xf32, #tpu.memory_space<vmem>>[vector<16xi32>, vector<16xi32>], vector<16xf32>, vector<16xi1>
          %broadcast_in_dim3A_223 = arith.constant 25 : i32
          %broadcast_in_dim3A_224 = vector.broadcast %broadcast_in_dim3A_223 : i32 to vector<16xi32>
          %gather3A_225 = tpu.vector_load_idx %arg9[%broadcast_in_dim3A, %broadcast_in_dim3A_224, %and3A_135] masked %lt3A_132 : memref<6x64x128xf32, #tpu.memory_space<vmem>>[vector<16xi32>, vector<16xi32>, vector<16xi32>], vector<16xf32>, vector<16xi1>
          tpu.vector_store_idx %arg10[%rem3A_148, %broadcast_in_dim3A_224], %gather3A_225 masked %lt3A_132 : memref<48x128xf32, #tpu.memory_space<vmem>>[vector<16xi32>, vector<16xi32>], vector<16xf32>, vector<16xi1>
          %broadcast_in_dim3A_226 = arith.constant 26 : i32
          %broadcast_in_dim3A_227 = vector.broadcast %broadcast_in_dim3A_226 : i32 to vector<16xi32>
          %gather3A_228 = tpu.vector_load_idx %arg9[%broadcast_in_dim3A, %broadcast_in_dim3A_227, %and3A_135] masked %lt3A_132 : memref<6x64x128xf32, #tpu.memory_space<vmem>>[vector<16xi32>, vector<16xi32>, vector<16xi32>], vector<16xf32>, vector<16xi1>
          tpu.vector_store_idx %arg10[%rem3A_148, %broadcast_in_dim3A_227], %gather3A_228 masked %lt3A_132 : memref<48x128xf32, #tpu.memory_space<vmem>>[vector<16xi32>, vector<16xi32>], vector<16xf32>, vector<16xi1>
          %broadcast_in_dim3A_229 = arith.constant 27 : i32
          %broadcast_in_dim3A_230 = vector.broadcast %broadcast_in_dim3A_229 : i32 to vector<16xi32>
          %gather3A_231 = tpu.vector_load_idx %arg9[%broadcast_in_dim3A, %broadcast_in_dim3A_230, %and3A_135] masked %lt3A_132 : memref<6x64x128xf32, #tpu.memory_space<vmem>>[vector<16xi32>, vector<16xi32>, vector<16xi32>], vector<16xf32>, vector<16xi1>
          tpu.vector_store_idx %arg10[%rem3A_148, %broadcast_in_dim3A_230], %gather3A_231 masked %lt3A_132 : memref<48x128xf32, #tpu.memory_space<vmem>>[vector<16xi32>, vector<16xi32>], vector<16xf32>, vector<16xi1>
          %broadcast_in_dim3A_232 = arith.constant 28 : i32
          %broadcast_in_dim3A_233 = vector.broadcast %broadcast_in_dim3A_232 : i32 to vector<16xi32>
          %gather3A_234 = tpu.vector_load_idx %arg9[%broadcast_in_dim3A, %broadcast_in_dim3A_233, %and3A_135] masked %lt3A_132 : memref<6x64x128xf32, #tpu.memory_space<vmem>>[vector<16xi32>, vector<16xi32>, vector<16xi32>], vector<16xf32>, vector<16xi1>
          tpu.vector_store_idx %arg10[%rem3A_148, %broadcast_in_dim3A_233], %gather3A_234 masked %lt3A_132 : memref<48x128xf32, #tpu.memory_space<vmem>>[vector<16xi32>, vector<16xi32>], vector<16xf32>, vector<16xi1>
          %broadcast_in_dim3A_235 = arith.constant 29 : i32
          %broadcast_in_dim3A_236 = vector.broadcast %broadcast_in_dim3A_235 : i32 to vector<16xi32>
          %gather3A_237 = tpu.vector_load_idx %arg9[%broadcast_in_dim3A, %broadcast_in_dim3A_236, %and3A_135] masked %lt3A_132 : memref<6x64x128xf32, #tpu.memory_space<vmem>>[vector<16xi32>, vector<16xi32>, vector<16xi32>], vector<16xf32>, vector<16xi1>
          tpu.vector_store_idx %arg10[%rem3A_148, %broadcast_in_dim3A_236], %gather3A_237 masked %lt3A_132 : memref<48x128xf32, #tpu.memory_space<vmem>>[vector<16xi32>, vector<16xi32>], vector<16xf32>, vector<16xi1>
          %broadcast_in_dim3A_238 = arith.constant 30 : i32
          %broadcast_in_dim3A_239 = vector.broadcast %broadcast_in_dim3A_238 : i32 to vector<16xi32>
          %gather3A_240 = tpu.vector_load_idx %arg9[%broadcast_in_dim3A, %broadcast_in_dim3A_239, %and3A_135] masked %lt3A_132 : memref<6x64x128xf32, #tpu.memory_space<vmem>>[vector<16xi32>, vector<16xi32>, vector<16xi32>], vector<16xf32>, vector<16xi1>
          tpu.vector_store_idx %arg10[%rem3A_148, %broadcast_in_dim3A_239], %gather3A_240 masked %lt3A_132 : memref<48x128xf32, #tpu.memory_space<vmem>>[vector<16xi32>, vector<16xi32>], vector<16xf32>, vector<16xi1>
          %broadcast_in_dim3A_241 = arith.constant 31 : i32
          %broadcast_in_dim3A_242 = vector.broadcast %broadcast_in_dim3A_241 : i32 to vector<16xi32>
          %gather3A_243 = tpu.vector_load_idx %arg9[%broadcast_in_dim3A, %broadcast_in_dim3A_242, %and3A_135] masked %lt3A_132 : memref<6x64x128xf32, #tpu.memory_space<vmem>>[vector<16xi32>, vector<16xi32>, vector<16xi32>], vector<16xf32>, vector<16xi1>
          tpu.vector_store_idx %arg10[%rem3A_148, %broadcast_in_dim3A_242], %gather3A_243 masked %lt3A_132 : memref<48x128xf32, #tpu.memory_space<vmem>>[vector<16xi32>, vector<16xi32>], vector<16xf32>, vector<16xi1>
          %broadcast_in_dim3A_244 = arith.constant 32 : i32
          %broadcast_in_dim3A_245 = vector.broadcast %broadcast_in_dim3A_244 : i32 to vector<16xi32>
          %gather3A_246 = tpu.vector_load_idx %arg9[%broadcast_in_dim3A, %broadcast_in_dim3A_245, %and3A_135] masked %lt3A_132 : memref<6x64x128xf32, #tpu.memory_space<vmem>>[vector<16xi32>, vector<16xi32>, vector<16xi32>], vector<16xf32>, vector<16xi1>
          tpu.vector_store_idx %arg10[%rem3A_148, %broadcast_in_dim3A_245], %gather3A_246 masked %lt3A_132 : memref<48x128xf32, #tpu.memory_space<vmem>>[vector<16xi32>, vector<16xi32>], vector<16xf32>, vector<16xi1>
          %broadcast_in_dim3A_247 = arith.constant 33 : i32
          %broadcast_in_dim3A_248 = vector.broadcast %broadcast_in_dim3A_247 : i32 to vector<16xi32>
          %gather3A_249 = tpu.vector_load_idx %arg9[%broadcast_in_dim3A, %broadcast_in_dim3A_248, %and3A_135] masked %lt3A_132 : memref<6x64x128xf32, #tpu.memory_space<vmem>>[vector<16xi32>, vector<16xi32>, vector<16xi32>], vector<16xf32>, vector<16xi1>
          tpu.vector_store_idx %arg10[%rem3A_148, %broadcast_in_dim3A_248], %gather3A_249 masked %lt3A_132 : memref<48x128xf32, #tpu.memory_space<vmem>>[vector<16xi32>, vector<16xi32>], vector<16xf32>, vector<16xi1>
          %broadcast_in_dim3A_250 = arith.constant 34 : i32
          %broadcast_in_dim3A_251 = vector.broadcast %broadcast_in_dim3A_250 : i32 to vector<16xi32>
          %gather3A_252 = tpu.vector_load_idx %arg9[%broadcast_in_dim3A, %broadcast_in_dim3A_251, %and3A_135] masked %lt3A_132 : memref<6x64x128xf32, #tpu.memory_space<vmem>>[vector<16xi32>, vector<16xi32>, vector<16xi32>], vector<16xf32>, vector<16xi1>
          tpu.vector_store_idx %arg10[%rem3A_148, %broadcast_in_dim3A_251], %gather3A_252 masked %lt3A_132 : memref<48x128xf32, #tpu.memory_space<vmem>>[vector<16xi32>, vector<16xi32>], vector<16xf32>, vector<16xi1>
          %broadcast_in_dim3A_253 = arith.constant 35 : i32
          %broadcast_in_dim3A_254 = vector.broadcast %broadcast_in_dim3A_253 : i32 to vector<16xi32>
          %gather3A_255 = tpu.vector_load_idx %arg9[%broadcast_in_dim3A, %broadcast_in_dim3A_254, %and3A_135] masked %lt3A_132 : memref<6x64x128xf32, #tpu.memory_space<vmem>>[vector<16xi32>, vector<16xi32>, vector<16xi32>], vector<16xf32>, vector<16xi1>
          tpu.vector_store_idx %arg10[%rem3A_148, %broadcast_in_dim3A_254], %gather3A_255 masked %lt3A_132 : memref<48x128xf32, #tpu.memory_space<vmem>>[vector<16xi32>, vector<16xi32>], vector<16xf32>, vector<16xi1>
          %broadcast_in_dim3A_256 = arith.constant 36 : i32
          %broadcast_in_dim3A_257 = vector.broadcast %broadcast_in_dim3A_256 : i32 to vector<16xi32>
          %gather3A_258 = tpu.vector_load_idx %arg9[%broadcast_in_dim3A, %broadcast_in_dim3A_257, %and3A_135] masked %lt3A_132 : memref<6x64x128xf32, #tpu.memory_space<vmem>>[vector<16xi32>, vector<16xi32>, vector<16xi32>], vector<16xf32>, vector<16xi1>
          tpu.vector_store_idx %arg10[%rem3A_148, %broadcast_in_dim3A_257], %gather3A_258 masked %lt3A_132 : memref<48x128xf32, #tpu.memory_space<vmem>>[vector<16xi32>, vector<16xi32>], vector<16xf32>, vector<16xi1>
          %broadcast_in_dim3A_259 = arith.constant 37 : i32
          %broadcast_in_dim3A_260 = vector.broadcast %broadcast_in_dim3A_259 : i32 to vector<16xi32>
          %gather3A_261 = tpu.vector_load_idx %arg9[%broadcast_in_dim3A, %broadcast_in_dim3A_260, %and3A_135] masked %lt3A_132 : memref<6x64x128xf32, #tpu.memory_space<vmem>>[vector<16xi32>, vector<16xi32>, vector<16xi32>], vector<16xf32>, vector<16xi1>
          tpu.vector_store_idx %arg10[%rem3A_148, %broadcast_in_dim3A_260], %gather3A_261 masked %lt3A_132 : memref<48x128xf32, #tpu.memory_space<vmem>>[vector<16xi32>, vector<16xi32>], vector<16xf32>, vector<16xi1>
          %broadcast_in_dim3A_262 = arith.constant 38 : i32
          %broadcast_in_dim3A_263 = vector.broadcast %broadcast_in_dim3A_262 : i32 to vector<16xi32>
          %gather3A_264 = tpu.vector_load_idx %arg9[%broadcast_in_dim3A, %broadcast_in_dim3A_263, %and3A_135] masked %lt3A_132 : memref<6x64x128xf32, #tpu.memory_space<vmem>>[vector<16xi32>, vector<16xi32>, vector<16xi32>], vector<16xf32>, vector<16xi1>
          tpu.vector_store_idx %arg10[%rem3A_148, %broadcast_in_dim3A_263], %gather3A_264 masked %lt3A_132 : memref<48x128xf32, #tpu.memory_space<vmem>>[vector<16xi32>, vector<16xi32>], vector<16xf32>, vector<16xi1>
          %broadcast_in_dim3A_265 = arith.constant 39 : i32
          %broadcast_in_dim3A_266 = vector.broadcast %broadcast_in_dim3A_265 : i32 to vector<16xi32>
          %gather3A_267 = tpu.vector_load_idx %arg9[%broadcast_in_dim3A, %broadcast_in_dim3A_266, %and3A_135] masked %lt3A_132 : memref<6x64x128xf32, #tpu.memory_space<vmem>>[vector<16xi32>, vector<16xi32>, vector<16xi32>], vector<16xf32>, vector<16xi1>
          tpu.vector_store_idx %arg10[%rem3A_148, %broadcast_in_dim3A_266], %gather3A_267 masked %lt3A_132 : memref<48x128xf32, #tpu.memory_space<vmem>>[vector<16xi32>, vector<16xi32>], vector<16xf32>, vector<16xi1>
          %broadcast_in_dim3A_268 = arith.constant 40 : i32
          %broadcast_in_dim3A_269 = vector.broadcast %broadcast_in_dim3A_268 : i32 to vector<16xi32>
          %gather3A_270 = tpu.vector_load_idx %arg9[%broadcast_in_dim3A, %broadcast_in_dim3A_269, %and3A_135] masked %lt3A_132 : memref<6x64x128xf32, #tpu.memory_space<vmem>>[vector<16xi32>, vector<16xi32>, vector<16xi32>], vector<16xf32>, vector<16xi1>
          tpu.vector_store_idx %arg10[%rem3A_148, %broadcast_in_dim3A_269], %gather3A_270 masked %lt3A_132 : memref<48x128xf32, #tpu.memory_space<vmem>>[vector<16xi32>, vector<16xi32>], vector<16xf32>, vector<16xi1>
          %broadcast_in_dim3A_271 = arith.constant 41 : i32
          %broadcast_in_dim3A_272 = vector.broadcast %broadcast_in_dim3A_271 : i32 to vector<16xi32>
          %gather3A_273 = tpu.vector_load_idx %arg9[%broadcast_in_dim3A, %broadcast_in_dim3A_272, %and3A_135] masked %lt3A_132 : memref<6x64x128xf32, #tpu.memory_space<vmem>>[vector<16xi32>, vector<16xi32>, vector<16xi32>], vector<16xf32>, vector<16xi1>
          tpu.vector_store_idx %arg10[%rem3A_148, %broadcast_in_dim3A_272], %gather3A_273 masked %lt3A_132 : memref<48x128xf32, #tpu.memory_space<vmem>>[vector<16xi32>, vector<16xi32>], vector<16xf32>, vector<16xi1>
          %broadcast_in_dim3A_274 = arith.constant 42 : i32
          %broadcast_in_dim3A_275 = vector.broadcast %broadcast_in_dim3A_274 : i32 to vector<16xi32>
          %gather3A_276 = tpu.vector_load_idx %arg9[%broadcast_in_dim3A, %broadcast_in_dim3A_275, %and3A_135] masked %lt3A_132 : memref<6x64x128xf32, #tpu.memory_space<vmem>>[vector<16xi32>, vector<16xi32>, vector<16xi32>], vector<16xf32>, vector<16xi1>
          tpu.vector_store_idx %arg10[%rem3A_148, %broadcast_in_dim3A_275], %gather3A_276 masked %lt3A_132 : memref<48x128xf32, #tpu.memory_space<vmem>>[vector<16xi32>, vector<16xi32>], vector<16xf32>, vector<16xi1>
          %broadcast_in_dim3A_277 = arith.constant 43 : i32
          %broadcast_in_dim3A_278 = vector.broadcast %broadcast_in_dim3A_277 : i32 to vector<16xi32>
          %gather3A_279 = tpu.vector_load_idx %arg9[%broadcast_in_dim3A, %broadcast_in_dim3A_278, %and3A_135] masked %lt3A_132 : memref<6x64x128xf32, #tpu.memory_space<vmem>>[vector<16xi32>, vector<16xi32>, vector<16xi32>], vector<16xf32>, vector<16xi1>
          tpu.vector_store_idx %arg10[%rem3A_148, %broadcast_in_dim3A_278], %gather3A_279 masked %lt3A_132 : memref<48x128xf32, #tpu.memory_space<vmem>>[vector<16xi32>, vector<16xi32>], vector<16xf32>, vector<16xi1>
          %broadcast_in_dim3A_280 = arith.constant 44 : i32
          %broadcast_in_dim3A_281 = vector.broadcast %broadcast_in_dim3A_280 : i32 to vector<16xi32>
          %gather3A_282 = tpu.vector_load_idx %arg9[%broadcast_in_dim3A, %broadcast_in_dim3A_281, %and3A_135] masked %lt3A_132 : memref<6x64x128xf32, #tpu.memory_space<vmem>>[vector<16xi32>, vector<16xi32>, vector<16xi32>], vector<16xf32>, vector<16xi1>
          tpu.vector_store_idx %arg10[%rem3A_148, %broadcast_in_dim3A_281], %gather3A_282 masked %lt3A_132 : memref<48x128xf32, #tpu.memory_space<vmem>>[vector<16xi32>, vector<16xi32>], vector<16xf32>, vector<16xi1>
          %broadcast_in_dim3A_283 = arith.constant 45 : i32
          %broadcast_in_dim3A_284 = vector.broadcast %broadcast_in_dim3A_283 : i32 to vector<16xi32>
          %gather3A_285 = tpu.vector_load_idx %arg9[%broadcast_in_dim3A, %broadcast_in_dim3A_284, %and3A_135] masked %lt3A_132 : memref<6x64x128xf32, #tpu.memory_space<vmem>>[vector<16xi32>, vector<16xi32>, vector<16xi32>], vector<16xf32>, vector<16xi1>
          tpu.vector_store_idx %arg10[%rem3A_148, %broadcast_in_dim3A_284], %gather3A_285 masked %lt3A_132 : memref<48x128xf32, #tpu.memory_space<vmem>>[vector<16xi32>, vector<16xi32>], vector<16xf32>, vector<16xi1>
          %broadcast_in_dim3A_286 = arith.constant 46 : i32
          %broadcast_in_dim3A_287 = vector.broadcast %broadcast_in_dim3A_286 : i32 to vector<16xi32>
          %gather3A_288 = tpu.vector_load_idx %arg9[%broadcast_in_dim3A, %broadcast_in_dim3A_287, %and3A_135] masked %lt3A_132 : memref<6x64x128xf32, #tpu.memory_space<vmem>>[vector<16xi32>, vector<16xi32>, vector<16xi32>], vector<16xf32>, vector<16xi1>
          tpu.vector_store_idx %arg10[%rem3A_148, %broadcast_in_dim3A_287], %gather3A_288 masked %lt3A_132 : memref<48x128xf32, #tpu.memory_space<vmem>>[vector<16xi32>, vector<16xi32>], vector<16xf32>, vector<16xi1>
          %broadcast_in_dim3A_289 = arith.constant 47 : i32
          %broadcast_in_dim3A_290 = vector.broadcast %broadcast_in_dim3A_289 : i32 to vector<16xi32>
          %gather3A_291 = tpu.vector_load_idx %arg9[%broadcast_in_dim3A, %broadcast_in_dim3A_290, %and3A_135] masked %lt3A_132 : memref<6x64x128xf32, #tpu.memory_space<vmem>>[vector<16xi32>, vector<16xi32>, vector<16xi32>], vector<16xf32>, vector<16xi1>
          tpu.vector_store_idx %arg10[%rem3A_148, %broadcast_in_dim3A_290], %gather3A_291 masked %lt3A_132 : memref<48x128xf32, #tpu.memory_space<vmem>>[vector<16xi32>, vector<16xi32>], vector<16xf32>, vector<16xi1>
          %broadcast_in_dim3A_292 = arith.constant 48 : i32
          %broadcast_in_dim3A_293 = vector.broadcast %broadcast_in_dim3A_292 : i32 to vector<16xi32>
          %gather3A_294 = tpu.vector_load_idx %arg9[%broadcast_in_dim3A, %broadcast_in_dim3A_293, %and3A_135] masked %lt3A_132 : memref<6x64x128xf32, #tpu.memory_space<vmem>>[vector<16xi32>, vector<16xi32>, vector<16xi32>], vector<16xf32>, vector<16xi1>
          tpu.vector_store_idx %arg10[%rem3A_148, %broadcast_in_dim3A_293], %gather3A_294 masked %lt3A_132 : memref<48x128xf32, #tpu.memory_space<vmem>>[vector<16xi32>, vector<16xi32>], vector<16xf32>, vector<16xi1>
          %broadcast_in_dim3A_295 = arith.constant 49 : i32
          %broadcast_in_dim3A_296 = vector.broadcast %broadcast_in_dim3A_295 : i32 to vector<16xi32>
          %gather3A_297 = tpu.vector_load_idx %arg9[%broadcast_in_dim3A, %broadcast_in_dim3A_296, %and3A_135] masked %lt3A_132 : memref<6x64x128xf32, #tpu.memory_space<vmem>>[vector<16xi32>, vector<16xi32>, vector<16xi32>], vector<16xf32>, vector<16xi1>
          tpu.vector_store_idx %arg10[%rem3A_148, %broadcast_in_dim3A_296], %gather3A_297 masked %lt3A_132 : memref<48x128xf32, #tpu.memory_space<vmem>>[vector<16xi32>, vector<16xi32>], vector<16xf32>, vector<16xi1>
          %broadcast_in_dim3A_298 = arith.constant 50 : i32
          %broadcast_in_dim3A_299 = vector.broadcast %broadcast_in_dim3A_298 : i32 to vector<16xi32>
          %gather3A_300 = tpu.vector_load_idx %arg9[%broadcast_in_dim3A, %broadcast_in_dim3A_299, %and3A_135] masked %lt3A_132 : memref<6x64x128xf32, #tpu.memory_space<vmem>>[vector<16xi32>, vector<16xi32>, vector<16xi32>], vector<16xf32>, vector<16xi1>
          tpu.vector_store_idx %arg10[%rem3A_148, %broadcast_in_dim3A_299], %gather3A_300 masked %lt3A_132 : memref<48x128xf32, #tpu.memory_space<vmem>>[vector<16xi32>, vector<16xi32>], vector<16xf32>, vector<16xi1>
          %broadcast_in_dim3A_301 = arith.constant 51 : i32
          %broadcast_in_dim3A_302 = vector.broadcast %broadcast_in_dim3A_301 : i32 to vector<16xi32>
          %gather3A_303 = tpu.vector_load_idx %arg9[%broadcast_in_dim3A, %broadcast_in_dim3A_302, %and3A_135] masked %lt3A_132 : memref<6x64x128xf32, #tpu.memory_space<vmem>>[vector<16xi32>, vector<16xi32>, vector<16xi32>], vector<16xf32>, vector<16xi1>
          tpu.vector_store_idx %arg10[%rem3A_148, %broadcast_in_dim3A_302], %gather3A_303 masked %lt3A_132 : memref<48x128xf32, #tpu.memory_space<vmem>>[vector<16xi32>, vector<16xi32>], vector<16xf32>, vector<16xi1>
          %broadcast_in_dim3A_304 = arith.constant 52 : i32
          %broadcast_in_dim3A_305 = vector.broadcast %broadcast_in_dim3A_304 : i32 to vector<16xi32>
          %gather3A_306 = tpu.vector_load_idx %arg9[%broadcast_in_dim3A, %broadcast_in_dim3A_305, %and3A_135] masked %lt3A_132 : memref<6x64x128xf32, #tpu.memory_space<vmem>>[vector<16xi32>, vector<16xi32>, vector<16xi32>], vector<16xf32>, vector<16xi1>
          tpu.vector_store_idx %arg10[%rem3A_148, %broadcast_in_dim3A_305], %gather3A_306 masked %lt3A_132 : memref<48x128xf32, #tpu.memory_space<vmem>>[vector<16xi32>, vector<16xi32>], vector<16xf32>, vector<16xi1>
          %broadcast_in_dim3A_307 = arith.constant 53 : i32
          %broadcast_in_dim3A_308 = vector.broadcast %broadcast_in_dim3A_307 : i32 to vector<16xi32>
          %gather3A_309 = tpu.vector_load_idx %arg9[%broadcast_in_dim3A, %broadcast_in_dim3A_308, %and3A_135] masked %lt3A_132 : memref<6x64x128xf32, #tpu.memory_space<vmem>>[vector<16xi32>, vector<16xi32>, vector<16xi32>], vector<16xf32>, vector<16xi1>
          tpu.vector_store_idx %arg10[%rem3A_148, %broadcast_in_dim3A_308], %gather3A_309 masked %lt3A_132 : memref<48x128xf32, #tpu.memory_space<vmem>>[vector<16xi32>, vector<16xi32>], vector<16xf32>, vector<16xi1>
          %broadcast_in_dim3A_310 = arith.constant 54 : i32
          %broadcast_in_dim3A_311 = vector.broadcast %broadcast_in_dim3A_310 : i32 to vector<16xi32>
          %gather3A_312 = tpu.vector_load_idx %arg9[%broadcast_in_dim3A, %broadcast_in_dim3A_311, %and3A_135] masked %lt3A_132 : memref<6x64x128xf32, #tpu.memory_space<vmem>>[vector<16xi32>, vector<16xi32>, vector<16xi32>], vector<16xf32>, vector<16xi1>
          tpu.vector_store_idx %arg10[%rem3A_148, %broadcast_in_dim3A_311], %gather3A_312 masked %lt3A_132 : memref<48x128xf32, #tpu.memory_space<vmem>>[vector<16xi32>, vector<16xi32>], vector<16xf32>, vector<16xi1>
          %broadcast_in_dim3A_313 = arith.constant 55 : i32
          %broadcast_in_dim3A_314 = vector.broadcast %broadcast_in_dim3A_313 : i32 to vector<16xi32>
          %gather3A_315 = tpu.vector_load_idx %arg9[%broadcast_in_dim3A, %broadcast_in_dim3A_314, %and3A_135] masked %lt3A_132 : memref<6x64x128xf32, #tpu.memory_space<vmem>>[vector<16xi32>, vector<16xi32>, vector<16xi32>], vector<16xf32>, vector<16xi1>
          tpu.vector_store_idx %arg10[%rem3A_148, %broadcast_in_dim3A_314], %gather3A_315 masked %lt3A_132 : memref<48x128xf32, #tpu.memory_space<vmem>>[vector<16xi32>, vector<16xi32>], vector<16xf32>, vector<16xi1>
          %broadcast_in_dim3A_316 = arith.constant 56 : i32
          %broadcast_in_dim3A_317 = vector.broadcast %broadcast_in_dim3A_316 : i32 to vector<16xi32>
          %gather3A_318 = tpu.vector_load_idx %arg9[%broadcast_in_dim3A, %broadcast_in_dim3A_317, %and3A_135] masked %lt3A_132 : memref<6x64x128xf32, #tpu.memory_space<vmem>>[vector<16xi32>, vector<16xi32>, vector<16xi32>], vector<16xf32>, vector<16xi1>
          tpu.vector_store_idx %arg10[%rem3A_148, %broadcast_in_dim3A_317], %gather3A_318 masked %lt3A_132 : memref<48x128xf32, #tpu.memory_space<vmem>>[vector<16xi32>, vector<16xi32>], vector<16xf32>, vector<16xi1>
          %broadcast_in_dim3A_319 = arith.constant 57 : i32
          %broadcast_in_dim3A_320 = vector.broadcast %broadcast_in_dim3A_319 : i32 to vector<16xi32>
          %gather3A_321 = tpu.vector_load_idx %arg9[%broadcast_in_dim3A, %broadcast_in_dim3A_320, %and3A_135] masked %lt3A_132 : memref<6x64x128xf32, #tpu.memory_space<vmem>>[vector<16xi32>, vector<16xi32>, vector<16xi32>], vector<16xf32>, vector<16xi1>
          tpu.vector_store_idx %arg10[%rem3A_148, %broadcast_in_dim3A_320], %gather3A_321 masked %lt3A_132 : memref<48x128xf32, #tpu.memory_space<vmem>>[vector<16xi32>, vector<16xi32>], vector<16xf32>, vector<16xi1>
          %broadcast_in_dim3A_322 = arith.constant 58 : i32
          %broadcast_in_dim3A_323 = vector.broadcast %broadcast_in_dim3A_322 : i32 to vector<16xi32>
          %gather3A_324 = tpu.vector_load_idx %arg9[%broadcast_in_dim3A, %broadcast_in_dim3A_323, %and3A_135] masked %lt3A_132 : memref<6x64x128xf32, #tpu.memory_space<vmem>>[vector<16xi32>, vector<16xi32>, vector<16xi32>], vector<16xf32>, vector<16xi1>
          tpu.vector_store_idx %arg10[%rem3A_148, %broadcast_in_dim3A_323], %gather3A_324 masked %lt3A_132 : memref<48x128xf32, #tpu.memory_space<vmem>>[vector<16xi32>, vector<16xi32>], vector<16xf32>, vector<16xi1>
          %broadcast_in_dim3A_325 = arith.constant 59 : i32
          %broadcast_in_dim3A_326 = vector.broadcast %broadcast_in_dim3A_325 : i32 to vector<16xi32>
          %gather3A_327 = tpu.vector_load_idx %arg9[%broadcast_in_dim3A, %broadcast_in_dim3A_326, %and3A_135] masked %lt3A_132 : memref<6x64x128xf32, #tpu.memory_space<vmem>>[vector<16xi32>, vector<16xi32>, vector<16xi32>], vector<16xf32>, vector<16xi1>
          tpu.vector_store_idx %arg10[%rem3A_148, %broadcast_in_dim3A_326], %gather3A_327 masked %lt3A_132 : memref<48x128xf32, #tpu.memory_space<vmem>>[vector<16xi32>, vector<16xi32>], vector<16xf32>, vector<16xi1>
          %broadcast_in_dim3A_328 = arith.constant 60 : i32
          %broadcast_in_dim3A_329 = vector.broadcast %broadcast_in_dim3A_328 : i32 to vector<16xi32>
          %gather3A_330 = tpu.vector_load_idx %arg9[%broadcast_in_dim3A, %broadcast_in_dim3A_329, %and3A_135] masked %lt3A_132 : memref<6x64x128xf32, #tpu.memory_space<vmem>>[vector<16xi32>, vector<16xi32>, vector<16xi32>], vector<16xf32>, vector<16xi1>
          tpu.vector_store_idx %arg10[%rem3A_148, %broadcast_in_dim3A_329], %gather3A_330 masked %lt3A_132 : memref<48x128xf32, #tpu.memory_space<vmem>>[vector<16xi32>, vector<16xi32>], vector<16xf32>, vector<16xi1>
          %broadcast_in_dim3A_331 = arith.constant 61 : i32
          %broadcast_in_dim3A_332 = vector.broadcast %broadcast_in_dim3A_331 : i32 to vector<16xi32>
          %gather3A_333 = tpu.vector_load_idx %arg9[%broadcast_in_dim3A, %broadcast_in_dim3A_332, %and3A_135] masked %lt3A_132 : memref<6x64x128xf32, #tpu.memory_space<vmem>>[vector<16xi32>, vector<16xi32>, vector<16xi32>], vector<16xf32>, vector<16xi1>
          tpu.vector_store_idx %arg10[%rem3A_148, %broadcast_in_dim3A_332], %gather3A_333 masked %lt3A_132 : memref<48x128xf32, #tpu.memory_space<vmem>>[vector<16xi32>, vector<16xi32>], vector<16xf32>, vector<16xi1>
          %broadcast_in_dim3A_334 = arith.constant 62 : i32
          %broadcast_in_dim3A_335 = vector.broadcast %broadcast_in_dim3A_334 : i32 to vector<16xi32>
          %gather3A_336 = tpu.vector_load_idx %arg9[%broadcast_in_dim3A, %broadcast_in_dim3A_335, %and3A_135] masked %lt3A_132 : memref<6x64x128xf32, #tpu.memory_space<vmem>>[vector<16xi32>, vector<16xi32>, vector<16xi32>], vector<16xf32>, vector<16xi1>
          tpu.vector_store_idx %arg10[%rem3A_148, %broadcast_in_dim3A_335], %gather3A_336 masked %lt3A_132 : memref<48x128xf32, #tpu.memory_space<vmem>>[vector<16xi32>, vector<16xi32>], vector<16xf32>, vector<16xi1>
          %broadcast_in_dim3A_337 = arith.constant 63 : i32
          %broadcast_in_dim3A_338 = vector.broadcast %broadcast_in_dim3A_337 : i32 to vector<16xi32>
          %gather3A_339 = tpu.vector_load_idx %arg9[%broadcast_in_dim3A, %broadcast_in_dim3A_338, %and3A_135] masked %lt3A_132 : memref<6x64x128xf32, #tpu.memory_space<vmem>>[vector<16xi32>, vector<16xi32>, vector<16xi32>], vector<16xf32>, vector<16xi1>
          tpu.vector_store_idx %arg10[%rem3A_148, %broadcast_in_dim3A_338], %gather3A_339 masked %lt3A_132 : memref<48x128xf32, #tpu.memory_space<vmem>>[vector<16xi32>, vector<16xi32>], vector<16xf32>, vector<16xi1>
          tpu.vector_store_idx %arg11[%rem3A_148], %get3A_127 masked %lt3A_132 : memref<48xi32, #tpu.memory_space<vmem>>[vector<16xi32>], vector<16xi32>, vector<16xi1>
          %slice3A = vector.extract_strided_slice %masked_cumsum3A {offsets = [15], sizes = [1], strides = [1]} : vector<16xi32> to vector<1xi32>
          %squeeze3A = vector.extract %slice3A[0] : i32 from vector<1xi32>
          %add3A_340 = arith.addi %while3A_119, %squeeze3A : i32
          %shift_right_arithmetic3A_341 = arith.constant 4 : i32
          %shift_right_arithmetic3A_342 = arith.shrsi %add3A_340, %shift_right_arithmetic3A_341 : i32
          %shift_right_arithmetic3A_343 = arith.constant 4 : i32
          %shift_right_arithmetic3A_344 = arith.shrsi %while3A_119, %shift_right_arithmetic3A_343 : i32
          %ne3A = arith.cmpi ne, %shift_right_arithmetic3A_342, %shift_right_arithmetic3A_344 : i32
          %convert_element_type3A_345 = arith.extui %ne3A : i1 to i32
          %cond3A_346 = arith.constant 0 : i32
          %cond3A_347 = arith.cmpi ne, %convert_element_type3A_345, %cond3A_346 : i32
          %cond3A_348 = scf.if %cond3A_347 -> (i32) {
            %shift_right_arithmetic3A_349 = arith.constant 4 : i32
            %shift_right_arithmetic3A_350 = arith.shrsi %while3A_119, %shift_right_arithmetic3A_349 : i32
            %rem3A_351 = arith.constant 3 : i32
            %rem3A_352 = arith.remsi %shift_right_arithmetic3A_350, %rem3A_351 : i32
            %mul3A_353 = arith.constant 16 : i32
            %mul3A_354 = arith.muli %rem3A_352, %mul3A_353 : i32
            %multiple_of3A_355 = tpu.assume_multiple %mul3A_354, 16 : i32
            %ge3A_356 = arith.constant 1 : i32
            %ge3A_357 = arith.cmpi sge, %while3A_120, %ge3A_356 : i32
            %convert_element_type3A_358 = arith.extui %ge3A_357 : i1 to i32
            %cond3A_359 = arith.constant 0 : i32
            %cond3A_360 = arith.cmpi ne, %convert_element_type3A_358, %cond3A_359 : i32
            scf.if %cond3A_360 {
              %dma_wait3A_368 = arith.constant 0 : i32
              %dma_wait3A_369 = arith.constant 0 : i32
              %dma_wait3A_370 = tpu.memref_slice %arg10[%dma_wait3A_368, %dma_wait3A_369] : memref<48x128xf32, #tpu.memory_space<vmem>> -> memref<16x128xf32, #tpu.memory_space<vmem>>
              %dma_wait3A_371 = arith.constant 0 : i32
              %dma_wait3A_372 = arith.constant 0 : i32
              %dma_wait3A_373 = tpu.memref_slice %arg3[%dma_wait3A_371, %dma_wait3A_372] : memref<64x1000000xf32, #tpu.memory_space<hbm>> -> memref<16x128xf32, #tpu.memory_space<hbm>>
              %dma_wait3A_374 = arith.constant 0 : i32
              %dma_wait3A_375 = arith.constant 0 : i32
              %dma_wait3A_376 = tpu.memref_slice %arg10[%dma_wait3A_374, %dma_wait3A_375] : memref<48x128xf32, #tpu.memory_space<vmem>> -> memref<16x128xf32, #tpu.memory_space<vmem>>
              %dma_wait3A_377 = arith.constant 0 : i32
              %dma_wait3A_378 = arith.constant 0 : i32
              %dma_wait3A_379 = tpu.memref_slice %arg3[%dma_wait3A_377, %dma_wait3A_378] : memref<64x1000000xf32, #tpu.memory_space<hbm>> -> memref<16x128xf32, #tpu.memory_space<hbm>>
              tpu.wait_dma2 semaphore(%arg17 : memref<!tpu.dma_semaphore, #tpu.memory_space<semaphore_mem>>) src(%dma_wait3A_379 : memref<16x128xf32, #tpu.memory_space<hbm>>) dst(%dma_wait3A_376 : memref<16x128xf32, #tpu.memory_space<vmem>>)
            } else {
            }
            %dma_start3A = arith.constant 0 : i32
            %dma_start3A_361 = tpu.memref_slice %arg10[%multiple_of3A_355, %dma_start3A] : memref<48x128xf32, #tpu.memory_space<vmem>> -> memref<16x128xf32, #tpu.memory_space<vmem>>
            %dma_start3A_362 = tpu.memref_slice %arg11[%multiple_of3A_355] : memref<48xi32, #tpu.memory_space<vmem>> -> memref<16xi32, #tpu.memory_space<vmem>>
            %dma_start3A_363 = arith.constant 0 : i32
            %dma_start3A_364 = arith.constant 0 : i32
            %dma_start3A_365 = tpu.memref_slice %arg4[%dma_start3A_363, %dma_start3A_364] : memref<16400x128xf32, #tpu.memory_space<hbm>> -> memref<16400x128xf32, #tpu.memory_space<hbm>>
            tpu.enqueue_indirect_dma source(%dma_start3A_361 : memref<16x128xf32, #tpu.memory_space<vmem>>) target(%dma_start3A_365 : memref<16400x128xf32, #tpu.memory_space<hbm>>) offsets(%dma_start3A_362 : memref<16xi32, #tpu.memory_space<vmem>>) semaphore(%arg17 : memref<!tpu.dma_semaphore, #tpu.memory_space<semaphore_mem>>)
            %add3A_366 = arith.constant 1 : i32
            %add3A_367 = arith.addi %while3A_120, %add3A_366 : i32
            scf.yield %add3A_367 : i32
          } else {
            scf.yield %while3A_120 : i32
          }
          scf.yield %add3A_340, %cond3A_348 : i32, i32
        }
        %while3A_114 = arith.constant 1 : i32
        %while3A_115:2 = scf.for %while3A_118 = %while3A_111 to %while3A_107 step %while3A_114 iter_args(%while3A_119 = %while3A_113#0, %while3A_120 = %while3A_113#1) -> (i32, i32)  : i32 {
          %mul3A_121 = arith.constant 16 : i32
          %mul3A_122 = arith.muli %while3A_118, %mul3A_121 : i32
          %add3A_123 = arith.addi %get3A_100, %mul3A_122 : i32
          %multiple_of3A = tpu.assume_multiple %add3A_123, 16 : i32
          %get3A_124 = arith.index_cast %multiple_of3A : i32 to index
          %get3A_125 = tpu.vector_load %arg7[%get3A_124] {strides = array<i32>} : memref<20075xi32, #tpu.memory_space<vmem>>, vector<16xi32>,
          %get3A_126 = arith.index_cast %multiple_of3A : i32 to index
          %get3A_127 = tpu.vector_load %arg8[%get3A_126] {strides = array<i32>} : memref<20075xi32, #tpu.memory_space<vmem>>, vector<16xi32>,
          %mul3A_128 = arith.constant 16 : i32
          %mul3A_129 = arith.muli %while3A_118, %mul3A_128 : i32
          %sub3A_130 = arith.subi %get3A_98, %mul3A_129 : i32
          %lt3A_131 = vector.broadcast %sub3A_130 : i32 to vector<16xi32>
          %lt3A_132 = arith.cmpi slt, %iota3A, %lt3A_131 : vector<16xi32>
          %and3A_133 = arith.constant 127 : i32
          %and3A_134 = vector.broadcast %and3A_133 : i32 to vector<16xi32>
          %and3A_135 = arith.andi %get3A_125, %and3A_134 : vector<16xi32>
          %jit3A = arith.constant 1 : i32
          %jit3A_136 = arith.constant 0 : i32
          %broadcast_in_dim3A_137 = vector.broadcast %jit3A : i32 to vector<16xi32>
          %broadcast_in_dim3A_138 = vector.broadcast %jit3A_136 : i32 to vector<16xi32>
          %select_n3A = arith.select %lt3A_132, %broadcast_in_dim3A_137, %broadcast_in_dim3A_138 : vector<16xi1>, vector<16xi32>
          %broadcast_in_dim3A_139 = arith.constant true
          %broadcast_in_dim3A_140 = vector.broadcast %broadcast_in_dim3A_139 : i1 to vector<16xi1>
          %masked_cumsum3A = tpu.scan <sum>, %select_n3A masked %broadcast_in_dim3A_140 : vector<16xi32>, vector<16xi1> -> vector<16xi32>
          %add3A_141 = vector.broadcast %while3A_119 : i32 to vector<16xi32>
          %add3A_142 = arith.addi %add3A_141, %masked_cumsum3A : vector<16xi32>
          %sub3A_143 = arith.constant 1 : i32
          %sub3A_144 = vector.broadcast %sub3A_143 : i32 to vector<16xi32>
          %sub3A_145 = arith.subi %add3A_142, %sub3A_144 : vector<16xi32>
          %rem3A_146 = arith.constant 48 : i32
          %rem3A_147 = vector.broadcast %rem3A_146 : i32 to vector<16xi32>
          %rem3A_148 = arith.remsi %sub3A_145, %rem3A_147 : vector<16xi32>
          %broadcast_in_dim3A_149 = arith.constant 0 : i32
          %broadcast_in_dim3A_150 = vector.broadcast %broadcast_in_dim3A_149 : i32 to vector<16xi32>
          %gather3A = tpu.vector_load_idx %arg9[%broadcast_in_dim3A, %broadcast_in_dim3A_150, %and3A_135] masked %lt3A_132 : memref<6x64x128xf32, #tpu.memory_space<vmem>>[vector<16xi32>, vector<16xi32>, vector<16xi32>], vector<16xf32>, vector<16xi1>
          tpu.vector_store_idx %arg10[%rem3A_148, %broadcast_in_dim3A_150], %gather3A masked %lt3A_132 : memref<48x128xf32, #tpu.memory_space<vmem>>[vector<16xi32>, vector<16xi32>], vector<16xf32>, vector<16xi1>
          %broadcast_in_dim3A_151 = arith.constant 1 : i32
          %broadcast_in_dim3A_152 = vector.broadcast %broadcast_in_dim3A_151 : i32 to vector<16xi32>
          %gather3A_153 = tpu.vector_load_idx %arg9[%broadcast_in_dim3A, %broadcast_in_dim3A_152, %and3A_135] masked %lt3A_132 : memref<6x64x128xf32, #tpu.memory_space<vmem>>[vector<16xi32>, vector<16xi32>, vector<16xi32>], vector<16xf32>, vector<16xi1>
          tpu.vector_store_idx %arg10[%rem3A_148, %broadcast_in_dim3A_152], %gather3A_153 masked %lt3A_132 : memref<48x128xf32, #tpu.memory_space<vmem>>[vector<16xi32>, vector<16xi32>], vector<16xf32>, vector<16xi1>
          %broadcast_in_dim3A_154 = arith.constant 2 : i32
          %broadcast_in_dim3A_155 = vector.broadcast %broadcast_in_dim3A_154 : i32 to vector<16xi32>
          %gather3A_156 = tpu.vector_load_idx %arg9[%broadcast_in_dim3A, %broadcast_in_dim3A_155, %and3A_135] masked %lt3A_132 : memref<6x64x128xf32, #tpu.memory_space<vmem>>[vector<16xi32>, vector<16xi32>, vector<16xi32>], vector<16xf32>, vector<16xi1>
          tpu.vector_store_idx %arg10[%rem3A_148, %broadcast_in_dim3A_155], %gather3A_156 masked %lt3A_132 : memref<48x128xf32, #tpu.memory_space<vmem>>[vector<16xi32>, vector<16xi32>], vector<16xf32>, vector<16xi1>
          %broadcast_in_dim3A_157 = arith.constant 3 : i32
          %broadcast_in_dim3A_158 = vector.broadcast %broadcast_in_dim3A_157 : i32 to vector<16xi32>
          %gather3A_159 = tpu.vector_load_idx %arg9[%broadcast_in_dim3A, %broadcast_in_dim3A_158, %and3A_135] masked %lt3A_132 : memref<6x64x128xf32, #tpu.memory_space<vmem>>[vector<16xi32>, vector<16xi32>, vector<16xi32>], vector<16xf32>, vector<16xi1>
          tpu.vector_store_idx %arg10[%rem3A_148, %broadcast_in_dim3A_158], %gather3A_159 masked %lt3A_132 : memref<48x128xf32, #tpu.memory_space<vmem>>[vector<16xi32>, vector<16xi32>], vector<16xf32>, vector<16xi1>
          %broadcast_in_dim3A_160 = arith.constant 4 : i32
          %broadcast_in_dim3A_161 = vector.broadcast %broadcast_in_dim3A_160 : i32 to vector<16xi32>
          %gather3A_162 = tpu.vector_load_idx %arg9[%broadcast_in_dim3A, %broadcast_in_dim3A_161, %and3A_135] masked %lt3A_132 : memref<6x64x128xf32, #tpu.memory_space<vmem>>[vector<16xi32>, vector<16xi32>, vector<16xi32>], vector<16xf32>, vector<16xi1>
          tpu.vector_store_idx %arg10[%rem3A_148, %broadcast_in_dim3A_161], %gather3A_162 masked %lt3A_132 : memref<48x128xf32, #tpu.memory_space<vmem>>[vector<16xi32>, vector<16xi32>], vector<16xf32>, vector<16xi1>
          %broadcast_in_dim3A_163 = arith.constant 5 : i32
          %broadcast_in_dim3A_164 = vector.broadcast %broadcast_in_dim3A_163 : i32 to vector<16xi32>
          %gather3A_165 = tpu.vector_load_idx %arg9[%broadcast_in_dim3A, %broadcast_in_dim3A_164, %and3A_135] masked %lt3A_132 : memref<6x64x128xf32, #tpu.memory_space<vmem>>[vector<16xi32>, vector<16xi32>, vector<16xi32>], vector<16xf32>, vector<16xi1>
          tpu.vector_store_idx %arg10[%rem3A_148, %broadcast_in_dim3A_164], %gather3A_165 masked %lt3A_132 : memref<48x128xf32, #tpu.memory_space<vmem>>[vector<16xi32>, vector<16xi32>], vector<16xf32>, vector<16xi1>
          %broadcast_in_dim3A_166 = arith.constant 6 : i32
          %broadcast_in_dim3A_167 = vector.broadcast %broadcast_in_dim3A_166 : i32 to vector<16xi32>
          %gather3A_168 = tpu.vector_load_idx %arg9[%broadcast_in_dim3A, %broadcast_in_dim3A_167, %and3A_135] masked %lt3A_132 : memref<6x64x128xf32, #tpu.memory_space<vmem>>[vector<16xi32>, vector<16xi32>, vector<16xi32>], vector<16xf32>, vector<16xi1>
          tpu.vector_store_idx %arg10[%rem3A_148, %broadcast_in_dim3A_167], %gather3A_168 masked %lt3A_132 : memref<48x128xf32, #tpu.memory_space<vmem>>[vector<16xi32>, vector<16xi32>], vector<16xf32>, vector<16xi1>
          %broadcast_in_dim3A_169 = arith.constant 7 : i32
          %broadcast_in_dim3A_170 = vector.broadcast %broadcast_in_dim3A_169 : i32 to vector<16xi32>
          %gather3A_171 = tpu.vector_load_idx %arg9[%broadcast_in_dim3A, %broadcast_in_dim3A_170, %and3A_135] masked %lt3A_132 : memref<6x64x128xf32, #tpu.memory_space<vmem>>[vector<16xi32>, vector<16xi32>, vector<16xi32>], vector<16xf32>, vector<16xi1>
          tpu.vector_store_idx %arg10[%rem3A_148, %broadcast_in_dim3A_170], %gather3A_171 masked %lt3A_132 : memref<48x128xf32, #tpu.memory_space<vmem>>[vector<16xi32>, vector<16xi32>], vector<16xf32>, vector<16xi1>
          %broadcast_in_dim3A_172 = arith.constant 8 : i32
          %broadcast_in_dim3A_173 = vector.broadcast %broadcast_in_dim3A_172 : i32 to vector<16xi32>
          %gather3A_174 = tpu.vector_load_idx %arg9[%broadcast_in_dim3A, %broadcast_in_dim3A_173, %and3A_135] masked %lt3A_132 : memref<6x64x128xf32, #tpu.memory_space<vmem>>[vector<16xi32>, vector<16xi32>, vector<16xi32>], vector<16xf32>, vector<16xi1>
          tpu.vector_store_idx %arg10[%rem3A_148, %broadcast_in_dim3A_173], %gather3A_174 masked %lt3A_132 : memref<48x128xf32, #tpu.memory_space<vmem>>[vector<16xi32>, vector<16xi32>], vector<16xf32>, vector<16xi1>
          %broadcast_in_dim3A_175 = arith.constant 9 : i32
          %broadcast_in_dim3A_176 = vector.broadcast %broadcast_in_dim3A_175 : i32 to vector<16xi32>
          %gather3A_177 = tpu.vector_load_idx %arg9[%broadcast_in_dim3A, %broadcast_in_dim3A_176, %and3A_135] masked %lt3A_132 : memref<6x64x128xf32, #tpu.memory_space<vmem>>[vector<16xi32>, vector<16xi32>, vector<16xi32>], vector<16xf32>, vector<16xi1>
          tpu.vector_store_idx %arg10[%rem3A_148, %broadcast_in_dim3A_176], %gather3A_177 masked %lt3A_132 : memref<48x128xf32, #tpu.memory_space<vmem>>[vector<16xi32>, vector<16xi32>], vector<16xf32>, vector<16xi1>
          %broadcast_in_dim3A_178 = arith.constant 10 : i32
          %broadcast_in_dim3A_179 = vector.broadcast %broadcast_in_dim3A_178 : i32 to vector<16xi32>
          %gather3A_180 = tpu.vector_load_idx %arg9[%broadcast_in_dim3A, %broadcast_in_dim3A_179, %and3A_135] masked %lt3A_132 : memref<6x64x128xf32, #tpu.memory_space<vmem>>[vector<16xi32>, vector<16xi32>, vector<16xi32>], vector<16xf32>, vector<16xi1>
          tpu.vector_store_idx %arg10[%rem3A_148, %broadcast_in_dim3A_179], %gather3A_180 masked %lt3A_132 : memref<48x128xf32, #tpu.memory_space<vmem>>[vector<16xi32>, vector<16xi32>], vector<16xf32>, vector<16xi1>
          %broadcast_in_dim3A_181 = arith.constant 11 : i32
          %broadcast_in_dim3A_182 = vector.broadcast %broadcast_in_dim3A_181 : i32 to vector<16xi32>
          %gather3A_183 = tpu.vector_load_idx %arg9[%broadcast_in_dim3A, %broadcast_in_dim3A_182, %and3A_135] masked %lt3A_132 : memref<6x64x128xf32, #tpu.memory_space<vmem>>[vector<16xi32>, vector<16xi32>, vector<16xi32>], vector<16xf32>, vector<16xi1>
          tpu.vector_store_idx %arg10[%rem3A_148, %broadcast_in_dim3A_182], %gather3A_183 masked %lt3A_132 : memref<48x128xf32, #tpu.memory_space<vmem>>[vector<16xi32>, vector<16xi32>], vector<16xf32>, vector<16xi1>
          %broadcast_in_dim3A_184 = arith.constant 12 : i32
          %broadcast_in_dim3A_185 = vector.broadcast %broadcast_in_dim3A_184 : i32 to vector<16xi32>
          %gather3A_186 = tpu.vector_load_idx %arg9[%broadcast_in_dim3A, %broadcast_in_dim3A_185, %and3A_135] masked %lt3A_132 : memref<6x64x128xf32, #tpu.memory_space<vmem>>[vector<16xi32>, vector<16xi32>, vector<16xi32>], vector<16xf32>, vector<16xi1>
          tpu.vector_store_idx %arg10[%rem3A_148, %broadcast_in_dim3A_185], %gather3A_186 masked %lt3A_132 : memref<48x128xf32, #tpu.memory_space<vmem>>[vector<16xi32>, vector<16xi32>], vector<16xf32>, vector<16xi1>
          %broadcast_in_dim3A_187 = arith.constant 13 : i32
          %broadcast_in_dim3A_188 = vector.broadcast %broadcast_in_dim3A_187 : i32 to vector<16xi32>
          %gather3A_189 = tpu.vector_load_idx %arg9[%broadcast_in_dim3A, %broadcast_in_dim3A_188, %and3A_135] masked %lt3A_132 : memref<6x64x128xf32, #tpu.memory_space<vmem>>[vector<16xi32>, vector<16xi32>, vector<16xi32>], vector<16xf32>, vector<16xi1>
          tpu.vector_store_idx %arg10[%rem3A_148, %broadcast_in_dim3A_188], %gather3A_189 masked %lt3A_132 : memref<48x128xf32, #tpu.memory_space<vmem>>[vector<16xi32>, vector<16xi32>], vector<16xf32>, vector<16xi1>
          %broadcast_in_dim3A_190 = arith.constant 14 : i32
          %broadcast_in_dim3A_191 = vector.broadcast %broadcast_in_dim3A_190 : i32 to vector<16xi32>
          %gather3A_192 = tpu.vector_load_idx %arg9[%broadcast_in_dim3A, %broadcast_in_dim3A_191, %and3A_135] masked %lt3A_132 : memref<6x64x128xf32, #tpu.memory_space<vmem>>[vector<16xi32>, vector<16xi32>, vector<16xi32>], vector<16xf32>, vector<16xi1>
          tpu.vector_store_idx %arg10[%rem3A_148, %broadcast_in_dim3A_191], %gather3A_192 masked %lt3A_132 : memref<48x128xf32, #tpu.memory_space<vmem>>[vector<16xi32>, vector<16xi32>], vector<16xf32>, vector<16xi1>
          %broadcast_in_dim3A_193 = arith.constant 15 : i32
          %broadcast_in_dim3A_194 = vector.broadcast %broadcast_in_dim3A_193 : i32 to vector<16xi32>
          %gather3A_195 = tpu.vector_load_idx %arg9[%broadcast_in_dim3A, %broadcast_in_dim3A_194, %and3A_135] masked %lt3A_132 : memref<6x64x128xf32, #tpu.memory_space<vmem>>[vector<16xi32>, vector<16xi32>, vector<16xi32>], vector<16xf32>, vector<16xi1>
          tpu.vector_store_idx %arg10[%rem3A_148, %broadcast_in_dim3A_194], %gather3A_195 masked %lt3A_132 : memref<48x128xf32, #tpu.memory_space<vmem>>[vector<16xi32>, vector<16xi32>], vector<16xf32>, vector<16xi1>
          %broadcast_in_dim3A_196 = arith.constant 16 : i32
          %broadcast_in_dim3A_197 = vector.broadcast %broadcast_in_dim3A_196 : i32 to vector<16xi32>
          %gather3A_198 = tpu.vector_load_idx %arg9[%broadcast_in_dim3A, %broadcast_in_dim3A_197, %and3A_135] masked %lt3A_132 : memref<6x64x128xf32, #tpu.memory_space<vmem>>[vector<16xi32>, vector<16xi32>, vector<16xi32>], vector<16xf32>, vector<16xi1>
          tpu.vector_store_idx %arg10[%rem3A_148, %broadcast_in_dim3A_197], %gather3A_198 masked %lt3A_132 : memref<48x128xf32, #tpu.memory_space<vmem>>[vector<16xi32>, vector<16xi32>], vector<16xf32>, vector<16xi1>
          %broadcast_in_dim3A_199 = arith.constant 17 : i32
          %broadcast_in_dim3A_200 = vector.broadcast %broadcast_in_dim3A_199 : i32 to vector<16xi32>
          %gather3A_201 = tpu.vector_load_idx %arg9[%broadcast_in_dim3A, %broadcast_in_dim3A_200, %and3A_135] masked %lt3A_132 : memref<6x64x128xf32, #tpu.memory_space<vmem>>[vector<16xi32>, vector<16xi32>, vector<16xi32>], vector<16xf32>, vector<16xi1>
          tpu.vector_store_idx %arg10[%rem3A_148, %broadcast_in_dim3A_200], %gather3A_201 masked %lt3A_132 : memref<48x128xf32, #tpu.memory_space<vmem>>[vector<16xi32>, vector<16xi32>], vector<16xf32>, vector<16xi1>
          %broadcast_in_dim3A_202 = arith.constant 18 : i32
          %broadcast_in_dim3A_203 = vector.broadcast %broadcast_in_dim3A_202 : i32 to vector<16xi32>
          %gather3A_204 = tpu.vector_load_idx %arg9[%broadcast_in_dim3A, %broadcast_in_dim3A_203, %and3A_135] masked %lt3A_132 : memref<6x64x128xf32, #tpu.memory_space<vmem>>[vector<16xi32>, vector<16xi32>, vector<16xi32>], vector<16xf32>, vector<16xi1>
          tpu.vector_store_idx %arg10[%rem3A_148, %broadcast_in_dim3A_203], %gather3A_204 masked %lt3A_132 : memref<48x128xf32, #tpu.memory_space<vmem>>[vector<16xi32>, vector<16xi32>], vector<16xf32>, vector<16xi1>
          %broadcast_in_dim3A_205 = arith.constant 19 : i32
          %broadcast_in_dim3A_206 = vector.broadcast %broadcast_in_dim3A_205 : i32 to vector<16xi32>
          %gather3A_207 = tpu.vector_load_idx %arg9[%broadcast_in_dim3A, %broadcast_in_dim3A_206, %and3A_135] masked %lt3A_132 : memref<6x64x128xf32, #tpu.memory_space<vmem>>[vector<16xi32>, vector<16xi32>, vector<16xi32>], vector<16xf32>, vector<16xi1>
          tpu.vector_store_idx %arg10[%rem3A_148, %broadcast_in_dim3A_206], %gather3A_207 masked %lt3A_132 : memref<48x128xf32, #tpu.memory_space<vmem>>[vector<16xi32>, vector<16xi32>], vector<16xf32>, vector<16xi1>
          %broadcast_in_dim3A_208 = arith.constant 20 : i32
          %broadcast_in_dim3A_209 = vector.broadcast %broadcast_in_dim3A_208 : i32 to vector<16xi32>
          %gather3A_210 = tpu.vector_load_idx %arg9[%broadcast_in_dim3A, %broadcast_in_dim3A_209, %and3A_135] masked %lt3A_132 : memref<6x64x128xf32, #tpu.memory_space<vmem>>[vector<16xi32>, vector<16xi32>, vector<16xi32>], vector<16xf32>, vector<16xi1>
          tpu.vector_store_idx %arg10[%rem3A_148, %broadcast_in_dim3A_209], %gather3A_210 masked %lt3A_132 : memref<48x128xf32, #tpu.memory_space<vmem>>[vector<16xi32>, vector<16xi32>], vector<16xf32>, vector<16xi1>
          %broadcast_in_dim3A_211 = arith.constant 21 : i32
          %broadcast_in_dim3A_212 = vector.broadcast %broadcast_in_dim3A_211 : i32 to vector<16xi32>
          %gather3A_213 = tpu.vector_load_idx %arg9[%broadcast_in_dim3A, %broadcast_in_dim3A_212, %and3A_135] masked %lt3A_132 : memref<6x64x128xf32, #tpu.memory_space<vmem>>[vector<16xi32>, vector<16xi32>, vector<16xi32>], vector<16xf32>, vector<16xi1>
          tpu.vector_store_idx %arg10[%rem3A_148, %broadcast_in_dim3A_212], %gather3A_213 masked %lt3A_132 : memref<48x128xf32, #tpu.memory_space<vmem>>[vector<16xi32>, vector<16xi32>], vector<16xf32>, vector<16xi1>
          %broadcast_in_dim3A_214 = arith.constant 22 : i32
          %broadcast_in_dim3A_215 = vector.broadcast %broadcast_in_dim3A_214 : i32 to vector<16xi32>
          %gather3A_216 = tpu.vector_load_idx %arg9[%broadcast_in_dim3A, %broadcast_in_dim3A_215, %and3A_135] masked %lt3A_132 : memref<6x64x128xf32, #tpu.memory_space<vmem>>[vector<16xi32>, vector<16xi32>, vector<16xi32>], vector<16xf32>, vector<16xi1>
          tpu.vector_store_idx %arg10[%rem3A_148, %broadcast_in_dim3A_215], %gather3A_216 masked %lt3A_132 : memref<48x128xf32, #tpu.memory_space<vmem>>[vector<16xi32>, vector<16xi32>], vector<16xf32>, vector<16xi1>
          %broadcast_in_dim3A_217 = arith.constant 23 : i32
          %broadcast_in_dim3A_218 = vector.broadcast %broadcast_in_dim3A_217 : i32 to vector<16xi32>
          %gather3A_219 = tpu.vector_load_idx %arg9[%broadcast_in_dim3A, %broadcast_in_dim3A_218, %and3A_135] masked %lt3A_132 : memref<6x64x128xf32, #tpu.memory_space<vmem>>[vector<16xi32>, vector<16xi32>, vector<16xi32>], vector<16xf32>, vector<16xi1>
          tpu.vector_store_idx %arg10[%rem3A_148, %broadcast_in_dim3A_218], %gather3A_219 masked %lt3A_132 : memref<48x128xf32, #tpu.memory_space<vmem>>[vector<16xi32>, vector<16xi32>], vector<16xf32>, vector<16xi1>
          %broadcast_in_dim3A_220 = arith.constant 24 : i32
          %broadcast_in_dim3A_221 = vector.broadcast %broadcast_in_dim3A_220 : i32 to vector<16xi32>
          %gather3A_222 = tpu.vector_load_idx %arg9[%broadcast_in_dim3A, %broadcast_in_dim3A_221, %and3A_135] masked %lt3A_132 : memref<6x64x128xf32, #tpu.memory_space<vmem>>[vector<16xi32>, vector<16xi32>, vector<16xi32>], vector<16xf32>, vector<16xi1>
          tpu.vector_store_idx %arg10[%rem3A_148, %broadcast_in_dim3A_221], %gather3A_222 masked %lt3A_132 : memref<48x128xf32, #tpu.memory_space<vmem>>[vector<16xi32>, vector<16xi32>], vector<16xf32>, vector<16xi1>
          %broadcast_in_dim3A_223 = arith.constant 25 : i32
          %broadcast_in_dim3A_224 = vector.broadcast %broadcast_in_dim3A_223 : i32 to vector<16xi32>
          %gather3A_225 = tpu.vector_load_idx %arg9[%broadcast_in_dim3A, %broadcast_in_dim3A_224, %and3A_135] masked %lt3A_132 : memref<6x64x128xf32, #tpu.memory_space<vmem>>[vector<16xi32>, vector<16xi32>, vector<16xi32>], vector<16xf32>, vector<16xi1>
          tpu.vector_store_idx %arg10[%rem3A_148, %broadcast_in_dim3A_224], %gather3A_225 masked %lt3A_132 : memref<48x128xf32, #tpu.memory_space<vmem>>[vector<16xi32>, vector<16xi32>], vector<16xf32>, vector<16xi1>
          %broadcast_in_dim3A_226 = arith.constant 26 : i32
          %broadcast_in_dim3A_227 = vector.broadcast %broadcast_in_dim3A_226 : i32 to vector<16xi32>
          %gather3A_228 = tpu.vector_load_idx %arg9[%broadcast_in_dim3A, %broadcast_in_dim3A_227, %and3A_135] masked %lt3A_132 : memref<6x64x128xf32, #tpu.memory_space<vmem>>[vector<16xi32>, vector<16xi32>, vector<16xi32>], vector<16xf32>, vector<16xi1>
          tpu.vector_store_idx %arg10[%rem3A_148, %broadcast_in_dim3A_227], %gather3A_228 masked %lt3A_132 : memref<48x128xf32, #tpu.memory_space<vmem>>[vector<16xi32>, vector<16xi32>], vector<16xf32>, vector<16xi1>
          %broadcast_in_dim3A_229 = arith.constant 27 : i32
          %broadcast_in_dim3A_230 = vector.broadcast %broadcast_in_dim3A_229 : i32 to vector<16xi32>
          %gather3A_231 = tpu.vector_load_idx %arg9[%broadcast_in_dim3A, %broadcast_in_dim3A_230, %and3A_135] masked %lt3A_132 : memref<6x64x128xf32, #tpu.memory_space<vmem>>[vector<16xi32>, vector<16xi32>, vector<16xi32>], vector<16xf32>, vector<16xi1>
          tpu.vector_store_idx %arg10[%rem3A_148, %broadcast_in_dim3A_230], %gather3A_231 masked %lt3A_132 : memref<48x128xf32, #tpu.memory_space<vmem>>[vector<16xi32>, vector<16xi32>], vector<16xf32>, vector<16xi1>
          %broadcast_in_dim3A_232 = arith.constant 28 : i32
          %broadcast_in_dim3A_233 = vector.broadcast %broadcast_in_dim3A_232 : i32 to vector<16xi32>
          %gather3A_234 = tpu.vector_load_idx %arg9[%broadcast_in_dim3A, %broadcast_in_dim3A_233, %and3A_135] masked %lt3A_132 : memref<6x64x128xf32, #tpu.memory_space<vmem>>[vector<16xi32>, vector<16xi32>, vector<16xi32>], vector<16xf32>, vector<16xi1>
          tpu.vector_store_idx %arg10[%rem3A_148, %broadcast_in_dim3A_233], %gather3A_234 masked %lt3A_132 : memref<48x128xf32, #tpu.memory_space<vmem>>[vector<16xi32>, vector<16xi32>], vector<16xf32>, vector<16xi1>
          %broadcast_in_dim3A_235 = arith.constant 29 : i32
          %broadcast_in_dim3A_236 = vector.broadcast %broadcast_in_dim3A_235 : i32 to vector<16xi32>
          %gather3A_237 = tpu.vector_load_idx %arg9[%broadcast_in_dim3A, %broadcast_in_dim3A_236, %and3A_135] masked %lt3A_132 : memref<6x64x128xf32, #tpu.memory_space<vmem>>[vector<16xi32>, vector<16xi32>, vector<16xi32>], vector<16xf32>, vector<16xi1>
          tpu.vector_store_idx %arg10[%rem3A_148, %broadcast_in_dim3A_236], %gather3A_237 masked %lt3A_132 : memref<48x128xf32, #tpu.memory_space<vmem>>[vector<16xi32>, vector<16xi32>], vector<16xf32>, vector<16xi1>
          %broadcast_in_dim3A_238 = arith.constant 30 : i32
          %broadcast_in_dim3A_239 = vector.broadcast %broadcast_in_dim3A_238 : i32 to vector<16xi32>
          %gather3A_240 = tpu.vector_load_idx %arg9[%broadcast_in_dim3A, %broadcast_in_dim3A_239, %and3A_135] masked %lt3A_132 : memref<6x64x128xf32, #tpu.memory_space<vmem>>[vector<16xi32>, vector<16xi32>, vector<16xi32>], vector<16xf32>, vector<16xi1>
          tpu.vector_store_idx %arg10[%rem3A_148, %broadcast_in_dim3A_239], %gather3A_240 masked %lt3A_132 : memref<48x128xf32, #tpu.memory_space<vmem>>[vector<16xi32>, vector<16xi32>], vector<16xf32>, vector<16xi1>
          %broadcast_in_dim3A_241 = arith.constant 31 : i32
          %broadcast_in_dim3A_242 = vector.broadcast %broadcast_in_dim3A_241 : i32 to vector<16xi32>
          %gather3A_243 = tpu.vector_load_idx %arg9[%broadcast_in_dim3A, %broadcast_in_dim3A_242, %and3A_135] masked %lt3A_132 : memref<6x64x128xf32, #tpu.memory_space<vmem>>[vector<16xi32>, vector<16xi32>, vector<16xi32>], vector<16xf32>, vector<16xi1>
          tpu.vector_store_idx %arg10[%rem3A_148, %broadcast_in_dim3A_242], %gather3A_243 masked %lt3A_132 : memref<48x128xf32, #tpu.memory_space<vmem>>[vector<16xi32>, vector<16xi32>], vector<16xf32>, vector<16xi1>
          %broadcast_in_dim3A_244 = arith.constant 32 : i32
          %broadcast_in_dim3A_245 = vector.broadcast %broadcast_in_dim3A_244 : i32 to vector<16xi32>
          %gather3A_246 = tpu.vector_load_idx %arg9[%broadcast_in_dim3A, %broadcast_in_dim3A_245, %and3A_135] masked %lt3A_132 : memref<6x64x128xf32, #tpu.memory_space<vmem>>[vector<16xi32>, vector<16xi32>, vector<16xi32>], vector<16xf32>, vector<16xi1>
          tpu.vector_store_idx %arg10[%rem3A_148, %broadcast_in_dim3A_245], %gather3A_246 masked %lt3A_132 : memref<48x128xf32, #tpu.memory_space<vmem>>[vector<16xi32>, vector<16xi32>], vector<16xf32>, vector<16xi1>
          %broadcast_in_dim3A_247 = arith.constant 33 : i32
          %broadcast_in_dim3A_248 = vector.broadcast %broadcast_in_dim3A_247 : i32 to vector<16xi32>
          %gather3A_249 = tpu.vector_load_idx %arg9[%broadcast_in_dim3A, %broadcast_in_dim3A_248, %and3A_135] masked %lt3A_132 : memref<6x64x128xf32, #tpu.memory_space<vmem>>[vector<16xi32>, vector<16xi32>, vector<16xi32>], vector<16xf32>, vector<16xi1>
          tpu.vector_store_idx %arg10[%rem3A_148, %broadcast_in_dim3A_248], %gather3A_249 masked %lt3A_132 : memref<48x128xf32, #tpu.memory_space<vmem>>[vector<16xi32>, vector<16xi32>], vector<16xf32>, vector<16xi1>
          %broadcast_in_dim3A_250 = arith.constant 34 : i32
          %broadcast_in_dim3A_251 = vector.broadcast %broadcast_in_dim3A_250 : i32 to vector<16xi32>
          %gather3A_252 = tpu.vector_load_idx %arg9[%broadcast_in_dim3A, %broadcast_in_dim3A_251, %and3A_135] masked %lt3A_132 : memref<6x64x128xf32, #tpu.memory_space<vmem>>[vector<16xi32>, vector<16xi32>, vector<16xi32>], vector<16xf32>, vector<16xi1>
          tpu.vector_store_idx %arg10[%rem3A_148, %broadcast_in_dim3A_251], %gather3A_252 masked %lt3A_132 : memref<48x128xf32, #tpu.memory_space<vmem>>[vector<16xi32>, vector<16xi32>], vector<16xf32>, vector<16xi1>
          %broadcast_in_dim3A_253 = arith.constant 35 : i32
          %broadcast_in_dim3A_254 = vector.broadcast %broadcast_in_dim3A_253 : i32 to vector<16xi32>
          %gather3A_255 = tpu.vector_load_idx %arg9[%broadcast_in_dim3A, %broadcast_in_dim3A_254, %and3A_135] masked %lt3A_132 : memref<6x64x128xf32, #tpu.memory_space<vmem>>[vector<16xi32>, vector<16xi32>, vector<16xi32>], vector<16xf32>, vector<16xi1>
          tpu.vector_store_idx %arg10[%rem3A_148, %broadcast_in_dim3A_254], %gather3A_255 masked %lt3A_132 : memref<48x128xf32, #tpu.memory_space<vmem>>[vector<16xi32>, vector<16xi32>], vector<16xf32>, vector<16xi1>
          %broadcast_in_dim3A_256 = arith.constant 36 : i32
          %broadcast_in_dim3A_257 = vector.broadcast %broadcast_in_dim3A_256 : i32 to vector<16xi32>
          %gather3A_258 = tpu.vector_load_idx %arg9[%broadcast_in_dim3A, %broadcast_in_dim3A_257, %and3A_135] masked %lt3A_132 : memref<6x64x128xf32, #tpu.memory_space<vmem>>[vector<16xi32>, vector<16xi32>, vector<16xi32>], vector<16xf32>, vector<16xi1>
          tpu.vector_store_idx %arg10[%rem3A_148, %broadcast_in_dim3A_257], %gather3A_258 masked %lt3A_132 : memref<48x128xf32, #tpu.memory_space<vmem>>[vector<16xi32>, vector<16xi32>], vector<16xf32>, vector<16xi1>
          %broadcast_in_dim3A_259 = arith.constant 37 : i32
          %broadcast_in_dim3A_260 = vector.broadcast %broadcast_in_dim3A_259 : i32 to vector<16xi32>
          %gather3A_261 = tpu.vector_load_idx %arg9[%broadcast_in_dim3A, %broadcast_in_dim3A_260, %and3A_135] masked %lt3A_132 : memref<6x64x128xf32, #tpu.memory_space<vmem>>[vector<16xi32>, vector<16xi32>, vector<16xi32>], vector<16xf32>, vector<16xi1>
          tpu.vector_store_idx %arg10[%rem3A_148, %broadcast_in_dim3A_260], %gather3A_261 masked %lt3A_132 : memref<48x128xf32, #tpu.memory_space<vmem>>[vector<16xi32>, vector<16xi32>], vector<16xf32>, vector<16xi1>
          %broadcast_in_dim3A_262 = arith.constant 38 : i32
          %broadcast_in_dim3A_263 = vector.broadcast %broadcast_in_dim3A_262 : i32 to vector<16xi32>
          %gather3A_264 = tpu.vector_load_idx %arg9[%broadcast_in_dim3A, %broadcast_in_dim3A_263, %and3A_135] masked %lt3A_132 : memref<6x64x128xf32, #tpu.memory_space<vmem>>[vector<16xi32>, vector<16xi32>, vector<16xi32>], vector<16xf32>, vector<16xi1>
          tpu.vector_store_idx %arg10[%rem3A_148, %broadcast_in_dim3A_263], %gather3A_264 masked %lt3A_132 : memref<48x128xf32, #tpu.memory_space<vmem>>[vector<16xi32>, vector<16xi32>], vector<16xf32>, vector<16xi1>
          %broadcast_in_dim3A_265 = arith.constant 39 : i32
          %broadcast_in_dim3A_266 = vector.broadcast %broadcast_in_dim3A_265 : i32 to vector<16xi32>
          %gather3A_267 = tpu.vector_load_idx %arg9[%broadcast_in_dim3A, %broadcast_in_dim3A_266, %and3A_135] masked %lt3A_132 : memref<6x64x128xf32, #tpu.memory_space<vmem>>[vector<16xi32>, vector<16xi32>, vector<16xi32>], vector<16xf32>, vector<16xi1>
          tpu.vector_store_idx %arg10[%rem3A_148, %broadcast_in_dim3A_266], %gather3A_267 masked %lt3A_132 : memref<48x128xf32, #tpu.memory_space<vmem>>[vector<16xi32>, vector<16xi32>], vector<16xf32>, vector<16xi1>
          %broadcast_in_dim3A_268 = arith.constant 40 : i32
          %broadcast_in_dim3A_269 = vector.broadcast %broadcast_in_dim3A_268 : i32 to vector<16xi32>
          %gather3A_270 = tpu.vector_load_idx %arg9[%broadcast_in_dim3A, %broadcast_in_dim3A_269, %and3A_135] masked %lt3A_132 : memref<6x64x128xf32, #tpu.memory_space<vmem>>[vector<16xi32>, vector<16xi32>, vector<16xi32>], vector<16xf32>, vector<16xi1>
          tpu.vector_store_idx %arg10[%rem3A_148, %broadcast_in_dim3A_269], %gather3A_270 masked %lt3A_132 : memref<48x128xf32, #tpu.memory_space<vmem>>[vector<16xi32>, vector<16xi32>], vector<16xf32>, vector<16xi1>
          %broadcast_in_dim3A_271 = arith.constant 41 : i32
          %broadcast_in_dim3A_272 = vector.broadcast %broadcast_in_dim3A_271 : i32 to vector<16xi32>
          %gather3A_273 = tpu.vector_load_idx %arg9[%broadcast_in_dim3A, %broadcast_in_dim3A_272, %and3A_135] masked %lt3A_132 : memref<6x64x128xf32, #tpu.memory_space<vmem>>[vector<16xi32>, vector<16xi32>, vector<16xi32>], vector<16xf32>, vector<16xi1>
          tpu.vector_store_idx %arg10[%rem3A_148, %broadcast_in_dim3A_272], %gather3A_273 masked %lt3A_132 : memref<48x128xf32, #tpu.memory_space<vmem>>[vector<16xi32>, vector<16xi32>], vector<16xf32>, vector<16xi1>
          %broadcast_in_dim3A_274 = arith.constant 42 : i32
          %broadcast_in_dim3A_275 = vector.broadcast %broadcast_in_dim3A_274 : i32 to vector<16xi32>
          %gather3A_276 = tpu.vector_load_idx %arg9[%broadcast_in_dim3A, %broadcast_in_dim3A_275, %and3A_135] masked %lt3A_132 : memref<6x64x128xf32, #tpu.memory_space<vmem>>[vector<16xi32>, vector<16xi32>, vector<16xi32>], vector<16xf32>, vector<16xi1>
          tpu.vector_store_idx %arg10[%rem3A_148, %broadcast_in_dim3A_275], %gather3A_276 masked %lt3A_132 : memref<48x128xf32, #tpu.memory_space<vmem>>[vector<16xi32>, vector<16xi32>], vector<16xf32>, vector<16xi1>
          %broadcast_in_dim3A_277 = arith.constant 43 : i32
          %broadcast_in_dim3A_278 = vector.broadcast %broadcast_in_dim3A_277 : i32 to vector<16xi32>
          %gather3A_279 = tpu.vector_load_idx %arg9[%broadcast_in_dim3A, %broadcast_in_dim3A_278, %and3A_135] masked %lt3A_132 : memref<6x64x128xf32, #tpu.memory_space<vmem>>[vector<16xi32>, vector<16xi32>, vector<16xi32>], vector<16xf32>, vector<16xi1>
          tpu.vector_store_idx %arg10[%rem3A_148, %broadcast_in_dim3A_278], %gather3A_279 masked %lt3A_132 : memref<48x128xf32, #tpu.memory_space<vmem>>[vector<16xi32>, vector<16xi32>], vector<16xf32>, vector<16xi1>
          %broadcast_in_dim3A_280 = arith.constant 44 : i32
          %broadcast_in_dim3A_281 = vector.broadcast %broadcast_in_dim3A_280 : i32 to vector<16xi32>
          %gather3A_282 = tpu.vector_load_idx %arg9[%broadcast_in_dim3A, %broadcast_in_dim3A_281, %and3A_135] masked %lt3A_132 : memref<6x64x128xf32, #tpu.memory_space<vmem>>[vector<16xi32>, vector<16xi32>, vector<16xi32>], vector<16xf32>, vector<16xi1>
          tpu.vector_store_idx %arg10[%rem3A_148, %broadcast_in_dim3A_281], %gather3A_282 masked %lt3A_132 : memref<48x128xf32, #tpu.memory_space<vmem>>[vector<16xi32>, vector<16xi32>], vector<16xf32>, vector<16xi1>
          %broadcast_in_dim3A_283 = arith.constant 45 : i32
          %broadcast_in_dim3A_284 = vector.broadcast %broadcast_in_dim3A_283 : i32 to vector<16xi32>
          %gather3A_285 = tpu.vector_load_idx %arg9[%broadcast_in_dim3A, %broadcast_in_dim3A_284, %and3A_135] masked %lt3A_132 : memref<6x64x128xf32, #tpu.memory_space<vmem>>[vector<16xi32>, vector<16xi32>, vector<16xi32>], vector<16xf32>, vector<16xi1>
          tpu.vector_store_idx %arg10[%rem3A_148, %broadcast_in_dim3A_284], %gather3A_285 masked %lt3A_132 : memref<48x128xf32, #tpu.memory_space<vmem>>[vector<16xi32>, vector<16xi32>], vector<16xf32>, vector<16xi1>
          %broadcast_in_dim3A_286 = arith.constant 46 : i32
          %broadcast_in_dim3A_287 = vector.broadcast %broadcast_in_dim3A_286 : i32 to vector<16xi32>
          %gather3A_288 = tpu.vector_load_idx %arg9[%broadcast_in_dim3A, %broadcast_in_dim3A_287, %and3A_135] masked %lt3A_132 : memref<6x64x128xf32, #tpu.memory_space<vmem>>[vector<16xi32>, vector<16xi32>, vector<16xi32>], vector<16xf32>, vector<16xi1>
          tpu.vector_store_idx %arg10[%rem3A_148, %broadcast_in_dim3A_287], %gather3A_288 masked %lt3A_132 : memref<48x128xf32, #tpu.memory_space<vmem>>[vector<16xi32>, vector<16xi32>], vector<16xf32>, vector<16xi1>
          %broadcast_in_dim3A_289 = arith.constant 47 : i32
          %broadcast_in_dim3A_290 = vector.broadcast %broadcast_in_dim3A_289 : i32 to vector<16xi32>
          %gather3A_291 = tpu.vector_load_idx %arg9[%broadcast_in_dim3A, %broadcast_in_dim3A_290, %and3A_135] masked %lt3A_132 : memref<6x64x128xf32, #tpu.memory_space<vmem>>[vector<16xi32>, vector<16xi32>, vector<16xi32>], vector<16xf32>, vector<16xi1>
          tpu.vector_store_idx %arg10[%rem3A_148, %broadcast_in_dim3A_290], %gather3A_291 masked %lt3A_132 : memref<48x128xf32, #tpu.memory_space<vmem>>[vector<16xi32>, vector<16xi32>], vector<16xf32>, vector<16xi1>
          %broadcast_in_dim3A_292 = arith.constant 48 : i32
          %broadcast_in_dim3A_293 = vector.broadcast %broadcast_in_dim3A_292 : i32 to vector<16xi32>
          %gather3A_294 = tpu.vector_load_idx %arg9[%broadcast_in_dim3A, %broadcast_in_dim3A_293, %and3A_135] masked %lt3A_132 : memref<6x64x128xf32, #tpu.memory_space<vmem>>[vector<16xi32>, vector<16xi32>, vector<16xi32>], vector<16xf32>, vector<16xi1>
          tpu.vector_store_idx %arg10[%rem3A_148, %broadcast_in_dim3A_293], %gather3A_294 masked %lt3A_132 : memref<48x128xf32, #tpu.memory_space<vmem>>[vector<16xi32>, vector<16xi32>], vector<16xf32>, vector<16xi1>
          %broadcast_in_dim3A_295 = arith.constant 49 : i32
          %broadcast_in_dim3A_296 = vector.broadcast %broadcast_in_dim3A_295 : i32 to vector<16xi32>
          %gather3A_297 = tpu.vector_load_idx %arg9[%broadcast_in_dim3A, %broadcast_in_dim3A_296, %and3A_135] masked %lt3A_132 : memref<6x64x128xf32, #tpu.memory_space<vmem>>[vector<16xi32>, vector<16xi32>, vector<16xi32>], vector<16xf32>, vector<16xi1>
          tpu.vector_store_idx %arg10[%rem3A_148, %broadcast_in_dim3A_296], %gather3A_297 masked %lt3A_132 : memref<48x128xf32, #tpu.memory_space<vmem>>[vector<16xi32>, vector<16xi32>], vector<16xf32>, vector<16xi1>
          %broadcast_in_dim3A_298 = arith.constant 50 : i32
          %broadcast_in_dim3A_299 = vector.broadcast %broadcast_in_dim3A_298 : i32 to vector<16xi32>
          %gather3A_300 = tpu.vector_load_idx %arg9[%broadcast_in_dim3A, %broadcast_in_dim3A_299, %and3A_135] masked %lt3A_132 : memref<6x64x128xf32, #tpu.memory_space<vmem>>[vector<16xi32>, vector<16xi32>, vector<16xi32>], vector<16xf32>, vector<16xi1>
          tpu.vector_store_idx %arg10[%rem3A_148, %broadcast_in_dim3A_299], %gather3A_300 masked %lt3A_132 : memref<48x128xf32, #tpu.memory_space<vmem>>[vector<16xi32>, vector<16xi32>], vector<16xf32>, vector<16xi1>
          %broadcast_in_dim3A_301 = arith.constant 51 : i32
          %broadcast_in_dim3A_302 = vector.broadcast %broadcast_in_dim3A_301 : i32 to vector<16xi32>
          %gather3A_303 = tpu.vector_load_idx %arg9[%broadcast_in_dim3A, %broadcast_in_dim3A_302, %and3A_135] masked %lt3A_132 : memref<6x64x128xf32, #tpu.memory_space<vmem>>[vector<16xi32>, vector<16xi32>, vector<16xi32>], vector<16xf32>, vector<16xi1>
          tpu.vector_store_idx %arg10[%rem3A_148, %broadcast_in_dim3A_302], %gather3A_303 masked %lt3A_132 : memref<48x128xf32, #tpu.memory_space<vmem>>[vector<16xi32>, vector<16xi32>], vector<16xf32>, vector<16xi1>
          %broadcast_in_dim3A_304 = arith.constant 52 : i32
          %broadcast_in_dim3A_305 = vector.broadcast %broadcast_in_dim3A_304 : i32 to vector<16xi32>
          %gather3A_306 = tpu.vector_load_idx %arg9[%broadcast_in_dim3A, %broadcast_in_dim3A_305, %and3A_135] masked %lt3A_132 : memref<6x64x128xf32, #tpu.memory_space<vmem>>[vector<16xi32>, vector<16xi32>, vector<16xi32>], vector<16xf32>, vector<16xi1>
          tpu.vector_store_idx %arg10[%rem3A_148, %broadcast_in_dim3A_305], %gather3A_306 masked %lt3A_132 : memref<48x128xf32, #tpu.memory_space<vmem>>[vector<16xi32>, vector<16xi32>], vector<16xf32>, vector<16xi1>
          %broadcast_in_dim3A_307 = arith.constant 53 : i32
          %broadcast_in_dim3A_308 = vector.broadcast %broadcast_in_dim3A_307 : i32 to vector<16xi32>
          %gather3A_309 = tpu.vector_load_idx %arg9[%broadcast_in_dim3A, %broadcast_in_dim3A_308, %and3A_135] masked %lt3A_132 : memref<6x64x128xf32, #tpu.memory_space<vmem>>[vector<16xi32>, vector<16xi32>, vector<16xi32>], vector<16xf32>, vector<16xi1>
          tpu.vector_store_idx %arg10[%rem3A_148, %broadcast_in_dim3A_308], %gather3A_309 masked %lt3A_132 : memref<48x128xf32, #tpu.memory_space<vmem>>[vector<16xi32>, vector<16xi32>], vector<16xf32>, vector<16xi1>
          %broadcast_in_dim3A_310 = arith.constant 54 : i32
          %broadcast_in_dim3A_311 = vector.broadcast %broadcast_in_dim3A_310 : i32 to vector<16xi32>
          %gather3A_312 = tpu.vector_load_idx %arg9[%broadcast_in_dim3A, %broadcast_in_dim3A_311, %and3A_135] masked %lt3A_132 : memref<6x64x128xf32, #tpu.memory_space<vmem>>[vector<16xi32>, vector<16xi32>, vector<16xi32>], vector<16xf32>, vector<16xi1>
          tpu.vector_store_idx %arg10[%rem3A_148, %broadcast_in_dim3A_311], %gather3A_312 masked %lt3A_132 : memref<48x128xf32, #tpu.memory_space<vmem>>[vector<16xi32>, vector<16xi32>], vector<16xf32>, vector<16xi1>
          %broadcast_in_dim3A_313 = arith.constant 55 : i32
          %broadcast_in_dim3A_314 = vector.broadcast %broadcast_in_dim3A_313 : i32 to vector<16xi32>
          %gather3A_315 = tpu.vector_load_idx %arg9[%broadcast_in_dim3A, %broadcast_in_dim3A_314, %and3A_135] masked %lt3A_132 : memref<6x64x128xf32, #tpu.memory_space<vmem>>[vector<16xi32>, vector<16xi32>, vector<16xi32>], vector<16xf32>, vector<16xi1>
          tpu.vector_store_idx %arg10[%rem3A_148, %broadcast_in_dim3A_314], %gather3A_315 masked %lt3A_132 : memref<48x128xf32, #tpu.memory_space<vmem>>[vector<16xi32>, vector<16xi32>], vector<16xf32>, vector<16xi1>
          %broadcast_in_dim3A_316 = arith.constant 56 : i32
          %broadcast_in_dim3A_317 = vector.broadcast %broadcast_in_dim3A_316 : i32 to vector<16xi32>
          %gather3A_318 = tpu.vector_load_idx %arg9[%broadcast_in_dim3A, %broadcast_in_dim3A_317, %and3A_135] masked %lt3A_132 : memref<6x64x128xf32, #tpu.memory_space<vmem>>[vector<16xi32>, vector<16xi32>, vector<16xi32>], vector<16xf32>, vector<16xi1>
          tpu.vector_store_idx %arg10[%rem3A_148, %broadcast_in_dim3A_317], %gather3A_318 masked %lt3A_132 : memref<48x128xf32, #tpu.memory_space<vmem>>[vector<16xi32>, vector<16xi32>], vector<16xf32>, vector<16xi1>
          %broadcast_in_dim3A_319 = arith.constant 57 : i32
          %broadcast_in_dim3A_320 = vector.broadcast %broadcast_in_dim3A_319 : i32 to vector<16xi32>
          %gather3A_321 = tpu.vector_load_idx %arg9[%broadcast_in_dim3A, %broadcast_in_dim3A_320, %and3A_135] masked %lt3A_132 : memref<6x64x128xf32, #tpu.memory_space<vmem>>[vector<16xi32>, vector<16xi32>, vector<16xi32>], vector<16xf32>, vector<16xi1>
          tpu.vector_store_idx %arg10[%rem3A_148, %broadcast_in_dim3A_320], %gather3A_321 masked %lt3A_132 : memref<48x128xf32, #tpu.memory_space<vmem>>[vector<16xi32>, vector<16xi32>], vector<16xf32>, vector<16xi1>
          %broadcast_in_dim3A_322 = arith.constant 58 : i32
          %broadcast_in_dim3A_323 = vector.broadcast %broadcast_in_dim3A_322 : i32 to vector<16xi32>
          %gather3A_324 = tpu.vector_load_idx %arg9[%broadcast_in_dim3A, %broadcast_in_dim3A_323, %and3A_135] masked %lt3A_132 : memref<6x64x128xf32, #tpu.memory_space<vmem>>[vector<16xi32>, vector<16xi32>, vector<16xi32>], vector<16xf32>, vector<16xi1>
          tpu.vector_store_idx %arg10[%rem3A_148, %broadcast_in_dim3A_323], %gather3A_324 masked %lt3A_132 : memref<48x128xf32, #tpu.memory_space<vmem>>[vector<16xi32>, vector<16xi32>], vector<16xf32>, vector<16xi1>
          %broadcast_in_dim3A_325 = arith.constant 59 : i32
          %broadcast_in_dim3A_326 = vector.broadcast %broadcast_in_dim3A_325 : i32 to vector<16xi32>
          %gather3A_327 = tpu.vector_load_idx %arg9[%broadcast_in_dim3A, %broadcast_in_dim3A_326, %and3A_135] masked %lt3A_132 : memref<6x64x128xf32, #tpu.memory_space<vmem>>[vector<16xi32>, vector<16xi32>, vector<16xi32>], vector<16xf32>, vector<16xi1>
          tpu.vector_store_idx %arg10[%rem3A_148, %broadcast_in_dim3A_326], %gather3A_327 masked %lt3A_132 : memref<48x128xf32, #tpu.memory_space<vmem>>[vector<16xi32>, vector<16xi32>], vector<16xf32>, vector<16xi1>
          %broadcast_in_dim3A_328 = arith.constant 60 : i32
          %broadcast_in_dim3A_329 = vector.broadcast %broadcast_in_dim3A_328 : i32 to vector<16xi32>
          %gather3A_330 = tpu.vector_load_idx %arg9[%broadcast_in_dim3A, %broadcast_in_dim3A_329, %and3A_135] masked %lt3A_132 : memref<6x64x128xf32, #tpu.memory_space<vmem>>[vector<16xi32>, vector<16xi32>, vector<16xi32>], vector<16xf32>, vector<16xi1>
          tpu.vector_store_idx %arg10[%rem3A_148, %broadcast_in_dim3A_329], %gather3A_330 masked %lt3A_132 : memref<48x128xf32, #tpu.memory_space<vmem>>[vector<16xi32>, vector<16xi32>], vector<16xf32>, vector<16xi1>
          %broadcast_in_dim3A_331 = arith.constant 61 : i32
          %broadcast_in_dim3A_332 = vector.broadcast %broadcast_in_dim3A_331 : i32 to vector<16xi32>
          %gather3A_333 = tpu.vector_load_idx %arg9[%broadcast_in_dim3A, %broadcast_in_dim3A_332, %and3A_135] masked %lt3A_132 : memref<6x64x128xf32, #tpu.memory_space<vmem>>[vector<16xi32>, vector<16xi32>, vector<16xi32>], vector<16xf32>, vector<16xi1>
          tpu.vector_store_idx %arg10[%rem3A_148, %broadcast_in_dim3A_332], %gather3A_333 masked %lt3A_132 : memref<48x128xf32, #tpu.memory_space<vmem>>[vector<16xi32>, vector<16xi32>], vector<16xf32>, vector<16xi1>
          %broadcast_in_dim3A_334 = arith.constant 62 : i32
          %broadcast_in_dim3A_335 = vector.broadcast %broadcast_in_dim3A_334 : i32 to vector<16xi32>
          %gather3A_336 = tpu.vector_load_idx %arg9[%broadcast_in_dim3A, %broadcast_in_dim3A_335, %and3A_135] masked %lt3A_132 : memref<6x64x128xf32, #tpu.memory_space<vmem>>[vector<16xi32>, vector<16xi32>, vector<16xi32>], vector<16xf32>, vector<16xi1>
          tpu.vector_store_idx %arg10[%rem3A_148, %broadcast_in_dim3A_335], %gather3A_336 masked %lt3A_132 : memref<48x128xf32, #tpu.memory_space<vmem>>[vector<16xi32>, vector<16xi32>], vector<16xf32>, vector<16xi1>
          %broadcast_in_dim3A_337 = arith.constant 63 : i32
          %broadcast_in_dim3A_338 = vector.broadcast %broadcast_in_dim3A_337 : i32 to vector<16xi32>
          %gather3A_339 = tpu.vector_load_idx %arg9[%broadcast_in_dim3A, %broadcast_in_dim3A_338, %and3A_135] masked %lt3A_132 : memref<6x64x128xf32, #tpu.memory_space<vmem>>[vector<16xi32>, vector<16xi32>, vector<16xi32>], vector<16xf32>, vector<16xi1>
          tpu.vector_store_idx %arg10[%rem3A_148, %broadcast_in_dim3A_338], %gather3A_339 masked %lt3A_132 : memref<48x128xf32, #tpu.memory_space<vmem>>[vector<16xi32>, vector<16xi32>], vector<16xf32>, vector<16xi1>
          tpu.vector_store_idx %arg11[%rem3A_148], %get3A_127 masked %lt3A_132 : memref<48xi32, #tpu.memory_space<vmem>>[vector<16xi32>], vector<16xi32>, vector<16xi1>
          %slice3A = vector.extract_strided_slice %masked_cumsum3A {offsets = [15], sizes = [1], strides = [1]} : vector<16xi32> to vector<1xi32>
          %squeeze3A = vector.extract %slice3A[0] : i32 from vector<1xi32>
          %add3A_340 = arith.addi %while3A_119, %squeeze3A : i32
          %shift_right_arithmetic3A_341 = arith.constant 4 : i32
          %shift_right_arithmetic3A_342 = arith.shrsi %add3A_340, %shift_right_arithmetic3A_341 : i32
          %shift_right_arithmetic3A_343 = arith.constant 4 : i32
          %shift_right_arithmetic3A_344 = arith.shrsi %while3A_119, %shift_right_arithmetic3A_343 : i32
          %ne3A = arith.cmpi ne, %shift_right_arithmetic3A_342, %shift_right_arithmetic3A_344 : i32
          %convert_element_type3A_345 = arith.extui %ne3A : i1 to i32
          %cond3A_346 = arith.constant 0 : i32
          %cond3A_347 = arith.cmpi ne, %convert_element_type3A_345, %cond3A_346 : i32
          %cond3A_348 = scf.if %cond3A_347 -> (i32) {
            %shift_right_arithmetic3A_349 = arith.constant 4 : i32
            %shift_right_arithmetic3A_350 = arith.shrsi %while3A_119, %shift_right_arithmetic3A_349 : i32
            %rem3A_351 = arith.constant 3 : i32
            %rem3A_352 = arith.remsi %shift_right_arithmetic3A_350, %rem3A_351 : i32
            %mul3A_353 = arith.constant 16 : i32
            %mul3A_354 = arith.muli %rem3A_352, %mul3A_353 : i32
            %multiple_of3A_355 = tpu.assume_multiple %mul3A_354, 16 : i32
            %ge3A_356 = arith.constant 1 : i32
            %ge3A_357 = arith.cmpi sge, %while3A_120, %ge3A_356 : i32
            %convert_element_type3A_358 = arith.extui %ge3A_357 : i1 to i32
            %cond3A_359 = arith.constant 0 : i32
            %cond3A_360 = arith.cmpi ne, %convert_element_type3A_358, %cond3A_359 : i32
            scf.if %cond3A_360 {
              %dma_wait3A_368 = arith.constant 0 : i32
              %dma_wait3A_369 = arith.constant 0 : i32
              %dma_wait3A_370 = tpu.memref_slice %arg10[%dma_wait3A_368, %dma_wait3A_369] : memref<48x128xf32, #tpu.memory_space<vmem>> -> memref<16x128xf32, #tpu.memory_space<vmem>>
              %dma_wait3A_371 = arith.constant 0 : i32
              %dma_wait3A_372 = arith.constant 0 : i32
              %dma_wait3A_373 = tpu.memref_slice %arg3[%dma_wait3A_371, %dma_wait3A_372] : memref<64x1000000xf32, #tpu.memory_space<hbm>> -> memref<16x128xf32, #tpu.memory_space<hbm>>
              %dma_wait3A_374 = arith.constant 0 : i32
              %dma_wait3A_375 = arith.constant 0 : i32
              %dma_wait3A_376 = tpu.memref_slice %arg10[%dma_wait3A_374, %dma_wait3A_375] : memref<48x128xf32, #tpu.memory_space<vmem>> -> memref<16x128xf32, #tpu.memory_space<vmem>>
              %dma_wait3A_377 = arith.constant 0 : i32
              %dma_wait3A_378 = arith.constant 0 : i32
              %dma_wait3A_379 = tpu.memref_slice %arg3[%dma_wait3A_377, %dma_wait3A_378] : memref<64x1000000xf32, #tpu.memory_space<hbm>> -> memref<16x128xf32, #tpu.memory_space<hbm>>
              tpu.wait_dma2 semaphore(%arg17 : memref<!tpu.dma_semaphore, #tpu.memory_space<semaphore_mem>>) src(%dma_wait3A_379 : memref<16x128xf32, #tpu.memory_space<hbm>>) dst(%dma_wait3A_376 : memref<16x128xf32, #tpu.memory_space<vmem>>)
            } else {
            }
            %dma_start3A = arith.constant 0 : i32
            %dma_start3A_361 = tpu.memref_slice %arg10[%multiple_of3A_355, %dma_start3A] : memref<48x128xf32, #tpu.memory_space<vmem>> -> memref<16x128xf32, #tpu.memory_space<vmem>>
            %dma_start3A_362 = tpu.memref_slice %arg11[%multiple_of3A_355] : memref<48xi32, #tpu.memory_space<vmem>> -> memref<16xi32, #tpu.memory_space<vmem>>
            %dma_start3A_363 = arith.constant 0 : i32
            %dma_start3A_364 = arith.constant 0 : i32
            %dma_start3A_365 = tpu.memref_slice %arg4[%dma_start3A_363, %dma_start3A_364] : memref<16400x128xf32, #tpu.memory_space<hbm>> -> memref<16400x128xf32, #tpu.memory_space<hbm>>
            tpu.enqueue_indirect_dma source(%dma_start3A_361 : memref<16x128xf32, #tpu.memory_space<vmem>>) target(%dma_start3A_365 : memref<16400x128xf32, #tpu.memory_space<hbm>>) offsets(%dma_start3A_362 : memref<16xi32, #tpu.memory_space<vmem>>) semaphore(%arg17 : memref<!tpu.dma_semaphore, #tpu.memory_space<semaphore_mem>>)
            %add3A_366 = arith.constant 1 : i32
            %add3A_367 = arith.addi %while3A_120, %add3A_366 : i32
            scf.yield %add3A_367 : i32
          } else {
            scf.yield %while3A_120 : i32
          }
          scf.yield %add3A_340, %cond3A_348 : i32, i32
        }
        %add3A_116 = arith.constant 1 : i32
        %add3A_117 = arith.addi %scan3A_72, %add3A_116 : i32
        scf.yield %add3A_117, %while3A_115#0, %while3A_115#1 : i32, i32, i32
      } else {
        scf.yield %scan3A_72, %scan3A_73, %scan3A_74 : i32, i32, i32
      }
      scf.yield %cond3A_79#0, %cond3A_79#1, %cond3A_79#2 : i32, i32, i32
    }
    %scan3A_62 = arith.constant 6 : i32
    %and3A = arith.constant 15 : i32
    %and3A_63 = arith.andi %scan3A_61#1, %and3A : i32
    %gt3A = arith.constant 0 : i32
    %gt3A_64 = arith.cmpi sgt, %and3A_63, %gt3A : i32
    %convert_element_type3A = arith.extui %gt3A_64 : i1 to i32
    %cond3A = arith.constant 0 : i32
    %cond3A_65 = arith.cmpi ne, %convert_element_type3A, %cond3A : i32
    %cond3A_66 = scf.if %cond3A_65 -> (i32) {
      %shift_right_arithmetic3A_71 = arith.constant 4 : i32
      %shift_right_arithmetic3A_72 = arith.shrsi %scan3A_61#1, %shift_right_arithmetic3A_71 : i32
      %rem3A = arith.constant 3 : i32
      %rem3A_73 = arith.remsi %shift_right_arithmetic3A_72, %rem3A : i32
      %mul3A_74 = arith.constant 16 : i32
      %mul3A_75 = arith.muli %rem3A_73, %mul3A_74 : i32
      %multiple_of3A = tpu.assume_multiple %mul3A_75, 16 : i32
      %and3A_76 = arith.constant 15 : i32
      %and3A_77 = arith.andi %scan3A_61#1, %and3A_76 : i32
      %get3A = arith.index_cast %multiple_of3A : i32 to index
      %get3A_78 = tpu.vector_load %arg11[%get3A] {strides = array<i32>} : memref<48xi32, #tpu.memory_space<vmem>>, vector<16xi32>,
      %lt3A_79 = vector.broadcast %and3A_77 : i32 to vector<16xi32>
      %lt3A_80 = arith.cmpi slt, %iota3A, %lt3A_79 : vector<16xi32>
      %add3A_81 = arith.constant 16384 : i32
      %add3A_82 = vector.broadcast %add3A_81 : i32 to vector<16xi32>
      %add3A_83 = arith.addi %add3A_82, %iota3A : vector<16xi32>
      %select_n3A = arith.select %lt3A_80, %get3A_78, %add3A_83 : vector<16xi1>, vector<16xi32>
      %add3A_84 = vector.broadcast %multiple_of3A : i32 to vector<16xi32>
      %add3A_85 = arith.addi %add3A_84, %iota3A : vector<16xi32>
      tpu.vector_store_idx %arg11[%add3A_85], %select_n3A : memref<48xi32, #tpu.memory_space<vmem>>[vector<16xi32>], vector<16xi32>,
      %ge3A_86 = arith.constant 1 : i32
      %ge3A_87 = arith.cmpi sge, %scan3A_61#2, %ge3A_86 : i32
      %convert_element_type3A_88 = arith.extui %ge3A_87 : i1 to i32
      %cond3A_89 = arith.constant 0 : i32
      %cond3A_90 = arith.cmpi ne, %convert_element_type3A_88, %cond3A_89 : i32
      scf.if %cond3A_90 {
        %dma_wait3A = arith.constant 0 : i32
        %dma_wait3A_98 = arith.constant 0 : i32
        %dma_wait3A_99 = tpu.memref_slice %arg10[%dma_wait3A, %dma_wait3A_98] : memref<48x128xf32, #tpu.memory_space<vmem>> -> memref<16x128xf32, #tpu.memory_space<vmem>>
        %dma_wait3A_100 = arith.constant 0 : i32
        %dma_wait3A_101 = arith.constant 0 : i32
        %dma_wait3A_102 = tpu.memref_slice %arg3[%dma_wait3A_100, %dma_wait3A_101] : memref<64x1000000xf32, #tpu.memory_space<hbm>> -> memref<16x128xf32, #tpu.memory_space<hbm>>
        %dma_wait3A_103 = arith.constant 0 : i32
        %dma_wait3A_104 = arith.constant 0 : i32
        %dma_wait3A_105 = tpu.memref_slice %arg10[%dma_wait3A_103, %dma_wait3A_104] : memref<48x128xf32, #tpu.memory_space<vmem>> -> memref<16x128xf32, #tpu.memory_space<vmem>>
        %dma_wait3A_106 = arith.constant 0 : i32
        %dma_wait3A_107 = arith.constant 0 : i32
        %dma_wait3A_108 = tpu.memref_slice %arg3[%dma_wait3A_106, %dma_wait3A_107] : memref<64x1000000xf32, #tpu.memory_space<hbm>> -> memref<16x128xf32, #tpu.memory_space<hbm>>
        tpu.wait_dma2 semaphore(%arg17 : memref<!tpu.dma_semaphore, #tpu.memory_space<semaphore_mem>>) src(%dma_wait3A_108 : memref<16x128xf32, #tpu.memory_space<hbm>>) dst(%dma_wait3A_105 : memref<16x128xf32, #tpu.memory_space<vmem>>)
      } else {
      }
      %dma_start3A = arith.constant 0 : i32
      %dma_start3A_91 = tpu.memref_slice %arg10[%multiple_of3A, %dma_start3A] : memref<48x128xf32, #tpu.memory_space<vmem>> -> memref<16x128xf32, #tpu.memory_space<vmem>>
      %dma_start3A_92 = tpu.memref_slice %arg11[%multiple_of3A] : memref<48xi32, #tpu.memory_space<vmem>> -> memref<16xi32, #tpu.memory_space<vmem>>
      %dma_start3A_93 = arith.constant 0 : i32
      %dma_start3A_94 = arith.constant 0 : i32
      %dma_start3A_95 = tpu.memref_slice %arg4[%dma_start3A_93, %dma_start3A_94] : memref<16400x128xf32, #tpu.memory_space<hbm>> -> memref<16400x128xf32, #tpu.memory_space<hbm>>
      tpu.enqueue_indirect_dma source(%dma_start3A_91 : memref<16x128xf32, #tpu.memory_space<vmem>>) target(%dma_start3A_95 : memref<16400x128xf32, #tpu.memory_space<hbm>>) offsets(%dma_start3A_92 : memref<16xi32, #tpu.memory_space<vmem>>) semaphore(%arg17 : memref<!tpu.dma_semaphore, #tpu.memory_space<semaphore_mem>>)
      %add3A_96 = arith.constant 1 : i32
      %add3A_97 = arith.addi %scan3A_61#2, %add3A_96 : i32
      scf.yield %add3A_97 : i32
    } else {
      scf.yield %scan3A_61#2 : i32
    }
    %ge3A = arith.constant 1 : i32
    %ge3A_67 = arith.cmpi sge, %cond3A_66, %ge3A : i32
    %convert_element_type3A_68 = arith.extui %ge3A_67 : i1 to i32
    %cond3A_69 = arith.constant 0 : i32
    %cond3A_70 = arith.cmpi ne, %convert_element_type3A_68, %cond3A_69 : i32
    scf.if %cond3A_70 {
      %dma_wait3A = arith.constant 0 : i32
      %dma_wait3A_71 = arith.constant 0 : i32
      %dma_wait3A_72 = tpu.memref_slice %arg10[%dma_wait3A, %dma_wait3A_71] : memref<48x128xf32, #tpu.memory_space<vmem>> -> memref<16x128xf32, #tpu.memory_space<vmem>>
      %dma_wait3A_73 = arith.constant 0 : i32
      %dma_wait3A_74 = arith.constant 0 : i32
      %dma_wait3A_75 = tpu.memref_slice %arg3[%dma_wait3A_73, %dma_wait3A_74] : memref<64x1000000xf32, #tpu.memory_space<hbm>> -> memref<16x128xf32, #tpu.memory_space<hbm>>
      %dma_wait3A_76 = arith.constant 0 : i32
      %dma_wait3A_77 = arith.constant 0 : i32
      %dma_wait3A_78 = tpu.memref_slice %arg10[%dma_wait3A_76, %dma_wait3A_77] : memref<48x128xf32, #tpu.memory_space<vmem>> -> memref<16x128xf32, #tpu.memory_space<vmem>>
      %dma_wait3A_79 = arith.constant 0 : i32
      %dma_wait3A_80 = arith.constant 0 : i32
      %dma_wait3A_81 = tpu.memref_slice %arg3[%dma_wait3A_79, %dma_wait3A_80] : memref<64x1000000xf32, #tpu.memory_space<hbm>> -> memref<16x128xf32, #tpu.memory_space<hbm>>
      tpu.wait_dma2 semaphore(%arg17 : memref<!tpu.dma_semaphore, #tpu.memory_space<semaphore_mem>>) src(%dma_wait3A_81 : memref<16x128xf32, #tpu.memory_space<hbm>>) dst(%dma_wait3A_78 : memref<16x128xf32, #tpu.memory_space<vmem>>)
    } else {
    }
    return
  }
}

</mosaic_0001>

<sc_bundles>
// kernel: kernel.3.cloned.1.call-start
scs
__scs_entry_jumppad:
0x0: {  	(pc) =	sbr.rel $0x88, $3  }
0x1: {  	(tag) =	ssettag $0x0;
	lr =	simm.s32 $0x1  }
0x2: {  	[smem:$0x3F9F] =	sst lr;
	_ =	strace $0xD0000000  }
0x3: {  	_ = 	snop  }
0x4: {  	_ = 	snop  }
0x5: {  	_ = 	snop  }
0x6: {  	_ = 	snop  }
0x7: {  	_ = 	snop  }
__scs_overlays_trampoline_lowered:
0x8: {  	[smem:$0x3FAE] =	sst s0  }
0x9: {  	[smem:$0x3FAF] =	sst s1  }
0xa: {  	[smem:$0x3FB0] =	sst s2  }
0xb: {  	[smem:$0x3FB1] =	sst s3  }
0xc: {  	[smem:$0x3FB2] =	sst s4  }
0xd: {  	[smem:$0x3FB3] =	sst s5  }
0xe: {  	[smem:$0x3FB4] =	sst s6  }
0xf: {  	[smem:$0x3FB5] =	sst s7  }
0x10: {  	[smem:$0x3FB6] =	sst s8  }
0x11: {  	[smem:$0x3FB7] =	sst s9;
	s0 =	simm.s32 @!p0 $0x0  }
0x12: {  	s1 =	sld [smem:$0x3F9D];
	s0 =	simm.s32 @p0 $0x1  }
0x13: {  	[smem:$0x3FB8] =	sst s0;
	s0 =	simm.s32 @!p1 $0x0  }
0x14: {  	s2 =	sld [smem:$0x3F9C];
	s0 =	simm.s32 @p1 $0x1  }
0x15: {  	[smem:$0x3FB9] =	sst s0;
	s0 =	simm.s32 @!p2 $0x0  }
0x16: {  	s3 =	sld [smem:$0x3FDB];
	s0 =	simm.s32 @p2 $0x1  }
0x17: {  	s4 =	simm.s32 $0x1BF5;
	[smem:$0x3FBB] =	sst s0  }
0x18: {  	s0 =	sld [smem:$0x3F9E];
	_ =	swait.ge [sflag:s4], $0x0  }
0x19: {  	s7 =	sld [smem:$0x3F9F]  }
0x1a: {  	s8 =	sadd.s32 $0xFFFFE003, lr  }
0x1b: {  	s9 =	sadd.s32 $0xFFFFFEF7, lr;
	s5 =	simm.s32 $0xFFFFFFFF;
	p2 =	slt.u32 s8, $0xFFFFF086  }
0x1c: {  	p1 =	slt.u32 s9, $0xF7A;
	s5 =	simm.s32 @!p2 $0x0  }
0x1d: {  	s5 =	simm.s32 @p1 $0x1;
	p0 =	seq.s32 s7, s2  }
0x1e: {  	s7 =	smul.u32 @!p0 $0xF7A, s2;
	p2 =	seq.s32 @!p0 s5, $0x0  }
0x1f: {  	s9 =	smul.u32 $0xF7A, s1;
	s8 =	simm.s32 @!p0 $0x1BF5;
	p2 =	por !p2, p0  }
0x20: {  	[sflag:s8] =	ssyncset.s32 @!p0 $0xFFFFF086;
	s6 =	sadd.s32 @!p0 s3, s7;
	s7 =	simm.s32 @!p0 $0x108  }
0x21: {  	s3 =	sadd.s32 s3, s9;
	s6 =	sadd.s32 @!p0 $0x88, s6;
	s7 =	simm.s32 @p2 $0x1082  }
0x22: {  	[simem:s7], [sflag:s8] =	dma.local @!p0 [hbm:s6], $0xF7A  }
0x23: {  	s9 =	sor.u32 $0xD0000000, s2;
	s6 =	simm.s32 $0x108;
	_ =	swait.ge @!p0 [sflag:s8], $0x0  }
0x24: {  	s3 =	sadd.s32 $0x88, s3;
	s6 =	simm.s32 @!p1 $0x1082;
	[sflag:s4] =	ssyncset.s32 $0xFFFFF086  }
0x25: {  	[simem:s6], [sflag:s4] =	dma.local [hbm:s3], $0xF7A  }
0x26: {  	[smem:$0x3F9F] =	sst s1;
	(tag) =	ssettag s2;
	_ =	strace s9  }
0x27: {  	s1 =	sld [smem:$0x3FAF]  }
0x28: {  	s2 =	sld [smem:$0x3FB0]  }
0x29: {  	s4 =	sld [smem:$0x3FB2]  }
0x2a: {  	p0 =	seq.s32 s5, $0x0;
	s5 =	sld [smem:$0x3FB3]  }
0x2b: {  	s6 =	sld [smem:$0x3FB4]  }
0x2c: {  	s7 =	sld [smem:$0x3FB5]  }
0x2d: {  	s3 =	simm.s32 $0x108;
	s8 =	sld [smem:$0x3FB6]  }
0x2e: {  	s3 =	simm.s32 @!p0 $0x1082;
	s9 =	sld [smem:$0x3FB7]  }
0x2f: {  	lr =	sadd.s32 s0, s3;
	s0 =	sld [smem:$0x3FAE]  }
0x30: {  	s3 =	sld [smem:$0x3FB1]  }
0x31: {  	[smem:$0x3FBA] =	sst s10  }
0x32: {  	s10 =	sld [smem:$0x3FB8];
	_ =	sdelay $0x3  }
0x33: {  	p0 =	seq.s32 s10, $0x1;
	s10 =	sld [smem:$0x3FBA];
	_ =	sdelay $0x3  }
0x34: {  	[smem:$0x3FBA] =	sst s10  }
0x35: {  	s10 =	sld [smem:$0x3FB9];
	_ =	sdelay $0x3  }
0x36: {  	p1 =	seq.s32 s10, $0x1;
	s10 =	sld [smem:$0x3FBA];
	_ =	sdelay $0x3  }
0x37: {  	[smem:$0x3FBA] =	sst s10  }
0x38: {  	s10 =	sld [smem:$0x3FBB]  }
0x39: {  	_ = 	snop;
	(pc) =	sbr.ind lr, $3  }
0x3a: {  	_ = 	snop  }
0x3b: {  	_ = 	snop  }
0x3c: {  	p2 =	seq.s32 s10, $0x1;
	s10 =	sld [smem:$0x3FBA]  }
0x3d: {  	_ =	shalt  }
0x3e: {  	_ =	shalt  }
0x3f: {  	_ =	shalt  }
0x40: {  	_ =	shalt  }
0x41: {  	_ =	shalt  }
0x42: {  	_ =	shalt  }
0x43: {  	_ =	shalt  }
0x44: {  	_ =	shalt  }
0x45: {  	_ =	shalt  }
0x46: {  	_ =	shalt  }
0x47: {  	_ =	shalt  }
0x48: {  	_ =	shalt  }
0x49: {  	_ =	shalt  }
0x4a: {  	_ =	shalt  }
0x4b: {  	_ =	shalt  }
0x4c: {  	_ =	shalt  }
0x4d: {  	_ =	shalt  }
0x4e: {  	_ =	shalt  }
0x4f: {  	_ =	shalt  }
0x50: {  	_ =	shalt  }
0x51: {  	_ =	shalt  }
0x52: {  	_ =	shalt  }
0x53: {  	_ =	shalt  }
0x54: {  	_ =	shalt  }
0x55: {  	_ =	shalt  }
0x56: {  	_ =	shalt  }
0x57: {  	_ =	shalt  }
0x58: {  	_ =	shalt  }
0x59: {  	_ =	shalt  }
0x5a: {  	_ =	shalt  }
0x5b: {  	_ =	shalt  }
0x5c: {  	_ =	shalt  }
0x5d: {  	_ =	shalt  }
0x5e: {  	_ =	shalt  }
0x5f: {  	_ =	shalt  }
0x60: {  	_ =	shalt  }
0x61: {  	_ =	shalt  }
0x62: {  	_ =	shalt  }
0x63: {  	_ =	shalt  }
0x64: {  	_ =	shalt  }
0x65: {  	_ =	shalt  }
0x66: {  	_ =	shalt  }
0x67: {  	_ =	shalt  }
0x68: {  	_ =	shalt  }
0x69: {  	_ =	shalt  }
0x6a: {  	_ =	shalt  }
0x6b: {  	_ =	shalt  }
0x6c: {  	_ =	shalt  }
0x6d: {  	_ =	shalt  }
0x6e: {  	_ =	shalt  }
0x6f: {  	_ =	shalt  }
0x70: {  	_ =	shalt  }
0x71: {  	_ =	shalt  }
0x72: {  	_ =	shalt  }
0x73: {  	_ =	shalt  }
0x74: {  	_ =	shalt  }
0x75: {  	_ =	shalt  }
0x76: {  	_ =	shalt  }
0x77: {  	_ =	shalt  }
0x78: {  	_ =	shalt  }
0x79: {  	_ =	shalt  }
0x7a: {  	_ =	shalt  }
0x7b: {  	_ =	shalt  }
0x7c: {  	_ =	shalt  }
0x7d: {  	_ =	shalt  }
0x7e: {  	_ =	shalt  }
0x7f: {  	_ =	shalt  }
0x80: {  	_ =	shalt  }
0x81: {  	_ =	shalt  }
0x82: {  	_ =	shalt  }
0x83: {  	_ =	shalt  }
0x84: {  	_ =	shalt  }
0x85: {  	_ =	shalt  }
0x86: {  	_ =	shalt  }
0x87: {  	_ =	shalt  }
.Lfunc_end0:
.L_simem_size_0:
called_computation_lowered:
.L_overlay_start_0:
0x88: {  	s2 =	sld [smem:$0x3FD9]  }
0x89: {  	s3 =	sld [smem:$0x3FFE];
	_ =	sdelay $0x1  }
0x8a: {  	s1 =	srdreg.scid  }
0x8b: {  	s0 =	sand.u32 $0x1, s1  }
0x8c: {  	s17 =	sshll.u32 s0, $0xA;
	s2 =	sadd.s32 s3, s2  }
0x8d: {  	s2 =	sadd.s32 s2, s17  }
0x8e: {  	[smem:$0x3FC6] =	sst s2  }
0x8f: {  	_ = 	snop  }
0x90: {  	s2 =	sld [smem:$0x3FC9]  }
0x91: {  	s18 =	sld [smem:$0x3FC8];
	(tm) =	ssettm $0x1  }
0x92: {  	s4 =	sld [smem:$0x3FFB];
	_ =	sdelay $0x3  }
0x93: {  	_ =	strace s4  }
0x94: {  	s4 =	sld [smem:$0x3FFC];
	_ =	sdelay $0x3  }
0x95: {  	_ =	strace s4  }
0x96: {  	s4 =	sld [smem:$0x3FFD];
	_ =	sdelay $0x3  }
0x97: {  	_ =	strace s4  }
0x98: {  	_ =	strace $0x8FFFFFFF  }
0x99: {  	s19 =	sld [smem:$0x3FDB];
	_ =	sdelay $0x1  }
0x9a: {  	s5 =	simm.s32 $_scs_section_size  }
0x9b: {  	s6 =	simm.s32 $_size__tile_overlayer_lowered;
	s7 =	simm.s32 $_tile_overlayer_lowered  }
0x9c: {  	s22 =	simm.s32 $0x1BFF;
	s21 =	sshll.u32 s7, $0x1;
	s4 =	sadd.s32 s5, s19  }
0x9d: {  	s8 =	simm.s32 $0x0;
	s20 =	sshll.u32 s6, $0x1;
	s6 =	sadd.s32 s21, s4  }
0x9e: {  	[timem:s8], [sflag:s22] =	dma.local [hbm:s6], s20  }
0x9f: {  	_ =	swait.ge [sflag:s22], s20  }
0xa0: {  	s5 =	ssub.s32 $0x0, s20;
	[sflag:s22] =	ssyncset.done $0x0  }
0xa1: {  	[sflag:s22] =	ssyncadd.s32 s5;
	_ =	sdelay $0x1  }
0xa2: {  	s23 =	simm.s32 $0x1B8B  }
0xa3: {  	_ =	swait.ge [sflag:s23], $0x1  }
0xa4: {  	[sflag:s23] =	ssyncset.done $0x0  }
0xa5: {  	s25 =	simm.s32 $0x1B8E;
	s24 =	sld [smem:$0x3FFE];
	[sflag:s23] =	ssyncadd.s32 $0xFFFFFFFF  }
0xa6: {  	s26 =	simm.s32 $execute0_lowered;
	[smem:$0x3FD2] =	sst s25  }
0xa7: {  	s6 =	sshll.u32 s26, $0x1;
	_ =	strace $0x80000046;
	[dreg:$0x1] =	wrdreg $0xFFFFFFFF  }
0xa8: {  	s28 =	simm.s32 $_size_execute0_lowered;
	s4 =	sadd.s32 s4, s6;
	[dreg:$0x0] =	wrdreg $0x0  }
0xa9: {  	s6 =	sshll.u32 s28, $0x1;
	[dreg:$0x2] =	wrdreg s4  }
0xaa: {  	[dreg:$0x3] =	wrdreg s6  }
0xab: {  	[dreg:$0x4] =	wrdreg $0xC0  }
0xac: {  	_ =	task [dreg:s8], $0x5FFFF  }
0xad: {  	[dreg:$0x1] =	wrdreg $0xFFFFFFFF  }
0xae: {  	[dreg:$0x0] =	wrdreg $0x60  }
0xaf: {  	[dreg:$0x2] =	wrdreg s2  }
0xb0: {  	[dreg:$0x3] =	wrdreg s18  }
0xb1: {  	[dreg:$0x4] =	wrdreg s24  }
0xb2: {  	[dreg:$0x5] =	wrdreg $0x9  }
0xb3: {  	_ =	task.clear_ibuf [dreg:s8], $0x6FFFF;
	_ =	strace $0x90000046  }
0xb4: {  	s29 =	simm.s32 $0x9;
	_ =	strace $0x80000048  }
0xb5: {  	_ =	swait.ge [sflag:s29], $0x1  }
0xb6: {  	[sflag:s29] =	ssyncadd.s32 $0xFFFFFFFF  }
0xb7: {  	_ =	strace $0x90000048  }
0xb8: {  	_ =	sfence  }
0xb9: {  	s30 =	sld [smem:$0x0];
	_ =	sdelay $0x2  }
0xba: {  	s31 =	sshll.u32 s1, $0xD;
	s1 =	sshrl.u32 s1, $0x2  }
0xbb: {  	s3 =	sand.u32 $0x4000, s31;
	s1 =	sadd.s32 s1, s30  }
0xbc: {  	s0 =	sor.u32 s3, s0;
	s1 =	sshll.u32 s1, $0x11  }
0xbd: {  	s0 =	sor.u32 s1, s0  }
0xbe: {  	s0 =	sadd.s32 $0x8F2B, s0  }
0xbf: {  	[sflag:s0] =	ssyncadd.remote.s32 $0x1  }
0xc0: {  	_ =	sfence.sel $0xFFFF  }
0xc1: {  	[dreg:$0x0] =	wrdreg $0xFFFFFFFF;
	(pc) =	sbr.abs _section_cstart, $3  }
0xc2: {  	[dreg:$0x1] =	wrdreg $0xFFFFFFFF  }
0xc3: {  	_ =	task.clear_ibuf [dreg:s8], $0x2FFFF;
	_ =	strace $0x9FFFFFFF  }
0xc4: {  	(tm) =	ssettm $0x7FFFFFFF  }
0xc5: {  	_ =	shalt  }
tec
execute0_lowered:
.L_overlay_start_1:
0x0: {  	(tag) =	ssettag $0x1  }
0x1: {  	s1 =	srdreg.scid;
	s0 =	stileid.u32  }
0x2: {  	v0 =	vimm.s32 $0xECA86420;
	s1 =	sand.u32 $0x1, s1;
	s3 =	sshll.u32 s0, $0x1  }
0x3: {  	s6 =	rddreg [dreg:$0x2];
	v0 =	vunpack.c.l.s4.s8 v0;
	s4 =	sor.u32 s1, s3  }
0x4: {  	s2 =	simm.s32 $0x0;
	s10 =	simm.s32 $0x11D00;
	s4 =	smul.u32 $0xF5, s4  }
.Ltmp0:
0x5: {  	[smem:$0x7FF] =	sst s2;
	s1 =	ssub.s32 $0x2, s1;
	v0 =	vunpack.c.0.s8.s32 v0;
	(pc) =	sbr.rel .LBB2_1-.Ltmp0, $4  }
0x6: {  	v7 =	vimm.s32 $0x0;
	v35 =	vlaneseq.u32;
	vm0 =	vcmask $0xB08;
	s5 =	sadd.s32 $0x400, s6;
	s8 =	sshrl.u32 s1, $0x1;
	s7 =	smin.u32 s4, $0x1D90  }
0x7: {  	vm1 =	vcmask $0x1310;
	vm2 =	vcmask $0x1B18;
	_ =	strace $0x80000047;
	s1 =	ssub.s32 s1, s8;
	v3 =	vmov s4;
	[tilespmem:$0x1FFD0] =	vst v0;
	s7 =	sadd.s32 $0xF5, s7  }
0x8: {  	vm3 =	vcmask $0x300;
	vm4 =	vcmask $0x2320;
	s11 =	simm.s32 $0x1DD00;
	[dreg:$0x4] =	wrdreg s5;
	s31 =	smax.u32 s1, $0x1;
	[tilespmem:$0x1FFE0] =	vst v3;
	v34 =	vmov s7  }
0x9: {  	vm5 =	vcmask $0x2B28;
	vm6 =	vcmask $0x3330;
	vm7 =	vcmask $0x3B38;
	s6 =	simm.s32 $0x0;
	s3 =	simm.s32 $0x4000;
	[dreg:$0x5] =	wrdreg s31;
	[tilespmem:$0x1FFF0] =	vst v34  }
.LBB2_34:
0xa: {  	s0 =	sand.u32 $0xF, s25  }
0xb: {  	p0 =	seq.s32 s0, $0x0  }
0xc: {  	s1 =	sshra.s32 @!p0 s25, $0x1F  }
0xd: {  	s2 =	sshra.s32 @!p0 s25, $0x4;
	s1 =	smul.u32 @!p0 $0x55555556, s1  }
0xe: {  	s3 =	smulhi.u32 @!p0 $0x55555556, s2;
	_ =	sdelay $0x1  }
0xf: {  	s1 =	sadd.s32 @!p0 s1, s3  }
0x10: {  	s3 =	sshrl.u32 @!p0 s1, $0x1F  }
0x11: {  	s1 =	sadd.s32 @!p0 s3, s1  }
0x12: {  	s1 =	smul.u32 @!p0 $0x3, s1;
	_ =	sdelay $0x1  }
0x13: {  	s1 =	ssub.s32 @!p0 s2, s1  }
0x14: {  	s2 =	sshll.u32 @!p0 s1, $0x4  }
0x15: {  	v1 =	vlaneseq.u32 @!p0;
	v0 =	vld @!p0 [tilespmem:s2+$0x1F500]  }
0x16: {  	v2 =	vor.u32 @!p0 s2, v1;
	_ =	sdelay $0x1  }
0x17: {  	v3 =	vmov @!p0 s0  }
0x18: {  	p1 =	slt.s32 @!p0 s17, $0x1;
	vm8 =	vgt.u32 @!p0 v3, v1;
	v1 =	vor.u32 @!p0 $0x4000, v1  }
0x19: {  	s0 =	simm.s32 @!p0 $0x1F500;
	p1 =	por p1, p0;
	v0 =	vsel @!p0 vm8, v0, v1  }
0x1a: {  	[tilespmem:v2+s0+$0x0] =	vst.idx.msk @!p0 $0xffff, v0;
	s0 =	simm.s32 @!p1 $0x7  }
0x1b: {  	s1 =	sshll.u32 @!p0 s1, $0xD;
	_ =	swait.ge @!p1 [sflag:s0], $0x800  }
0x1c: {  	s2 =	sadd.s32 @!p0 $0x1F500, s2;
	s1 =	sshra.s32 @!p0 s1, $0x2;
	[sflag:s0] =	ssyncset.done @!p1 $0x0  }
0x1d: {  	[sflag:s0] =	ssyncadd.s32 @!p1 $0xFFFFF800;
	s0 =	sadd.s32 @!p0 $0x1DD00, s1;
	s1 =	simm.s32 @!p0 $0x10  }
0x1e: {  	[hbm4b:s5+s1] =	stream.indirect.scatter @!p0 [tilespmem:s0], [sflag:$0x7], $0x80, s2, s1, $0xb8;
	[tilespmem:$0x1F580] =	vst v63  }
0x1f: {  	s0 =	sadd.s32 @!p0 $0x1, s17  }
0x20: {  	s0 =	smov.u32 @p0 s17  }
0x21: {  	p0 =	slt.s32 s0, $0x1  }
0x22: {  	s0 =	simm.s32 @!p0 $0x7  }
0x23: {  	_ =	swait.ge @!p0 [sflag:s0], $0x800  }
0x24: {  	s6 =	rddreg [dreg:$0x6]  }
0x25: {  	s31 =	rddreg [dreg:$0x5];
	s6 =	sadd.s32 $0x1, s6  }
0x26: {  	p1 =	sne.s32 s6, s31  }
.Ltmp1:
0x27: {  	_ = 	snop;
	(pc) =	sbr.rel @!p1 .LBB2_35-.Ltmp1, $3  }
0x28: {  	_ =	sdelay $0x1  }
0x29: {  	[sflag:s0] =	ssyncset.done @!p0 $0x0  }
0x2a: {  	s3 =	simm.s32 $0x4000;
	s2 =	simm.s32 $0x0;
	v3 =	vld [tilespmem:$0x1FFE0];
	[sflag:s0] =	ssyncadd.s32 @!p0 $0xFFFFF800  }
.LBB2_1:
0x2b: {  	[dreg:$0x6] =	wrdreg s6  }
0x2c: {  	s0 =	rddreg [dreg:$0x0];
	s31 =	simm.s32 $0x8  }
0x2d: {  	[tilespmem:s2], [sflag:$0x8] =	stream.linear.gather [hbm4b:s0+s2], $0x4000, $0x38;
	[tilespmem:$0x1F580] =	vst v63  }
0x2e: {  	_ =	swait.ge [sflag:s31], $0x4000  }
0x2f: {  	[sflag:s31] =	ssyncset.done $0x0  }
0x30: {  	[sflag:s31] =	ssyncadd.s32 $0xFFFFC000  }
0x31: {  	v0 =	vld [tilespmem:s2+$0x0];
	_ =	sdelay $0x4  }
0x32: {  	v1 =	vshra.s32 v0, $0x7  }
0x33: {  	vm8 =	vge.s32 v1, v3;
	vm9 =	vlt.s32 v1, v34  }
0x34: {  	vm8 =	vmand vm8, vm9  }
0x35: {  	v1 =	vsel vm8, $0x1, v7  }
0x36: {  	(xrf0) =	vadd.scan.msk.s32 $0xffff, v1;
	_ =	sdelay $0x2  }
0x37: {  	v1 =	vmov s2  }
0x38: {  	v1 =	vadd.s32 $0xFFFFFFFF, v1  }
0x39: {  	v1 =	vbroadcast v1, $0x0  }
0x3a: {  	v2, _, _ =	vpop (xrf0)  }
0x3b: {  	v1 =	vadd.s32 v2, v1;
	(v2sf) =	vpush v2, $0xF;
	_ =	sdelay $0x4  }
0x3c: {  	[tilespmem:v1+s2+$0x0] =	vst.idx.msk vm8, v0;
	v0 =	vor.u32 s2, v35  }
0x3d: {  	s16 =	simm.s32 $0x10;
	[tilespmem:v1+s3+$0x0] =	vst.idx.msk vm8, v0  }
0x3e: {  	s17 =	simm.s32 $0x20;
	s1 =	simm.s32 $0x0;
	s18 =	simm.s32 $0x10;
	v0 =	vld [tilespmem:s16+$0x0]  }
.LBB2_2:
0x3f: {  	p0 =	seq.s32 s17, $0x3FF0;
	_ =	sdelay $0x3  }
0x40: {  	v1 =	vshra.s32 v0, $0x7  }
0x41: {  	vm8 =	vge.s32 v1, v3;
	vm9 =	vlt.s32 v1, v34  }
0x42: {  	vm8 =	vmand vm8, vm9  }
0x43: {  	v1 =	vsel vm8, $0x1, v7;
	s19 =	spop (v2sf)  }
0x44: {  	(xrf0) =	vadd.scan.msk.s32 $0xffff, v1;
	s1 =	sadd.s32 s1, s19  }
0x45: {  	v1 =	vmov s1  }
0x46: {  	v1 =	vadd.s32 $0xFFFFFFFF, v1  }
0x47: {  	v1 =	vbroadcast v1, $0x0;
	_ =	sdelay $0x2  }
0x48: {  	v2, _, _ =	vpop (xrf0)  }
0x49: {  	v1 =	vadd.s32 v2, v1;
	(v2sf) =	vpush v2, $0xF;
	_ =	sdelay $0x2  }
.Ltmp2:
0x4a: {  	(pc) =	sbr.rel @!p0 .LBB2_2-.Ltmp2, $4  }
0x4b: {  	s19 =	simm.s32 $0x0  }
0x4c: {  	[tilespmem:v1+s19+$0x0] =	vst.idx.msk vm8, v0;
	v0 =	vor.u32 s16, v35;
	s16 =	smov.u32 s17  }
0x4d: {  	s18 =	sadd.s32 $0x10, s18;
	[tilespmem:v1+s3+$0x0] =	vst.idx.msk vm8, v0  }
0x4e: {  	s17 =	sadd.s32 $0x10, s17;
	v0 =	vld [tilespmem:s18+$0x0]  }
0x4f: {  	_ =	sdelay $0x3  }
0x50: {  	v1 =	vshra.s32 v0, $0x7  }
0x51: {  	vm8 =	vge.s32 v1, v3;
	vm9 =	vlt.s32 v1, v34  }
0x52: {  	vm8 =	vmand vm8, vm9  }
0x53: {  	v62 =	vsel vm8, $0x1, v7  }
0x54: {  	(xrf0) =	vadd.scan.msk.s32 $0xffff, v62;
	_ =	sdelay $0x5  }
0x55: {  	v1, _, _ =	vpop (xrf0)  }
0x56: {  	(v2sf) =	vpush v1, $0xF;
	_ =	sdelay $0x3  }
0x57: {  	s17 =	spop (v2sf)  }
0x58: {  	s1 =	sadd.s32 s1, s17  }
0x59: {  	v2 =	vmov s1  }
0x5a: {  	v2 =	vadd.s32 $0xFFFFFFFF, v2  }
0x5b: {  	v2 =	vbroadcast v2, $0x0;
	_ =	sdelay $0x1  }
0x5c: {  	v1 =	vadd.s32 v1, v2  }
0x5d: {  	p0 =	por $0x0, $0x0  }
.Ltmp3:
0x5e: {  	_ = 	snop;
	(pc) =	sbr.rel @p0 .LBB2_5-.Ltmp3, $3  }
0x5f: {  	_ =	sdelay $0x1  }
0x60: {  	v63 =	vor.u32 s16, v35;
	[tilespmem:v1+s19+$0x0] =	vst.idx.msk vm8, v0;
	s31 =	spop (v2sf)  }
0x61: {  	s17 =	simm.s32 $0x0;
	[tilespmem:v1+s3+$0x0] =	vst.idx.msk vm8, v63;
	s16 =	sadd.s32 s1, s31;
	s1 =	simm.s32 $0x4  }
.LBB2_4:
0x62: {  	p0 =	seq.s32 s1, $0x3D0  }
0x63: {  	[smem:s17] =	sst s2;
	s17 =	smov.u32 s1;
	s1 =	sadd.s32 $0x4, s1  }
.Ltmp4:
0x64: {  	(pc) =	sbr.rel @!p0 .LBB2_4-.Ltmp4, $2  }
0x65: {  	_ =	sdelay $0x2  }
0x66: {  	s17 =	sshra.s32 s17, $0x2  }
.LBB2_5:
0x67: {  	s1 =	sadd.s32 $0xF, s16  }
0x68: {  	[smem:s17] =	sst s2;
	s17 =	sshra.s32 s1, $0x4  }
0x69: {  	p1 =	sgt.s32 s17, $0x0  }
.Ltmp5:
0x6a: {  	_ = 	snop;
	(pc) =	sbr.rel @!p1 .LBB2_13-.Ltmp5, $1  }
0x6b: {  	_ =	sdelay $0x3  }
0x6c: {  	s1 =	simm.s32 $0x0  }
0x6d: {  	v0 =	vld [tilespmem:s1+$0x0];
	_ =	sdelay $0x3  }
0x6e: {  	p4 =	sle.s32 s16, $0x0  }
0x6f: {  	p2 =	sle.s32 s16, $0x1;
	(v2sf) =	vpush @!p4 v0, $0x0  }
0x70: {  	p0 =	sle.s32 s16, $0x2;
	(v2sf) =	vpush @!p2 v0, $0x1  }
0x71: {  	s0 =	simm.s32 @!p1 $0x0;
	p6 =	sle.s32 s16, $0x3;
	(v2sf) =	vpush @!p0 v0, $0x2  }
0x72: {  	p5 =	sle.s32 s16, $0x4;
	s0 =	simm.s32 @p1 $0x1;
	p1 =	sle.s32 s16, $0x5;
	(v2sf) =	vpush @!p6 v0, $0x3  }
0x73: {  	[smem:$0x7FD] =	sst s0;
	s0 =	simm.s32 @!p1 $0x0;
	(v2sf) =	vpush @!p5 v0, $0x4  }
0x74: {  	s0 =	simm.s32 @p1 $0x1;
	(v2sf) =	vpush @!p1 v0, $0x5;
	p1 =	sle.s32 s16, $0x6  }
0x75: {  	[smem:$0x7F1] =	sst s0;
	s0 =	simm.s32 @!p1 $0x0  }
0x76: {  	(v2sf) =	vpush @!p1 v0, $0x6;
	s0 =	simm.s32 @p1 $0x1;
	p1 =	sle.s32 s16, $0x7  }
0x77: {  	[smem:$0x7F2] =	sst s0;
	s0 =	simm.s32 @!p1 $0x0  }
0x78: {  	(v2sf) =	vpush @!p1 v0, $0x7;
	s0 =	simm.s32 @p1 $0x1;
	p1 =	sle.s32 s16, $0x8  }
0x79: {  	[smem:$0x7F3] =	sst s0;
	s0 =	simm.s32 @!p1 $0x0  }
0x7a: {  	(v2sf) =	vpush @!p1 v0, $0x8;
	s0 =	simm.s32 @p1 $0x1;
	p1 =	sle.s32 s16, $0x9  }
0x7b: {  	[smem:$0x7F4] =	sst s0;
	s0 =	simm.s32 @!p1 $0x0  }
0x7c: {  	(v2sf) =	vpush @!p1 v0, $0x9;
	s0 =	simm.s32 @p1 $0x1;
	p1 =	sle.s32 s16, $0xA  }
0x7d: {  	[smem:$0x7F5] =	sst s0;
	s0 =	simm.s32 @!p1 $0x0  }
0x7e: {  	(v2sf) =	vpush @!p1 v0, $0xA;
	s0 =	simm.s32 @p1 $0x1;
	p1 =	sle.s32 s16, $0xB  }
0x7f: {  	[smem:$0x7F6] =	sst s0;
	s0 =	simm.s32 @!p1 $0x0  }
0x80: {  	(v2sf) =	vpush @!p1 v0, $0xB;
	s0 =	simm.s32 @p1 $0x1;
	p1 =	sle.s32 s16, $0xC  }
0x81: {  	[smem:$0x7F7] =	sst s0;
	s0 =	simm.s32 @!p1 $0x0  }
0x82: {  	(v2sf) =	vpush @!p1 v0, $0xC;
	s0 =	simm.s32 @p1 $0x1;
	p1 =	sle.s32 s16, $0xD  }
0x83: {  	s19 =	sadd.s32 $0xFFFFFFFF, s17;
	[smem:$0x7F8] =	sst s0;
	s0 =	simm.s32 @!p1 $0x0  }
0x84: {  	(v2sf) =	vpush @!p1 v0, $0xD;
	s0 =	simm.s32 @p1 $0x1;
	p1 =	seq.s32 s19, $0x0  }
0x85: {  	[smem:$0x7F9] =	sst s0;
	s0 =	simm.s32 @!p1 $0x0  }
0x86: {  	s0 =	simm.s32 @p1 $0x1  }
0x87: {  	p1 =	sle.s32 s16, $0xE;
	[smem:$0x7FC] =	sst s0  }
0x88: {  	s0 =	simm.s32 @!p1 $0x0;
	s31 =	sld [smem:$0x7FC]  }
0x89: {  	p3 =	sle.s32 s16, $0xF;
	s0 =	simm.s32 @p1 $0x1  }
0x8a: {  	s1 =	spop @!p4 (v2sf);
	[smem:$0x7FA] =	sst s0;
	s0 =	simm.s32 @!p3 $0x0  }
0x8b: {  	(v2sf) =	vpush @!p1 v0, $0xE;
	p1 =	por p3, p3;
	s0 =	simm.s32 @p3 $0x1;
	p3 =	seq.s32 s31, $0x1  }
.Ltmp6:
0x8c: {  	_ = 	snop;
	(pc) =	sbr.rel @p3 .LBB2_7-.Ltmp6, $2  }
0x8d: {  	_ =	sdelay $0x2  }
0x8e: {  	s22 =	sshra.s32 @!p4 s1, $0x7;
	s21 =	spop @!p2 (v2sf);
	[smem:$0x7FB] =	sst s0  }
0x8f: {  	s1 =	ssub.s32 @!p4 s22, s4  }
0x90: {  	s18 =	sld @!p4 [smem:s1+$0x0];
	_ =	sdelay $0x2  }
0x91: {  	s20 =	sshra.s32 @!p2 s21, $0x7;
	s18 =	sadd.s32 @!p4 $0x1, s18  }
0x92: {  	[smem:s1] =	sst @!p4 s18;
	s1 =	ssub.s32 @!p2 s20, s4  }
0x93: {  	s18 =	sld @!p2 [smem:s1+$0x0];
	_ =	sdelay $0x1  }
0x94: {  	s20 =	spop @!p0 (v2sf)  }
0x95: {  	s20 =	sshra.s32 @!p0 s20, $0x7;
	s18 =	sadd.s32 @!p2 $0x1, s18  }
0x96: {  	[smem:s1] =	sst @!p2 s18;
	s1 =	ssub.s32 @!p0 s20, s4  }
0x97: {  	s18 =	sld @!p0 [smem:s1+$0x0];
	_ =	sdelay $0x1  }
0x98: {  	s20 =	spop @!p6 (v2sf)  }
0x99: {  	s20 =	sshra.s32 @!p6 s20, $0x7;
	s18 =	sadd.s32 @!p0 $0x1, s18  }
0x9a: {  	[smem:s1] =	sst @!p0 s18;
	s1 =	ssub.s32 @!p6 s20, s4  }
0x9b: {  	s18 =	sld @!p6 [smem:s1+$0x0];
	_ =	sdelay $0x1  }
0x9c: {  	s20 =	spop @!p5 (v2sf)  }
0x9d: {  	s0 =	sld [smem:$0x7F1];
	s20 =	sshra.s32 @!p5 s20, $0x7;
	s18 =	sadd.s32 @!p6 $0x1, s18  }
0x9e: {  	[smem:s1] =	sst @!p6 s18;
	s1 =	ssub.s32 @!p5 s20, s4  }
0x9f: {  	s18 =	sld @!p5 [smem:s1+$0x0]  }
0xa0: {  	p2 =	seq.s32 s0, $0x1  }
0xa1: {  	s20 =	spop @!p2 (v2sf)  }
0xa2: {  	s21 =	sld [smem:$0x7F2];
	s20 =	sshra.s32 @!p2 s20, $0x7;
	s18 =	sadd.s32 @!p5 $0x1, s18  }
0xa3: {  	[smem:s1] =	sst @!p5 s18;
	s1 =	ssub.s32 @!p2 s20, s4  }
0xa4: {  	s18 =	sld @!p2 [smem:s1+$0x0]  }
0xa5: {  	p0 =	seq.s32 s21, $0x1  }
0xa6: {  	s20 =	spop @!p0 (v2sf)  }
0xa7: {  	s22 =	sld [smem:$0x7F3];
	s20 =	sshra.s32 @!p0 s20, $0x7;
	s18 =	sadd.s32 @!p2 $0x1, s18  }
0xa8: {  	[smem:s1] =	sst @!p2 s18;
	s1 =	ssub.s32 @!p0 s20, s4  }
0xa9: {  	s18 =	sld @!p0 [smem:s1+$0x0]  }
0xaa: {  	p2 =	seq.s32 s22, $0x1  }
0xab: {  	s20 =	spop @!p2 (v2sf)  }
0xac: {  	s23 =	sld [smem:$0x7F4];
	s20 =	sshra.s32 @!p2 s20, $0x7;
	s18 =	sadd.s32 @!p0 $0x1, s18  }
0xad: {  	[smem:s1] =	sst @!p0 s18;
	s1 =	ssub.s32 @!p2 s20, s4  }
0xae: {  	s18 =	sld @!p2 [smem:s1+$0x0]  }
0xaf: {  	p0 =	seq.s32 s23, $0x1  }
0xb0: {  	s20 =	spop @!p0 (v2sf)  }
0xb1: {  	s24 =	sld [smem:$0x7F5];
	s20 =	sshra.s32 @!p0 s20, $0x7;
	s18 =	sadd.s32 @!p2 $0x1, s18  }
0xb2: {  	[smem:s1] =	sst @!p2 s18;
	s1 =	ssub.s32 @!p0 s20, s4  }
0xb3: {  	s18 =	sld @!p0 [smem:s1+$0x0]  }
0xb4: {  	p2 =	seq.s32 s24, $0x1  }
0xb5: {  	s20 =	spop @!p2 (v2sf)  }
0xb6: {  	s25 =	sld [smem:$0x7F6];
	s20 =	sshra.s32 @!p2 s20, $0x7;
	s18 =	sadd.s32 @!p0 $0x1, s18  }
0xb7: {  	[smem:s1] =	sst @!p0 s18;
	s1 =	ssub.s32 @!p2 s20, s4  }
0xb8: {  	s18 =	sld @!p2 [smem:s1+$0x0]  }
0xb9: {  	p0 =	seq.s32 s25, $0x1  }
0xba: {  	s20 =	spop @!p0 (v2sf)  }
0xbb: {  	s26 =	sld [smem:$0x7F7];
	s20 =	sshra.s32 @!p0 s20, $0x7;
	s18 =	sadd.s32 @!p2 $0x1, s18  }
0xbc: {  	[smem:s1] =	sst @!p2 s18;
	s1 =	ssub.s32 @!p0 s20, s4  }
0xbd: {  	s18 =	sld @!p0 [smem:s1+$0x0]  }
0xbe: {  	p2 =	seq.s32 s26, $0x1  }
0xbf: {  	s20 =	spop @!p2 (v2sf)  }
0xc0: {  	s28 =	sld [smem:$0x7F8];
	s20 =	sshra.s32 @!p2 s20, $0x7;
	s18 =	sadd.s32 @!p0 $0x1, s18  }
0xc1: {  	[smem:s1] =	sst @!p0 s18;
	s1 =	ssub.s32 @!p2 s20, s4  }
0xc2: {  	s20 =	sld @!p2 [smem:s1+$0x0]  }
0xc3: {  	p0 =	seq.s32 s28, $0x1  }
0xc4: {  	s29 =	sld [smem:$0x7F9];
	s21 =	spop @!p0 (v2sf)  }
0xc5: {  	s18 =	simm.s32 $0x10;
	s21 =	sshra.s32 @!p0 s21, $0x7;
	s20 =	sadd.s32 @!p2 $0x1, s20  }
0xc6: {  	(v2sf) =	vpush @!p1 v0, $0xF;
	v0 =	vld [tilespmem:s18+$0x0];
	[smem:s1] =	sst @!p2 s20;
	s1 =	ssub.s32 @!p0 s21, s4  }
0xc7: {  	s20 =	sld @!p0 [smem:s1+$0x0];
	_ =	sdelay $0x2  }
0xc8: {  	p3 =	sle.s32 s16, $0x10;
	p5 =	seq.s32 s29, $0x1;
	s20 =	sadd.s32 @!p0 $0x1, s20  }
0xc9: {  	p2 =	sle.s32 s16, $0x11;
	(v2sf) =	vpush @!p3 v0, $0x0;
	[smem:s1] =	sst @!p0 s20;
	p0 =	sle.s32 s16, $0x12  }
0xca: {  	s30 =	sld [smem:$0x7FA];
	s21 =	spop @!p5 (v2sf);
	(v2sf) =	vpush @!p2 v0, $0x1;
	s0 =	simm.s32 @!p0 $0x0  }
0xcb: {  	s31 =	sld [smem:$0x7FB];
	(v2sf) =	vpush @!p0 v0, $0x2;
	s0 =	simm.s32 @p0 $0x1;
	p0 =	sle.s32 s16, $0x13  }
0xcc: {  	[smem:$0x7EE] =	sst s0;
	s0 =	simm.s32 @!p0 $0x0  }
0xcd: {  	p4 =	seq.s32 s30, $0x1;
	(v2sf) =	vpush @!p0 v0, $0x3;
	s0 =	simm.s32 @p0 $0x1;
	p0 =	sle.s32 s16, $0x14  }
0xce: {  	p6 =	por p1, p1;
	[smem:$0x7EF] =	sst s0;
	s0 =	simm.s32 @!p0 $0x0  }
0xcf: {  	s21 =	sshra.s32 @!p5 s21, $0x7;
	(v2sf) =	vpush @!p0 v0, $0x4;
	s0 =	simm.s32 @p0 $0x1;
	p0 =	sle.s32 s16, $0x15  }
0xd0: {  	s21 =	ssub.s32 @!p5 s21, s4;
	[smem:$0x7E9] =	sst s0;
	s0 =	simm.s32 @!p0 $0x0  }
0xd1: {  	s1 =	sld @!p5 [smem:s21+$0x0];
	(v2sf) =	vpush @!p0 v0, $0x5;
	s0 =	simm.s32 @p0 $0x1;
	p0 =	sle.s32 s16, $0x16  }
0xd2: {  	p1 =	seq.s32 s31, $0x1;
	[smem:$0x7F1] =	sst s0;
	s0 =	simm.s32 @!p0 $0x0  }
0xd3: {  	s20 =	spop @!p4 (v2sf);
	(v2sf) =	vpush @!p0 v0, $0x6;
	s0 =	simm.s32 @p0 $0x1;
	p0 =	sle.s32 s16, $0x17  }
0xd4: {  	s1 =	sadd.s32 @!p5 $0x1, s1;
	[smem:$0x7F2] =	sst s0;
	s0 =	simm.s32 @!p0 $0x0  }
0xd5: {  	[smem:s21] =	sst @!p5 s1;
	(v2sf) =	vpush @!p0 v0, $0x7;
	s0 =	simm.s32 @p0 $0x1;
	p0 =	sle.s32 s16, $0x18  }
0xd6: {  	s20 =	sshra.s32 @!p4 s20, $0x7;
	[smem:$0x7F3] =	sst s0;
	s0 =	simm.s32 @!p0 $0x0  }
0xd7: {  	s1 =	ssub.s32 @!p4 s20, s4;
	(v2sf) =	vpush @!p0 v0, $0x8;
	s0 =	simm.s32 @p0 $0x1;
	p0 =	sle.s32 s16, $0x19  }
0xd8: {  	s21 =	spop @!p1 (v2sf);
	[smem:$0x7F4] =	sst s0;
	s0 =	simm.s32 @!p0 $0x0  }
0xd9: {  	s20 =	sld @!p4 [smem:s1+$0x0];
	(v2sf) =	vpush @!p0 v0, $0x9;
	s0 =	simm.s32 @p0 $0x1;
	p0 =	sle.s32 s16, $0x1A  }
0xda: {  	p5 =	por p6, p6;
	[smem:$0x7F5] =	sst s0;
	s0 =	simm.s32 @!p0 $0x0  }
0xdb: {  	p1 =	sle.s32 s16, $0x1C;
	(v2sf) =	vpush @!p0 v0, $0xA;
	s0 =	simm.s32 @p0 $0x1;
	p0 =	sle.s32 s16, $0x1B  }
0xdc: {  	s20 =	sadd.s32 @!p4 $0x1, s20;
	[smem:$0x7F6] =	sst s0;
	s0 =	simm.s32 @!p0 $0x0  }
0xdd: {  	s21 =	sshra.s32 @!p5 s21, $0x7;
	[smem:s1] =	sst @!p4 s20;
	s0 =	simm.s32 @p0 $0x1  }
0xde: {  	s1 =	ssub.s32 @!p5 s21, s4;
	(v2sf) =	vpush @!p0 v0, $0xB;
	[smem:$0x7F7] =	sst s0;
	s0 =	simm.s32 @!p1 $0x0  }
0xdf: {  	s21 =	spop @!p3 (v2sf);
	(v2sf) =	vpush @!p1 v0, $0xC;
	s0 =	simm.s32 @p1 $0x1;
	p1 =	sle.s32 s16, $0x1D  }
0xe0: {  	[smem:$0x7F8] =	sst s0;
	s0 =	simm.s32 @!p1 $0x0  }
0xe1: {  	p4 =	sle.s32 s16, $0x1E;
	s0 =	simm.s32 @p1 $0x1  }
0xe2: {  	s22 =	sshra.s32 @!p3 s21, $0x7;
	[smem:$0x7F9] =	sst s0;
	s0 =	simm.s32 @!p4 $0x0  }
0xe3: {  	s21 =	spop @!p2 (v2sf);
	(v2sf) =	vpush @!p1 v0, $0xD;
	p1 =	sle.s32 s16, $0x1F;
	s0 =	simm.s32 @p4 $0x1  }
0xe4: {  	s19 =	sadd.s32 $0xFFFFFFFF, s19;
	[smem:$0x7FA] =	sst s0;
	s0 =	simm.s32 @!p1 $0x0  }
0xe5: {  	p0 =	seq.s32 s19, $0x0;
	s0 =	simm.s32 @p1 $0x1;
	p1 =	por p1, p1  }
.Ltmp7:
0xe6: {  	[smem:$0x7EA] =	sst s0;
	s0 =	simm.s32 @!p1 $0x0;
	(pc) =	sbr.rel @p0 .LBB2_9-.Ltmp7, $4  }
0xe7: {  	s23 =	sld @!p5 [smem:s1+$0x0];
	(v2sf) =	vpush @!p4 v0, $0xE;
	p4 =	por $0x1, $0x1;
	s0 =	simm.s32 @p1 $0x1  }
0xe8: {  	[smem:$0x7F0] =	sst s0;
	s0 =	simm.s32 @!p4 $0x0  }
0xe9: {  	p6 =	por p2, p2;
	s20 =	simm.s32 $0x2F;
	s0 =	simm.s32 @p4 $0x1  }
0xea: {  	s23 =	sadd.s32 @!p5 $0x1, s23;
	p4 =	por p5, p5;
	[smem:$0x7EC] =	sst s0  }
.LBB2_10:
0xeb: {  	s0 =	sld [smem:$0x7EA]  }
0xec: {  	s15 =	sld [smem:$0x7EE]  }
0xed: {  	[smem:s1] =	sst @!p4 s23  }
0xee: {  	s25 =	sld [smem:$0x7F0]  }
0xef: {  	s26 =	sld [smem:$0x7E9]  }
0xf0: {  	s2 =	sld [smem:$0x7F1]  }
0xf1: {  	s28 =	sld [smem:$0x7F2]  }
0xf2: {  	s3 =	sld [smem:$0x7F3]  }
0xf3: {  	s29 =	sld [smem:$0x7F4]  }
0xf4: {  	s6 =	sld [smem:$0x7F5]  }
0xf5: {  	s8 =	sld [smem:$0x7F6]  }
0xf6: {  	s22 =	ssub.s32 @!p3 s22, s4;
	s9 =	sld [smem:$0x7F7]  }
0xf7: {  	s19 =	sadd.s32 $0xFFFFFFFF, s19;
	s1 =	sld @!p3 [smem:s22+$0x0]  }
0xf8: {  	s13 =	sld [smem:$0x7F8];
	p0 =	seq.s32 s0, $0x1;
	p2 =	seq.s32 s15, $0x1  }
0xf9: {  	s14 =	sld [smem:$0x7F9];
	s0 =	simm.s32 @!p0 $0x0;
	s24 =	spop @!p2 (v2sf)  }
0xfa: {  	s1 =	sadd.s32 @!p3 $0x1, s1;
	s23 =	sshra.s32 @!p2 s24, $0x7;
	s24 =	sld [smem:$0x7EF]  }
0xfb: {  	s21 =	sshra.s32 @!p6 s21, $0x7;
	s0 =	simm.s32 @p0 $0x1;
	[smem:s22] =	sst @!p3 s1  }
0xfc: {  	s21 =	ssub.s32 @!p6 s21, s4;
	p0 =	seq.s32 s25, $0x1;
	[smem:$0x7E6] =	sst s0  }
0xfd: {  	p5 =	seq.s32 s28, $0x1;
	s0 =	simm.s32 @!p0 $0x0;
	s22 =	sld @!p6 [smem:s21+$0x0]  }
0xfe: {  	s15 =	sld [smem:$0x7FA];
	s0 =	simm.s32 @p0 $0x1;
	p4 =	seq.s32 s24, $0x1  }
0xff: {  	[smem:$0x7F0] =	sst s0;
	s24 =	spop @!p4 (v2sf);
	(v2sf) =	vpush @!p0 v0, $0xF;
	p0 =	sge.s32 s20, s16  }
0x100: {  	s7 =	sld [smem:$0x7F0];
	s22 =	sadd.s32 @!p6 $0x1, s22;
	s0 =	simm.s32 @!p0 $0x0  }
0x101: {  	[smem:s21] =	sst @!p6 s22;
	s0 =	simm.s32 @p0 $0x1;
	p0 =	seq.s32 s26, $0x1  }
0x102: {  	s31 =	sshra.s32 @!p4 s24, $0x7;
	[smem:$0x7EA] =	sst s0;
	s0 =	simm.s32 @!p0 $0x0  }
0x103: {  	s21 =	ssub.s32 @!p2 s23, s4;
	s24 =	spop @!p0 (v2sf);
	s0 =	simm.s32 @p0 $0x1  }
0x104: {  	[smem:$0x7E9] =	sst s0;
	s0 =	sshra.s32 @!p0 s24, $0x7;
	p0 =	seq.s32 s2, $0x1  }
0x105: {  	p3 =	seq.s32 s19, $0x0;
	s22 =	sld @!p2 [smem:s21+$0x0];
	s2 =	simm.s32 @!p0 $0x0  }
0x106: {  	p6 =	seq.s32 s9, $0x1;
	s24 =	spop @!p0 (v2sf);
	s2 =	simm.s32 @p0 $0x1  }
0x107: {  	[smem:$0x7F1] =	sst s2;
	s2 =	sshra.s32 @!p0 s24, $0x7;
	p0 =	seq.s32 s3, $0x1  }
0x108: {  	s12 =	sld [smem:$0x7EA];
	s22 =	sadd.s32 @!p2 $0x1, s22;
	s3 =	simm.s32 @!p0 $0x0  }
0x109: {  	[smem:s21] =	sst @!p2 s22;
	s1 =	spop @!p5 (v2sf);
	s3 =	simm.s32 @p0 $0x1  }
0x10a: {  	s24 =	spop @!p0 (v2sf);
	[smem:$0x7F3] =	sst s3;
	s3 =	simm.s32 @!p3 $0x0  }
0x10b: {  	s30 =	sshra.s32 @!p0 s24, $0x7;
	p0 =	seq.s32 s29, $0x1;
	s3 =	simm.s32 @p3 $0x1  }
0x10c: {  	s24 =	spop @!p0 (v2sf);
	[smem:$0x7E8] =	sst s3;
	s3 =	simm.s32 @!p0 $0x0  }
0x10d: {  	s29 =	sshra.s32 @!p0 s24, $0x7;
	s3 =	simm.s32 @p0 $0x1;
	p0 =	seq.s32 s6, $0x1  }
0x10e: {  	p3 =	seq.s32 s7, $0x1;
	[smem:$0x7F4] =	sst s3;
	s3 =	simm.s32 @!p0 $0x0  }
0x10f: {  	s9 =	sld [smem:$0x7E9];
	p1 =	por p3, p3;
	s3 =	simm.s32 @p0 $0x1  }
0x110: {  	[smem:$0x7F5] =	sst s3;
	s3 =	simm.s32 @!p1 $0x0  }
0x111: {  	p3 =	seq.s32 s12, $0x1;
	s3 =	simm.s32 @p1 $0x1;
	p1 =	seq.s32 s8, $0x1  }
0x112: {  	s24 =	spop @!p0 (v2sf);
	[smem:$0x7E7] =	sst s3;
	s3 =	simm.s32 @!p1 $0x0  }
0x113: {  	s6 =	sld [smem:$0x7E6];
	s28 =	sshra.s32 @!p0 s24, $0x7;
	s3 =	simm.s32 @p1 $0x1  }
0x114: {  	s24 =	spop @!p1 (v2sf);
	[smem:$0x7F6] =	sst s3;
	s3 =	simm.s32 @!p6 $0x0  }
0x115: {  	s26 =	sshra.s32 @!p1 s24, $0x7;
	p1 =	por p3, p3;
	s3 =	simm.s32 @p6 $0x1  }
0x116: {  	s23 =	spop @!p6 (v2sf);
	[smem:$0x7F7] =	sst s3;
	s3 =	simm.s32 @!p1 $0x0  }
0x117: {  	s25 =	sshra.s32 @!p6 s23, $0x7;
	s3 =	simm.s32 @p1 $0x1;
	p1 =	seq.s32 s13, $0x1  }
0x118: {  	p6 =	seq.s32 s14, $0x1;
	[smem:$0x7F0] =	sst s3;
	s23 =	spop @!p1 (v2sf)  }
0x119: {  	s3 =	simm.s32 @!p6 $0x0;
	s24 =	sshra.s32 @!p1 s23, $0x7;
	s23 =	spop @!p6 (v2sf)  }
0x11a: {  	s3 =	simm.s32 @p6 $0x1;
	s23 =	sshra.s32 @!p6 s23, $0x7;
	p6 =	seq.s32 s15, $0x1  }
0x11b: {  	s31 =	ssub.s32 @!p4 s31, s4;
	s8 =	sld [smem:$0x7E7];
	s7 =	spop @!p6 (v2sf)  }
0x11c: {  	s22 =	sshra.s32 @!p6 s7, $0x7;
	s7 =	sld @!p4 [smem:s31+$0x0]  }
0x11d: {  	p0 =	seq.s32 s6, $0x1  }
0x11e: {  	s21 =	spop @!p0 (v2sf);
	p0 =	seq.s32 s8, $0x1  }
0x11f: {  	s21 =	sshra.s32 @!p0 s21, $0x7;
	p0 =	seq.s32 s9, $0x1;
	s7 =	sadd.s32 @!p4 $0x1, s7  }
0x120: {  	s0 =	ssub.s32 @!p0 s0, s4;
	[smem:s31] =	sst @!p4 s7  }
0x121: {  	s7 =	sld @!p0 [smem:s0+$0x0]  }
0x122: {  	s12 =	sld [smem:$0x7F1];
	_ =	sdelay $0x1  }
0x123: {  	s7 =	sadd.s32 @!p0 $0x1, s7  }
0x124: {  	[smem:s0] =	sst @!p0 s7;
	p0 =	seq.s32 s12, $0x1  }
0x125: {  	s0 =	ssub.s32 @!p0 s2, s4  }
0x126: {  	s2 =	sld @!p0 [smem:s0+$0x0];
	_ =	sdelay $0x2  }
0x127: {  	s1 =	sshra.s32 @!p5 s1, $0x7;
	s13 =	sld [smem:$0x7F3];
	s2 =	sadd.s32 @!p0 $0x1, s2  }
0x128: {  	[smem:s0] =	sst @!p0 s2;
	s0 =	ssub.s32 @!p5 s1, s4  }
0x129: {  	s1 =	sld @!p5 [smem:s0+$0x0];
	_ =	sdelay $0x2  }
0x12a: {  	p0 =	seq.s32 s13, $0x1;
	s1 =	sadd.s32 @!p5 $0x1, s1  }
0x12b: {  	[smem:s0] =	sst @!p5 s1;
	s0 =	ssub.s32 @!p0 s30, s4  }
0x12c: {  	s1 =	sld @!p0 [smem:s0+$0x0]  }
0x12d: {  	s14 =	sld [smem:$0x7F4];
	_ =	sdelay $0x1  }
0x12e: {  	s1 =	sadd.s32 @!p0 $0x1, s1  }
0x12f: {  	[smem:s0] =	sst @!p0 s1;
	p0 =	seq.s32 s14, $0x1  }
0x130: {  	s0 =	ssub.s32 @!p0 s29, s4  }
0x131: {  	s1 =	sld @!p0 [smem:s0+$0x0]  }
0x132: {  	s15 =	sld [smem:$0x7F5];
	_ =	sdelay $0x1  }
0x133: {  	s1 =	sadd.s32 @!p0 $0x1, s1  }
0x134: {  	[smem:s0] =	sst @!p0 s1;
	p0 =	seq.s32 s15, $0x1  }
0x135: {  	s0 =	ssub.s32 @!p0 s28, s4  }
0x136: {  	s1 =	sld @!p0 [smem:s0+$0x0]  }
0x137: {  	s29 =	sld [smem:$0x7F6];
	_ =	sdelay $0x1  }
0x138: {  	s1 =	sadd.s32 @!p0 $0x1, s1  }
0x139: {  	[smem:s0] =	sst @!p0 s1;
	p0 =	seq.s32 s29, $0x1  }
0x13a: {  	s0 =	ssub.s32 @!p0 s26, s4  }
0x13b: {  	s1 =	sld @!p0 [smem:s0+$0x0]  }
0x13c: {  	s18 =	sadd.s32 $0x10, s18;
	s6 =	sadd.s32 $0xFFFFFFF3, s20;
	s30 =	sld [smem:$0x7F7]  }
0x13d: {  	[smem:$0x7F9] =	sst s3;
	s3 =	sadd.s32 $0xFFFFFFF2, s20;
	s8 =	sadd.s32 $0xFFFFFFF4, s20  }
0x13e: {  	p2 =	sge.s32 s8, s16;
	s7 =	sld [smem:$0x7F9];
	s1 =	sadd.s32 @!p0 $0x1, s1  }
0x13f: {  	s31 =	sadd.s32 $0xFFFFFFF1, s20;
	[smem:s0] =	sst @!p0 s1;
	p0 =	seq.s32 s30, $0x1  }
0x140: {  	p3 =	sge.s32 s31, s16;
	s31 =	sld [smem:$0x7E8];
	s0 =	ssub.s32 @!p0 s25, s4  }
0x141: {  	s9 =	sadd.s32 $0xFFFFFFF5, s20;
	p4 =	seq.s32 s7, $0x1;
	s1 =	sld @!p0 [smem:s0+$0x0]  }
0x142: {  	v0 =	vld [tilespmem:s18+$0x0];
	s12 =	sadd.s32 $0xFFFFFFF6, s20;
	s7 =	ssub.s32 @!p4 s23, s4;
	s23 =	sadd.s32 $0xFFFFFFFA, s20  }
0x143: {  	s13 =	sadd.s32 $0xFFFFFFF7, s20;
	p5 =	sge.s32 s3, s16;
	s14 =	sadd.s32 $0xFFFFFFF9, s20  }
0x144: {  	s15 =	sadd.s32 $0xFFFFFFF8, s20;
	s28 =	sadd.s32 $0xFFFFFFFD, s20;
	s1 =	sadd.s32 @!p0 $0x1, s1  }
0x145: {  	s29 =	sadd.s32 $0xFFFFFFFE, s20;
	[smem:s0] =	sst @!p0 s1;
	s0 =	ssub.s32 @!p1 s24, s4  }
0x146: {  	p0 =	sge.s32 s6, s16;
	s1 =	simm.s32 @!p2 $0x0;
	s2 =	sld @!p1 [smem:s0+$0x0]  }
0x147: {  	(v2sf) =	vpush @!p3 v0, $0x0;
	s25 =	sld [smem:$0x7E7];
	s3 =	simm.s32 @!p0 $0x0;
	s1 =	simm.s32 @p2 $0x1  }
0x148: {  	(v2sf) =	vpush @!p5 v0, $0x1;
	s26 =	sadd.s32 $0xFFFFFFFC, s20;
	s3 =	simm.s32 @p0 $0x1;
	[smem:$0x7EF] =	sst s1  }
0x149: {  	s30 =	sadd.s32 $0xFFFFFFFF, s20;
	(v2sf) =	vpush @!p0 v0, $0x2;
	[smem:$0x7EE] =	sst s3;
	s2 =	sadd.s32 @!p1 $0x1, s2  }
0x14a: {  	p0 =	sge.s32 s9, s16;
	(v2sf) =	vpush @!p2 v0, $0x3;
	p2 =	sge.s32 s15, s16;
	[smem:s0] =	sst @!p1 s2  }
0x14b: {  	p1 =	sge.s32 s12, s16;
	s0 =	simm.s32 @!p0 $0x0;
	s2 =	simm.s32 @!p2 $0x0  }
0x14c: {  	s1 =	sld @!p4 [smem:s7+$0x0];
	s0 =	simm.s32 @p0 $0x1;
	s3 =	simm.s32 @!p1 $0x0  }
0x14d: {  	(v2sf) =	vpush @!p0 v0, $0x4;
	p0 =	sge.s32 s13, s16;
	s2 =	simm.s32 @p2 $0x1;
	[smem:$0x7E9] =	sst s0  }
0x14e: {  	s3 =	simm.s32 @p1 $0x1;
	s0 =	simm.s32 @!p0 $0x0;
	[smem:$0x7F3] =	sst s2  }
0x14f: {  	(v2sf) =	vpush @!p1 v0, $0x5;
	p1 =	sge.s32 s14, s16;
	[smem:$0x7F1] =	sst s3;
	s0 =	simm.s32 @p0 $0x1  }
0x150: {  	s3 =	simm.s32 @!p1 $0x0;
	s1 =	sadd.s32 @!p4 $0x1, s1;
	[smem:$0x7F2] =	sst s0  }
0x151: {  	s24 =	sadd.s32 $0xFFFFFFFB, s20;
	(v2sf) =	vpush @!p0 v0, $0x6;
	s3 =	simm.s32 @p1 $0x1;
	[smem:s7] =	sst @!p4 s1  }
0x152: {  	(v2sf) =	vpush @!p2 v0, $0x7;
	p0 =	sge.s32 s23, s16;
	s0 =	ssub.s32 @!p6 s22, s4;
	[smem:$0x7F4] =	sst s3  }
0x153: {  	(v2sf) =	vpush @!p1 v0, $0x8;
	p1 =	sge.s32 s24, s16;
	s1 =	simm.s32 @!p0 $0x0;
	s2 =	sld @!p6 [smem:s0+$0x0]  }
0x154: {  	s3 =	simm.s32 @!p1 $0x0;
	p4 =	sge.s32 s28, s16;
	s1 =	simm.s32 @p0 $0x1  }
0x155: {  	(v2sf) =	vpush @!p0 v0, $0x9;
	p0 =	seq.s32 s25, $0x1;
	s3 =	simm.s32 @p1 $0x1;
	[smem:$0x7F5] =	sst s1  }
0x156: {  	(v2sf) =	vpush @!p1 v0, $0xA;
	p1 =	sge.s32 s26, s16;
	[smem:$0x7F6] =	sst s3;
	s2 =	sadd.s32 @!p6 $0x1, s2  }
0x157: {  	s3 =	simm.s32 @!p4 $0x0;
	[smem:s0] =	sst @!p6 s2;
	s2 =	simm.s32 @!p1 $0x0  }
0x158: {  	(v2sf) =	vpush @!p1 v0, $0xB;
	s3 =	simm.s32 @p4 $0x1;
	s2 =	simm.s32 @p1 $0x1;
	p1 =	sge.s32 s29, s16  }
0x159: {  	s1 =	ssub.s32 @!p0 s21, s4;
	(v2sf) =	vpush @!p4 v0, $0xC;
	[smem:$0x7F8] =	sst s3;
	s3 =	simm.s32 @!p1 $0x0  }
0x15a: {  	s0 =	spop @!p3 (v2sf);
	(v2sf) =	vpush @!p1 v0, $0xD;
	s3 =	simm.s32 @p1 $0x1;
	p1 =	seq.s32 s31, $0x1  }
.Ltmp8:
0x15b: {  	p4 =	sge.s32 s30, s16;
	[smem:$0x7F7] =	sst s2;
	(pc) =	sbr.rel @!p1 .LBB2_10-.Ltmp8, $4  }
0x15c: {  	s22 =	sshra.s32 @!p3 s0, $0x7;
	s0 =	simm.s32 @!p4 $0x0;
	s2 =	sld @!p0 [smem:s1+$0x0]  }
0x15d: {  	s20 =	sadd.s32 $0x10, s20;
	s0 =	simm.s32 @p4 $0x1  }
0x15e: {  	p6 =	por p5, p5;
	s21 =	spop @!p5 (v2sf);
	[smem:$0x7FA] =	sst s0  }
0x15f: {  	(v2sf) =	vpush @!p4 v0, $0xE;
	p4 =	por p0, p0;
	[smem:$0x7F9] =	sst s3;
	s23 =	sadd.s32 @!p0 $0x1, s2  }
0x160: {  	s28 =	sld [smem:$0x7E9]  }
0x161: {  	s0 =	simm.s32 @!p3 $0x0;
	s31 =	sld [smem:$0x7EA]  }
0x162: {  	s29 =	sld [smem:$0x7F3];
	s0 =	simm.s32 @p3 $0x1  }
0x163: {  	[smem:$0x7EB] =	sst s0;
	s0 =	simm.s32 @!p6 $0x0  }
0x164: {  	s30 =	sld [smem:$0x7F5];
	s0 =	simm.s32 @p6 $0x1;
	p1 =	seq.s32 s31, $0x1  }
0x165: {  	[smem:$0x7ED] =	sst s0;
	s0 =	simm.s32 @!p1 $0x0  }
0x166: {  	p5 =	seq.s32 s28, $0x1;
	s0 =	simm.s32 @p1 $0x1  }
0x167: {  	p3 =	seq.s32 s29, $0x1;
	p2 =	seq.s32 s30, $0x1;
	[smem:$0x7FB] =	sst s0  }
.LBB2_12:
0x168: {  	s0 =	sld [smem:$0x7EC]  }
0x169: {  	s15 =	sld [smem:$0x7EB];
	_ =	sdelay $0x1  }
0x16a: {  	p1 =	seq.s32 s0, $0x1  }
0x16b: {  	s2 =	sld [smem:$0x7ED];
	p1 =	por p4, !p1;
	p4 =	seq.s32 s15, $0x1  }
0x16c: {  	[smem:s1] =	sst @!p1 s23;
	s0 =	ssub.s32 @!p4 s22, s4  }
0x16d: {  	s1 =	sld @!p4 [smem:s0+$0x0];
	_ =	sdelay $0x1  }
0x16e: {  	p1 =	seq.s32 s2, $0x1  }
0x16f: {  	s18 =	sld [smem:$0x7EE];
	s2 =	sshra.s32 @!p1 s21, $0x7;
	s1 =	sadd.s32 @!p4 $0x1, s1  }
0x170: {  	[smem:s0] =	sst @!p4 s1;
	s0 =	ssub.s32 @!p1 s2, s4  }
0x171: {  	s1 =	sld @!p1 [smem:s0+$0x0]  }
0x172: {  	p4 =	seq.s32 s18, $0x1  }
0x173: {  	s2 =	spop @!p4 (v2sf)  }
0x174: {  	s19 =	sld [smem:$0x7EF];
	s2 =	sshra.s32 @!p4 s2, $0x7;
	s1 =	sadd.s32 @!p1 $0x1, s1  }
0x175: {  	[smem:s0] =	sst @!p1 s1;
	s0 =	ssub.s32 @!p4 s2, s4  }
0x176: {  	s1 =	sld @!p4 [smem:s0+$0x0]  }
0x177: {  	p1 =	seq.s32 s19, $0x1  }
0x178: {  	s2 =	spop @!p1 (v2sf)  }
0x179: {  	s2 =	sshra.s32 @!p1 s2, $0x7;
	s1 =	sadd.s32 @!p4 $0x1, s1  }
0x17a: {  	[smem:s0] =	sst @!p4 s1;
	s0 =	ssub.s32 @!p1 s2, s4  }
0x17b: {  	s1 =	sld @!p1 [smem:s0+$0x0];
	_ =	sdelay $0x1  }
0x17c: {  	s2 =	spop @!p5 (v2sf)  }
0x17d: {  	s20 =	sld [smem:$0x7F1];
	s2 =	sshra.s32 @!p5 s2, $0x7;
	s1 =	sadd.s32 @!p1 $0x1, s1  }
0x17e: {  	[smem:s0] =	sst @!p1 s1;
	s0 =	ssub.s32 @!p5 s2, s4  }
0x17f: {  	s1 =	sld @!p5 [smem:s0+$0x0]  }
0x180: {  	p4 =	seq.s32 s20, $0x1  }
0x181: {  	s2 =	spop @!p4 (v2sf)  }
0x182: {  	s21 =	sld [smem:$0x7F2];
	s2 =	sshra.s32 @!p4 s2, $0x7;
	s1 =	sadd.s32 @!p5 $0x1, s1  }
0x183: {  	[smem:s0] =	sst @!p5 s1;
	s0 =	ssub.s32 @!p4 s2, s4  }
0x184: {  	s1 =	sld @!p4 [smem:s0+$0x0]  }
0x185: {  	p1 =	seq.s32 s21, $0x1  }
0x186: {  	s2 =	spop @!p1 (v2sf)  }
0x187: {  	s2 =	sshra.s32 @!p1 s2, $0x7;
	s1 =	sadd.s32 @!p4 $0x1, s1  }
0x188: {  	[smem:s0] =	sst @!p4 s1;
	s0 =	ssub.s32 @!p1 s2, s4  }
0x189: {  	s1 =	sld @!p1 [smem:s0+$0x0];
	_ =	sdelay $0x1  }
0x18a: {  	s2 =	spop @!p3 (v2sf)  }
0x18b: {  	s22 =	sld [smem:$0x7F4];
	s2 =	sshra.s32 @!p3 s2, $0x7;
	s1 =	sadd.s32 @!p1 $0x1, s1  }
0x18c: {  	[smem:s0] =	sst @!p1 s1;
	s0 =	ssub.s32 @!p3 s2, s4  }
0x18d: {  	s1 =	sld @!p3 [smem:s0+$0x0]  }
0x18e: {  	p1 =	seq.s32 s22, $0x1  }
0x18f: {  	s2 =	spop @!p1 (v2sf)  }
0x190: {  	s2 =	sshra.s32 @!p1 s2, $0x7;
	s1 =	sadd.s32 @!p3 $0x1, s1  }
0x191: {  	[smem:s0] =	sst @!p3 s1;
	s0 =	ssub.s32 @!p1 s2, s4  }
0x192: {  	s1 =	sld @!p1 [smem:s0+$0x0];
	_ =	sdelay $0x1  }
0x193: {  	s2 =	spop @!p2 (v2sf)  }
0x194: {  	s23 =	sld [smem:$0x7F6];
	s2 =	sshra.s32 @!p2 s2, $0x7;
	s1 =	sadd.s32 @!p1 $0x1, s1  }
0x195: {  	[smem:s0] =	sst @!p1 s1;
	s0 =	ssub.s32 @!p2 s2, s4  }
0x196: {  	s1 =	sld @!p2 [smem:s0+$0x0]  }
0x197: {  	p0 =	seq.s32 s23, $0x1  }
0x198: {  	s2 =	spop @!p0 (v2sf)  }
0x199: {  	s24 =	sld [smem:$0x7F7];
	s2 =	sshra.s32 @!p0 s2, $0x7;
	s1 =	sadd.s32 @!p2 $0x1, s1  }
0x19a: {  	[smem:s0] =	sst @!p2 s1;
	s0 =	ssub.s32 @!p0 s2, s4  }
0x19b: {  	s1 =	sld @!p0 [smem:s0+$0x0]  }
0x19c: {  	p6 =	seq.s32 s24, $0x1  }
0x19d: {  	s25 =	sld [smem:$0x7F0];
	s2 =	spop @!p6 (v2sf)  }
0x19e: {  	s26 =	sld [smem:$0x7F8];
	s2 =	sshra.s32 @!p6 s2, $0x7;
	s1 =	sadd.s32 @!p0 $0x1, s1  }
0x19f: {  	[smem:s0] =	sst @!p0 s1;
	s0 =	ssub.s32 @!p6 s2, s4  }
0x1a0: {  	s1 =	sld @!p6 [smem:s0+$0x0]  }
0x1a1: {  	p5 =	seq.s32 s26, $0x1;
	p0 =	seq.s32 s25, $0x1  }
0x1a2: {  	s2 =	spop @!p5 (v2sf);
	(v2sf) =	vpush @!p0 v0, $0xF  }
0x1a3: {  	s28 =	sld [smem:$0x7F9];
	s2 =	sshra.s32 @!p5 s2, $0x7;
	s1 =	sadd.s32 @!p6 $0x1, s1  }
0x1a4: {  	[smem:s0] =	sst @!p6 s1;
	s0 =	ssub.s32 @!p5 s2, s4  }
0x1a5: {  	s1 =	sld @!p5 [smem:s0+$0x0]  }
0x1a6: {  	p4 =	seq.s32 s28, $0x1  }
0x1a7: {  	s2 =	spop @!p4 (v2sf)  }
0x1a8: {  	s29 =	sld [smem:$0x7FA];
	s2 =	sshra.s32 @!p4 s2, $0x7;
	s1 =	sadd.s32 @!p5 $0x1, s1  }
0x1a9: {  	[smem:s0] =	sst @!p5 s1;
	s0 =	ssub.s32 @!p4 s2, s4  }
0x1aa: {  	s1 =	sld @!p4 [smem:s0+$0x0]  }
0x1ab: {  	p1 =	seq.s32 s29, $0x1  }
0x1ac: {  	s2 =	spop @!p1 (v2sf)  }
0x1ad: {  	s30 =	sld [smem:$0x7FB];
	s2 =	sshra.s32 @!p1 s2, $0x7;
	s1 =	sadd.s32 @!p4 $0x1, s1  }
0x1ae: {  	[smem:s0] =	sst @!p4 s1;
	s0 =	ssub.s32 @!p1 s2, s4  }
0x1af: {  	s1 =	sld @!p1 [smem:s0+$0x0]  }
0x1b0: {  	p2 =	seq.s32 s30, $0x1  }
0x1b1: {  	p0 =	por p0, p0;
	s2 =	spop @!p2 (v2sf)  }
0x1b2: {  	s2 =	sshra.s32 @!p0 s2, $0x7;
	s1 =	sadd.s32 @!p1 $0x1, s1  }
0x1b3: {  	[smem:s0] =	sst @!p1 s1;
	s0 =	ssub.s32 @!p0 s2, s4  }
0x1b4: {  	s1 =	sld @!p0 [smem:s0+$0x0]  }
0x1b5: {  	s31 =	sld [smem:$0x7FD];
	_ =	sdelay $0x1  }
0x1b6: {  	s1 =	sadd.s32 @!p0 $0x1, s1  }
0x1b7: {  	p1 =	seq.s32 s31, $0x1;
	[smem:s0] =	sst @!p0 s1  }
.LBB2_13:
0x1b8: {  	s1 =	simm.s32 $0x0  }
0x1b9: {  	s19 =	simm.s32 $0x0;
	s18 =	simm.s32 $0x4;
	[smem:$0x100] =	sst s1  }
.LBB2_14:
0x1ba: {  	p0 =	seq.s32 s18, $0x3D0;
	[smem:s19+$0x200] =	sst s1  }
0x1bb: {  	s0 =	sld [smem:s19+$0x0];
	_ =	sdelay $0x1  }
.Ltmp9:
0x1bc: {  	(pc) =	sbr.rel @!p0 .LBB2_14-.Ltmp9, $4  }
0x1bd: {  	s0 =	sadd.s32 $0xF, s0  }
0x1be: {  	s0 =	sand.u32 $0xFFFFFFF0, s0  }
0x1bf: {  	s19 =	sshra.s32 s18, $0x2;
	s1 =	sadd.s32 s1, s0  }
0x1c0: {  	s18 =	sadd.s32 $0x4, s18;
	[smem:s19+$0x100] =	sst s1  }
.Ltmp10:
0x1c1: {  	(pc) =	sbr.rel @!p1 .LBB2_19-.Ltmp10, $2  }
0x1c2: {  	_ =	sdelay $0x2  }
0x1c3: {  	[smem:s19+$0x200] =	sst s1  }
0x1c4: {  	s19 =	simm.s32 $0x0  }
0x1c5: {  	v0 =	vld [tilespmem:s19+$0x0];
	_ =	sdelay $0x3  }
0x1c6: {  	p3 =	sle.s32 s16, $0x0  }
0x1c7: {  	(v2sf) =	vpush @!p3 v0, $0x0;
	_ =	sdelay $0x3  }
0x1c8: {  	p4 =	sle.s32 s16, $0x1  }
0x1c9: {  	(v2sf) =	vpush @!p4 v0, $0x1;
	_ =	sdelay $0x3  }
0x1ca: {  	p5 =	sle.s32 s16, $0x2  }
0x1cb: {  	(v2sf) =	vpush @!p5 v0, $0x2;
	_ =	sdelay $0x3  }
0x1cc: {  	p6 =	sle.s32 s16, $0x3  }
0x1cd: {  	(v2sf) =	vpush @!p6 v0, $0x3;
	s0 =	spop @!p3 (v2sf)  }
0x1ce: {  	s0 =	sshra.s32 @!p3 s0, $0x7  }
0x1cf: {  	p0 =	sle.s32 s16, $0x4;
	s0 =	ssub.s32 @!p3 s0, s4  }
0x1d0: {  	s1 =	simm.s32 @!p0 $0x0;
	s26 =	sld @!p3 [smem:s0+$0x200]  }
0x1d1: {  	s1 =	simm.s32 @p0 $0x1  }
0x1d2: {  	[smem:$0x7DB] =	sst s1;
	(v2sf) =	vpush @!p0 v0, $0x4;
	s1 =	spop @!p4 (v2sf)  }
0x1d3: {  	s1 =	sshra.s32 @!p4 s1, $0x7;
	s2 =	sadd.s32 @!p3 $0x1, s26  }
0x1d4: {  	p1 =	sle.s32 s16, $0x5;
	[smem:s0+$0x200] =	sst @!p3 s2;
	s0 =	ssub.s32 @!p4 s1, s4  }
0x1d5: {  	s1 =	simm.s32 @!p1 $0x0;
	s29 =	sld @!p4 [smem:s0+$0x200]  }
0x1d6: {  	s1 =	simm.s32 @p1 $0x1  }
0x1d7: {  	(v2sf) =	vpush @!p1 v0, $0x5;
	[smem:$0x7DD] =	sst s1;
	s1 =	spop @!p5 (v2sf)  }
0x1d8: {  	s1 =	sshra.s32 @!p5 s1, $0x7;
	s2 =	sadd.s32 @!p4 $0x1, s29  }
0x1d9: {  	p2 =	sle.s32 s16, $0x6;
	[smem:s0+$0x200] =	sst @!p4 s2;
	s0 =	ssub.s32 @!p5 s1, s4  }
0x1da: {  	s1 =	simm.s32 @!p2 $0x0;
	s31 =	sld @!p5 [smem:s0+$0x200]  }
0x1db: {  	s1 =	simm.s32 @p2 $0x1  }
0x1dc: {  	(v2sf) =	vpush @!p2 v0, $0x6;
	[smem:$0x7DE] =	sst s1;
	s1 =	spop @!p6 (v2sf)  }
0x1dd: {  	s1 =	sshra.s32 @!p6 s1, $0x7;
	s2 =	sadd.s32 @!p5 $0x1, s31  }
0x1de: {  	p2 =	sle.s32 s16, $0x7;
	[smem:s0+$0x200] =	sst @!p5 s2;
	s0 =	ssub.s32 @!p6 s1, s4  }
0x1df: {  	s1 =	simm.s32 @!p2 $0x0;
	s30 =	sld @!p6 [smem:s0+$0x200]  }
0x1e0: {  	s1 =	simm.s32 @p2 $0x1  }
0x1e1: {  	(v2sf) =	vpush @!p2 v0, $0x7;
	[smem:$0x7E0] =	sst s1;
	s1 =	spop @!p0 (v2sf)  }
0x1e2: {  	s1 =	sshra.s32 @!p0 s1, $0x7;
	s2 =	sadd.s32 @!p6 $0x1, s30  }
0x1e3: {  	p2 =	sle.s32 s16, $0x8;
	[smem:s0+$0x200] =	sst @!p6 s2;
	s0 =	ssub.s32 @!p0 s1, s4  }
0x1e4: {  	s1 =	simm.s32 @!p2 $0x0;
	s28 =	sld @!p0 [smem:s0+$0x200]  }
0x1e5: {  	s1 =	simm.s32 @p2 $0x1  }
0x1e6: {  	[smem:$0x7E1] =	sst s1;
	s1 =	spop @!p1 (v2sf)  }
0x1e7: {  	s3 =	sld [smem:$0x7DE];
	(v2sf) =	vpush @!p2 v0, $0x8;
	s1 =	sshra.s32 @!p1 s1, $0x7;
	s2 =	sadd.s32 @!p0 $0x1, s28  }
0x1e8: {  	[smem:s0+$0x200] =	sst @!p0 s2;
	s0 =	ssub.s32 @!p1 s1, s4;
	p0 =	sle.s32 s16, $0x9  }
0x1e9: {  	s25 =	sld @!p1 [smem:s0+$0x200];
	s1 =	simm.s32 @!p0 $0x0  }
0x1ea: {  	(v2sf) =	vpush @!p0 v0, $0x9;
	s1 =	simm.s32 @p0 $0x1;
	p0 =	seq.s32 s3, $0x1  }
0x1eb: {  	[smem:$0x7E2] =	sst s1;
	s1 =	spop @!p0 (v2sf)  }
0x1ec: {  	s6 =	sld [smem:$0x7E0];
	s1 =	sshra.s32 @!p0 s1, $0x7;
	s2 =	sadd.s32 @!p1 $0x1, s25  }
0x1ed: {  	[smem:s0+$0x200] =	sst @!p1 s2;
	s0 =	ssub.s32 @!p0 s1, s4  }
0x1ee: {  	s24 =	sld @!p0 [smem:s0+$0x200]  }
0x1ef: {  	p1 =	por p0, p0;
	p0 =	seq.s32 s6, $0x1  }
0x1f0: {  	p2 =	sle.s32 s16, $0xA;
	s1 =	spop @!p0 (v2sf)  }
0x1f1: {  	s7 =	sld [smem:$0x7E1];
	s1 =	sshra.s32 @!p0 s1, $0x7;
	s2 =	sadd.s32 @!p1 $0x1, s24  }
0x1f2: {  	(v2sf) =	vpush @!p2 v0, $0xA;
	[smem:s0+$0x200] =	sst @!p1 s2;
	s0 =	ssub.s32 @!p0 s1, s4  }
0x1f3: {  	p1 =	por p0, p0;
	s23 =	sld @!p0 [smem:s0+$0x200];
	p0 =	sle.s32 s16, $0xB  }
0x1f4: {  	s1 =	simm.s32 @!p0 $0x0  }
0x1f5: {  	(v2sf) =	vpush @!p0 v0, $0xB;
	s1 =	simm.s32 @p0 $0x1;
	p0 =	seq.s32 s7, $0x1  }
0x1f6: {  	[smem:$0x7E5] =	sst s1;
	s1 =	spop @!p0 (v2sf)  }
0x1f7: {  	s8 =	sld [smem:$0x7E2];
	s2 =	sadd.s32 @!p1 $0x1, s23;
	s1 =	sshra.s32 @!p0 s1, $0x7  }
0x1f8: {  	[smem:s0+$0x200] =	sst @!p1 s2;
	s0 =	ssub.s32 @!p0 s1, s4  }
0x1f9: {  	p1 =	por p0, p0;
	s22 =	sld @!p0 [smem:s0+$0x200];
	p0 =	sle.s32 s16, $0xC  }
0x1fa: {  	s12 =	sld [smem:$0x7DB];
	s1 =	simm.s32 @!p0 $0x0  }
0x1fb: {  	s14 =	sld [smem:$0x7DD];
	(v2sf) =	vpush @!p0 v0, $0xC;
	s1 =	simm.s32 @p0 $0x1;
	p0 =	seq.s32 s8, $0x1  }
0x1fc: {  	[smem:$0x7DC] =	sst s1;
	s1 =	spop @!p0 (v2sf)  }
0x1fd: {  	s15 =	sld [smem:$0x7DE];
	s2 =	sadd.s32 @!p1 $0x1, s22;
	s1 =	sshra.s32 @!p0 s1, $0x7  }
0x1fe: {  	[smem:s0+$0x200] =	sst @!p1 s2;
	p1 =	sle.s32 s16, $0xD;
	s0 =	ssub.s32 @!p0 s1, s4  }
0x1ff: {  	s1 =	simm.s32 @!p1 $0x0;
	s21 =	sld @!p0 [smem:s0+$0x200]  }
0x200: {  	s3 =	sld [smem:$0x7E0];
	s1 =	simm.s32 @p1 $0x1  }
0x201: {  	s20 =	simm.s32 $0x4000;
	[smem:$0x7DF] =	sst s1;
	s1 =	spop @!p2 (v2sf)  }
0x202: {  	v1 =	vld [tilespmem:s20+$0x0];
	s9 =	sld [smem:$0x7E5];
	s1 =	sshra.s32 @!p2 s1, $0x7;
	s2 =	sadd.s32 @!p0 $0x1, s21  }
0x203: {  	v2 =	vmov @!p3 s26;
	[smem:s0+$0x200] =	sst @!p0 s2;
	s0 =	ssub.s32 @!p2 s1, s4;
	s1 =	simm.s32 @!p2 $0x0  }
0x204: {  	p0 =	sle.s32 s16, $0xE;
	s20 =	sld @!p2 [smem:s0+$0x200];
	s1 =	simm.s32 @p2 $0x1  }
0x205: {  	v3 =	vmov @!p4 s29;
	(v2sf) =	vpush @!p1 v0, $0xD;
	[smem:$0x7E4] =	sst s1;
	s1 =	simm.s32 @!p0 $0x0  }
0x206: {  	v4 =	vbroadcast @!p3 v0, $0x0;
	s13 =	sld [smem:$0x7DC];
	(v2sf) =	vpush @!p0 v0, $0xE;
	s1 =	simm.s32 @p0 $0x1;
	p0 =	seq.s32 s9, $0x1  }
0x207: {  	v6 =	vbroadcast @!p3 v1, $0x0;
	v5 =	vmov @!p5 s31;
	s2 =	simm.s32 @!p3 $0x8000;
	[smem:$0x7E3] =	sst s1;
	s1 =	spop @!p0 (v2sf)  }
0x208: {  	v7 =	vbroadcast @!p4 v0, $0x1;
	[tilespmem:v2+s2+$0x0] =	vst.idx.msk @!p3 $0x1, v4;
	s2 =	simm.s32 @!p3 $0xCE80;
	s7 =	sadd.s32 @!p2 $0x1, s20;
	s1 =	sshra.s32 @!p0 s1, $0x7  }
0x209: {  	v4 =	vbroadcast @!p4 v1, $0x1;
	[tilespmem:v2+s2+$0x0] =	vst.idx.msk @!p3 $0x1, v6;
	v2 =	vmov @!p6 s30;
	s2 =	simm.s32 @!p4 $0x8000;
	[smem:s0+$0x200] =	sst @!p2 s7;
	s0 =	ssub.s32 @!p0 s1, s4  }
0x20a: {  	v6 =	vbroadcast @!p5 v0, $0x2;
	[tilespmem:v3+s2+$0x0] =	vst.idx.msk @!p4 $0x1, v7;
	p3 =	por p0, p0;
	s1 =	simm.s32 @!p4 $0xCE80;
	s26 =	sld @!p0 [smem:s0+$0x200]  }
0x20b: {  	[tilespmem:v3+s1+$0x0] =	vst.idx.msk @!p4 $0x1, v4;
	p4 =	seq.s32 s12, $0x1;
	v4 =	vbroadcast @!p5 v1, $0x2;
	s1 =	simm.s32 @!p5 $0x8000;
	p0 =	seq.s32 s13, $0x1  }
0x20c: {  	p1 =	sle.s32 s16, $0xF;
	v7 =	vbroadcast @!p6 v0, $0x3;
	v3 =	vmov @!p4 s28;
	s2 =	spop @!p0 (v2sf);
	[tilespmem:v5+s1+$0x0] =	vst.idx.msk @!p5 $0x1, v6;
	s1 =	simm.s32 @!p5 $0xCE80  }
0x20d: {  	p2 =	seq.s32 s14, $0x1;
	[tilespmem:v5+s1+$0x0] =	vst.idx.msk @!p5 $0x1, v4;
	s1 =	sshra.s32 @!p0 s2, $0x7;
	s2 =	simm.s32 @!p6 $0x8000  }
0x20e: {  	v4 =	vmov @!p2 s25;
	v5 =	vbroadcast @!p6 v1, $0x3;
	s25 =	sld [smem:$0x7E1];
	s7 =	sadd.s32 @!p3 $0x1, s26;
	[tilespmem:v2+s2+$0x0] =	vst.idx.msk @!p6 $0x1, v7;
	s2 =	simm.s32 @!p6 $0xCE80  }
0x20f: {  	(v2sf) =	vpush @!p1 v0, $0xF;
	v6 =	vbroadcast @!p4 v0, $0x4;
	[smem:s0+$0x200] =	sst @!p3 s7;
	s0 =	ssub.s32 @!p0 s1, s4;
	p3 =	seq.s32 s15, $0x1  }
0x210: {  	[tilespmem:v2+s2+$0x0] =	vst.idx.msk @!p6 $0x1, v5;
	v5 =	vbroadcast @!p4 v1, $0x4;
	s1 =	simm.s32 @!p4 $0x8000;
	p6 =	por p0, p0;
	v2 =	vmov @!p3 s24;
	s24 =	sld [smem:$0x7DF]  }
0x211: {  	v7 =	vbroadcast @!p2 v0, $0x5;
	s2 =	sld @!p0 [smem:s0+$0x200];
	p0 =	por p2, p2;
	[tilespmem:v3+s1+$0x0] =	vst.idx.msk @!p4 $0x1, v6;
	s1 =	simm.s32 @!p4 $0xCE80  }
0x212: {  	s30 =	sld [smem:$0x7E4];
	p2 =	seq.s32 s3, $0x1;
	s7 =	simm.s32 @!p0 $0x8000;
	[tilespmem:v3+s1+$0x0] =	vst.idx.msk @!p4 $0x1, v5;
	v5 =	vbroadcast @!p0 v1, $0x5  }
0x213: {  	s29 =	sld [smem:$0x7E3];
	v3 =	vmov @!p2 s23;
	p4 =	seq.s32 s24, $0x1;
	[tilespmem:v4+s7+$0x0] =	vst.idx.msk @!p0 $0x1, v7;
	s7 =	simm.s32 @!p0 $0xCE80  }
0x214: {  	s28 =	sld [smem:$0x7E2];
	v6 =	vbroadcast @!p3 v0, $0x6;
	s1 =	spop @!p4 (v2sf);
	[tilespmem:v4+s7+$0x0] =	vst.idx.msk @!p0 $0x1, v5;
	p0 =	seq.s32 s25, $0x1  }
0x215: {  	s23 =	sadd.s32 @!p6 $0x1, s2;
	v5 =	vbroadcast @!p3 v1, $0x6;
	s7 =	simm.s32 @!p3 $0x8000;
	s1 =	sshra.s32 @!p4 s1, $0x7;
	v4 =	vmov @!p0 s22  }
0x216: {  	v7 =	vbroadcast @!p2 v0, $0x7;
	[smem:s0+$0x200] =	sst @!p6 s23;
	[tilespmem:v2+s7+$0x0] =	vst.idx.msk @!p3 $0x1, v6;
	s0 =	ssub.s32 @!p4 s1, s4;
	s1 =	simm.s32 @!p3 $0xCE80  }
0x217: {  	s7 =	sld @!p4 [smem:s0+$0x200];
	[tilespmem:v2+s1+$0x0] =	vst.idx.msk @!p3 $0x1, v5;
	p3 =	seq.s32 s28, $0x1;
	v5 =	vbroadcast @!p2 v1, $0x7;
	s1 =	simm.s32 @!p2 $0x8000  }
0x218: {  	s31 =	sld [smem:$0x7E5];
	p5 =	seq.s32 s29, $0x1;
	v6 =	vbroadcast @!p0 v0, $0x8;
	v2 =	vmov @!p3 s21;
	[tilespmem:v3+s1+$0x0] =	vst.idx.msk @!p2 $0x1, v7;
	s1 =	simm.s32 @!p2 $0xCE80  }
0x219: {  	s21 =	spop @!p5 (v2sf);
	[tilespmem:v3+s1+$0x0] =	vst.idx.msk @!p2 $0x1, v5;
	p2 =	seq.s32 s30, $0x1;
	v5 =	vbroadcast @!p0 v1, $0x8;
	s1 =	simm.s32 @!p0 $0x8000  }
0x21a: {  	s21 =	sshra.s32 @!p5 s21, $0x7;
	v3 =	vmov @!p2 s20;
	s20 =	sadd.s32 @!p4 $0x1, s7;
	[tilespmem:v4+s1+$0x0] =	vst.idx.msk @!p0 $0x1, v6;
	s1 =	simm.s32 @!p0 $0xCE80  }
0x21b: {  	v7 =	vbroadcast @!p3 v0, $0x9;
	[smem:s0+$0x200] =	sst @!p4 s20;
	s0 =	ssub.s32 @!p5 s21, s4;
	[tilespmem:v4+s1+$0x0] =	vst.idx.msk @!p0 $0x1, v5;
	p0 =	seq.s32 s31, $0x1  }
0x21c: {  	v4 =	vbroadcast @!p3 v1, $0x9;
	s1 =	simm.s32 @!p3 $0x8000;
	v5 =	vmov @!p0 s26;
	s20 =	sld @!p5 [smem:s0+$0x200]  }
0x21d: {  	v6 =	vbroadcast @!p2 v0, $0xA;
	[tilespmem:v2+s1+$0x0] =	vst.idx.msk @!p3 $0x1, v7;
	s1 =	simm.s32 @!p3 $0xCE80  }
0x21e: {  	[tilespmem:v2+s1+$0x0] =	vst.idx.msk @!p3 $0x1, v4;
	s1 =	spop @!p1 (v2sf);
	v2 =	vbroadcast @!p2 v1, $0xA;
	v4 =	vmov @!p6 s2;
	s2 =	simm.s32 @!p2 $0x8000  }
0x21f: {  	v7 =	vbroadcast @!p0 v0, $0xB;
	[tilespmem:v3+s2+$0x0] =	vst.idx.msk @!p2 $0x1, v6;
	s2 =	simm.s32 @!p2 $0xCE80;
	s21 =	sadd.s32 @!p5 $0x1, s20;
	s1 =	sshra.s32 @!p1 s1, $0x7  }
0x220: {  	v6 =	vmov @!p4 s7;
	[tilespmem:v3+s2+$0x0] =	vst.idx.msk @!p2 $0x1, v2;
	v2 =	vbroadcast @!p0 v1, $0xB;
	s2 =	simm.s32 @!p0 $0x8000;
	[smem:s0+$0x200] =	sst @!p5 s21;
	s0 =	ssub.s32 @!p1 s1, s4  }
0x221: {  	v3 =	vbroadcast @!p6 v0, $0xC;
	s1 =	simm.s32 @!p0 $0xCE80;
	[tilespmem:v5+s2+$0x0] =	vst.idx.msk @!p0 $0x1, v7;
	s2 =	sld @!p1 [smem:s0+$0x200]  }
0x222: {  	[tilespmem:v5+s1+$0x0] =	vst.idx.msk @!p0 $0x1, v2;
	v2 =	vbroadcast @!p6 v1, $0xC;
	v5 =	vmov @!p5 s20;
	s1 =	simm.s32 @!p6 $0x8000  }
0x223: {  	s17 =	sadd.s32 $0xFFFFFFFF, s17;
	v7 =	vbroadcast @!p4 v0, $0xD;
	[tilespmem:v4+s1+$0x0] =	vst.idx.msk @!p6 $0x1, v3;
	s1 =	simm.s32 @!p6 $0xCE80  }
0x224: {  	p0 =	sne.s32 s17, $0x0;
	[tilespmem:v4+s1+$0x0] =	vst.idx.msk @!p6 $0x1, v2;
	v2 =	vbroadcast @!p4 v1, $0xD;
	s1 =	simm.s32 @!p4 $0x8000;
	v3 =	vmov @!p1 s2  }
.Ltmp11:
0x225: {  	v4 =	vbroadcast @!p5 v0, $0xE;
	[tilespmem:v6+s1+$0x0] =	vst.idx.msk @!p4 $0x1, v7;
	s1 =	simm.s32 @!p4 $0xCE80;
	(pc) =	sbr.rel @!p0 .LBB2_18-.Ltmp11, $4  }
0x226: {  	[tilespmem:v6+s1+$0x0] =	vst.idx.msk @!p4 $0x1, v2;
	v2 =	vbroadcast @!p5 v1, $0xE;
	s1 =	simm.s32 @!p5 $0x8000  }
0x227: {  	s18 =	simm.s32 $0xF;
	v6 =	vbroadcast @!p1 v0, $0xF;
	[tilespmem:v5+s1+$0x0] =	vst.idx.msk @!p5 $0x1, v4;
	s1 =	simm.s32 @!p5 $0xCE80  }
0x228: {  	p2 =	por p1, p1;
	[tilespmem:v5+s1+$0x0] =	vst.idx.msk @!p5 $0x1, v2;
	s1 =	sadd.s32 @!p1 $0x1, s2;
	s2 =	simm.s32 @!p1 $0x8000  }
0x229: {  	s20 =	simm.s32 $0x4010;
	v0 =	vbroadcast @!p1 v1, $0xF;
	[smem:s0+$0x200] =	sst @!p1 s1;
	[tilespmem:v3+s2+$0x0] =	vst.idx.msk @!p1 $0x1, v6;
	s1 =	simm.s32 @!p1 $0xCE80  }
.LBB2_17:
0x22a: {  	_ = 	snop  }
0x22b: {  	s19 =	sadd.s32 $0x10, s19;
	[tilespmem:v3+s1+$0x0] =	vst.idx.msk @!p2 $0x1, v0  }
0x22c: {  	s17 =	sadd.s32 $0xFFFFFFFF, s17;
	s18 =	sadd.s32 $0x10, s18;
	v16 =	vld [tilespmem:s19+$0x0]  }
0x22d: {  	p0 =	sne.s32 s17, $0x0;
	s21 =	sadd.s32 $0xFFFFFFF1, s18  }
0x22e: {  	s22 =	sadd.s32 $0xFFFFFFF2, s18;
	s23 =	sadd.s32 $0xFFFFFFF3, s18;
	s24 =	sadd.s32 $0xFFFFFFF4, s18  }
0x22f: {  	s25 =	sadd.s32 $0xFFFFFFF5, s18;
	s26 =	sadd.s32 $0xFFFFFFF6, s18;
	s28 =	sadd.s32 $0xFFFFFFF7, s18  }
0x230: {  	s29 =	sadd.s32 $0xFFFFFFF8, s18;
	s0 =	simm.s32 @!p0 $0x0;
	p1 =	sge.s32 s21, s16  }
0x231: {  	p4 =	sge.s32 s22, s16;
	s0 =	simm.s32 @p0 $0x1;
	p0 =	sge.s32 s25, s16;
	(v2sf) =	vpush @!p1 v16, $0x0  }
0x232: {  	p5 =	sge.s32 s23, s16;
	[smem:$0x7DA] =	sst s0;
	s0 =	simm.s32 @!p0 $0x0;
	(v2sf) =	vpush @!p4 v16, $0x1  }
0x233: {  	p2 =	sge.s32 s24, s16;
	p3 =	sge.s32 s26, s16;
	s0 =	simm.s32 @p0 $0x1;
	(v2sf) =	vpush @!p5 v16, $0x2  }
0x234: {  	s30 =	sadd.s32 $0xFFFFFFF9, s18;
	[smem:$0x7D4] =	sst s0;
	s0 =	simm.s32 @!p3 $0x0;
	(v2sf) =	vpush @!p2 v16, $0x3  }
0x235: {  	s31 =	sadd.s32 $0xFFFFFFFA, s18;
	v11 =	vbroadcast @!p0 v16, $0x4;
	s0 =	simm.s32 @p3 $0x1;
	(v2sf) =	vpush @!p0 v16, $0x4;
	p0 =	sge.s32 s28, s16  }
0x236: {  	v10 =	vbroadcast @!p3 v16, $0x5;
	[smem:$0x7D5] =	sst s0;
	s0 =	simm.s32 @!p0 $0x0;
	(v2sf) =	vpush @!p3 v16, $0x5;
	p3 =	sge.s32 s30, s16  }
0x237: {  	v8 =	vbroadcast @!p0 v16, $0x6;
	s0 =	simm.s32 @p0 $0x1;
	(v2sf) =	vpush @!p0 v16, $0x6;
	p0 =	sge.s32 s29, s16;
	s1 =	simm.s32 @!p3 $0x0  }
0x238: {  	[smem:$0x7D6] =	sst s0;
	s0 =	simm.s32 @!p0 $0x0;
	s1 =	simm.s32 @p3 $0x1  }
0x239: {  	v7 =	vbroadcast @!p3 v16, $0x8;
	v9 =	vbroadcast @!p0 v16, $0x7;
	(v2sf) =	vpush @!p0 v16, $0x7;
	s0 =	simm.s32 @p0 $0x1;
	p0 =	por p3, p3;
	p3 =	sge.s32 s31, s16  }
0x23a: {  	s2 =	sadd.s32 $0xFFFFFFFB, s18;
	[smem:$0x7D8] =	sst s1;
	s1 =	simm.s32 @!p3 $0x0  }
0x23b: {  	(v2sf) =	vpush @!p0 v16, $0x8;
	p0 =	por p3, p3;
	v6 =	vbroadcast @!p3 v16, $0x9;
	s1 =	simm.s32 @p3 $0x1;
	p3 =	sge.s32 s2, s16  }
0x23c: {  	s3 =	sadd.s32 $0xFFFFFFFC, s18;
	[smem:$0x7D7] =	sst s0;
	s0 =	simm.s32 @!p3 $0x0  }
0x23d: {  	s9 =	sld [smem:$0x7D5];
	(v2sf) =	vpush @!p0 v16, $0x9;
	p0 =	sge.s32 s3, s16;
	s0 =	simm.s32 @p3 $0x1  }
0x23e: {  	s6 =	sadd.s32 $0xFFFFFFFD, s18;
	[smem:$0x7CD] =	sst s0;
	s0 =	simm.s32 @!p0 $0x0  }
0x23f: {  	p6 =	sge.s32 s6, s16;
	s12 =	sld [smem:$0x7D6];
	(v2sf) =	vpush @!p3 v16, $0xA;
	s0 =	simm.s32 @p0 $0x1  }
0x240: {  	s8 =	sadd.s32 $0xFFFFFFFF, s18;
	(v2sf) =	vpush @!p0 v16, $0xB;
	[smem:$0x7CE] =	sst s0;
	s0 =	simm.s32 @!p6 $0x0  }
0x241: {  	v3 =	vbroadcast @!p6 v16, $0xC;
	s3 =	sld [smem:$0x7D4];
	(v2sf) =	vpush @!p6 v16, $0xC;
	s0 =	simm.s32 @p6 $0x1;
	p6 =	sge.s32 s8, s16  }
0x242: {  	s7 =	sadd.s32 $0xFFFFFFFE, s18;
	[smem:$0x7CF] =	sst s0;
	s0 =	simm.s32 @!p6 $0x0  }
0x243: {  	v5 =	vbroadcast @!p3 v16, $0xA;
	v4 =	vbroadcast @!p0 v16, $0xB;
	p3 =	sge.s32 s7, s16;
	p0 =	sge.s32 s18, s16;
	s0 =	simm.s32 @p6 $0x1  }
0x244: {  	s2 =	simm.s32 @!p0 $0x0;
	[smem:$0x7D3] =	sst s0;
	s0 =	spop @!p1 (v2sf)  }
0x245: {  	[smem:$0x7D9] =	sst s1;
	s2 =	simm.s32 @p0 $0x1;
	(v2sf) =	vpush @!p3 v16, $0xD;
	s1 =	spop @!p4 (v2sf)  }
0x246: {  	[smem:$0x7D0] =	sst s2;
	s0 =	sshra.s32 @!p1 s0, $0x7;
	(v2sf) =	vpush @!p6 v16, $0xE;
	s2 =	spop @!p5 (v2sf)  }
0x247: {  	v1 =	vbroadcast @!p0 v16, $0xF;
	s0 =	ssub.s32 @!p1 s0, s4;
	(v2sf) =	vpush @!p0 v16, $0xF;
	p0 =	seq.s32 s3, $0x1;
	s21 =	spop @!p2 (v2sf)  }
0x248: {  	s7 =	sld @!p1 [smem:s0+$0x200];
	s22 =	spop @!p0 (v2sf)  }
0x249: {  	s14 =	sld [smem:$0x7D8];
	s31 =	sshra.s32 @!p0 s22, $0x7;
	p0 =	seq.s32 s9, $0x1  }
0x24a: {  	s13 =	sld [smem:$0x7D7];
	s22 =	spop @!p0 (v2sf)  }
0x24b: {  	s23 =	sadd.s32 @!p1 $0x1, s7;
	v17 =	vmov @!p1 s7;
	s7 =	sshra.s32 @!p0 s22, $0x7;
	p0 =	seq.s32 s12, $0x1  }
0x24c: {  	s1 =	sshra.s32 @!p4 s1, $0x7;
	[smem:s0+$0x200] =	sst @!p1 s23;
	s22 =	spop @!p0 (v2sf)  }
0x24d: {  	s0 =	ssub.s32 @!p4 s1, s4;
	s1 =	sshra.s32 @!p0 s22, $0x7;
	p0 =	seq.s32 s13, $0x1  }
0x24e: {  	s22 =	sld @!p4 [smem:s0+$0x200];
	s23 =	spop @!p0 (v2sf)  }
0x24f: {  	s15 =	sld [smem:$0x7D9];
	s30 =	sshra.s32 @!p0 s23, $0x7;
	p0 =	seq.s32 s14, $0x1  }
0x250: {  	s6 =	sld [smem:$0x7D3];
	s2 =	sshra.s32 @!p5 s2, $0x7;
	s23 =	spop @!p0 (v2sf)  }
0x251: {  	s24 =	sadd.s32 @!p4 $0x1, s22;
	v18 =	vmov @!p4 s22;
	s22 =	sld [smem:$0x7CD];
	s29 =	sshra.s32 @!p0 s23, $0x7  }
0x252: {  	p0 =	seq.s32 s15, $0x1;
	[smem:s0+$0x200] =	sst @!p4 s24;
	s0 =	ssub.s32 @!p5 s2, s4  }
0x253: {  	s23 =	spop @!p0 (v2sf);
	s2 =	sld @!p5 [smem:s0+$0x200]  }
0x254: {  	s28 =	sshra.s32 @!p0 s23, $0x7;
	s23 =	sld [smem:$0x7CE]  }
0x255: {  	v0 =	vbroadcast @!p6 v16, $0xE;
	s3 =	simm.s32 @!p3 $0x0;
	s21 =	sshra.s32 @!p2 s21, $0x7;
	p6 =	seq.s32 s22, $0x1  }
0x256: {  	s24 =	sld [smem:$0x7CF];
	s22 =	spop @!p6 (v2sf);
	s8 =	sadd.s32 @!p5 $0x1, s2  }
0x257: {  	s26 =	sshra.s32 @!p6 s22, $0x7;
	p0 =	seq.s32 s23, $0x1;
	[smem:s0+$0x200] =	sst @!p5 s8  }
0x258: {  	s0 =	ssub.s32 @!p2 s21, s4;
	s8 =	sld [smem:$0x7D0];
	s22 =	spop @!p0 (v2sf)  }
0x259: {  	v19 =	vmov @!p5 s2;
	s2 =	sld @!p2 [smem:s0+$0x200];
	s25 =	sshra.s32 @!p0 s22, $0x7;
	p0 =	seq.s32 s24, $0x1  }
0x25a: {  	s3 =	simm.s32 @p3 $0x1;
	s9 =	sld [smem:$0x7D4];
	s22 =	spop @!p0 (v2sf)  }
0x25b: {  	s24 =	sshra.s32 @!p0 s22, $0x7;
	s22 =	spop @!p3 (v2sf);
	p0 =	seq.s32 s8, $0x1  }
0x25c: {  	v2 =	vbroadcast @!p3 v16, $0xD;
	s8 =	sadd.s32 @!p2 $0x1, s2;
	s23 =	sshra.s32 @!p3 s22, $0x7;
	p3 =	seq.s32 s6, $0x1  }
0x25d: {  	[smem:s0+$0x200] =	sst @!p2 s8;
	s0 =	simm.s32 @!p2 $0x0;
	s22 =	spop @!p3 (v2sf)  }
0x25e: {  	s0 =	simm.s32 @p2 $0x1;
	s21 =	spop @!p0 (v2sf);
	p0 =	seq.s32 s9, $0x1  }
0x25f: {  	[smem:$0x7D1] =	sst s0;
	s0 =	ssub.s32 @!p0 s31, s4  }
0x260: {  	v20 =	vmov @!p2 s2;
	s2 =	sld @!p0 [smem:s0+$0x200]  }
0x261: {  	s12 =	sld [smem:$0x7D5];
	_ =	sdelay $0x1  }
0x262: {  	s8 =	sadd.s32 @!p0 $0x1, s2  }
0x263: {  	v21 =	vmov @!p0 s2;
	[smem:s0+$0x200] =	sst @!p0 s8;
	p0 =	seq.s32 s12, $0x1  }
0x264: {  	s13 =	sld [smem:$0x7D6];
	s0 =	ssub.s32 @!p0 s7, s4  }
0x265: {  	s2 =	sld @!p0 [smem:s0+$0x200];
	_ =	sdelay $0x2  }
0x266: {  	p3 =	seq.s32 s13, $0x1;
	s7 =	sadd.s32 @!p0 $0x1, s2  }
0x267: {  	[smem:s0+$0x200] =	sst @!p0 s7;
	s0 =	ssub.s32 @!p3 s1, s4  }
0x268: {  	s1 =	sld @!p3 [smem:s0+$0x200]  }
0x269: {  	s14 =	sld [smem:$0x7D7];
	_ =	sdelay $0x1  }
0x26a: {  	v22 =	vmov @!p0 s2;
	s2 =	sadd.s32 @!p3 $0x1, s1  }
0x26b: {  	v23 =	vmov @!p3 s1;
	[smem:s0+$0x200] =	sst @!p3 s2;
	p3 =	seq.s32 s14, $0x1  }
0x26c: {  	s0 =	ssub.s32 @!p3 s30, s4  }
0x26d: {  	s1 =	sld @!p3 [smem:s0+$0x200]  }
0x26e: {  	s15 =	sld [smem:$0x7D8];
	_ =	sdelay $0x1  }
0x26f: {  	s2 =	sadd.s32 @!p3 $0x1, s1  }
0x270: {  	v24 =	vmov @!p3 s1;
	[smem:s0+$0x200] =	sst @!p3 s2;
	p3 =	seq.s32 s15, $0x1  }
0x271: {  	s0 =	ssub.s32 @!p3 s29, s4  }
0x272: {  	s1 =	sld @!p3 [smem:s0+$0x200]  }
0x273: {  	s29 =	sld [smem:$0x7D9];
	_ =	sdelay $0x1  }
0x274: {  	s2 =	sadd.s32 @!p3 $0x1, s1  }
0x275: {  	v25 =	vmov @!p3 s1;
	[smem:s0+$0x200] =	sst @!p3 s2;
	p3 =	seq.s32 s29, $0x1  }
0x276: {  	s0 =	ssub.s32 @!p3 s28, s4  }
0x277: {  	s1 =	sld @!p3 [smem:s0+$0x200];
	_ =	sdelay $0x2  }
0x278: {  	v15 =	vbroadcast @!p1 v16, $0x0;
	v14 =	vbroadcast @!p4 v16, $0x1;
	[smem:$0x7D2] =	sst s3;
	s2 =	sadd.s32 @!p3 $0x1, s1  }
0x279: {  	v13 =	vbroadcast @!p5 v16, $0x2;
	v12 =	vbroadcast @!p2 v16, $0x3;
	v16 =	vld [tilespmem:s20+$0x0];
	[smem:s0+$0x200] =	sst @!p3 s2;
	s0 =	ssub.s32 @!p6 s26, s4  }
0x27a: {  	v26 =	vmov @!p3 s1;
	s1 =	sld @!p6 [smem:s0+$0x200]  }
0x27b: {  	s30 =	sld [smem:$0x7CE]  }
0x27c: {  	s3 =	sld [smem:$0x7D4]  }
0x27d: {  	s31 =	sld [smem:$0x7CF];
	s2 =	simm.s32 @!p1 $0x8000;
	s7 =	sadd.s32 @!p6 $0x1, s1  }
0x27e: {  	v27 =	vbroadcast @!p1 v16, $0x0;
	[tilespmem:v17+s2+$0x0] =	vst.idx.msk @!p1 $0x1, v15;
	v15 =	vbroadcast @!p2 v16, $0x3;
	p2 =	por p6, p6;
	v30 =	vmov @!p6 s1;
	[smem:s0+$0x200] =	sst @!p6 s7;
	p6 =	seq.s32 s30, $0x1  }
0x27f: {  	s2 =	simm.s32 @!p1 $0xCE80;
	s7 =	sld [smem:$0x7D7];
	s0 =	ssub.s32 @!p6 s25, s4  }
0x280: {  	[tilespmem:v17+s2+$0x0] =	vst.idx.msk @!p1 $0x1, v27;
	s2 =	sld @!p6 [smem:s0+$0x200]  }
0x281: {  	s13 =	sld [smem:$0x7D1]  }
0x282: {  	v28 =	vbroadcast @!p4 v16, $0x1;
	v29 =	vbroadcast @!p0 v16, $0x5;
	p0 =	seq.s32 s3, $0x1;
	p3 =	seq.s32 s31, $0x1;
	s1 =	simm.s32 @!p4 $0x8000  }
0x283: {  	v31 =	vbroadcast @!p0 v16, $0x4;
	[tilespmem:v18+s1+$0x0] =	vst.idx.msk @!p4 $0x1, v14;
	s1 =	simm.s32 @!p4 $0xCE80;
	p0 =	seq.s32 s7, $0x1;
	s7 =	sadd.s32 @!p6 $0x1, s2  }
0x284: {  	v14 =	vbroadcast @!p5 v16, $0x2;
	[tilespmem:v18+s1+$0x0] =	vst.idx.msk @!p4 $0x1, v28;
	s1 =	simm.s32 @!p5 $0x8000;
	p4 =	seq.s32 s13, $0x1;
	[smem:s0+$0x200] =	sst @!p6 s7  }
0x285: {  	[tilespmem:v19+s1+$0x0] =	vst.idx.msk @!p5 $0x1, v13;
	s1 =	simm.s32 @!p5 $0xCE80;
	s0 =	ssub.s32 @!p3 s24, s4;
	s24 =	sld [smem:$0x7D4]  }
0x286: {  	[tilespmem:v19+s1+$0x0] =	vst.idx.msk @!p5 $0x1, v14;
	s1 =	simm.s32 @!p4 $0x8000  }
0x287: {  	s9 =	sld [smem:$0x7D6];
	[tilespmem:v20+s1+$0x0] =	vst.idx.msk @!p4 $0x1, v12;
	s1 =	simm.s32 @!p4 $0xCE80  }
0x288: {  	s25 =	sld [smem:$0x7D5];
	[tilespmem:v20+s1+$0x0] =	vst.idx.msk @!p4 $0x1, v15;
	p4 =	seq.s32 s24, $0x1  }
0x289: {  	s8 =	sld [smem:$0x7D9];
	s1 =	simm.s32 @!p4 $0x8000  }
0x28a: {  	s12 =	sld [smem:$0x7D8];
	[tilespmem:v21+s1+$0x0] =	vst.idx.msk @!p4 $0x1, v11;
	s1 =	simm.s32 @!p4 $0xCE80  }
0x28b: {  	s26 =	sld [smem:$0x7D6];
	[tilespmem:v21+s1+$0x0] =	vst.idx.msk @!p4 $0x1, v31;
	p4 =	seq.s32 s25, $0x1  }
0x28c: {  	s14 =	sld [smem:$0x7D2];
	s1 =	simm.s32 @!p4 $0x8000  }
0x28d: {  	s15 =	sld [smem:$0x7D3];
	v18 =	vbroadcast @!p0 v16, $0x7;
	p0 =	seq.s32 s8, $0x1;
	[tilespmem:v22+s1+$0x0] =	vst.idx.msk @!p4 $0x1, v10;
	s1 =	simm.s32 @!p4 $0xCE80  }
0x28e: {  	s28 =	sld [smem:$0x7D7];
	v28 =	vbroadcast @!p0 v16, $0x9;
	p0 =	seq.s32 s9, $0x1;
	[tilespmem:v22+s1+$0x0] =	vst.idx.msk @!p4 $0x1, v29;
	p4 =	seq.s32 s26, $0x1  }
0x28f: {  	v19 =	vmov @!p6 s2;
	v13 =	vbroadcast @!p0 v16, $0x6;
	s2 =	sld @!p3 [smem:s0+$0x200];
	s1 =	simm.s32 @!p4 $0x8000  }
0x290: {  	s29 =	sld [smem:$0x7D8];
	[tilespmem:v23+s1+$0x0] =	vst.idx.msk @!p4 $0x1, v8;
	s1 =	simm.s32 @!p4 $0xCE80  }
0x291: {  	s30 =	sld [smem:$0x7D9];
	p5 =	por p2, p2;
	[tilespmem:v23+s1+$0x0] =	vst.idx.msk @!p4 $0x1, v13;
	p4 =	seq.s32 s28, $0x1  }
0x292: {  	v14 =	vbroadcast @!p2 v16, $0xA;
	p2 =	seq.s32 s14, $0x1;
	s7 =	sadd.s32 @!p3 $0x1, s2;
	s1 =	simm.s32 @!p4 $0x8000  }
0x293: {  	[smem:s0+$0x200] =	sst @!p3 s7;
	s0 =	ssub.s32 @!p2 s23, s4;
	[tilespmem:v24+s1+$0x0] =	vst.idx.msk @!p4 $0x1, v9;
	s1 =	simm.s32 @!p4 $0xCE80  }
0x294: {  	p0 =	seq.s32 s12, $0x1;
	v10 =	vmov @!p3 s2;
	s2 =	sld @!p2 [smem:s0+$0x200];
	[tilespmem:v24+s1+$0x0] =	vst.idx.msk @!p4 $0x1, v18;
	p4 =	seq.s32 s29, $0x1  }
0x295: {  	v32 =	vbroadcast @!p0 v16, $0x8;
	s1 =	simm.s32 @!p4 $0x8000  }
0x296: {  	s6 =	sld [smem:$0x7D0];
	p0 =	seq.s32 s15, $0x1;
	[tilespmem:v25+s1+$0x0] =	vst.idx.msk @!p4 $0x1, v7;
	s1 =	simm.s32 @!p4 $0xCE80  }
0x297: {  	s7 =	sadd.s32 @!p2 $0x1, s2;
	v8 =	vmov @!p2 s2;
	s2 =	sshra.s32 @!p0 s22, $0x7;
	[tilespmem:v25+s1+$0x0] =	vst.idx.msk @!p4 $0x1, v32;
	p4 =	seq.s32 s30, $0x1  }
0x298: {  	[smem:s0+$0x200] =	sst @!p2 s7;
	s0 =	ssub.s32 @!p0 s2, s4;
	s1 =	simm.s32 @!p4 $0x8000  }
0x299: {  	s2 =	sld @!p0 [smem:s0+$0x200];
	[tilespmem:v26+s1+$0x0] =	vst.idx.msk @!p4 $0x1, v6;
	s1 =	simm.s32 @!p4 $0xCE80  }
0x29a: {  	[tilespmem:v26+s1+$0x0] =	vst.idx.msk @!p4 $0x1, v28;
	s1 =	simm.s32 @!p5 $0x8000  }
0x29b: {  	p1 =	seq.s32 s6, $0x1;
	[tilespmem:v30+s1+$0x0] =	vst.idx.msk @!p5 $0x1, v5;
	s1 =	simm.s32 @!p5 $0xCE80  }
0x29c: {  	v17 =	vbroadcast @!p6 v16, $0xB;
	s7 =	sadd.s32 @!p0 $0x1, s2;
	v5 =	vmov @!p0 s2;
	s2 =	sshra.s32 @!p1 s21, $0x7;
	[tilespmem:v30+s1+$0x0] =	vst.idx.msk @!p5 $0x1, v14;
	s1 =	simm.s32 @!p6 $0x8000  }
0x29d: {  	[smem:s0+$0x200] =	sst @!p0 s7;
	s0 =	ssub.s32 @!p1 s2, s4;
	[tilespmem:v19+s1+$0x0] =	vst.idx.msk @!p6 $0x1, v4;
	s1 =	simm.s32 @!p6 $0xCE80  }
0x29e: {  	v27 =	vbroadcast @!p3 v16, $0xC;
	s2 =	sld @!p1 [smem:s0+$0x200];
	[tilespmem:v19+s1+$0x0] =	vst.idx.msk @!p6 $0x1, v17;
	s1 =	simm.s32 @!p3 $0x8000  }
0x29f: {  	[tilespmem:v10+s1+$0x0] =	vst.idx.msk @!p3 $0x1, v3;
	s1 =	simm.s32 @!p3 $0xCE80  }
0x2a0: {  	v33 =	vbroadcast @!p2 v16, $0xD;
	[tilespmem:v10+s1+$0x0] =	vst.idx.msk @!p3 $0x1, v27;
	s1 =	simm.s32 @!p2 $0x8000  }
0x2a1: {  	s31 =	sld [smem:$0x7DA];
	s7 =	sadd.s32 @!p1 $0x1, s2;
	[tilespmem:v8+s1+$0x0] =	vst.idx.msk @!p2 $0x1, v2;
	s1 =	simm.s32 @!p2 $0xCE80  }
0x2a2: {  	v12 =	vbroadcast @!p0 v16, $0xE;
	[smem:s0+$0x200] =	sst @!p1 s7;
	s0 =	simm.s32 @!p0 $0x8000;
	[tilespmem:v8+s1+$0x0] =	vst.idx.msk @!p2 $0x1, v33  }
0x2a3: {  	[tilespmem:v5+s0+$0x0] =	vst.idx.msk @!p0 $0x1, v0;
	s0 =	simm.s32 @!p0 $0xCE80  }
0x2a4: {  	v3 =	vmov @!p1 s2;
	[tilespmem:v5+s0+$0x0] =	vst.idx.msk @!p0 $0x1, v12;
	p0 =	seq.s32 s31, $0x1  }
.Ltmp12:
0x2a5: {  	_ = 	snop;
	(pc) =	sbr.rel @p0 .LBB2_17-.Ltmp12, $3  }
0x2a6: {  	_ =	sdelay $0x1  }
0x2a7: {  	s0 =	simm.s32 @!p1 $0x8000  }
0x2a8: {  	s20 =	sadd.s32 $0x10, s20;
	p2 =	por p1, p1;
	s1 =	simm.s32 @!p1 $0xCE80;
	v0 =	vbroadcast @!p1 v16, $0xF;
	[tilespmem:v3+s0+$0x0] =	vst.idx.msk @!p1 $0x1, v1  }
.LBB2_18:
0x2a9: {  	_ =	sdelay $0x3  }
0x2aa: {  	v7 =	vimm.s32 $0x0;
	[tilespmem:v3+s1+$0x0] =	vst.idx.msk @!p2 $0x1, v0  }
.LBB2_19:
.Ltmp13:
0x2ab: {  	(pc) =	sbr.rel .LBB2_20-.Ltmp13, $3  }
0x2ac: {  	_ =	sdelay $0x1  }
0x2ad: {  	s17 =	simm.s32 $0x0  }
0x2ae: {  	s25 =	simm.s32 $0x0;
	s2 =	simm.s32 $0x0;
	s7 =	simm.s32 $0x0  }
.LBB2_22:
0x2af: {  	s25 =	smov.u32 @p0 s25;
	s17 =	smov.u32 @p0 s17  }
.LBB2_25:
0x2b0: {  	s8 =	rddreg [dreg:$0xb]  }
0x2b1: {  	s7 =	rddreg [dreg:$0x8]  }
0x2b2: {  	s3 =	rddreg [dreg:$0x1];
	s30 =	simm.s32 $0x400  }
0x2b3: {  	s6 =	simm.s32 $0x7A1400;
	s0 =	sshll.u32 s8, $0xF;
	s1 =	sadd.s32 s4, s7  }
0x2b4: {  	s31 =	rddreg [dreg:$0x7];
	s0 =	sshra.s32 s0, $0x2;
	s1 =	sshll.u32 s1, $0x7  }
0x2b5: {  	s2 =	sadd.s32 $0x1, s8;
	s0 =	sadd.s32 $0x11D00, s0;
	s1 =	sadd.s32 s3, s1  }
0x2b6: {  	[tilespmem:s0], [sflag:s2] =	stream.strided.gather [hbm4b:s1+s30], $0x2000, s6, s30, $0x38;
	[tilespmem:$0x1F580] =	vst v63  }
0x2b7: {  	v34 =	vld [tilespmem:$0x1FFF0];
	v35 =	vlaneseq.u32;
	[smem:s8+$0x300] =	sst s7;
	s2 =	sadd.s32 $0x1, s31  }
.LBB2_26:
0x2b8: {  	s7 =	sadd.s32 $0x1, s7  }
0x2b9: {  	p0 =	sne.s32 s7, $0xF5  }
.Ltmp14:
0x2ba: {  	_ = 	snop;
	(pc) =	sbr.rel @!p0 .LBB2_27-.Ltmp14, $1  }
0x2bb: {  	_ =	sdelay $0x3  }
.LBB2_20:
0x2bc: {  	s0 =	sld [smem:s7+$0x0];
	_ =	sdelay $0x2  }
0x2bd: {  	p0 =	slt.s32 s0, $0x1  }
.Ltmp15:
0x2be: {  	_ = 	snop;
	(pc) =	sbr.rel @p0 .LBB2_26-.Ltmp15, $1  }
0x2bf: {  	_ =	sdelay $0x3  }
0x2c0: {  	s0 =	smulhi.u32 $0x2AAAAAAB, s2;
	s1 =	sshra.s32 s2, $0x1F  }
0x2c1: {  	s1 =	smul.u32 $0x2AAAAAAB, s1;
	_ =	sdelay $0x1  }
0x2c2: {  	s0 =	sadd.s32 s1, s0  }
0x2c3: {  	s1 =	sshrl.u32 s0, $0x1F  }
0x2c4: {  	s0 =	sadd.s32 s1, s0  }
0x2c5: {  	s0 =	smul.u32 $0x6, s0;
	_ =	sdelay $0x1  }
0x2c6: {  	p0 =	slt.s32 s2, $0x6;
	s3 =	ssub.s32 s2, s0  }
0x2c7: {  	[dreg:$0x8] =	wrdreg s7;
	s0 =	sadd.s32 @!p0 $0x1, s3  }
0x2c8: {  	s1 =	sld @!p0 [smem:s3+$0x300];
	_ =	swait.ge @!p0 [sflag:s0], $0x2000  }
0x2c9: {  	[sflag:s0] =	ssyncset.done @!p0 $0x0  }
0x2ca: {  	[sflag:s0] =	ssyncadd.s32 @!p0 $0xFFFFE000  }
0x2cb: {  	s6 =	sld @!p0 [smem:s1+$0x0];
	_ =	sdelay $0x2  }
0x2cc: {  	s0 =	sadd.s32 @!p0 $0xF, s6  }
0x2cd: {  	s7 =	sshra.s32 @!p0 s0, $0x4  }
0x2ce: {  	p1 =	slt.s32 @!p0 s7, $0x1  }
0x2cf: {  	p1 =	por p0, p1  }
.Ltmp16:
0x2d0: {  	_ = 	snop;
	(pc) =	sbr.rel @p1 .LBB2_22-.Ltmp16, $3  }
0x2d1: {  	_ =	sdelay $0x1  }
0x2d2: {  	[dreg:$0x7] =	wrdreg s2  }
0x2d3: {  	[dreg:$0xb] =	wrdreg s3  }
0x2d4: {  	s0 =	sshll.u32 s3, $0xD  }
0x2d5: {  	v15 =	vlaneseq.u32;
	v5 =	vmov s0  }
0x2d6: {  	v0 =	vor.u32 $0x80, v5;
	v17 =	vor.u32 $0x600, v5;
	v18 =	vor.u32 $0x680, v5  }
0x2d7: {  	v19 =	vor.u32 $0x700, v5;
	v20 =	vor.u32 $0x780, v5;
	v21 =	vor.u32 $0x800, v5  }
0x2d8: {  	v22 =	vor.u32 $0x880, v5;
	v23 =	vor.u32 $0x900, v5;
	v24 =	vor.u32 $0x980, v5  }
0x2d9: {  	v25 =	vor.u32 $0xA00, v5;
	v26 =	vor.u32 $0xA80, v5;
	v27 =	vor.u32 $0xB00, v5  }
0x2da: {  	v28 =	vor.u32 $0xB80, v5;
	v29 =	vor.u32 $0xC00, v5;
	v30 =	vor.u32 $0xC80, v5  }
0x2db: {  	v31 =	vor.u32 $0xD00, v5;
	v32 =	vor.u32 $0xD80, v5;
	v33 =	vor.u32 $0xE00, v5  }
0x2dc: {  	v34 =	vor.u32 $0xE80, v5;
	v35 =	vor.u32 $0xF00, v5;
	v36 =	vor.u32 $0xF80, v5  }
0x2dd: {  	v37 =	vor.u32 $0x1000, v5;
	v38 =	vor.u32 $0x1080, v5;
	v39 =	vor.u32 $0x1100, v5  }
0x2de: {  	v40 =	vor.u32 $0x1180, v5;
	v41 =	vor.u32 $0x1200, v5;
	v42 =	vor.u32 $0x1280, v5  }
0x2df: {  	v43 =	vor.u32 $0x1300, v5;
	v44 =	vor.u32 $0x1380, v5;
	v45 =	vor.u32 $0x1400, v5  }
0x2e0: {  	v46 =	vor.u32 $0x1480, v5;
	v47 =	vor.u32 $0x1500, v5;
	[tilespmem:$0x1FF20] =	vst v0;
	v0 =	vor.u32 $0x100, v5  }
0x2e1: {  	v48 =	vor.u32 $0x1580, v5;
	v49 =	vor.u32 $0x1600, v5;
	[tilespmem:$0x1FF30] =	vst v0;
	v0 =	vor.u32 $0x180, v5  }
0x2e2: {  	v50 =	vor.u32 $0x1680, v5;
	v51 =	vor.u32 $0x1700, v5;
	[tilespmem:$0x1FF40] =	vst v0;
	v0 =	vor.u32 $0x200, v5  }
0x2e3: {  	v52 =	vor.u32 $0x1780, v5;
	v53 =	vor.u32 $0x1800, v5;
	[tilespmem:$0x1FF50] =	vst v0;
	v0 =	vor.u32 $0x280, v5  }
0x2e4: {  	v54 =	vor.u32 $0x1880, v5;
	v55 =	vor.u32 $0x1900, v5;
	[tilespmem:$0x1FF60] =	vst v0;
	v0 =	vor.u32 $0x300, v5  }
0x2e5: {  	s0 =	sld @!p0 [smem:s1+$0x100];
	v56 =	vor.u32 $0x1980, v5;
	v57 =	vor.u32 $0x1A00, v5;
	[tilespmem:$0x1FF70] =	vst v0;
	v0 =	vor.u32 $0x380, v5  }
0x2e6: {  	v58 =	vor.u32 $0x1A80, v5;
	v59 =	vor.u32 $0x1B00, v5;
	[tilespmem:$0x1FF80] =	vst v0;
	v0 =	vor.u32 $0x400, v5  }
0x2e7: {  	v60 =	vor.u32 $0x1B80, v5;
	v61 =	vor.u32 $0x1C00, v5;
	[tilespmem:$0x1FF90] =	vst v0;
	v0 =	vor.u32 $0x480, v5  }
0x2e8: {  	v62 =	vor.u32 $0x1C80, v5;
	v63 =	vor.u32 $0x1D00, v5;
	s0 =	sshll.u32 s0, $0x2;
	[tilespmem:$0x1FFA0] =	vst v0;
	v0 =	vor.u32 $0x500, v5  }
0x2e9: {  	v16 =	vld [tilespmem:$0x1FFD0];
	v2 =	vor.u32 $0x1D80, v5;
	v1 =	vor.u32 $0x1E80, v5;
	s0 =	sshra.s32 s0, $0x2;
	[tilespmem:$0x1FFB0] =	vst v0;
	v0 =	vor.u32 $0x580, v5  }
0x2ea: {  	v3 =	vor.u32 $0x1F00, v5;
	v4 =	vor.u32 $0x1F80, v5;
	s9 =	sadd.s32 $0x8000, s0;
	s8 =	sadd.s32 $0xCE80, s0;
	[tilespmem:$0x1FFC0] =	vst v0;
	v0 =	vor.u32 $0x1E00, v5  }
.LBB2_24:
0x2eb: {  	v6 =	vmov s6  }
0x2ec: {  	vm8 =	vgt.s32 v6, v15  }
0x2ed: {  	v6 =	vsel vm8, $0x1, v7  }
0x2ee: {  	(xrf0) =	vadd.scan.msk.s32 $0xffff, v6;
	_ =	sdelay $0x1  }
0x2ef: {  	v6 =	vmov s25  }
0x2f0: {  	v6 =	vadd.s32 $0xFFFFFFFF, v6;
	_ =	sdelay $0x1  }
0x2f1: {  	v7 =	vbroadcast v6, $0x0  }
0x2f2: {  	v6, _, _ =	vpop (xrf0)  }
0x2f3: {  	v7 =	vadd.s32 v6, v7  }
0x2f4: {  	(v2sf) =	vpush v7, $0xD;
	_ =	sdelay $0x1  }
0x2f5: {  	(v2sf) =	vpush v7, $0xC;
	_ =	sdelay $0x1  }
0x2f6: {  	(v2sf) =	vpush v7, $0xE;
	_ =	sdelay $0x1  }
0x2f7: {  	(v2sf) =	vpush v7, $0xF;
	_ =	sdelay $0x1  }
0x2f8: {  	(v2sf) =	vpush v7, $0x9;
	_ =	sdelay $0x1  }
0x2f9: {  	(v2sf) =	vpush v7, $0x8;
	_ =	sdelay $0x1  }
0x2fa: {  	(v2sf) =	vpush v7, $0xA  }
0x2fb: {  	(v2sf) =	vpush v7, $0xB  }
0x2fc: {  	(v2sf) =	vpush v7, $0x0  }
0x2fd: {  	s0 =	spop (v2sf)  }
0x2fe: {  	[dreg:$0x15] =	wrdreg s17;
	(v2sf) =	vpush v7, $0x1;
	s1 =	smulhi.u32 $0x2AAAAAAB, s0;
	s0 =	sshra.s32 s0, $0x1F  }
0x2ff: {  	s2 =	spop (v2sf);
	s0 =	smul.u32 $0x2AAAAAAB, s0  }
0x300: {  	[dreg:$0xe] =	wrdreg s7;
	s7 =	smulhi.u32 $0x2AAAAAAB, s2;
	s2 =	sshra.s32 s2, $0x1F  }
0x301: {  	s20 =	spop (v2sf);
	s2 =	smul.u32 $0x2AAAAAAB, s2  }
0x302: {  	[dreg:$0x11] =	wrdreg s8;
	(v2sf) =	vpush v7, $0x2;
	s26 =	smulhi.u32 $0x2AAAAAAB, s20;
	s8 =	sshra.s32 s20, $0x1F  }
0x303: {  	(v2sf) =	vpush v7, $0x3;
	s21 =	spop (v2sf);
	s8 =	smul.u32 $0x2AAAAAAB, s8  }
0x304: {  	[dreg:$0x13] =	wrdreg s25;
	(v2sf) =	vpush v7, $0x4;
	s29 =	smulhi.u32 $0x2AAAAAAB, s21;
	s25 =	sshra.s32 s21, $0x1F  }
0x305: {  	s28 =	spop (v2sf);
	s31 =	smul.u32 $0x2AAAAAAB, s25  }
0x306: {  	[dreg:$0xc] =	wrdreg s6;
	s15 =	smulhi.u32 $0x2AAAAAAB, s28;
	s28 =	sshra.s32 s28, $0x1F  }
0x307: {  	s30 =	spop (v2sf);
	s13 =	smul.u32 $0x2AAAAAAB, s28  }
0x308: {  	s17 =	smov.u32 s9;
	s14 =	smulhi.u32 $0x2AAAAAAB, s30;
	s30 =	sshra.s32 s30, $0x1F  }
0x309: {  	s22 =	spop (v2sf);
	s28 =	sadd.s32 s8, s26;
	s12 =	smul.u32 $0x2AAAAAAB, s30  }
0x30a: {  	(v2sf) =	vpush v7, $0x5;
	s3 =	spop (v2sf);
	s9 =	smulhi.u32 $0x2AAAAAAB, s22;
	s25 =	sshra.s32 s22, $0x1F  }
0x30b: {  	s26 =	sadd.s32 s31, s29;
	s23 =	spop (v2sf);
	s6 =	smul.u32 $0x2AAAAAAB, s25  }
0x30c: {  	(v2sf) =	vpush v7, $0x6;
	s20 =	smulhi.u32 $0x2AAAAAAB, s3;
	s3 =	sshra.s32 s3, $0x1F;
	s25 =	sadd.s32 s0, s1  }
0x30d: {  	s31 =	sadd.s32 s13, s15;
	s16 =	spop (v2sf);
	s3 =	smul.u32 $0x2AAAAAAB, s3  }
0x30e: {  	s0 =	smulhi.u32 $0x2AAAAAAB, s23;
	s30 =	sshra.s32 s23, $0x1F;
	s21 =	sshrl.u32 s25, $0x1F  }
0x30f: {  	s12 =	sadd.s32 s12, s14;
	s25 =	sshrl.u32 s25, $0x3;
	s22 =	smul.u32 $0x2AAAAAAB, s30  }
0x310: {  	s30 =	sadd.s32 s2, s7;
	s2 =	smulhi.u32 $0x2AAAAAAB, s16;
	s16 =	sshra.s32 s16, $0x1F  }
0x311: {  	s5 =	spop (v2sf);
	s1 =	sadd.s32 s6, s9;
	s8 =	smul.u32 $0x2AAAAAAB, s16  }
0x312: {  	s19 =	spop (v2sf);
	s16 =	smulhi.u32 $0x2AAAAAAB, s5;
	s29 =	sshra.s32 s5, $0x1F  }
0x313: {  	s6 =	sshrl.u32 s26, $0x1F;
	s13 =	smul.u32 $0x2AAAAAAB, s29;
	s18 =	spop (v2sf);
	(v2sf) =	vpush v7, $0x7  }
0x314: {  	s7 =	sshrl.u32 s30, $0x1F;
	s14 =	smulhi.u32 $0x2AAAAAAB, s19;
	s29 =	sshra.s32 s19, $0x1F  }
0x315: {  	s5 =	sshrl.u32 s28, $0x1F;
	s0 =	sadd.s32 s22, s0;
	s9 =	smul.u32 $0x2AAAAAAB, s29  }
0x316: {  	s29 =	sadd.s32 s3, s20;
	s2 =	sadd.s32 s8, s2;
	s22 =	sshrl.u32 s0, $0x1F  }
0x317: {  	s0 =	sshrl.u32 s0, $0x3;
	s13 =	sadd.s32 s13, s16;
	s16 =	sshrl.u32 s12, $0x1F  }
0x318: {  	v8 =	vmov s22;
	s22 =	sshrl.u32 s1, $0x1F;
	s3 =	smulhi.u32 $0x2AAAAAAB, s18;
	s19 =	sshra.s32 s18, $0x1F  }
0x319: {  	s1 =	sshrl.u32 s1, $0x3;
	s24 =	spop (v2sf);
	s15 =	smul.u32 $0x2AAAAAAB, s19  }
0x31a: {  	s9 =	sadd.s32 s9, s14;
	s8 =	smulhi.u32 $0x2AAAAAAB, s24;
	s20 =	sshra.s32 s24, $0x1F  }
0x31b: {  	v9 =	vmov s7;
	s18 =	sshrl.u32 s31, $0x1F;
	s23 =	spop (v2sf);
	s19 =	smul.u32 $0x2AAAAAAB, s20  }
0x31c: {  	v9 =	vsel vm0, s21, v9;
	v8 =	vnsel vm3, $0x0, v8;
	s21 =	sshrl.u32 s9, $0x1F;
	s24 =	sshrl.u32 s2, $0x1F;
	s14 =	smulhi.u32 $0x2AAAAAAB, s23  }
0x31d: {  	v9 =	vsel vm1, s5, v9;
	v11 =	vmov s0;
	s20 =	sshra.s32 s23, $0x1F;
	v8 =	vsel vm0, s24, v8;
	s3 =	sadd.s32 s15, s3;
	s15 =	sshrl.u32 s13, $0x1F  }
0x31e: {  	v10 =	vmov s16;
	v9 =	vsel vm2, s6, v9;
	s2 =	sshrl.u32 s2, $0x3;
	s20 =	smul.u32 $0x2AAAAAAB, s20;
	v8 =	vsel vm1, s15, v8;
	s8 =	sadd.s32 s19, s8  }
0x31f: {  	v11 =	vnsel vm3, $0x0, v11;
	v10 =	vsel vm0, s18, v10;
	s18 =	sshrl.u32 s29, $0x3;
	s23 =	sshrl.u32 s3, $0x1F;
	v8 =	vsel vm2, s21, v8;
	s24 =	sshrl.u32 s8, $0x1F  }
0x320: {  	v10 =	vsel vm1, s22, v10;
	v11 =	vsel vm0, s2, v11;
	s7 =	sadd.s32 s20, s14;
	s21 =	sshrl.u32 s29, $0x1F;
	v8 =	vsel vm4, s23, v8;
	s23 =	sshrl.u32 s30, $0x3  }
0x321: {  	v10 =	vsel vm2, s21, v10;
	s30 =	sshrl.u32 s31, $0x3;
	s31 =	sshrl.u32 s13, $0x3;
	v8 =	vsel vm5, s24, v8;
	s24 =	sshrl.u32 s12, $0x3;
	v12 =	vmov s23  }
0x322: {  	s22 =	sshrl.u32 s7, $0x1F;
	s13 =	sshrl.u32 s9, $0x3;
	v11 =	vsel vm1, s31, v11;
	v9 =	vcombine.low v10, v9;
	v13 =	vmov s24;
	s16 =	spop (v2sf)  }
0x323: {  	s12 =	sshrl.u32 s28, $0x3;
	v8 =	vsel vm6, s22, v8;
	v12 =	vsel vm0, s25, v12;
	v13 =	vsel vm0, s30, v13;
	s20 =	smulhi.u32 $0x2AAAAAAB, s16;
	s14 =	sshra.s32 s16, $0x1F  }
0x324: {  	s19 =	sshrl.u32 s3, $0x3;
	v11 =	vsel vm2, s13, v11;
	v12 =	vsel vm1, s12, v12;
	v13 =	vsel vm1, s1, v13;
	s16 =	sshrl.u32 s26, $0x3;
	s14 =	smul.u32 $0x2AAAAAAB, s14  }
0x325: {  	s22 =	sshrl.u32 s8, $0x3;
	v11 =	vsel vm4, s19, v11;
	v13 =	vsel vm2, s18, v13;
	v12 =	vsel vm2, s16, v12  }
0x326: {  	s25 =	sshrl.u32 s7, $0x3;
	v10 =	vsel vm5, s22, v11;
	v12 =	vcombine.low v13, v12;
	s20 =	sadd.s32 s14, s20  }
0x327: {  	v9 =	vperm.xlane v9, v16;
	v11 =	vmul.u32 $0x2, v15;
	v10 =	vsel vm6, s25, v10;
	s24 =	sshrl.u32 s20, $0x1F;
	s28 =	sshrl.u32 s20, $0x3  }
0x328: {  	v14 =	vld [tilespmem:s17+$0x0];
	v12 =	vperm.xlane v12, v16;
	v8 =	vsel vm7, s24, v8;
	v10 =	vsel vm7, s28, v10  }
0x329: {  	v8 =	vperm.xlane v8, v11;
	v11 =	vperm.xlane v10, v11  }
0x32a: {  	vm9 =	vmmov $0xff  }
0x32b: {  	v8 =	vsel vm9, v8, v9;
	v9 =	vsel vm9, v11, v12  }
0x32c: {  	v8 =	vadd.s32 v8, v9  }
0x32d: {  	v10 =	vand.u32 $0x7F, v14;
	v8 =	vmul.u32 $0x30, v8  }
0x32e: {  	v11 =	vor.u32 v5, v10  }
0x32f: {  	v7 =	vsub.s32 v7, v8;
	v8 =	vld [tilespmem:$0x1FF20];
	_ =	sdelay $0x3  }
0x330: {  	v11 =	vld.idx.msk [tilespmem:v11+s10+$0x0], vm8;
	v9 =	vshll.u32 v7, $0x7  }
0x331: {  	v12 =	vor.u32 v8, v10  }
0x332: {  	v13 =	vld [tilespmem:$0x1FF30];
	_ =	sdelay $0x1  }
0x333: {  	s23 =	rddreg [dreg:$0x11]  }
0x334: {  	v8 =	vld [tilespmem:s23+$0x0];
	[tilespmem:v9+s11+$0x0] =	vst.idx.msk vm8, v11  }
0x335: {  	v11 =	vld.idx.msk [tilespmem:v12+s10+$0x0], vm8;
	v12 =	vor.u32 $0x1, v9  }
0x336: {  	v13 =	vor.u32 v13, v10;
	_ =	sdelay $0x3  }
0x337: {  	[tilespmem:v12+s11+$0x0] =	vst.idx.msk vm8, v11  }
0x338: {  	v11 =	vld.idx.msk [tilespmem:v13+s10+$0x0], vm8  }
0x339: {  	v13 =	vld [tilespmem:$0x1FF40];
	_ =	sdelay $0x3  }
0x33a: {  	v12 =	vor.u32 $0x2, v9  }
0x33b: {  	v13 =	vor.u32 v13, v10;
	_ =	sdelay $0x3  }
0x33c: {  	[tilespmem:v12+s11+$0x0] =	vst.idx.msk vm8, v11  }
0x33d: {  	v11 =	vld.idx.msk [tilespmem:v13+s10+$0x0], vm8  }
0x33e: {  	v13 =	vld [tilespmem:$0x1FF50];
	_ =	sdelay $0x3  }
0x33f: {  	v12 =	vor.u32 $0x3, v9  }
0x340: {  	v13 =	vor.u32 v13, v10;
	_ =	sdelay $0x3  }
0x341: {  	[tilespmem:v12+s11+$0x0] =	vst.idx.msk vm8, v11  }
0x342: {  	v11 =	vld.idx.msk [tilespmem:v13+s10+$0x0], vm8  }
0x343: {  	v13 =	vld [tilespmem:$0x1FF60];
	_ =	sdelay $0x3  }
0x344: {  	v12 =	vor.u32 $0x4, v9  }
0x345: {  	v13 =	vor.u32 v13, v10;
	_ =	sdelay $0x3  }
0x346: {  	[tilespmem:v12+s11+$0x0] =	vst.idx.msk vm8, v11  }
0x347: {  	v11 =	vld.idx.msk [tilespmem:v13+s10+$0x0], vm8  }
0x348: {  	v13 =	vld [tilespmem:$0x1FF70];
	_ =	sdelay $0x3  }
0x349: {  	v12 =	vor.u32 $0x5, v9  }
0x34a: {  	v13 =	vor.u32 v13, v10;
	_ =	sdelay $0x3  }
0x34b: {  	[tilespmem:v12+s11+$0x0] =	vst.idx.msk vm8, v11  }
0x34c: {  	v11 =	vld.idx.msk [tilespmem:v13+s10+$0x0], vm8  }
0x34d: {  	v13 =	vld [tilespmem:$0x1FF80];
	_ =	sdelay $0x3  }
0x34e: {  	v12 =	vor.u32 $0x6, v9  }
0x34f: {  	v13 =	vor.u32 v13, v10;
	_ =	sdelay $0x3  }
0x350: {  	[tilespmem:v12+s11+$0x0] =	vst.idx.msk vm8, v11  }
0x351: {  	v11 =	vld.idx.msk [tilespmem:v13+s10+$0x0], vm8  }
0x352: {  	v13 =	vld [tilespmem:$0x1FF90];
	_ =	sdelay $0x3  }
0x353: {  	v12 =	vor.u32 $0x7, v9  }
0x354: {  	v13 =	vor.u32 v13, v10;
	_ =	sdelay $0x3  }
0x355: {  	[tilespmem:v12+s11+$0x0] =	vst.idx.msk vm8, v11  }
0x356: {  	v11 =	vld.idx.msk [tilespmem:v13+s10+$0x0], vm8  }
0x357: {  	v13 =	vld [tilespmem:$0x1FFA0];
	_ =	sdelay $0x3  }
0x358: {  	v12 =	vor.u32 $0x8, v9  }
0x359: {  	v13 =	vor.u32 v13, v10;
	_ =	sdelay $0x3  }
0x35a: {  	[tilespmem:v12+s11+$0x0] =	vst.idx.msk vm8, v11  }
0x35b: {  	v11 =	vld.idx.msk [tilespmem:v13+s10+$0x0], vm8  }
0x35c: {  	v13 =	vld [tilespmem:$0x1FFB0];
	_ =	sdelay $0x3  }
0x35d: {  	v12 =	vor.u32 $0x9, v9  }
0x35e: {  	v13 =	vor.u32 v13, v10;
	_ =	sdelay $0x3  }
0x35f: {  	[tilespmem:v12+s11+$0x0] =	vst.idx.msk vm8, v11  }
0x360: {  	v11 =	vld.idx.msk [tilespmem:v13+s10+$0x0], vm8  }
0x361: {  	v13 =	vld [tilespmem:$0x1FFC0];
	_ =	sdelay $0x3  }
0x362: {  	v12 =	vor.u32 $0xA, v9  }
0x363: {  	v13 =	vor.u32 v13, v10;
	_ =	sdelay $0x3  }
0x364: {  	[tilespmem:v12+s11+$0x0] =	vst.idx.msk vm8, v11  }
0x365: {  	v12 =	vor.u32 $0xB, v9;
	v11 =	vld.idx.msk [tilespmem:v13+s10+$0x0], vm8  }
0x366: {  	v13 =	vor.u32 v17, v10;
	_ =	sdelay $0x3  }
0x367: {  	[tilespmem:v12+s11+$0x0] =	vst.idx.msk vm8, v11  }
0x368: {  	v12 =	vor.u32 $0xC, v9;
	v11 =	vld.idx.msk [tilespmem:v13+s10+$0x0], vm8  }
0x369: {  	v13 =	vor.u32 v18, v10;
	_ =	sdelay $0x3  }
0x36a: {  	[tilespmem:v12+s11+$0x0] =	vst.idx.msk vm8, v11  }
0x36b: {  	v12 =	vor.u32 $0xD, v9;
	v11 =	vld.idx.msk [tilespmem:v13+s10+$0x0], vm8  }
0x36c: {  	v13 =	vor.u32 v19, v10;
	_ =	sdelay $0x3  }
0x36d: {  	[tilespmem:v12+s11+$0x0] =	vst.idx.msk vm8, v11  }
0x36e: {  	v12 =	vor.u32 $0xE, v9;
	v11 =	vld.idx.msk [tilespmem:v13+s10+$0x0], vm8  }
0x36f: {  	v13 =	vor.u32 v20, v10;
	_ =	sdelay $0x3  }
0x370: {  	[tilespmem:v12+s11+$0x0] =	vst.idx.msk vm8, v11  }
0x371: {  	v12 =	vor.u32 $0xF, v9;
	v11 =	vld.idx.msk [tilespmem:v13+s10+$0x0], vm8  }
0x372: {  	v13 =	vor.u32 v21, v10;
	_ =	sdelay $0x3  }
0x373: {  	[tilespmem:v12+s11+$0x0] =	vst.idx.msk vm8, v11  }
0x374: {  	v12 =	vor.u32 $0x10, v9;
	v11 =	vld.idx.msk [tilespmem:v13+s10+$0x0], vm8  }
0x375: {  	v13 =	vor.u32 v22, v10;
	_ =	sdelay $0x3  }
0x376: {  	[tilespmem:v12+s11+$0x0] =	vst.idx.msk vm8, v11  }
0x377: {  	v12 =	vor.u32 $0x11, v9;
	v11 =	vld.idx.msk [tilespmem:v13+s10+$0x0], vm8  }
0x378: {  	v13 =	vor.u32 v23, v10;
	_ =	sdelay $0x3  }
0x379: {  	[tilespmem:v12+s11+$0x0] =	vst.idx.msk vm8, v11  }
0x37a: {  	v12 =	vor.u32 $0x12, v9;
	v11 =	vld.idx.msk [tilespmem:v13+s10+$0x0], vm8  }
0x37b: {  	v13 =	vor.u32 v24, v10;
	_ =	sdelay $0x3  }
0x37c: {  	[tilespmem:v12+s11+$0x0] =	vst.idx.msk vm8, v11  }
0x37d: {  	v12 =	vor.u32 $0x13, v9;
	v11 =	vld.idx.msk [tilespmem:v13+s10+$0x0], vm8  }
0x37e: {  	v13 =	vor.u32 v25, v10;
	_ =	sdelay $0x3  }
0x37f: {  	[tilespmem:v12+s11+$0x0] =	vst.idx.msk vm8, v11  }
0x380: {  	v12 =	vor.u32 $0x14, v9;
	v11 =	vld.idx.msk [tilespmem:v13+s10+$0x0], vm8  }
0x381: {  	v13 =	vor.u32 v26, v10;
	_ =	sdelay $0x3  }
0x382: {  	[tilespmem:v12+s11+$0x0] =	vst.idx.msk vm8, v11  }
0x383: {  	v12 =	vor.u32 $0x15, v9;
	v11 =	vld.idx.msk [tilespmem:v13+s10+$0x0], vm8  }
0x384: {  	v13 =	vor.u32 v27, v10;
	_ =	sdelay $0x3  }
0x385: {  	[tilespmem:v12+s11+$0x0] =	vst.idx.msk vm8, v11  }
0x386: {  	v12 =	vor.u32 $0x16, v9;
	v11 =	vld.idx.msk [tilespmem:v13+s10+$0x0], vm8  }
0x387: {  	v13 =	vor.u32 v28, v10;
	_ =	sdelay $0x3  }
0x388: {  	[tilespmem:v12+s11+$0x0] =	vst.idx.msk vm8, v11  }
0x389: {  	v12 =	vor.u32 $0x17, v9;
	v11 =	vld.idx.msk [tilespmem:v13+s10+$0x0], vm8  }
0x38a: {  	v13 =	vor.u32 v29, v10;
	_ =	sdelay $0x3  }
0x38b: {  	[tilespmem:v12+s11+$0x0] =	vst.idx.msk vm8, v11  }
0x38c: {  	v12 =	vor.u32 $0x18, v9;
	v11 =	vld.idx.msk [tilespmem:v13+s10+$0x0], vm8  }
0x38d: {  	v13 =	vor.u32 v30, v10;
	_ =	sdelay $0x3  }
0x38e: {  	[tilespmem:v12+s11+$0x0] =	vst.idx.msk vm8, v11  }
0x38f: {  	v12 =	vor.u32 $0x19, v9;
	v11 =	vld.idx.msk [tilespmem:v13+s10+$0x0], vm8  }
0x390: {  	v13 =	vor.u32 v31, v10;
	_ =	sdelay $0x3  }
0x391: {  	[tilespmem:v12+s11+$0x0] =	vst.idx.msk vm8, v11  }
0x392: {  	v12 =	vor.u32 $0x1A, v9;
	v11 =	vld.idx.msk [tilespmem:v13+s10+$0x0], vm8  }
0x393: {  	v13 =	vor.u32 v32, v10;
	_ =	sdelay $0x3  }
0x394: {  	[tilespmem:v12+s11+$0x0] =	vst.idx.msk vm8, v11  }
0x395: {  	v12 =	vor.u32 $0x1B, v9;
	v11 =	vld.idx.msk [tilespmem:v13+s10+$0x0], vm8  }
0x396: {  	v13 =	vor.u32 v33, v10;
	_ =	sdelay $0x3  }
0x397: {  	[tilespmem:v12+s11+$0x0] =	vst.idx.msk vm8, v11  }
0x398: {  	v12 =	vor.u32 $0x1C, v9;
	v11 =	vld.idx.msk [tilespmem:v13+s10+$0x0], vm8  }
0x399: {  	v13 =	vor.u32 v34, v10;
	_ =	sdelay $0x3  }
0x39a: {  	[tilespmem:v12+s11+$0x0] =	vst.idx.msk vm8, v11  }
0x39b: {  	v12 =	vor.u32 $0x1D, v9;
	v11 =	vld.idx.msk [tilespmem:v13+s10+$0x0], vm8  }
0x39c: {  	v13 =	vor.u32 v35, v10;
	_ =	sdelay $0x3  }
0x39d: {  	[tilespmem:v12+s11+$0x0] =	vst.idx.msk vm8, v11  }
0x39e: {  	v12 =	vor.u32 $0x1E, v9;
	v11 =	vld.idx.msk [tilespmem:v13+s10+$0x0], vm8  }
0x39f: {  	v13 =	vor.u32 v36, v10;
	_ =	sdelay $0x3  }
0x3a0: {  	[tilespmem:v12+s11+$0x0] =	vst.idx.msk vm8, v11  }
0x3a1: {  	v12 =	vor.u32 $0x1F, v9;
	v11 =	vld.idx.msk [tilespmem:v13+s10+$0x0], vm8  }
0x3a2: {  	v13 =	vor.u32 v37, v10;
	_ =	sdelay $0x3  }
0x3a3: {  	[tilespmem:v12+s11+$0x0] =	vst.idx.msk vm8, v11  }
0x3a4: {  	v12 =	vor.u32 $0x20, v9;
	v11 =	vld.idx.msk [tilespmem:v13+s10+$0x0], vm8  }
0x3a5: {  	v13 =	vor.u32 v38, v10;
	_ =	sdelay $0x3  }
0x3a6: {  	[tilespmem:v12+s11+$0x0] =	vst.idx.msk vm8, v11  }
0x3a7: {  	v12 =	vor.u32 $0x21, v9;
	v11 =	vld.idx.msk [tilespmem:v13+s10+$0x0], vm8  }
0x3a8: {  	v13 =	vor.u32 v39, v10;
	_ =	sdelay $0x3  }
0x3a9: {  	[tilespmem:v12+s11+$0x0] =	vst.idx.msk vm8, v11  }
0x3aa: {  	v12 =	vor.u32 $0x22, v9;
	v11 =	vld.idx.msk [tilespmem:v13+s10+$0x0], vm8  }
0x3ab: {  	v13 =	vor.u32 v40, v10;
	_ =	sdelay $0x3  }
0x3ac: {  	[tilespmem:v12+s11+$0x0] =	vst.idx.msk vm8, v11  }
0x3ad: {  	v12 =	vor.u32 $0x23, v9;
	v11 =	vld.idx.msk [tilespmem:v13+s10+$0x0], vm8  }
0x3ae: {  	v13 =	vor.u32 v41, v10;
	_ =	sdelay $0x3  }
0x3af: {  	[tilespmem:v12+s11+$0x0] =	vst.idx.msk vm8, v11  }
0x3b0: {  	v12 =	vor.u32 $0x24, v9;
	v11 =	vld.idx.msk [tilespmem:v13+s10+$0x0], vm8  }
0x3b1: {  	v13 =	vor.u32 v42, v10;
	_ =	sdelay $0x3  }
0x3b2: {  	[tilespmem:v12+s11+$0x0] =	vst.idx.msk vm8, v11  }
0x3b3: {  	v12 =	vor.u32 $0x25, v9;
	v11 =	vld.idx.msk [tilespmem:v13+s10+$0x0], vm8  }
0x3b4: {  	v13 =	vor.u32 v43, v10;
	_ =	sdelay $0x3  }
0x3b5: {  	[tilespmem:v12+s11+$0x0] =	vst.idx.msk vm8, v11  }
0x3b6: {  	v12 =	vor.u32 $0x26, v9;
	v11 =	vld.idx.msk [tilespmem:v13+s10+$0x0], vm8  }
0x3b7: {  	v13 =	vor.u32 v44, v10;
	_ =	sdelay $0x3  }
0x3b8: {  	[tilespmem:v12+s11+$0x0] =	vst.idx.msk vm8, v11  }
0x3b9: {  	v12 =	vor.u32 $0x27, v9;
	v11 =	vld.idx.msk [tilespmem:v13+s10+$0x0], vm8  }
0x3ba: {  	v13 =	vor.u32 v45, v10;
	_ =	sdelay $0x3  }
0x3bb: {  	[tilespmem:v12+s11+$0x0] =	vst.idx.msk vm8, v11  }
0x3bc: {  	v12 =	vor.u32 $0x28, v9;
	v11 =	vld.idx.msk [tilespmem:v13+s10+$0x0], vm8  }
0x3bd: {  	v13 =	vor.u32 v46, v10;
	_ =	sdelay $0x3  }
0x3be: {  	[tilespmem:v12+s11+$0x0] =	vst.idx.msk vm8, v11  }
0x3bf: {  	v12 =	vor.u32 $0x29, v9;
	v11 =	vld.idx.msk [tilespmem:v13+s10+$0x0], vm8  }
0x3c0: {  	v13 =	vor.u32 v47, v10;
	_ =	sdelay $0x3  }
0x3c1: {  	[tilespmem:v12+s11+$0x0] =	vst.idx.msk vm8, v11  }
0x3c2: {  	v12 =	vor.u32 $0x2A, v9;
	v11 =	vld.idx.msk [tilespmem:v13+s10+$0x0], vm8  }
0x3c3: {  	v13 =	vor.u32 v48, v10;
	_ =	sdelay $0x3  }
0x3c4: {  	[tilespmem:v12+s11+$0x0] =	vst.idx.msk vm8, v11  }
0x3c5: {  	v12 =	vor.u32 $0x2B, v9;
	v11 =	vld.idx.msk [tilespmem:v13+s10+$0x0], vm8  }
0x3c6: {  	v13 =	vor.u32 v49, v10;
	_ =	sdelay $0x3  }
0x3c7: {  	[tilespmem:v12+s11+$0x0] =	vst.idx.msk vm8, v11  }
0x3c8: {  	v12 =	vor.u32 $0x2C, v9;
	v11 =	vld.idx.msk [tilespmem:v13+s10+$0x0], vm8  }
0x3c9: {  	v13 =	vor.u32 v50, v10;
	_ =	sdelay $0x3  }
0x3ca: {  	[tilespmem:v12+s11+$0x0] =	vst.idx.msk vm8, v11  }
0x3cb: {  	v12 =	vor.u32 $0x2D, v9;
	v11 =	vld.idx.msk [tilespmem:v13+s10+$0x0], vm8  }
0x3cc: {  	v13 =	vor.u32 v51, v10;
	_ =	sdelay $0x3  }
0x3cd: {  	[tilespmem:v12+s11+$0x0] =	vst.idx.msk vm8, v11  }
0x3ce: {  	v12 =	vor.u32 $0x2E, v9;
	v11 =	vld.idx.msk [tilespmem:v13+s10+$0x0], vm8  }
0x3cf: {  	v13 =	vor.u32 v52, v10;
	_ =	sdelay $0x3  }
0x3d0: {  	[tilespmem:v12+s11+$0x0] =	vst.idx.msk vm8, v11  }
0x3d1: {  	v12 =	vor.u32 $0x2F, v9;
	v11 =	vld.idx.msk [tilespmem:v13+s10+$0x0], vm8  }
0x3d2: {  	v13 =	vor.u32 v53, v10;
	_ =	sdelay $0x3  }
0x3d3: {  	[tilespmem:v12+s11+$0x0] =	vst.idx.msk vm8, v11  }
0x3d4: {  	v12 =	vor.u32 $0x30, v9;
	v11 =	vld.idx.msk [tilespmem:v13+s10+$0x0], vm8  }
0x3d5: {  	v13 =	vor.u32 v54, v10;
	_ =	sdelay $0x3  }
0x3d6: {  	[tilespmem:v12+s11+$0x0] =	vst.idx.msk vm8, v11  }
0x3d7: {  	v12 =	vor.u32 $0x31, v9;
	v11 =	vld.idx.msk [tilespmem:v13+s10+$0x0], vm8  }
0x3d8: {  	v13 =	vor.u32 v55, v10;
	_ =	sdelay $0x3  }
0x3d9: {  	[tilespmem:v12+s11+$0x0] =	vst.idx.msk vm8, v11  }
0x3da: {  	v12 =	vor.u32 $0x32, v9;
	v11 =	vld.idx.msk [tilespmem:v13+s10+$0x0], vm8  }
0x3db: {  	v13 =	vor.u32 v56, v10;
	_ =	sdelay $0x3  }
0x3dc: {  	[tilespmem:v12+s11+$0x0] =	vst.idx.msk vm8, v11  }
0x3dd: {  	v12 =	vor.u32 $0x33, v9;
	v11 =	vld.idx.msk [tilespmem:v13+s10+$0x0], vm8  }
0x3de: {  	v13 =	vor.u32 v57, v10;
	_ =	sdelay $0x3  }
0x3df: {  	[tilespmem:v12+s11+$0x0] =	vst.idx.msk vm8, v11  }
0x3e0: {  	v12 =	vor.u32 $0x34, v9;
	v11 =	vld.idx.msk [tilespmem:v13+s10+$0x0], vm8  }
0x3e1: {  	v13 =	vor.u32 v58, v10;
	_ =	sdelay $0x3  }
0x3e2: {  	[tilespmem:v12+s11+$0x0] =	vst.idx.msk vm8, v11  }
0x3e3: {  	v12 =	vor.u32 $0x35, v9;
	v11 =	vld.idx.msk [tilespmem:v13+s10+$0x0], vm8  }
0x3e4: {  	v13 =	vor.u32 v59, v10;
	_ =	sdelay $0x3  }
0x3e5: {  	[tilespmem:v12+s11+$0x0] =	vst.idx.msk vm8, v11  }
0x3e6: {  	v12 =	vor.u32 $0x36, v9;
	v11 =	vld.idx.msk [tilespmem:v13+s10+$0x0], vm8  }
0x3e7: {  	v13 =	vor.u32 v60, v10;
	_ =	sdelay $0x3  }
0x3e8: {  	[tilespmem:v12+s11+$0x0] =	vst.idx.msk vm8, v11  }
0x3e9: {  	v12 =	vor.u32 $0x37, v9;
	v11 =	vld.idx.msk [tilespmem:v13+s10+$0x0], vm8  }
0x3ea: {  	v13 =	vor.u32 v61, v10;
	_ =	sdelay $0x3  }
0x3eb: {  	[tilespmem:v12+s11+$0x0] =	vst.idx.msk vm8, v11  }
0x3ec: {  	v12 =	vor.u32 $0x38, v9;
	v11 =	vld.idx.msk [tilespmem:v13+s10+$0x0], vm8  }
0x3ed: {  	v13 =	vor.u32 v62, v10;
	_ =	sdelay $0x3  }
0x3ee: {  	[tilespmem:v12+s11+$0x0] =	vst.idx.msk vm8, v11  }
0x3ef: {  	v12 =	vor.u32 $0x39, v9;
	v11 =	vld.idx.msk [tilespmem:v13+s10+$0x0], vm8  }
0x3f0: {  	v13 =	vor.u32 v63, v10;
	_ =	sdelay $0x3  }
0x3f1: {  	[tilespmem:v12+s11+$0x0] =	vst.idx.msk vm8, v11  }
0x3f2: {  	v12 =	vor.u32 $0x3A, v9;
	v11 =	vld.idx.msk [tilespmem:v13+s10+$0x0], vm8  }
0x3f3: {  	v13 =	vor.u32 v2, v10;
	_ =	sdelay $0x3  }
0x3f4: {  	[tilespmem:v12+s11+$0x0] =	vst.idx.msk vm8, v11  }
0x3f5: {  	v12 =	vor.u32 $0x3B, v9;
	v11 =	vld.idx.msk [tilespmem:v13+s10+$0x0], vm8  }
0x3f6: {  	v13 =	vor.u32 v0, v10  }
0x3f7: {  	(v2sf) =	vpush v6, $0xF;
	_ =	sdelay $0x2  }
0x3f8: {  	[tilespmem:v12+s11+$0x0] =	vst.idx.msk vm8, v11  }
0x3f9: {  	v11 =	vor.u32 $0x3C, v9;
	v6 =	vld.idx.msk [tilespmem:v13+s10+$0x0], vm8  }
0x3fa: {  	v12 =	vor.u32 v1, v10;
	_ =	sdelay $0x3  }
0x3fb: {  	[tilespmem:v11+s11+$0x0] =	vst.idx.msk vm8, v6  }
0x3fc: {  	v11 =	vor.u32 $0x3D, v9;
	v6 =	vld.idx.msk [tilespmem:v12+s10+$0x0], vm8  }
0x3fd: {  	v12 =	vor.u32 v3, v10;
	_ =	sdelay $0x3  }
0x3fe: {  	s30 =	rddreg [dreg:$0x13];
	s29 =	spop (v2sf);
	[tilespmem:v11+s11+$0x0] =	vst.idx.msk vm8, v6  }
0x3ff: {  	s25 =	sadd.s32 s30, s29;
	v11 =	vor.u32 $0x3E, v9;
	v6 =	vld.idx.msk [tilespmem:v12+s10+$0x0], vm8  }
0x400: {  	s1 =	sshra.s32 s30, $0x4;
	s0 =	sshra.s32 s25, $0x4;
	v10 =	vor.u32 v4, v10  }
0x401: {  	p0 =	seq.s32 s0, s1  }
0x402: {  	s0 =	smulhi.u32 @!p0 $0x55555556, s1;
	s2 =	sshra.s32 @!p0 s1, $0x1F  }
0x403: {  	s2 =	smul.u32 @!p0 $0x55555556, s2  }
0x404: {  	[tilespmem:v11+s11+$0x0] =	vst.idx.msk vm8, v6  }
0x405: {  	s0 =	sadd.s32 @!p0 s2, s0;
	v9 =	vor.u32 $0x3F, v9;
	v6 =	vld.idx.msk [tilespmem:v10+s10+$0x0], vm8  }
0x406: {  	s5 =	rddreg [dreg:$0x4];
	s3 =	sshrl.u32 @!p0 s0, $0x1F  }
0x407: {  	s31 =	rddreg [dreg:$0xc];
	s0 =	sadd.s32 @!p0 s3, s0  }
0x408: {  	s15 =	smov.u32 s17;
	s2 =	rddreg [dreg:$0x15];
	s0 =	smul.u32 @!p0 $0x3, s0  }
0x409: {  	s21 =	simm.s32 $0x1F500;
	s26 =	rddreg [dreg:$0xe];
	p1 =	slt.s32 @!p0 s2, $0x1  }
0x40a: {  	s7 =	sadd.s32 $0xFFFFFFFF, s26;
	p1 =	por p1, p0;
	s0 =	ssub.s32 @!p0 s1, s0;
	[tilespmem:v9+s11+$0x0] =	vst.idx.msk vm8, v6  }
0x40b: {  	s17 =	sadd.s32 @!p0 $0x1, s2;
	s3 =	simm.s32 @!p1 $0x7;
	s1 =	sshll.u32 @!p0 s0, $0xD;
	[tilespmem:v7+s21+$0x0] =	vst.idx.msk vm8, v8  }
0x40c: {  	s0 =	sshll.u32 @!p0 s0, $0x6;
	s1 =	sshra.s32 @!p0 s1, $0x2;
	_ =	swait.ge @!p1 [sflag:s3], $0x800  }
0x40d: {  	s0 =	sshra.s32 @!p0 s0, $0x2;
	s1 =	sadd.s32 @!p0 $0x1DD00, s1;
	[sflag:s3] =	ssyncset.done @!p1 $0x0  }
0x40e: {  	s0 =	sadd.s32 @!p0 $0x1F500, s0;
	[sflag:s3] =	ssyncadd.s32 @!p1 $0xFFFFF800;
	s3 =	simm.s32 @!p0 $0x10  }
0x40f: {  	[hbm4b:s5+s3] =	stream.indirect.scatter @!p0 [tilespmem:s1], [sflag:$0x7], $0x80, s0, s3, $0xb8;
	[tilespmem:$0x1F580] =	vst v63  }
0x410: {  	s17 =	smov.u32 @p0 s2;
	p0 =	sne.s32 s7, $0x0  }
.Ltmp17:
0x411: {  	_ = 	snop;
	(pc) =	sbr.rel @p0 .LBB2_24-.Ltmp17, $2  }
0x412: {  	_ =	sdelay $0x2  }
0x413: {  	s9 =	sadd.s32 $0x10, s15;
	s8 =	sadd.s32 $0x10, s23;
	s6 =	sadd.s32 $0xFFFFFFF0, s31;
	v7 =	vimm.s32 $0x0  }
.Ltmp18:
0x414: {  	_ = 	snop;
	(pc) =	sbr.rel .LBB2_25-.Ltmp18, $1  }
0x415: {  	_ =	sdelay $0x3  }
.LBB2_27:
.Ltmp19:
0x416: {  	(pc) =	sbr.rel .LBB2_28-.Ltmp19, $4  }
0x417: {  	_ = 	snop  }
0x418: {  	s3 =	sadd.s32 $0xFFFFFFFA, s2  }
0x419: {  	p0 =	sgt.s32 s3, $0x0  }
0x41a: {  	s0 =	simm.s32 $0x0;
	[dreg:$0x7] =	wrdreg s2;
	s3 =	simm.s32 @!p0 $0x0  }
.LBB2_32:
0x41b: {  	s3 =	rddreg [dreg:$0x9]  }
0x41c: {  	s2 =	rddreg [dreg:$0x7]  }
0x41d: {  	v34 =	vld [tilespmem:$0x1FFF0];
	v35 =	vlaneseq.u32;
	s0 =	rddreg [dreg:$0xa];
	s3 =	sadd.s32 $0x1, s3  }
.LBB2_33:
0x41e: {  	s0 =	sadd.s32 $0x1, s0  }
0x41f: {  	p0 =	sne.s32 s0, $0x6  }
.Ltmp20:
0x420: {  	_ = 	snop;
	(pc) =	sbr.rel @!p0 .LBB2_34-.Ltmp20, $1  }
0x421: {  	_ =	sdelay $0x3  }
.LBB2_28:
0x422: {  	p0 =	sge.s32 s3, s2  }
.Ltmp21:
0x423: {  	_ = 	snop;
	(pc) =	sbr.rel @p0 .LBB2_33-.Ltmp21, $1  }
0x424: {  	_ =	sdelay $0x3  }
0x425: {  	s30 =	smulhi.u32 $0x2AAAAAAB, s3;
	s1 =	sshra.s32 s3, $0x1F  }
0x426: {  	s1 =	smul.u32 $0x2AAAAAAB, s1;
	_ =	sdelay $0x1  }
0x427: {  	[dreg:$0xa] =	wrdreg s0;
	s0 =	sadd.s32 s1, s30  }
0x428: {  	s1 =	sshrl.u32 s0, $0x1F  }
0x429: {  	s0 =	sadd.s32 s1, s0  }
0x42a: {  	s0 =	smul.u32 $0x6, s0;
	_ =	sdelay $0x1  }
0x42b: {  	s22 =	ssub.s32 s3, s0  }
0x42c: {  	[dreg:$0x9] =	wrdreg s3;
	s0 =	sadd.s32 $0x1, s22  }
0x42d: {  	s1 =	sld [smem:s22+$0x300];
	_ =	swait.ge [sflag:s0], $0x2000  }
0x42e: {  	[sflag:s0] =	ssyncset.done $0x0  }
0x42f: {  	[sflag:s0] =	ssyncadd.s32 $0xFFFFE000  }
0x430: {  	s2 =	sld [smem:s1+$0x0];
	_ =	sdelay $0x2  }
0x431: {  	s31 =	sadd.s32 $0xF, s2  }
0x432: {  	s3 =	sshra.s32 s31, $0x4  }
0x433: {  	p0 =	slt.s32 s3, $0x1  }
.Ltmp22:
0x434: {  	_ = 	snop;
	(pc) =	sbr.rel @p0 .LBB2_32-.Ltmp22, $1  }
0x435: {  	_ =	sdelay $0x3  }
0x436: {  	s0 =	sshll.u32 s22, $0xD  }
0x437: {  	v15 =	vlaneseq.u32;
	v5 =	vmov s0  }
0x438: {  	v0 =	vor.u32 $0x80, v5;
	v17 =	vor.u32 $0x600, v5;
	v18 =	vor.u32 $0x680, v5  }
0x439: {  	v19 =	vor.u32 $0x700, v5;
	v20 =	vor.u32 $0x780, v5;
	v21 =	vor.u32 $0x800, v5  }
0x43a: {  	v22 =	vor.u32 $0x880, v5;
	v23 =	vor.u32 $0x900, v5;
	v24 =	vor.u32 $0x980, v5  }
0x43b: {  	v25 =	vor.u32 $0xA00, v5;
	v26 =	vor.u32 $0xA80, v5;
	v27 =	vor.u32 $0xB00, v5  }
0x43c: {  	v28 =	vor.u32 $0xB80, v5;
	v29 =	vor.u32 $0xC00, v5;
	v30 =	vor.u32 $0xC80, v5  }
0x43d: {  	v31 =	vor.u32 $0xD00, v5;
	v32 =	vor.u32 $0xD80, v5;
	v33 =	vor.u32 $0xE00, v5  }
0x43e: {  	v34 =	vor.u32 $0xE80, v5;
	v35 =	vor.u32 $0xF00, v5;
	v36 =	vor.u32 $0xF80, v5  }
0x43f: {  	v37 =	vor.u32 $0x1000, v5;
	v38 =	vor.u32 $0x1080, v5;
	v39 =	vor.u32 $0x1100, v5  }
0x440: {  	v40 =	vor.u32 $0x1180, v5;
	v41 =	vor.u32 $0x1200, v5;
	v42 =	vor.u32 $0x1280, v5  }
0x441: {  	v43 =	vor.u32 $0x1300, v5;
	v44 =	vor.u32 $0x1380, v5;
	v45 =	vor.u32 $0x1400, v5  }
0x442: {  	v46 =	vor.u32 $0x1480, v5;
	v47 =	vor.u32 $0x1500, v5;
	[tilespmem:$0x1FE70] =	vst v0;
	v0 =	vor.u32 $0x100, v5  }
0x443: {  	v48 =	vor.u32 $0x1580, v5;
	v49 =	vor.u32 $0x1600, v5;
	[tilespmem:$0x1FE80] =	vst v0;
	v0 =	vor.u32 $0x180, v5  }
0x444: {  	v50 =	vor.u32 $0x1680, v5;
	v51 =	vor.u32 $0x1700, v5;
	[tilespmem:$0x1FE90] =	vst v0;
	v0 =	vor.u32 $0x200, v5  }
0x445: {  	v52 =	vor.u32 $0x1780, v5;
	v53 =	vor.u32 $0x1800, v5;
	[tilespmem:$0x1FEA0] =	vst v0;
	v0 =	vor.u32 $0x280, v5  }
0x446: {  	v54 =	vor.u32 $0x1880, v5;
	v55 =	vor.u32 $0x1900, v5;
	[tilespmem:$0x1FEB0] =	vst v0;
	v0 =	vor.u32 $0x300, v5  }
0x447: {  	s31 =	sld [smem:s1+$0x100];
	v56 =	vor.u32 $0x1980, v5;
	v57 =	vor.u32 $0x1A00, v5;
	[tilespmem:$0x1FEC0] =	vst v0;
	v0 =	vor.u32 $0x380, v5  }
0x448: {  	v58 =	vor.u32 $0x1A80, v5;
	v59 =	vor.u32 $0x1B00, v5;
	[tilespmem:$0x1FED0] =	vst v0;
	v0 =	vor.u32 $0x400, v5  }
0x449: {  	v60 =	vor.u32 $0x1B80, v5;
	v61 =	vor.u32 $0x1C00, v5;
	[tilespmem:$0x1FEE0] =	vst v0;
	v0 =	vor.u32 $0x480, v5  }
0x44a: {  	v62 =	vor.u32 $0x1C80, v5;
	v63 =	vor.u32 $0x1D00, v5;
	s0 =	sshll.u32 s31, $0x2;
	[tilespmem:$0x1FEF0] =	vst v0;
	v0 =	vor.u32 $0x500, v5  }
0x44b: {  	v16 =	vld [tilespmem:$0x1FFD0];
	v2 =	vor.u32 $0x1D80, v5;
	v1 =	vor.u32 $0x1E80, v5;
	s0 =	sshra.s32 s0, $0x2;
	[tilespmem:$0x1FF00] =	vst v0;
	v0 =	vor.u32 $0x580, v5  }
0x44c: {  	v3 =	vor.u32 $0x1F00, v5;
	v4 =	vor.u32 $0x1F80, v5;
	s7 =	sadd.s32 $0x8000, s0;
	s8 =	sadd.s32 $0xCE80, s0;
	[tilespmem:$0x1FF10] =	vst v0;
	v0 =	vor.u32 $0x1E00, v5  }
.LBB2_31:
0x44d: {  	v6 =	vmov s2  }
0x44e: {  	vm8 =	vgt.s32 v6, v15  }
0x44f: {  	v6 =	vsel vm8, $0x1, v7  }
0x450: {  	(xrf0) =	vadd.scan.msk.s32 $0xffff, v6;
	_ =	sdelay $0x1  }
0x451: {  	v6 =	vmov s25  }
0x452: {  	v6 =	vadd.s32 $0xFFFFFFFF, v6;
	_ =	sdelay $0x1  }
0x453: {  	v7 =	vbroadcast v6, $0x0  }
0x454: {  	v6, _, _ =	vpop (xrf0)  }
0x455: {  	v7 =	vadd.s32 v6, v7  }
0x456: {  	(v2sf) =	vpush v7, $0xD;
	_ =	sdelay $0x1  }
0x457: {  	(v2sf) =	vpush v7, $0xC;
	_ =	sdelay $0x1  }
0x458: {  	(v2sf) =	vpush v7, $0xE;
	_ =	sdelay $0x1  }
0x459: {  	(v2sf) =	vpush v7, $0xF;
	_ =	sdelay $0x1  }
0x45a: {  	(v2sf) =	vpush v7, $0x9;
	_ =	sdelay $0x1  }
0x45b: {  	(v2sf) =	vpush v7, $0x8;
	_ =	sdelay $0x1  }
0x45c: {  	(v2sf) =	vpush v7, $0xA;
	_ =	sdelay $0x1  }
0x45d: {  	(v2sf) =	vpush v7, $0xB  }
0x45e: {  	s0 =	spop (v2sf)  }
0x45f: {  	(v2sf) =	vpush v7, $0x0;
	s1 =	smulhi.u32 $0x2AAAAAAB, s0;
	s0 =	sshra.s32 s0, $0x1F  }
0x460: {  	s29 =	spop (v2sf);
	s0 =	smul.u32 $0x2AAAAAAB, s0  }
0x461: {  	[dreg:$0xd] =	wrdreg s2;
	(v2sf) =	vpush v7, $0x1;
	s30 =	smulhi.u32 $0x2AAAAAAB, s29;
	s2 =	sshra.s32 s29, $0x1F  }
0x462: {  	(v2sf) =	vpush v7, $0x2;
	s5 =	spop (v2sf);
	s2 =	smul.u32 $0x2AAAAAAB, s2  }
0x463: {  	[dreg:$0x12] =	wrdreg s8;
	(v2sf) =	vpush v7, $0x3;
	s6 =	smulhi.u32 $0x2AAAAAAB, s5;
	s5 =	sshra.s32 s5, $0x1F  }
0x464: {  	s21 =	spop (v2sf);
	s5 =	smul.u32 $0x2AAAAAAB, s5  }
0x465: {  	[dreg:$0x10] =	wrdreg s7;
	(v2sf) =	vpush v7, $0x4;
	s9 =	smulhi.u32 $0x2AAAAAAB, s21;
	s7 =	sshra.s32 s21, $0x1F  }
0x466: {  	s22 =	spop (v2sf);
	s7 =	smul.u32 $0x2AAAAAAB, s7  }
0x467: {  	[dreg:$0xf] =	wrdreg s3;
	s14 =	smulhi.u32 $0x2AAAAAAB, s22;
	s8 =	sshra.s32 s22, $0x1F  }
0x468: {  	s12 =	spop (v2sf);
	s8 =	smul.u32 $0x2AAAAAAB, s8  }
0x469: {  	[dreg:$0x14] =	wrdreg s25;
	s29 =	smulhi.u32 $0x2AAAAAAB, s12;
	s12 =	sshra.s32 s12, $0x1F  }
0x46a: {  	s25 =	sadd.s32 s0, s1;
	s13 =	spop (v2sf);
	s12 =	smul.u32 $0x2AAAAAAB, s12  }
0x46b: {  	s30 =	sadd.s32 s2, s30;
	s18 =	smulhi.u32 $0x2AAAAAAB, s13;
	s13 =	sshra.s32 s13, $0x1F  }
0x46c: {  	(v2sf) =	vpush v7, $0x5;
	s28 =	sadd.s32 s5, s6;
	s15 =	spop (v2sf);
	s13 =	smul.u32 $0x2AAAAAAB, s13  }
0x46d: {  	s3 =	sshrl.u32 s30, $0x1F;
	s24 =	smulhi.u32 $0x2AAAAAAB, s15;
	s15 =	sshra.s32 s15, $0x1F  }
0x46e: {  	(v2sf) =	vpush v7, $0x6;
	s16 =	spop (v2sf);
	s1 =	sadd.s32 s8, s14;
	s15 =	smul.u32 $0x2AAAAAAB, s15  }
0x46f: {  	s8 =	sshrl.u32 s28, $0x1F;
	s0 =	smulhi.u32 $0x2AAAAAAB, s16;
	s23 =	sshra.s32 s16, $0x1F  }
0x470: {  	s26 =	spop (v2sf);
	s16 =	sshrl.u32 s25, $0x1F;
	s22 =	smul.u32 $0x2AAAAAAB, s23  }
0x471: {  	s31 =	spop (v2sf);
	s2 =	smulhi.u32 $0x2AAAAAAB, s26;
	s26 =	sshra.s32 s26, $0x1F  }
0x472: {  	s19 =	spop (v2sf);
	s5 =	smul.u32 $0x2AAAAAAB, s26;
	s26 =	sadd.s32 s7, s9  }
0x473: {  	s6 =	smulhi.u32 $0x2AAAAAAB, s31;
	s9 =	sshra.s32 s31, $0x1F;
	s31 =	sadd.s32 s13, s18  }
0x474: {  	s7 =	smul.u32 $0x2AAAAAAB, s9;
	s9 =	sadd.s32 s12, s29;
	s20 =	spop (v2sf);
	(v2sf) =	vpush v7, $0x7  }
0x475: {  	v9 =	vmov s3;
	s12 =	smulhi.u32 $0x2AAAAAAB, s19;
	s19 =	sshra.s32 s19, $0x1F;
	s13 =	sshrl.u32 s26, $0x1F  }
0x476: {  	v9 =	vsel vm0, s16, v9;
	s29 =	sadd.s32 s15, s24;
	s0 =	sadd.s32 s22, s0;
	s16 =	sshrl.u32 s26, $0x3  }
0x477: {  	s14 =	smul.u32 $0x2AAAAAAB, s19;
	s19 =	sshrl.u32 s1, $0x1F;
	s2 =	sadd.s32 s5, s2  }
0x478: {  	s22 =	sshrl.u32 s0, $0x1F;
	s0 =	sshrl.u32 s0, $0x3;
	s1 =	sshrl.u32 s1, $0x3  }
0x479: {  	s6 =	sadd.s32 s7, s6;
	v8 =	vmov s22;
	s7 =	sshrl.u32 s9, $0x1F;
	s22 =	sshrl.u32 s31, $0x1F  }
0x47a: {  	s24 =	sshrl.u32 s2, $0x1F;
	s15 =	smulhi.u32 $0x2AAAAAAB, s20;
	s20 =	sshra.s32 s20, $0x1F  }
0x47b: {  	v11 =	vmov s0;
	s2 =	sshrl.u32 s2, $0x3;
	s21 =	spop (v2sf);
	s18 =	smul.u32 $0x2AAAAAAB, s20  }
0x47c: {  	s12 =	sadd.s32 s14, s12;
	v10 =	vmov s7;
	v11 =	vnsel vm3, $0x0, v11;
	s5 =	smulhi.u32 $0x2AAAAAAB, s21;
	s21 =	sshra.s32 s21, $0x1F  }
0x47d: {  	v10 =	vsel vm0, s19, v10;
	v11 =	vsel vm0, s2, v11;
	s2 =	sshrl.u32 s28, $0x3;
	s23 =	spop (v2sf);
	s20 =	smul.u32 $0x2AAAAAAB, s21  }
0x47e: {  	v8 =	vnsel vm3, $0x0, v8;
	v10 =	vsel vm1, s22, v10;
	s22 =	sshrl.u32 s30, $0x3;
	s14 =	smulhi.u32 $0x2AAAAAAB, s23;
	s21 =	sshra.s32 s23, $0x1F  }
0x47f: {  	v8 =	vsel vm0, s24, v8;
	s23 =	sshrl.u32 s12, $0x1F;
	s3 =	sadd.s32 s18, s15;
	s18 =	sshrl.u32 s6, $0x1F  }
0x480: {  	v9 =	vsel vm1, s8, v9;
	s21 =	smul.u32 $0x2AAAAAAB, s21;
	v8 =	vsel vm1, s18, v8;
	s5 =	sadd.s32 s20, s5;
	s24 =	sshrl.u32 s3, $0x1F  }
0x481: {  	v9 =	vsel vm2, s13, v9;
	v12 =	vmov s22;
	s20 =	sshrl.u32 s29, $0x1F;
	v8 =	vsel vm2, s23, v8;
	s15 =	sshrl.u32 s5, $0x1F;
	s23 =	sshrl.u32 s9, $0x3  }
0x482: {  	s8 =	sadd.s32 s21, s14;
	v10 =	vsel vm2, s20, v10;
	s9 =	sshrl.u32 s31, $0x3;
	v8 =	vsel vm4, s24, v8;
	v13 =	vmov s23;
	s24 =	sshrl.u32 s25, $0x3  }
0x483: {  	s21 =	sshrl.u32 s8, $0x1F;
	s25 =	sshrl.u32 s6, $0x3;
	v9 =	vcombine.low v10, v9;
	v8 =	vsel vm5, s15, v8;
	v12 =	vsel vm0, s24, v12;
	s18 =	spop (v2sf)  }
0x484: {  	v13 =	vsel vm0, s1, v13;
	v11 =	vsel vm1, s25, v11;
	s15 =	sshrl.u32 s12, $0x3;
	v8 =	vsel vm6, s21, v8;
	s13 =	smulhi.u32 $0x2AAAAAAB, s18;
	s14 =	sshra.s32 s18, $0x1F  }
0x485: {  	s19 =	sshrl.u32 s3, $0x3;
	v12 =	vsel vm1, s2, v12;
	v13 =	vsel vm1, s9, v13;
	v11 =	vsel vm2, s15, v11;
	s18 =	sshrl.u32 s29, $0x3;
	s14 =	smul.u32 $0x2AAAAAAB, s14  }
0x486: {  	s21 =	sshrl.u32 s5, $0x3;
	v12 =	vsel vm2, s16, v12;
	v11 =	vsel vm4, s19, v11;
	v13 =	vsel vm2, s18, v13  }
0x487: {  	s23 =	sshrl.u32 s8, $0x3;
	v10 =	vsel vm5, s21, v11;
	v12 =	vcombine.low v13, v12;
	s20 =	sadd.s32 s14, s13  }
0x488: {  	s7 =	rddreg [dreg:$0x10];
	v9 =	vperm.xlane v9, v16;
	v11 =	vmul.u32 $0x2, v15;
	v10 =	vsel vm6, s23, v10;
	s22 =	sshrl.u32 s20, $0x1F;
	s26 =	sshrl.u32 s20, $0x3  }
0x489: {  	v14 =	vld [tilespmem:s7+$0x0];
	v12 =	vperm.xlane v12, v16;
	v8 =	vsel vm7, s22, v8;
	v10 =	vsel vm7, s26, v10  }
0x48a: {  	v8 =	vperm.xlane v8, v11;
	v11 =	vperm.xlane v10, v11  }
0x48b: {  	vm9 =	vmmov $0xff  }
0x48c: {  	v8 =	vsel vm9, v8, v9;
	v9 =	vsel vm9, v11, v12  }
0x48d: {  	v8 =	vadd.s32 v8, v9  }
0x48e: {  	v10 =	vand.u32 $0x7F, v14;
	v8 =	vmul.u32 $0x30, v8  }
0x48f: {  	v11 =	vor.u32 v5, v10  }
0x490: {  	v7 =	vsub.s32 v7, v8;
	v8 =	vld [tilespmem:$0x1FE70];
	_ =	sdelay $0x3  }
0x491: {  	v11 =	vld.idx.msk [tilespmem:v11+s10+$0x0], vm8;
	v9 =	vshll.u32 v7, $0x7  }
0x492: {  	v12 =	vor.u32 v8, v10  }
0x493: {  	v13 =	vld [tilespmem:$0x1FE80];
	_ =	sdelay $0x1  }
0x494: {  	s24 =	rddreg [dreg:$0x12]  }
0x495: {  	v8 =	vld [tilespmem:s24+$0x0];
	[tilespmem:v9+s11+$0x0] =	vst.idx.msk vm8, v11  }
0x496: {  	v11 =	vld.idx.msk [tilespmem:v12+s10+$0x0], vm8;
	v12 =	vor.u32 $0x1, v9  }
0x497: {  	v13 =	vor.u32 v13, v10;
	_ =	sdelay $0x3  }
0x498: {  	[tilespmem:v12+s11+$0x0] =	vst.idx.msk vm8, v11  }
0x499: {  	v11 =	vld.idx.msk [tilespmem:v13+s10+$0x0], vm8  }
0x49a: {  	v13 =	vld [tilespmem:$0x1FE90];
	_ =	sdelay $0x3  }
0x49b: {  	v12 =	vor.u32 $0x2, v9  }
0x49c: {  	v13 =	vor.u32 v13, v10;
	_ =	sdelay $0x3  }
0x49d: {  	[tilespmem:v12+s11+$0x0] =	vst.idx.msk vm8, v11  }
0x49e: {  	v11 =	vld.idx.msk [tilespmem:v13+s10+$0x0], vm8  }
0x49f: {  	v13 =	vld [tilespmem:$0x1FEA0];
	_ =	sdelay $0x3  }
0x4a0: {  	v12 =	vor.u32 $0x3, v9  }
0x4a1: {  	v13 =	vor.u32 v13, v10;
	_ =	sdelay $0x3  }
0x4a2: {  	[tilespmem:v12+s11+$0x0] =	vst.idx.msk vm8, v11  }
0x4a3: {  	v11 =	vld.idx.msk [tilespmem:v13+s10+$0x0], vm8  }
0x4a4: {  	v13 =	vld [tilespmem:$0x1FEB0];
	_ =	sdelay $0x3  }
0x4a5: {  	v12 =	vor.u32 $0x4, v9  }
0x4a6: {  	v13 =	vor.u32 v13, v10;
	_ =	sdelay $0x3  }
0x4a7: {  	[tilespmem:v12+s11+$0x0] =	vst.idx.msk vm8, v11  }
0x4a8: {  	v11 =	vld.idx.msk [tilespmem:v13+s10+$0x0], vm8  }
0x4a9: {  	v13 =	vld [tilespmem:$0x1FEC0];
	_ =	sdelay $0x3  }
0x4aa: {  	v12 =	vor.u32 $0x5, v9  }
0x4ab: {  	v13 =	vor.u32 v13, v10;
	_ =	sdelay $0x3  }
0x4ac: {  	[tilespmem:v12+s11+$0x0] =	vst.idx.msk vm8, v11  }
0x4ad: {  	v11 =	vld.idx.msk [tilespmem:v13+s10+$0x0], vm8  }
0x4ae: {  	v13 =	vld [tilespmem:$0x1FED0];
	_ =	sdelay $0x3  }
0x4af: {  	v12 =	vor.u32 $0x6, v9  }
0x4b0: {  	v13 =	vor.u32 v13, v10;
	_ =	sdelay $0x3  }
0x4b1: {  	[tilespmem:v12+s11+$0x0] =	vst.idx.msk vm8, v11  }
0x4b2: {  	v11 =	vld.idx.msk [tilespmem:v13+s10+$0x0], vm8  }
0x4b3: {  	v13 =	vld [tilespmem:$0x1FEE0];
	_ =	sdelay $0x3  }
0x4b4: {  	v12 =	vor.u32 $0x7, v9  }
0x4b5: {  	v13 =	vor.u32 v13, v10;
	_ =	sdelay $0x3  }
0x4b6: {  	[tilespmem:v12+s11+$0x0] =	vst.idx.msk vm8, v11  }
0x4b7: {  	v11 =	vld.idx.msk [tilespmem:v13+s10+$0x0], vm8  }
0x4b8: {  	v13 =	vld [tilespmem:$0x1FEF0];
	_ =	sdelay $0x3  }
0x4b9: {  	v12 =	vor.u32 $0x8, v9  }
0x4ba: {  	v13 =	vor.u32 v13, v10;
	_ =	sdelay $0x3  }
0x4bb: {  	[tilespmem:v12+s11+$0x0] =	vst.idx.msk vm8, v11  }
0x4bc: {  	v11 =	vld.idx.msk [tilespmem:v13+s10+$0x0], vm8  }
0x4bd: {  	v13 =	vld [tilespmem:$0x1FF00];
	_ =	sdelay $0x3  }
0x4be: {  	v12 =	vor.u32 $0x9, v9  }
0x4bf: {  	v13 =	vor.u32 v13, v10;
	_ =	sdelay $0x3  }
0x4c0: {  	[tilespmem:v12+s11+$0x0] =	vst.idx.msk vm8, v11  }
0x4c1: {  	v11 =	vld.idx.msk [tilespmem:v13+s10+$0x0], vm8  }
0x4c2: {  	v13 =	vld [tilespmem:$0x1FF10];
	_ =	sdelay $0x3  }
0x4c3: {  	v12 =	vor.u32 $0xA, v9  }
0x4c4: {  	v13 =	vor.u32 v13, v10;
	_ =	sdelay $0x3  }
0x4c5: {  	[tilespmem:v12+s11+$0x0] =	vst.idx.msk vm8, v11  }
0x4c6: {  	v12 =	vor.u32 $0xB, v9;
	v11 =	vld.idx.msk [tilespmem:v13+s10+$0x0], vm8  }
0x4c7: {  	v13 =	vor.u32 v17, v10;
	_ =	sdelay $0x3  }
0x4c8: {  	[tilespmem:v12+s11+$0x0] =	vst.idx.msk vm8, v11  }
0x4c9: {  	v12 =	vor.u32 $0xC, v9;
	v11 =	vld.idx.msk [tilespmem:v13+s10+$0x0], vm8  }
0x4ca: {  	v13 =	vor.u32 v18, v10;
	_ =	sdelay $0x3  }
0x4cb: {  	[tilespmem:v12+s11+$0x0] =	vst.idx.msk vm8, v11  }
0x4cc: {  	v12 =	vor.u32 $0xD, v9;
	v11 =	vld.idx.msk [tilespmem:v13+s10+$0x0], vm8  }
0x4cd: {  	v13 =	vor.u32 v19, v10;
	_ =	sdelay $0x3  }
0x4ce: {  	[tilespmem:v12+s11+$0x0] =	vst.idx.msk vm8, v11  }
0x4cf: {  	v12 =	vor.u32 $0xE, v9;
	v11 =	vld.idx.msk [tilespmem:v13+s10+$0x0], vm8  }
0x4d0: {  	v13 =	vor.u32 v20, v10;
	_ =	sdelay $0x3  }
0x4d1: {  	[tilespmem:v12+s11+$0x0] =	vst.idx.msk vm8, v11  }
0x4d2: {  	v12 =	vor.u32 $0xF, v9;
	v11 =	vld.idx.msk [tilespmem:v13+s10+$0x0], vm8  }
0x4d3: {  	v13 =	vor.u32 v21, v10;
	_ =	sdelay $0x3  }
0x4d4: {  	[tilespmem:v12+s11+$0x0] =	vst.idx.msk vm8, v11  }
0x4d5: {  	v12 =	vor.u32 $0x10, v9;
	v11 =	vld.idx.msk [tilespmem:v13+s10+$0x0], vm8  }
0x4d6: {  	v13 =	vor.u32 v22, v10;
	_ =	sdelay $0x3  }
0x4d7: {  	[tilespmem:v12+s11+$0x0] =	vst.idx.msk vm8, v11  }
0x4d8: {  	v12 =	vor.u32 $0x11, v9;
	v11 =	vld.idx.msk [tilespmem:v13+s10+$0x0], vm8  }
0x4d9: {  	v13 =	vor.u32 v23, v10;
	_ =	sdelay $0x3  }
0x4da: {  	[tilespmem:v12+s11+$0x0] =	vst.idx.msk vm8, v11  }
0x4db: {  	v12 =	vor.u32 $0x12, v9;
	v11 =	vld.idx.msk [tilespmem:v13+s10+$0x0], vm8  }
0x4dc: {  	v13 =	vor.u32 v24, v10;
	_ =	sdelay $0x3  }
0x4dd: {  	[tilespmem:v12+s11+$0x0] =	vst.idx.msk vm8, v11  }
0x4de: {  	v12 =	vor.u32 $0x13, v9;
	v11 =	vld.idx.msk [tilespmem:v13+s10+$0x0], vm8  }
0x4df: {  	v13 =	vor.u32 v25, v10;
	_ =	sdelay $0x3  }
0x4e0: {  	[tilespmem:v12+s11+$0x0] =	vst.idx.msk vm8, v11  }
0x4e1: {  	v12 =	vor.u32 $0x14, v9;
	v11 =	vld.idx.msk [tilespmem:v13+s10+$0x0], vm8  }
0x4e2: {  	v13 =	vor.u32 v26, v10;
	_ =	sdelay $0x3  }
0x4e3: {  	[tilespmem:v12+s11+$0x0] =	vst.idx.msk vm8, v11  }
0x4e4: {  	v12 =	vor.u32 $0x15, v9;
	v11 =	vld.idx.msk [tilespmem:v13+s10+$0x0], vm8  }
0x4e5: {  	v13 =	vor.u32 v27, v10;
	_ =	sdelay $0x3  }
0x4e6: {  	[tilespmem:v12+s11+$0x0] =	vst.idx.msk vm8, v11  }
0x4e7: {  	v12 =	vor.u32 $0x16, v9;
	v11 =	vld.idx.msk [tilespmem:v13+s10+$0x0], vm8  }
0x4e8: {  	v13 =	vor.u32 v28, v10;
	_ =	sdelay $0x3  }
0x4e9: {  	[tilespmem:v12+s11+$0x0] =	vst.idx.msk vm8, v11  }
0x4ea: {  	v12 =	vor.u32 $0x17, v9;
	v11 =	vld.idx.msk [tilespmem:v13+s10+$0x0], vm8  }
0x4eb: {  	v13 =	vor.u32 v29, v10;
	_ =	sdelay $0x3  }
0x4ec: {  	[tilespmem:v12+s11+$0x0] =	vst.idx.msk vm8, v11  }
0x4ed: {  	v12 =	vor.u32 $0x18, v9;
	v11 =	vld.idx.msk [tilespmem:v13+s10+$0x0], vm8  }
0x4ee: {  	v13 =	vor.u32 v30, v10;
	_ =	sdelay $0x3  }
0x4ef: {  	[tilespmem:v12+s11+$0x0] =	vst.idx.msk vm8, v11  }
0x4f0: {  	v12 =	vor.u32 $0x19, v9;
	v11 =	vld.idx.msk [tilespmem:v13+s10+$0x0], vm8  }
0x4f1: {  	v13 =	vor.u32 v31, v10;
	_ =	sdelay $0x3  }
0x4f2: {  	[tilespmem:v12+s11+$0x0] =	vst.idx.msk vm8, v11  }
0x4f3: {  	v12 =	vor.u32 $0x1A, v9;
	v11 =	vld.idx.msk [tilespmem:v13+s10+$0x0], vm8  }
0x4f4: {  	v13 =	vor.u32 v32, v10;
	_ =	sdelay $0x3  }
0x4f5: {  	[tilespmem:v12+s11+$0x0] =	vst.idx.msk vm8, v11  }
0x4f6: {  	v12 =	vor.u32 $0x1B, v9;
	v11 =	vld.idx.msk [tilespmem:v13+s10+$0x0], vm8  }
0x4f7: {  	v13 =	vor.u32 v33, v10;
	_ =	sdelay $0x3  }
0x4f8: {  	[tilespmem:v12+s11+$0x0] =	vst.idx.msk vm8, v11  }
0x4f9: {  	v12 =	vor.u32 $0x1C, v9;
	v11 =	vld.idx.msk [tilespmem:v13+s10+$0x0], vm8  }
0x4fa: {  	v13 =	vor.u32 v34, v10;
	_ =	sdelay $0x3  }
0x4fb: {  	[tilespmem:v12+s11+$0x0] =	vst.idx.msk vm8, v11  }
0x4fc: {  	v12 =	vor.u32 $0x1D, v9;
	v11 =	vld.idx.msk [tilespmem:v13+s10+$0x0], vm8  }
0x4fd: {  	v13 =	vor.u32 v35, v10;
	_ =	sdelay $0x3  }
0x4fe: {  	[tilespmem:v12+s11+$0x0] =	vst.idx.msk vm8, v11  }
0x4ff: {  	v12 =	vor.u32 $0x1E, v9;
	v11 =	vld.idx.msk [tilespmem:v13+s10+$0x0], vm8  }
0x500: {  	v13 =	vor.u32 v36, v10;
	_ =	sdelay $0x3  }
0x501: {  	[tilespmem:v12+s11+$0x0] =	vst.idx.msk vm8, v11  }
0x502: {  	v12 =	vor.u32 $0x1F, v9;
	v11 =	vld.idx.msk [tilespmem:v13+s10+$0x0], vm8  }
0x503: {  	v13 =	vor.u32 v37, v10;
	_ =	sdelay $0x3  }
0x504: {  	[tilespmem:v12+s11+$0x0] =	vst.idx.msk vm8, v11  }
0x505: {  	v12 =	vor.u32 $0x20, v9;
	v11 =	vld.idx.msk [tilespmem:v13+s10+$0x0], vm8  }
0x506: {  	v13 =	vor.u32 v38, v10;
	_ =	sdelay $0x3  }
0x507: {  	[tilespmem:v12+s11+$0x0] =	vst.idx.msk vm8, v11  }
0x508: {  	v12 =	vor.u32 $0x21, v9;
	v11 =	vld.idx.msk [tilespmem:v13+s10+$0x0], vm8  }
0x509: {  	v13 =	vor.u32 v39, v10;
	_ =	sdelay $0x3  }
0x50a: {  	[tilespmem:v12+s11+$0x0] =	vst.idx.msk vm8, v11  }
0x50b: {  	v12 =	vor.u32 $0x22, v9;
	v11 =	vld.idx.msk [tilespmem:v13+s10+$0x0], vm8  }
0x50c: {  	v13 =	vor.u32 v40, v10;
	_ =	sdelay $0x3  }
0x50d: {  	[tilespmem:v12+s11+$0x0] =	vst.idx.msk vm8, v11  }
0x50e: {  	v12 =	vor.u32 $0x23, v9;
	v11 =	vld.idx.msk [tilespmem:v13+s10+$0x0], vm8  }
0x50f: {  	v13 =	vor.u32 v41, v10;
	_ =	sdelay $0x3  }
0x510: {  	[tilespmem:v12+s11+$0x0] =	vst.idx.msk vm8, v11  }
0x511: {  	v12 =	vor.u32 $0x24, v9;
	v11 =	vld.idx.msk [tilespmem:v13+s10+$0x0], vm8  }
0x512: {  	v13 =	vor.u32 v42, v10;
	_ =	sdelay $0x3  }
0x513: {  	[tilespmem:v12+s11+$0x0] =	vst.idx.msk vm8, v11  }
0x514: {  	v12 =	vor.u32 $0x25, v9;
	v11 =	vld.idx.msk [tilespmem:v13+s10+$0x0], vm8  }
0x515: {  	v13 =	vor.u32 v43, v10;
	_ =	sdelay $0x3  }
0x516: {  	[tilespmem:v12+s11+$0x0] =	vst.idx.msk vm8, v11  }
0x517: {  	v12 =	vor.u32 $0x26, v9;
	v11 =	vld.idx.msk [tilespmem:v13+s10+$0x0], vm8  }
0x518: {  	v13 =	vor.u32 v44, v10;
	_ =	sdelay $0x3  }
0x519: {  	[tilespmem:v12+s11+$0x0] =	vst.idx.msk vm8, v11  }
0x51a: {  	v12 =	vor.u32 $0x27, v9;
	v11 =	vld.idx.msk [tilespmem:v13+s10+$0x0], vm8  }
0x51b: {  	v13 =	vor.u32 v45, v10;
	_ =	sdelay $0x3  }
0x51c: {  	[tilespmem:v12+s11+$0x0] =	vst.idx.msk vm8, v11  }
0x51d: {  	v12 =	vor.u32 $0x28, v9;
	v11 =	vld.idx.msk [tilespmem:v13+s10+$0x0], vm8  }
0x51e: {  	v13 =	vor.u32 v46, v10;
	_ =	sdelay $0x3  }
0x51f: {  	[tilespmem:v12+s11+$0x0] =	vst.idx.msk vm8, v11  }
0x520: {  	v12 =	vor.u32 $0x29, v9;
	v11 =	vld.idx.msk [tilespmem:v13+s10+$0x0], vm8  }
0x521: {  	v13 =	vor.u32 v47, v10;
	_ =	sdelay $0x3  }
0x522: {  	[tilespmem:v12+s11+$0x0] =	vst.idx.msk vm8, v11  }
0x523: {  	v12 =	vor.u32 $0x2A, v9;
	v11 =	vld.idx.msk [tilespmem:v13+s10+$0x0], vm8  }
0x524: {  	v13 =	vor.u32 v48, v10;
	_ =	sdelay $0x3  }
0x525: {  	[tilespmem:v12+s11+$0x0] =	vst.idx.msk vm8, v11  }
0x526: {  	v12 =	vor.u32 $0x2B, v9;
	v11 =	vld.idx.msk [tilespmem:v13+s10+$0x0], vm8  }
0x527: {  	v13 =	vor.u32 v49, v10;
	_ =	sdelay $0x3  }
0x528: {  	[tilespmem:v12+s11+$0x0] =	vst.idx.msk vm8, v11  }
0x529: {  	v12 =	vor.u32 $0x2C, v9;
	v11 =	vld.idx.msk [tilespmem:v13+s10+$0x0], vm8  }
0x52a: {  	v13 =	vor.u32 v50, v10;
	_ =	sdelay $0x3  }
0x52b: {  	[tilespmem:v12+s11+$0x0] =	vst.idx.msk vm8, v11  }
0x52c: {  	v12 =	vor.u32 $0x2D, v9;
	v11 =	vld.idx.msk [tilespmem:v13+s10+$0x0], vm8  }
0x52d: {  	v13 =	vor.u32 v51, v10;
	_ =	sdelay $0x3  }
0x52e: {  	[tilespmem:v12+s11+$0x0] =	vst.idx.msk vm8, v11  }
0x52f: {  	v12 =	vor.u32 $0x2E, v9;
	v11 =	vld.idx.msk [tilespmem:v13+s10+$0x0], vm8  }
0x530: {  	v13 =	vor.u32 v52, v10;
	_ =	sdelay $0x3  }
0x531: {  	[tilespmem:v12+s11+$0x0] =	vst.idx.msk vm8, v11  }
0x532: {  	v12 =	vor.u32 $0x2F, v9;
	v11 =	vld.idx.msk [tilespmem:v13+s10+$0x0], vm8  }
0x533: {  	v13 =	vor.u32 v53, v10;
	_ =	sdelay $0x3  }
0x534: {  	[tilespmem:v12+s11+$0x0] =	vst.idx.msk vm8, v11  }
0x535: {  	v12 =	vor.u32 $0x30, v9;
	v11 =	vld.idx.msk [tilespmem:v13+s10+$0x0], vm8  }
0x536: {  	v13 =	vor.u32 v54, v10;
	_ =	sdelay $0x3  }
0x537: {  	[tilespmem:v12+s11+$0x0] =	vst.idx.msk vm8, v11  }
0x538: {  	v12 =	vor.u32 $0x31, v9;
	v11 =	vld.idx.msk [tilespmem:v13+s10+$0x0], vm8  }
0x539: {  	v13 =	vor.u32 v55, v10;
	_ =	sdelay $0x3  }
0x53a: {  	[tilespmem:v12+s11+$0x0] =	vst.idx.msk vm8, v11  }
0x53b: {  	v12 =	vor.u32 $0x32, v9;
	v11 =	vld.idx.msk [tilespmem:v13+s10+$0x0], vm8  }
0x53c: {  	v13 =	vor.u32 v56, v10;
	_ =	sdelay $0x3  }
0x53d: {  	[tilespmem:v12+s11+$0x0] =	vst.idx.msk vm8, v11  }
0x53e: {  	v12 =	vor.u32 $0x33, v9;
	v11 =	vld.idx.msk [tilespmem:v13+s10+$0x0], vm8  }
0x53f: {  	v13 =	vor.u32 v57, v10;
	_ =	sdelay $0x3  }
0x540: {  	[tilespmem:v12+s11+$0x0] =	vst.idx.msk vm8, v11  }
0x541: {  	v12 =	vor.u32 $0x34, v9;
	v11 =	vld.idx.msk [tilespmem:v13+s10+$0x0], vm8  }
0x542: {  	v13 =	vor.u32 v58, v10;
	_ =	sdelay $0x3  }
0x543: {  	[tilespmem:v12+s11+$0x0] =	vst.idx.msk vm8, v11  }
0x544: {  	v12 =	vor.u32 $0x35, v9;
	v11 =	vld.idx.msk [tilespmem:v13+s10+$0x0], vm8  }
0x545: {  	v13 =	vor.u32 v59, v10;
	_ =	sdelay $0x3  }
0x546: {  	[tilespmem:v12+s11+$0x0] =	vst.idx.msk vm8, v11  }
0x547: {  	v12 =	vor.u32 $0x36, v9;
	v11 =	vld.idx.msk [tilespmem:v13+s10+$0x0], vm8  }
0x548: {  	v13 =	vor.u32 v60, v10;
	_ =	sdelay $0x3  }
0x549: {  	[tilespmem:v12+s11+$0x0] =	vst.idx.msk vm8, v11  }
0x54a: {  	v12 =	vor.u32 $0x37, v9;
	v11 =	vld.idx.msk [tilespmem:v13+s10+$0x0], vm8  }
0x54b: {  	v13 =	vor.u32 v61, v10;
	_ =	sdelay $0x3  }
0x54c: {  	[tilespmem:v12+s11+$0x0] =	vst.idx.msk vm8, v11  }
0x54d: {  	v12 =	vor.u32 $0x38, v9;
	v11 =	vld.idx.msk [tilespmem:v13+s10+$0x0], vm8  }
0x54e: {  	v13 =	vor.u32 v62, v10;
	_ =	sdelay $0x3  }
0x54f: {  	[tilespmem:v12+s11+$0x0] =	vst.idx.msk vm8, v11  }
0x550: {  	v12 =	vor.u32 $0x39, v9;
	v11 =	vld.idx.msk [tilespmem:v13+s10+$0x0], vm8  }
0x551: {  	v13 =	vor.u32 v63, v10;
	_ =	sdelay $0x3  }
0x552: {  	[tilespmem:v12+s11+$0x0] =	vst.idx.msk vm8, v11  }
0x553: {  	v12 =	vor.u32 $0x3A, v9;
	v11 =	vld.idx.msk [tilespmem:v13+s10+$0x0], vm8  }
0x554: {  	v13 =	vor.u32 v2, v10;
	_ =	sdelay $0x3  }
0x555: {  	[tilespmem:v12+s11+$0x0] =	vst.idx.msk vm8, v11  }
0x556: {  	v12 =	vor.u32 $0x3B, v9;
	v11 =	vld.idx.msk [tilespmem:v13+s10+$0x0], vm8  }
0x557: {  	v13 =	vor.u32 v0, v10  }
0x558: {  	(v2sf) =	vpush v6, $0xF;
	_ =	sdelay $0x2  }
0x559: {  	[tilespmem:v12+s11+$0x0] =	vst.idx.msk vm8, v11  }
0x55a: {  	v11 =	vor.u32 $0x3C, v9;
	v6 =	vld.idx.msk [tilespmem:v13+s10+$0x0], vm8  }
0x55b: {  	v12 =	vor.u32 v1, v10;
	_ =	sdelay $0x3  }
0x55c: {  	[tilespmem:v11+s11+$0x0] =	vst.idx.msk vm8, v6  }
0x55d: {  	v11 =	vor.u32 $0x3D, v9;
	v6 =	vld.idx.msk [tilespmem:v12+s10+$0x0], vm8  }
0x55e: {  	v12 =	vor.u32 v3, v10;
	_ =	sdelay $0x3  }
0x55f: {  	s29 =	rddreg [dreg:$0x14];
	s28 =	spop (v2sf);
	[tilespmem:v11+s11+$0x0] =	vst.idx.msk vm8, v6  }
0x560: {  	s25 =	sadd.s32 s29, s28;
	v11 =	vor.u32 $0x3E, v9;
	v6 =	vld.idx.msk [tilespmem:v12+s10+$0x0], vm8  }
0x561: {  	s1 =	sshra.s32 s29, $0x4;
	s0 =	sshra.s32 s25, $0x4;
	v10 =	vor.u32 v4, v10  }
0x562: {  	p0 =	seq.s32 s0, s1  }
0x563: {  	s0 =	smulhi.u32 @!p0 $0x55555556, s1;
	s2 =	sshra.s32 @!p0 s1, $0x1F  }
0x564: {  	s2 =	smul.u32 @!p0 $0x55555556, s2  }
0x565: {  	[tilespmem:v11+s11+$0x0] =	vst.idx.msk vm8, v6  }
0x566: {  	s0 =	sadd.s32 @!p0 s2, s0;
	v9 =	vor.u32 $0x3F, v9;
	v6 =	vld.idx.msk [tilespmem:v10+s10+$0x0], vm8  }
0x567: {  	s3 =	sshrl.u32 @!p0 s0, $0x1F  }
0x568: {  	s0 =	sadd.s32 @!p0 s3, s0  }
0x569: {  	s0 =	smul.u32 @!p0 $0x3, s0  }
0x56a: {  	s30 =	simm.s32 $0x1F500;
	p1 =	slt.s32 @!p0 s17, $0x1  }
0x56b: {  	s5 =	rddreg [dreg:$0x4];
	p1 =	por p1, p0;
	s0 =	ssub.s32 @!p0 s1, s0;
	[tilespmem:v9+s11+$0x0] =	vst.idx.msk vm8, v6  }
0x56c: {  	s3 =	simm.s32 @!p1 $0x7;
	s1 =	sshll.u32 @!p0 s0, $0xD;
	s0 =	sshll.u32 @!p0 s0, $0x6;
	[tilespmem:v7+s30+$0x0] =	vst.idx.msk vm8, v8  }
0x56d: {  	s1 =	sshra.s32 @!p0 s1, $0x2;
	s0 =	sshra.s32 @!p0 s0, $0x2;
	_ =	swait.ge @!p1 [sflag:s3], $0x800  }
0x56e: {  	s1 =	sadd.s32 @!p0 $0x1DD00, s1;
	s0 =	sadd.s32 @!p0 $0x1F500, s0;
	[sflag:s3] =	ssyncset.done @!p1 $0x0  }
0x56f: {  	s30 =	rddreg [dreg:$0xf];
	[sflag:s3] =	ssyncadd.s32 @!p1 $0xFFFFF800;
	s3 =	simm.s32 @!p0 $0x10  }
0x570: {  	[hbm4b:s5+s3] =	stream.indirect.scatter @!p0 [tilespmem:s1], [sflag:$0x7], $0x80, s0, s3, $0xb8;
	[tilespmem:$0x1F580] =	vst v63  }
0x571: {  	s2 =	smov.u32 s17;
	s17 =	sadd.s32 @!p0 $0x1, s17;
	s3 =	sadd.s32 $0xFFFFFFFF, s30  }
0x572: {  	s17 =	smov.u32 @p0 s2;
	p0 =	sne.s32 s3, $0x0  }
.Ltmp23:
0x573: {  	_ = 	snop;
	(pc) =	sbr.rel @p0 .LBB2_31-.Ltmp23, $3  }
0x574: {  	_ =	sdelay $0x1  }
0x575: {  	s31 =	rddreg [dreg:$0xd]  }
0x576: {  	s7 =	sadd.s32 $0x10, s7;
	s8 =	sadd.s32 $0x10, s24;
	v7 =	vimm.s32 $0x0;
	s2 =	sadd.s32 $0xFFFFFFF0, s31  }
.Ltmp24:
0x577: {  	_ = 	snop;
	(pc) =	sbr.rel .LBB2_32-.Ltmp24, $1  }
0x578: {  	_ =	sdelay $0x3  }
.LBB2_7:
0x579: {  	s0 =	simm.s32 @!p4 $0x0  }
0x57a: {  	s0 =	simm.s32 @p4 $0x1;
	p4 =	por $0x0, $0x0  }
0x57b: {  	[smem:$0x7EB] =	sst s0;
	s0 =	simm.s32 @!p4 $0x0  }
0x57c: {  	s0 =	simm.s32 @p4 $0x1  }
0x57d: {  	[smem:$0x7EC] =	sst s0;
	s0 =	simm.s32 @!p2 $0x0  }
0x57e: {  	s0 =	simm.s32 @p2 $0x1  }
0x57f: {  	[smem:$0x7ED] =	sst s0;
	s0 =	simm.s32 @!p0 $0x0  }
0x580: {  	s30 =	sld [smem:$0x7F3];
	s0 =	simm.s32 @p0 $0x1  }
.Ltmp25:
0x581: {  	[smem:$0x7EE] =	sst s0;
	s0 =	simm.s32 @!p6 $0x0;
	(pc) =	sbr.rel .LBB2_12-.Ltmp25, $4  }
0x582: {  	s31 =	sld [smem:$0x7F5];
	s0 =	simm.s32 @p6 $0x1  }
0x583: {  	[smem:$0x7EF] =	sst s0;
	s0 =	simm.s32 @!p1 $0x0  }
0x584: {  	s0 =	simm.s32 @p1 $0x1  }
0x585: {  	p3 =	seq.s32 s30, $0x1;
	p2 =	seq.s32 s31, $0x1;
	[smem:$0x7F0] =	sst s0  }
.LBB2_9:
0x586: {  	s28 =	sld [smem:$0x7E9]  }
0x587: {  	s0 =	simm.s32 @!p3 $0x0;
	s31 =	sld [smem:$0x7EA]  }
0x588: {  	s29 =	sld [smem:$0x7F3];
	s0 =	simm.s32 @p3 $0x1  }
.Ltmp26:
0x589: {  	[smem:$0x7EB] =	sst s0;
	s0 =	simm.s32 @!p6 $0x0;
	(pc) =	sbr.rel .LBB2_12-.Ltmp26, $4  }
0x58a: {  	s30 =	sld [smem:$0x7F5];
	s0 =	simm.s32 @p6 $0x1;
	p1 =	seq.s32 s31, $0x1  }
0x58b: {  	[smem:$0x7ED] =	sst s0;
	s0 =	simm.s32 @!p1 $0x0  }
0x58c: {  	p5 =	seq.s32 s28, $0x1;
	s0 =	simm.s32 @p1 $0x1  }
0x58d: {  	p3 =	seq.s32 s29, $0x1;
	p2 =	seq.s32 s30, $0x1;
	[smem:$0x7FB] =	sst s0  }
.LBB2_35:
0x58e: {  	_ =	sfence.sel $0x180000  }
0x58f: {  	[bflag:$0x0] =	sbarrier.arrive $0xFFFF  }
0x590: {  	_ =	strace $0x90000047  }
0x591: {  	s0 =	stileid.u32;
	[bflag:$0x2] =	sbarrier.arrive $0xFFFF  }
0x592: {  	p0 =	sne.s32 s0, $0x0;
	s0 =	rddreg [dreg:$0x3]  }
0x593: {  	s0 =	sadd.s32 @!p0 $0x100000, s0  }
0x594: {  	[sflag:s0] =	ssyncadd.tile.s32 @!p0 $0x1;
	_ =	shalt  }
.Lfunc_end2:
_tile_overlayer_lowered:
.L_overlay_start_2:
0x595: {  	(tag) =	ssettag $0x2  }
0x596: {  	s0 =	rddreg [dreg:$0x0];
	s2 =	stileid.u32  }
0x597: {  	s1 =	rddreg [dreg:$0x1];
	p0 =	sne.s32 s2, $0x0  }
0x598: {  	s3 =	rddreg [dreg:$0x2];
	[bflag:$0x3] =	sbarrier.arrive $0xFFFF;
	s2 =	simm.s32 @!p0 $0x1C08  }
0x599: {  	[timem:s3], [sflag:s2] =	dma.local @!p0 [hbm:s0], s1  }
0x59a: {  	s0 =	simm.s32 @!p0 $0x8  }
0x59b: {  	_ =	swait.ge @!p0 [sflag:s0], s1  }
0x59c: {  	s1 =	ssub.s32 @!p0 $0x0, s1;
	[sflag:s0] =	ssyncset.done @!p0 $0x0  }
0x59d: {  	[sflag:s0] =	ssyncadd.s32 @!p0 s1  }
0x59e: {  	[bflag:$0x3] =	sbarrier.arrive $0xFFFF  }
0x59f: {  	_ =	shalt  }

</sc_bundles>
